<compile_context>
chip_gen: v7x
topology: tpu7x:2x2x1
jax: 0.10.2.dev20260603
libtpu: 0.0.44.dev20260713+nightly
codegen_flags: <defaults>
</compile_context>

<pallas_src>
import functools

import jax
import jax.numpy as jnp
from jax import lax
from jax.experimental import pallas as pl
from jax.experimental.pallas import tpu as pltpu
from jax.experimental.pallas import tpu_sc as plsc

N_NODES = 10000
N_EDGES = 160000
IN_DIM = 256
HIDDEN = 256
OUT_DIM = 128

NC = 2
NS = 16
NW = NC * NS

N_PAD = 10240
CHUNK = 64
NCHUNK_T = N_EDGES // CHUNK
NCHUNK = 80
NCHUNK_LAST = NCHUNK_T - 31 * NCHUNK
PHASE = 40
RPT = 624
RPT_LAST = N_NODES - 15 * RPT

_DENSE_BR = 1000


def _dense_body(f_ref, w0_ref, w1_ref, w2_ref, o_ref):
    h = jnp.dot(f_ref[...], w0_ref[...], preferred_element_type=jnp.float32)
    h = jnp.maximum(h, 0.0)
    h = jnp.dot(h, w1_ref[...], preferred_element_type=jnp.float32)
    h = jnp.maximum(h, 0.0)
    o_ref[...] = jnp.dot(h, w2_ref[...], preferred_element_type=jnp.float32)


def _dense(f, W0, W1, W2):
    grid = (N_NODES // _DENSE_BR,)
    return pl.pallas_call(
        _dense_body,
        grid=grid,
        in_specs=[
            pl.BlockSpec((_DENSE_BR, IN_DIM), lambda i: (i, 0)),
            pl.BlockSpec((IN_DIM, HIDDEN), lambda i: (0, 0)),
            pl.BlockSpec((HIDDEN, HIDDEN), lambda i: (0, 0)),
            pl.BlockSpec((HIDDEN, OUT_DIM), lambda i: (0, 0)),
        ],
        out_specs=pl.BlockSpec((_DENSE_BR, OUT_DIM), lambda i: (i, 0)),
        out_shape=jax.ShapeDtypeStruct((N_NODES, OUT_DIM), jnp.float32),
    )(f, W0, W1, W2)


def _combine_body(p_ref, o_ref):
    o_ref[...] = p_ref[0] + p_ref[1]


def _combine(p):
    grid = (N_NODES // _DENSE_BR,)
    return pl.pallas_call(
        _combine_body,
        grid=grid,
        in_specs=[pl.BlockSpec((NC, _DENSE_BR, OUT_DIM), lambda i: (0, i, 0))],
        out_specs=pl.BlockSpec((_DENSE_BR, OUT_DIM), lambda i: (i, 0)),
        out_shape=jax.ShapeDtypeStruct((N_NODES, OUT_DIM), jnp.float32),
    )(p)


_SC_MESH = plsc.VectorSubcoreMesh(core_axis_name="c", subcore_axis_name="s")


def _edge_pipeline(h_hbm, src_v, dst_v, bufs, sems, acc, n):
    nb = len(bufs)
    for b in range(nb):
        pltpu.async_copy(h_hbm.at[src_v.at[b]], bufs[b], sems[b])

    @pl.loop(0, n, step=nb)
    def _(j):
        for b in range(nb):
            pltpu.make_async_copy(h_hbm.at[src_v.at[j + b]], bufs[b],
                                  sems[b]).wait()
            pltpu.sync_copy(bufs[b], acc.at[dst_v.at[j + b]], add=True)

            @pl.when(j + nb + b < n)
            def _(b=b):
                pltpu.async_copy(h_hbm.at[src_v.at[j + nb + b]], bufs[b],
                                 sems[b])


@functools.partial(
    pl.kernel,
    out_type=jax.ShapeDtypeStruct((NC, N_NODES, OUT_DIM), jnp.float32),
    mesh=_SC_MESH,
    scratch_types=[
        pltpu.VMEM((PHASE, CHUNK), jnp.int32),
        pltpu.VMEM((PHASE, CHUNK), jnp.int32),
        pltpu.VMEM((CHUNK, OUT_DIM), jnp.float32),
        pltpu.VMEM((CHUNK, OUT_DIM), jnp.float32),
        pltpu.VMEM((CHUNK, OUT_DIM), jnp.float32),
        pltpu.VMEM((CHUNK, OUT_DIM), jnp.float32),
        pltpu.VMEM_SHARED((N_NODES, OUT_DIM), jnp.float32),
        pltpu.SemaphoreType.DMA,
        pltpu.SemaphoreType.DMA,
        pltpu.SemaphoreType.DMA,
        pltpu.SemaphoreType.DMA,
    ],
)
def _prop(h_hbm, src_hbm, dst_hbm, zeros_hbm, out_hbm,
          src_v, dst_v, rb0, rb1, rb2, rb3, acc, gs0, gs1, gs2, gs3):
    c = lax.axis_index("c")
    s = lax.axis_index("s")
    wid = c * NS + s

    @pl.when(s < 15)
    def _():
        pltpu.sync_copy(zeros_hbm.at[pl.ds(0, RPT)],
                        acc.at[pl.ds(s * RPT, RPT)])

    @pl.when(s == 15)
    def _():
        pltpu.sync_copy(zeros_hbm, acc.at[pl.ds(15 * RPT, RPT_LAST)])
    @pl.when(wid < NW - 1)
    def _():
        pltpu.sync_copy(src_hbm.at[pl.ds(wid * NCHUNK, PHASE)], src_v)
        pltpu.sync_copy(dst_hbm.at[pl.ds(wid * NCHUNK, PHASE)], dst_v)

    @pl.when(wid == NW - 1)
    def _():
        pltpu.sync_copy(src_hbm.at[pl.ds(31 * NCHUNK, NCHUNK_LAST)],
                        src_v.at[pl.ds(0, NCHUNK_LAST)])
        pltpu.sync_copy(dst_hbm.at[pl.ds(31 * NCHUNK, NCHUNK_LAST)],
                        dst_v.at[pl.ds(0, NCHUNK_LAST)])

    plsc.subcore_barrier()

    bufs = (rb0, rb1, rb2, rb3)
    sems = (gs0, gs1, gs2, gs3)

    @pl.when(wid < NW - 1)
    def _():
        _edge_pipeline(h_hbm, src_v, dst_v, bufs, sems, acc, PHASE)
        pltpu.sync_copy(src_hbm.at[pl.ds(wid * NCHUNK + PHASE, PHASE)],
                        src_v)
        pltpu.sync_copy(dst_hbm.at[pl.ds(wid * NCHUNK + PHASE, PHASE)],
                        dst_v)
        _edge_pipeline(h_hbm, src_v, dst_v, bufs, sems, acc, PHASE)

    @pl.when(wid == NW - 1)
    def _():
        _edge_pipeline(h_hbm, src_v, dst_v, bufs, sems, acc, NCHUNK_LAST)

    plsc.subcore_barrier()

    @pl.when(s < 15)
    def _():
        pltpu.sync_copy(acc.at[pl.ds(s * RPT, RPT)],
                        out_hbm.at[c, pl.ds(s * RPT, RPT)])

    @pl.when(s == 15)
    def _():
        pltpu.sync_copy(acc.at[pl.ds(15 * RPT, RPT_LAST)],
                        out_hbm.at[c, pl.ds(15 * RPT, RPT_LAST)])


def kernel(features, edge_index, W0, W1, W2):
    src = edge_index[0].reshape(NCHUNK_T, CHUNK)
    dst = edge_index[1].reshape(NCHUNK_T, CHUNK)
    zeros = jnp.zeros((RPT_LAST, OUT_DIM), jnp.float32)

    h = _dense(features, W0, W1, W2)
    for _ in range(3):
        partials = _prop(h, src, dst, zeros)
        h = _combine(partials)
    return h

# --- scband reference (transcript-rebuilt; emitter-appended) ---
"""Pipeline reference for scband-decouple-gcn-43095701848345 (READ-ONLY COPY).

The authoritative reference and input builder live on the scoring server;
editing this copy changes nothing except your own understanding.
"""

import jax, jax.numpy as jnp
import numpy as np

N_NODES = 10000
N_EDGES = 160000
IN_DIM = 256
HIDDEN = 256
OUT_DIM = 128


def _xavier_uniform(key, fan_in, fan_out):
    limit = float(np.sqrt(6.0 / (fan_in + fan_out)))
    return jax.random.uniform(key, (fan_in, fan_out), minval=-limit, maxval=limit, dtype=jnp.float32)


def setup_inputs(seed: int = 0) -> dict:
    key = jax.random.key(seed)
    k1, k2, k3, k4, k5 = jax.random.split(key, 5)
    features = jax.random.normal(k1, (N_NODES, IN_DIM), dtype=jnp.float32)
    edge_index = jax.random.randint(k2, (2, N_EDGES), 0, N_NODES, dtype=jnp.int32)
    # learned parameters per init_kwargs: nlayers=3 -> [in,hid], [hid,hid], [hid,out]
    W0 = _xavier_uniform(k3, IN_DIM, HIDDEN)
    W1 = _xavier_uniform(k4, HIDDEN, HIDDEN)
    W2 = _xavier_uniform(k5, HIDDEN, OUT_DIM)
    return {"features": features, "edge_index": edge_index, "W0": W0, "W1": W1, "W2": W2}


def reference(features, edge_index, W0, W1, W2):
    # DecoupleGCN: first all NN layers (mm + relu except last), then all graph
    # propagation layers (spmm with the full adjacency = scatter-add over edges).
    weights = [W0, W1, W2]
    h = features
    for i, W in enumerate(weights):
        h = jnp.dot(h, W)  # DistNNLayer: torch.mm(features, weight)
        if i != len(weights) - 1:
            h = jax.nn.relu(h)
    src = edge_index[0]
    dst = edge_index[1]
    for _ in range(len(weights)):
        # DistGraphLayer: z = A @ h, A unweighted adjacency (edge src -> dst)
        h = jax.ops.segment_sum(h[src], dst, num_segments=N_NODES)
    return h

if __name__ == "__main__":
    import jax
    _d = setup_inputs()
    print(jax.jit(kernel)(*tuple(_d.values())))

</pallas_src>

<mosaic_0001>
#map = affine_map<(d0, d1) -> (0, 0)>
#map1 = affine_map<(d0, d1) -> (0, 0, 0)>
module attributes {stable_mosaic.version = 14 : i64} {
  func.func @_prop(%arg0: i32, %arg1: i32, %arg2: memref<10000x128xf32, #tpu.memory_space<hbm>>, %arg3: memref<2500x64xi32, #tpu.memory_space<hbm>>, %arg4: memref<2500x64xi32, #tpu.memory_space<hbm>>, %arg5: memref<640x128xf32, #tpu.memory_space<hbm>>, %arg6: memref<2x10000x128xf32, #tpu.memory_space<hbm>>, %arg7: memref<40x64xi32, #tpu.memory_space<vmem>>, %arg8: memref<40x64xi32, #tpu.memory_space<vmem>>, %arg9: memref<64x128xf32, #tpu.memory_space<vmem>>, %arg10: memref<64x128xf32, #tpu.memory_space<vmem>>, %arg11: memref<64x128xf32, #tpu.memory_space<vmem>>, %arg12: memref<64x128xf32, #tpu.memory_space<vmem>>, %arg13: memref<10000x128xf32, #tpu.memory_space<vmem_shared>>, %arg14: memref<!tpu.dma_semaphore, #tpu.memory_space<semaphore_mem>>, %arg15: memref<!tpu.dma_semaphore, #tpu.memory_space<semaphore_mem>>, %arg16: memref<!tpu.dma_semaphore, #tpu.memory_space<semaphore_mem>>, %arg17: memref<!tpu.dma_semaphore, #tpu.memory_space<semaphore_mem>>) attributes {dimension_semantics = [#tpu.dimension_semantics<core_parallel>, #tpu.dimension_semantics<subcore_parallel>], iteration_bounds = array<i64: 2, 16>, scalar_prefetch = 0 : i64, scratch_operands = 11 : i64, tpu.core_type = #tpu.core_type<sc_vector_subcore>, window_params = [{transform_indices = #map}, {transform_indices = #map}, {transform_indices = #map}, {transform_indices = #map}, {transform_indices = #map1}]} {
    %mul3A = arith.constant 16 : i32
    %mul3A_0 = arith.muli %arg0, %mul3A : i32
    %add3A = arith.addi %mul3A_0, %arg1 : i32
    %lt3A = arith.constant 15 : i32
    %lt3A_1 = arith.cmpi slt, %arg1, %lt3A : i32
    %convert_element_type3A = arith.extui %lt3A_1 : i1 to i32
    %cond3A = arith.constant 0 : i32
    %cond3A_2 = arith.cmpi ne, %convert_element_type3A, %cond3A : i32
    scf.if %cond3A_2 {
      %mul3A_38 = arith.constant 624 : i32
      %mul3A_39 = arith.muli %arg1, %mul3A_38 : i32
      "tpu.region"() ({
        %run_scoped3A = tpu.sem_alloc : memref<!tpu.dma_semaphore, #tpu.memory_space<semaphore_mem>>
        %dma_start3A = arith.constant 0 : i32
        %dma_start3A_40 = tpu.memref_slice %arg13[%mul3A_39, %dma_start3A] : memref<10000x128xf32, #tpu.memory_space<vmem_shared>> -> memref<624x128xf32, #tpu.memory_space<vmem_shared>>
        %dma_start3A_41 = arith.constant 0 : i32
        %dma_start3A_42 = arith.constant 0 : i32
        %dma_start3A_43 = tpu.memref_slice %arg5[%dma_start3A_41, %dma_start3A_42] : memref<640x128xf32, #tpu.memory_space<hbm>> -> memref<624x128xf32, #tpu.memory_space<hbm>>
        tpu.enqueue_dma source(%dma_start3A_43 : memref<624x128xf32, #tpu.memory_space<hbm>>) target(%dma_start3A_40 : memref<624x128xf32, #tpu.memory_space<vmem_shared>>) target_semaphore(%run_scoped3A : memref<!tpu.dma_semaphore, #tpu.memory_space<semaphore_mem>>)
        %dma_wait3A = arith.constant 0 : i32
        %dma_wait3A_44 = tpu.memref_slice %arg13[%mul3A_39, %dma_wait3A] : memref<10000x128xf32, #tpu.memory_space<vmem_shared>> -> memref<624x128xf32, #tpu.memory_space<vmem_shared>>
        %dma_wait3A_45 = arith.constant 0 : i32
        %dma_wait3A_46 = arith.constant 0 : i32
        %dma_wait3A_47 = tpu.memref_slice %arg5[%dma_wait3A_45, %dma_wait3A_46] : memref<640x128xf32, #tpu.memory_space<hbm>> -> memref<624x128xf32, #tpu.memory_space<hbm>>
        tpu.wait_dma2 semaphore(%run_scoped3A : memref<!tpu.dma_semaphore, #tpu.memory_space<semaphore_mem>>) src(%dma_wait3A_47 : memref<624x128xf32, #tpu.memory_space<hbm>>) dst(%dma_wait3A_44 : memref<624x128xf32, #tpu.memory_space<vmem_shared>>)
        tpu.yield
      }) : () -> ()
    } else {
    }
    %eq3A = arith.constant 15 : i32
    %eq3A_3 = arith.cmpi eq, %arg1, %eq3A : i32
    %convert_element_type3A_4 = arith.extui %eq3A_3 : i1 to i32
    %cond3A_5 = arith.constant 0 : i32
    %cond3A_6 = arith.cmpi ne, %convert_element_type3A_4, %cond3A_5 : i32
    scf.if %cond3A_6 {
      "tpu.region"() ({
        %run_scoped3A = tpu.sem_alloc : memref<!tpu.dma_semaphore, #tpu.memory_space<semaphore_mem>>
        %dma_start3A = arith.constant 9360 : i32
        %dma_start3A_38 = arith.constant 0 : i32
        %dma_start3A_39 = tpu.memref_slice %arg13[%dma_start3A, %dma_start3A_38] : memref<10000x128xf32, #tpu.memory_space<vmem_shared>> -> memref<640x128xf32, #tpu.memory_space<vmem_shared>>
        tpu.enqueue_dma source(%arg5 : memref<640x128xf32, #tpu.memory_space<hbm>>) target(%dma_start3A_39 : memref<640x128xf32, #tpu.memory_space<vmem_shared>>) target_semaphore(%run_scoped3A : memref<!tpu.dma_semaphore, #tpu.memory_space<semaphore_mem>>)
        %dma_wait3A = arith.constant 9360 : i32
        %dma_wait3A_40 = arith.constant 0 : i32
        %dma_wait3A_41 = tpu.memref_slice %arg13[%dma_wait3A, %dma_wait3A_40] : memref<10000x128xf32, #tpu.memory_space<vmem_shared>> -> memref<640x128xf32, #tpu.memory_space<vmem_shared>>
        tpu.wait_dma2 semaphore(%run_scoped3A : memref<!tpu.dma_semaphore, #tpu.memory_space<semaphore_mem>>) src(%arg5 : memref<640x128xf32, #tpu.memory_space<hbm>>) dst(%dma_wait3A_41 : memref<640x128xf32, #tpu.memory_space<vmem_shared>>)
        tpu.yield
      }) : () -> ()
    } else {
    }
    %lt3A_7 = arith.constant 31 : i32
    %lt3A_8 = arith.cmpi slt, %add3A, %lt3A_7 : i32
    %convert_element_type3A_9 = arith.extui %lt3A_8 : i1 to i32
    %cond3A_10 = arith.constant 0 : i32
    %cond3A_11 = arith.cmpi ne, %convert_element_type3A_9, %cond3A_10 : i32
    scf.if %cond3A_11 {
      %mul3A_38 = arith.constant 80 : i32
      %mul3A_39 = arith.muli %add3A, %mul3A_38 : i32
      "tpu.region"() ({
        %run_scoped3A = tpu.sem_alloc : memref<!tpu.dma_semaphore, #tpu.memory_space<semaphore_mem>>
        %dma_start3A = arith.constant 0 : i32
        %dma_start3A_42 = tpu.memref_slice %arg3[%mul3A_39, %dma_start3A] : memref<2500x64xi32, #tpu.memory_space<hbm>> -> memref<40x64xi32, #tpu.memory_space<hbm>>
        %dma_start3A_43 = arith.constant 0 : i32
        %dma_start3A_44 = tpu.memref_slice %arg3[%mul3A_39, %dma_start3A_43] : memref<2500x64xi32, #tpu.memory_space<hbm>> -> memref<40x64xi32, #tpu.memory_space<hbm>>
        tpu.enqueue_dma source(%dma_start3A_44 : memref<40x64xi32, #tpu.memory_space<hbm>>) target(%arg7 : memref<40x64xi32, #tpu.memory_space<vmem>>) target_semaphore(%run_scoped3A : memref<!tpu.dma_semaphore, #tpu.memory_space<semaphore_mem>>)
        %dma_wait3A = arith.constant 0 : i32
        %dma_wait3A_45 = tpu.memref_slice %arg3[%mul3A_39, %dma_wait3A] : memref<2500x64xi32, #tpu.memory_space<hbm>> -> memref<40x64xi32, #tpu.memory_space<hbm>>
        %dma_wait3A_46 = arith.constant 0 : i32
        %dma_wait3A_47 = tpu.memref_slice %arg3[%mul3A_39, %dma_wait3A_46] : memref<2500x64xi32, #tpu.memory_space<hbm>> -> memref<40x64xi32, #tpu.memory_space<hbm>>
        tpu.wait_dma2 semaphore(%run_scoped3A : memref<!tpu.dma_semaphore, #tpu.memory_space<semaphore_mem>>) src(%dma_wait3A_47 : memref<40x64xi32, #tpu.memory_space<hbm>>) dst(%arg7 : memref<40x64xi32, #tpu.memory_space<vmem>>)
        tpu.yield
      }) : () -> ()
      %mul3A_40 = arith.constant 80 : i32
      %mul3A_41 = arith.muli %add3A, %mul3A_40 : i32
      "tpu.region"() ({
        %run_scoped3A = tpu.sem_alloc : memref<!tpu.dma_semaphore, #tpu.memory_space<semaphore_mem>>
        %dma_start3A = arith.constant 0 : i32
        %dma_start3A_42 = tpu.memref_slice %arg4[%mul3A_41, %dma_start3A] : memref<2500x64xi32, #tpu.memory_space<hbm>> -> memref<40x64xi32, #tpu.memory_space<hbm>>
        %dma_start3A_43 = arith.constant 0 : i32
        %dma_start3A_44 = tpu.memref_slice %arg4[%mul3A_41, %dma_start3A_43] : memref<2500x64xi32, #tpu.memory_space<hbm>> -> memref<40x64xi32, #tpu.memory_space<hbm>>
        tpu.enqueue_dma source(%dma_start3A_44 : memref<40x64xi32, #tpu.memory_space<hbm>>) target(%arg8 : memref<40x64xi32, #tpu.memory_space<vmem>>) target_semaphore(%run_scoped3A : memref<!tpu.dma_semaphore, #tpu.memory_space<semaphore_mem>>)
        %dma_wait3A = arith.constant 0 : i32
        %dma_wait3A_45 = tpu.memref_slice %arg4[%mul3A_41, %dma_wait3A] : memref<2500x64xi32, #tpu.memory_space<hbm>> -> memref<40x64xi32, #tpu.memory_space<hbm>>
        %dma_wait3A_46 = arith.constant 0 : i32
        %dma_wait3A_47 = tpu.memref_slice %arg4[%mul3A_41, %dma_wait3A_46] : memref<2500x64xi32, #tpu.memory_space<hbm>> -> memref<40x64xi32, #tpu.memory_space<hbm>>
        tpu.wait_dma2 semaphore(%run_scoped3A : memref<!tpu.dma_semaphore, #tpu.memory_space<semaphore_mem>>) src(%dma_wait3A_47 : memref<40x64xi32, #tpu.memory_space<hbm>>) dst(%arg8 : memref<40x64xi32, #tpu.memory_space<vmem>>)
        tpu.yield
      }) : () -> ()
    } else {
    }
    %eq3A_12 = arith.constant 31 : i32
    %eq3A_13 = arith.cmpi eq, %add3A, %eq3A_12 : i32
    %convert_element_type3A_14 = arith.extui %eq3A_13 : i1 to i32
    %cond3A_15 = arith.constant 0 : i32
    %cond3A_16 = arith.cmpi ne, %convert_element_type3A_14, %cond3A_15 : i32
    scf.if %cond3A_16 {
      "tpu.region"() ({
        %run_scoped3A = tpu.sem_alloc : memref<!tpu.dma_semaphore, #tpu.memory_space<semaphore_mem>>
        %dma_start3A = arith.constant 0 : i32
        %dma_start3A_38 = arith.constant 0 : i32
        %dma_start3A_39 = tpu.memref_slice %arg7[%dma_start3A, %dma_start3A_38] : memref<40x64xi32, #tpu.memory_space<vmem>> -> memref<20x64xi32, #tpu.memory_space<vmem>>
        %dma_start3A_40 = arith.constant 2480 : i32
        %dma_start3A_41 = arith.constant 0 : i32
        %dma_start3A_42 = tpu.memref_slice %arg3[%dma_start3A_40, %dma_start3A_41] : memref<2500x64xi32, #tpu.memory_space<hbm>> -> memref<20x64xi32, #tpu.memory_space<hbm>>
        %dma_start3A_43 = arith.constant 0 : i32
        %dma_start3A_44 = arith.constant 0 : i32
        %dma_start3A_45 = tpu.memref_slice %arg7[%dma_start3A_43, %dma_start3A_44] : memref<40x64xi32, #tpu.memory_space<vmem>> -> memref<20x64xi32, #tpu.memory_space<vmem>>
        %dma_start3A_46 = arith.constant 2480 : i32
        %dma_start3A_47 = arith.constant 0 : i32
        %dma_start3A_48 = tpu.memref_slice %arg3[%dma_start3A_46, %dma_start3A_47] : memref<2500x64xi32, #tpu.memory_space<hbm>> -> memref<20x64xi32, #tpu.memory_space<hbm>>
        tpu.enqueue_dma source(%dma_start3A_48 : memref<20x64xi32, #tpu.memory_space<hbm>>) target(%dma_start3A_45 : memref<20x64xi32, #tpu.memory_space<vmem>>) target_semaphore(%run_scoped3A : memref<!tpu.dma_semaphore, #tpu.memory_space<semaphore_mem>>)
        %dma_wait3A = arith.constant 0 : i32
        %dma_wait3A_49 = arith.constant 0 : i32
        %dma_wait3A_50 = tpu.memref_slice %arg7[%dma_wait3A, %dma_wait3A_49] : memref<40x64xi32, #tpu.memory_space<vmem>> -> memref<20x64xi32, #tpu.memory_space<vmem>>
        %dma_wait3A_51 = arith.constant 2480 : i32
        %dma_wait3A_52 = arith.constant 0 : i32
        %dma_wait3A_53 = tpu.memref_slice %arg3[%dma_wait3A_51, %dma_wait3A_52] : memref<2500x64xi32, #tpu.memory_space<hbm>> -> memref<20x64xi32, #tpu.memory_space<hbm>>
        %dma_wait3A_54 = arith.constant 0 : i32
        %dma_wait3A_55 = arith.constant 0 : i32
        %dma_wait3A_56 = tpu.memref_slice %arg7[%dma_wait3A_54, %dma_wait3A_55] : memref<40x64xi32, #tpu.memory_space<vmem>> -> memref<20x64xi32, #tpu.memory_space<vmem>>
        %dma_wait3A_57 = arith.constant 2480 : i32
        %dma_wait3A_58 = arith.constant 0 : i32
        %dma_wait3A_59 = tpu.memref_slice %arg3[%dma_wait3A_57, %dma_wait3A_58] : memref<2500x64xi32, #tpu.memory_space<hbm>> -> memref<20x64xi32, #tpu.memory_space<hbm>>
        tpu.wait_dma2 semaphore(%run_scoped3A : memref<!tpu.dma_semaphore, #tpu.memory_space<semaphore_mem>>) src(%dma_wait3A_59 : memref<20x64xi32, #tpu.memory_space<hbm>>) dst(%dma_wait3A_56 : memref<20x64xi32, #tpu.memory_space<vmem>>)
        tpu.yield
      }) : () -> ()
      "tpu.region"() ({
        %run_scoped3A = tpu.sem_alloc : memref<!tpu.dma_semaphore, #tpu.memory_space<semaphore_mem>>
        %dma_start3A = arith.constant 0 : i32
        %dma_start3A_38 = arith.constant 0 : i32
        %dma_start3A_39 = tpu.memref_slice %arg8[%dma_start3A, %dma_start3A_38] : memref<40x64xi32, #tpu.memory_space<vmem>> -> memref<20x64xi32, #tpu.memory_space<vmem>>
        %dma_start3A_40 = arith.constant 2480 : i32
        %dma_start3A_41 = arith.constant 0 : i32
        %dma_start3A_42 = tpu.memref_slice %arg4[%dma_start3A_40, %dma_start3A_41] : memref<2500x64xi32, #tpu.memory_space<hbm>> -> memref<20x64xi32, #tpu.memory_space<hbm>>
        %dma_start3A_43 = arith.constant 0 : i32
        %dma_start3A_44 = arith.constant 0 : i32
        %dma_start3A_45 = tpu.memref_slice %arg8[%dma_start3A_43, %dma_start3A_44] : memref<40x64xi32, #tpu.memory_space<vmem>> -> memref<20x64xi32, #tpu.memory_space<vmem>>
        %dma_start3A_46 = arith.constant 2480 : i32
        %dma_start3A_47 = arith.constant 0 : i32
        %dma_start3A_48 = tpu.memref_slice %arg4[%dma_start3A_46, %dma_start3A_47] : memref<2500x64xi32, #tpu.memory_space<hbm>> -> memref<20x64xi32, #tpu.memory_space<hbm>>
        tpu.enqueue_dma source(%dma_start3A_48 : memref<20x64xi32, #tpu.memory_space<hbm>>) target(%dma_start3A_45 : memref<20x64xi32, #tpu.memory_space<vmem>>) target_semaphore(%run_scoped3A : memref<!tpu.dma_semaphore, #tpu.memory_space<semaphore_mem>>)
        %dma_wait3A = arith.constant 0 : i32
        %dma_wait3A_49 = arith.constant 0 : i32
        %dma_wait3A_50 = tpu.memref_slice %arg8[%dma_wait3A, %dma_wait3A_49] : memref<40x64xi32, #tpu.memory_space<vmem>> -> memref<20x64xi32, #tpu.memory_space<vmem>>
        %dma_wait3A_51 = arith.constant 2480 : i32
        %dma_wait3A_52 = arith.constant 0 : i32
        %dma_wait3A_53 = tpu.memref_slice %arg4[%dma_wait3A_51, %dma_wait3A_52] : memref<2500x64xi32, #tpu.memory_space<hbm>> -> memref<20x64xi32, #tpu.memory_space<hbm>>
        %dma_wait3A_54 = arith.constant 0 : i32
        %dma_wait3A_55 = arith.constant 0 : i32
        %dma_wait3A_56 = tpu.memref_slice %arg8[%dma_wait3A_54, %dma_wait3A_55] : memref<40x64xi32, #tpu.memory_space<vmem>> -> memref<20x64xi32, #tpu.memory_space<vmem>>
        %dma_wait3A_57 = arith.constant 2480 : i32
        %dma_wait3A_58 = arith.constant 0 : i32
        %dma_wait3A_59 = tpu.memref_slice %arg4[%dma_wait3A_57, %dma_wait3A_58] : memref<2500x64xi32, #tpu.memory_space<hbm>> -> memref<20x64xi32, #tpu.memory_space<hbm>>
        tpu.wait_dma2 semaphore(%run_scoped3A : memref<!tpu.dma_semaphore, #tpu.memory_space<semaphore_mem>>) src(%dma_wait3A_59 : memref<20x64xi32, #tpu.memory_space<hbm>>) dst(%dma_wait3A_56 : memref<20x64xi32, #tpu.memory_space<vmem>>)
        tpu.yield
      }) : () -> ()
    } else {
    }
    %barrier3A = arith.constant 0 : index
    tpu.barrier barrier_id(%barrier3A)
    %lt3A_17 = arith.constant 31 : i32
    %lt3A_18 = arith.cmpi slt, %add3A, %lt3A_17 : i32
    %convert_element_type3A_19 = arith.extui %lt3A_18 : i1 to i32
    %cond3A_20 = arith.constant 0 : i32
    %cond3A_21 = arith.cmpi ne, %convert_element_type3A_19, %cond3A_20 : i32
    scf.if %cond3A_21 {
      %dma_start3A = arith.constant 0 : i32
      %dma_start3A_38 = arith.constant 0 : i32
      %dma_start3A_39 = tpu.memref_slice %arg7[%dma_start3A, %dma_start3A_38] : memref<40x64xi32, #tpu.memory_space<vmem>> -> memref<1x64xi32, #tpu.memory_space<vmem>>
      %dma_start3A_40 = tpu.memref_squeeze %dma_start3A_39 : memref<1x64xi32, #tpu.memory_space<vmem>> -> memref<64xi32, #tpu.memory_space<vmem>>
      %dma_start3A_41 = arith.constant 0 : i32
      %dma_start3A_42 = arith.constant 0 : i32
      %dma_start3A_43 = tpu.memref_slice %arg2[%dma_start3A_41, %dma_start3A_42] : memref<10000x128xf32, #tpu.memory_space<hbm>> -> memref<10000x128xf32, #tpu.memory_space<hbm>>
      tpu.enqueue_indirect_dma source(%dma_start3A_43 : memref<10000x128xf32, #tpu.memory_space<hbm>>) target(%arg9 : memref<64x128xf32, #tpu.memory_space<vmem>>) offsets(%dma_start3A_40 : memref<64xi32, #tpu.memory_space<vmem>>) semaphore(%arg14 : memref<!tpu.dma_semaphore, #tpu.memory_space<semaphore_mem>>)
      %dma_start3A_44 = arith.constant 1 : i32
      %dma_start3A_45 = arith.constant 0 : i32
      %dma_start3A_46 = tpu.memref_slice %arg7[%dma_start3A_44, %dma_start3A_45] : memref<40x64xi32, #tpu.memory_space<vmem>> -> memref<1x64xi32, #tpu.memory_space<vmem>>
      %dma_start3A_47 = tpu.memref_squeeze %dma_start3A_46 : memref<1x64xi32, #tpu.memory_space<vmem>> -> memref<64xi32, #tpu.memory_space<vmem>>
      %dma_start3A_48 = arith.constant 0 : i32
      %dma_start3A_49 = arith.constant 0 : i32
      %dma_start3A_50 = tpu.memref_slice %arg2[%dma_start3A_48, %dma_start3A_49] : memref<10000x128xf32, #tpu.memory_space<hbm>> -> memref<10000x128xf32, #tpu.memory_space<hbm>>
      tpu.enqueue_indirect_dma source(%dma_start3A_50 : memref<10000x128xf32, #tpu.memory_space<hbm>>) target(%arg10 : memref<64x128xf32, #tpu.memory_space<vmem>>) offsets(%dma_start3A_47 : memref<64xi32, #tpu.memory_space<vmem>>) semaphore(%arg15 : memref<!tpu.dma_semaphore, #tpu.memory_space<semaphore_mem>>)
      %dma_start3A_51 = arith.constant 2 : i32
      %dma_start3A_52 = arith.constant 0 : i32
      %dma_start3A_53 = tpu.memref_slice %arg7[%dma_start3A_51, %dma_start3A_52] : memref<40x64xi32, #tpu.memory_space<vmem>> -> memref<1x64xi32, #tpu.memory_space<vmem>>
      %dma_start3A_54 = tpu.memref_squeeze %dma_start3A_53 : memref<1x64xi32, #tpu.memory_space<vmem>> -> memref<64xi32, #tpu.memory_space<vmem>>
      %dma_start3A_55 = arith.constant 0 : i32
      %dma_start3A_56 = arith.constant 0 : i32
      %dma_start3A_57 = tpu.memref_slice %arg2[%dma_start3A_55, %dma_start3A_56] : memref<10000x128xf32, #tpu.memory_space<hbm>> -> memref<10000x128xf32, #tpu.memory_space<hbm>>
      tpu.enqueue_indirect_dma source(%dma_start3A_57 : memref<10000x128xf32, #tpu.memory_space<hbm>>) target(%arg11 : memref<64x128xf32, #tpu.memory_space<vmem>>) offsets(%dma_start3A_54 : memref<64xi32, #tpu.memory_space<vmem>>) semaphore(%arg16 : memref<!tpu.dma_semaphore, #tpu.memory_space<semaphore_mem>>)
      %dma_start3A_58 = arith.constant 3 : i32
      %dma_start3A_59 = arith.constant 0 : i32
      %dma_start3A_60 = tpu.memref_slice %arg7[%dma_start3A_58, %dma_start3A_59] : memref<40x64xi32, #tpu.memory_space<vmem>> -> memref<1x64xi32, #tpu.memory_space<vmem>>
      %dma_start3A_61 = tpu.memref_squeeze %dma_start3A_60 : memref<1x64xi32, #tpu.memory_space<vmem>> -> memref<64xi32, #tpu.memory_space<vmem>>
      %dma_start3A_62 = arith.constant 0 : i32
      %dma_start3A_63 = arith.constant 0 : i32
      %dma_start3A_64 = tpu.memref_slice %arg2[%dma_start3A_62, %dma_start3A_63] : memref<10000x128xf32, #tpu.memory_space<hbm>> -> memref<10000x128xf32, #tpu.memory_space<hbm>>
      tpu.enqueue_indirect_dma source(%dma_start3A_64 : memref<10000x128xf32, #tpu.memory_space<hbm>>) target(%arg12 : memref<64x128xf32, #tpu.memory_space<vmem>>) offsets(%dma_start3A_61 : memref<64xi32, #tpu.memory_space<vmem>>) semaphore(%arg17 : memref<!tpu.dma_semaphore, #tpu.memory_space<semaphore_mem>>)
      %scan3A = arith.constant 0 : i32
      %scan3A_65 = arith.constant 10 : i32
      %scan3A_66 = arith.addi %scan3A, %scan3A_65 : i32
      %scan3A_67 = arith.constant 1 : i32
      scf.for %scan3A_110 = %scan3A to %scan3A_66 step %scan3A_67  : i32 {
        %mul3A_111 = arith.constant 4 : i32
        %mul3A_112 = arith.muli %scan3A_110, %mul3A_111 : i32
        %add3A_113 = arith.constant 0 : i32
        %add3A_114 = arith.addi %add3A_113, %mul3A_112 : i32
        %add3A_115 = arith.constant 0 : i32
        %add3A_116 = arith.addi %add3A_114, %add3A_115 : i32
        %dma_wait3A = arith.constant 0 : i32
        %dma_wait3A_117 = tpu.memref_slice %arg7[%add3A_116, %dma_wait3A] : memref<40x64xi32, #tpu.memory_space<vmem>> -> memref<1x64xi32, #tpu.memory_space<vmem>>
        %dma_wait3A_118 = tpu.memref_squeeze %dma_wait3A_117 : memref<1x64xi32, #tpu.memory_space<vmem>> -> memref<64xi32, #tpu.memory_space<vmem>>
        %dma_wait3A_119 = arith.constant 0 : i32
        %dma_wait3A_120 = arith.constant 0 : i32
        %dma_wait3A_121 = tpu.memref_slice %arg2[%dma_wait3A_119, %dma_wait3A_120] : memref<10000x128xf32, #tpu.memory_space<hbm>> -> memref<10000x128xf32, #tpu.memory_space<hbm>>
        tpu.wait_indirect_dma semaphore(%arg14 : memref<!tpu.dma_semaphore, #tpu.memory_space<semaphore_mem>>) src(%dma_wait3A_121 : memref<10000x128xf32, #tpu.memory_space<hbm>>) dst(%arg9 : memref<64x128xf32, #tpu.memory_space<vmem>>)
        %add3A_122 = arith.constant 0 : i32
        %add3A_123 = arith.addi %add3A_114, %add3A_122 : i32
        "tpu.region"() ({
          %run_scoped3A = tpu.sem_alloc : memref<!tpu.dma_semaphore, #tpu.memory_space<semaphore_mem>>
          %dma_start3A_190 = arith.constant 0 : i32
          %dma_start3A_191 = tpu.memref_slice %arg8[%add3A_123, %dma_start3A_190] : memref<40x64xi32, #tpu.memory_space<vmem>> -> memref<1x64xi32, #tpu.memory_space<vmem>>
          %dma_start3A_192 = tpu.memref_squeeze %dma_start3A_191 : memref<1x64xi32, #tpu.memory_space<vmem>> -> memref<64xi32, #tpu.memory_space<vmem>>
          %dma_start3A_193 = arith.constant 0 : i32
          %dma_start3A_194 = arith.constant 0 : i32
          %dma_start3A_195 = tpu.memref_slice %arg13[%dma_start3A_193, %dma_start3A_194] : memref<10000x128xf32, #tpu.memory_space<vmem_shared>> -> memref<10000x128xf32, #tpu.memory_space<vmem_shared>>
          tpu.enqueue_indirect_dma source(%arg9 : memref<64x128xf32, #tpu.memory_space<vmem>>) target(%dma_start3A_195 : memref<10000x128xf32, #tpu.memory_space<vmem_shared>>) offsets(%dma_start3A_192 : memref<64xi32, #tpu.memory_space<vmem>>) semaphore(%run_scoped3A : memref<!tpu.dma_semaphore, #tpu.memory_space<semaphore_mem>>) {add = true}
          %dma_wait3A_196 = arith.constant 0 : i32
          %dma_wait3A_197 = tpu.memref_slice %arg8[%add3A_123, %dma_wait3A_196] : memref<40x64xi32, #tpu.memory_space<vmem>> -> memref<1x64xi32, #tpu.memory_space<vmem>>
          %dma_wait3A_198 = tpu.memref_squeeze %dma_wait3A_197 : memref<1x64xi32, #tpu.memory_space<vmem>> -> memref<64xi32, #tpu.memory_space<vmem>>
          %dma_wait3A_199 = arith.constant 0 : i32
          %dma_wait3A_200 = arith.constant 0 : i32
          %dma_wait3A_201 = tpu.memref_slice %arg13[%dma_wait3A_199, %dma_wait3A_200] : memref<10000x128xf32, #tpu.memory_space<vmem_shared>> -> memref<10000x128xf32, #tpu.memory_space<vmem_shared>>
          tpu.wait_indirect_dma semaphore(%run_scoped3A : memref<!tpu.dma_semaphore, #tpu.memory_space<semaphore_mem>>) src(%arg9 : memref<64x128xf32, #tpu.memory_space<vmem>>) dst(%dma_wait3A_201 : memref<10000x128xf32, #tpu.memory_space<vmem_shared>>)
          tpu.yield
        }) : () -> ()
        %add3A_124 = arith.constant 4 : i32
        %add3A_125 = arith.addi %add3A_114, %add3A_124 : i32
        %add3A_126 = arith.constant 0 : i32
        %add3A_127 = arith.addi %add3A_125, %add3A_126 : i32
        %lt3A_128 = arith.constant 40 : i32
        %lt3A_129 = arith.cmpi slt, %add3A_127, %lt3A_128 : i32
        %convert_element_type3A_130 = arith.extui %lt3A_129 : i1 to i32
        %cond3A_131 = arith.constant 0 : i32
        %cond3A_132 = arith.cmpi ne, %convert_element_type3A_130, %cond3A_131 : i32
        scf.if %cond3A_132 {
          %add3A_190 = arith.constant 4 : i32
          %add3A_191 = arith.addi %add3A_114, %add3A_190 : i32
          %add3A_192 = arith.constant 0 : i32
          %add3A_193 = arith.addi %add3A_191, %add3A_192 : i32
          %dma_start3A_194 = arith.constant 0 : i32
          %dma_start3A_195 = tpu.memref_slice %arg7[%add3A_193, %dma_start3A_194] : memref<40x64xi32, #tpu.memory_space<vmem>> -> memref<1x64xi32, #tpu.memory_space<vmem>>
          %dma_start3A_196 = tpu.memref_squeeze %dma_start3A_195 : memref<1x64xi32, #tpu.memory_space<vmem>> -> memref<64xi32, #tpu.memory_space<vmem>>
          %dma_start3A_197 = arith.constant 0 : i32
          %dma_start3A_198 = arith.constant 0 : i32
          %dma_start3A_199 = tpu.memref_slice %arg2[%dma_start3A_197, %dma_start3A_198] : memref<10000x128xf32, #tpu.memory_space<hbm>> -> memref<10000x128xf32, #tpu.memory_space<hbm>>
          tpu.enqueue_indirect_dma source(%dma_start3A_199 : memref<10000x128xf32, #tpu.memory_space<hbm>>) target(%arg9 : memref<64x128xf32, #tpu.memory_space<vmem>>) offsets(%dma_start3A_196 : memref<64xi32, #tpu.memory_space<vmem>>) semaphore(%arg14 : memref<!tpu.dma_semaphore, #tpu.memory_space<semaphore_mem>>)
        } else {
        }
        %add3A_133 = arith.constant 1 : i32
        %add3A_134 = arith.addi %add3A_114, %add3A_133 : i32
        %dma_wait3A_135 = arith.constant 0 : i32
        %dma_wait3A_136 = tpu.memref_slice %arg7[%add3A_134, %dma_wait3A_135] : memref<40x64xi32, #tpu.memory_space<vmem>> -> memref<1x64xi32, #tpu.memory_space<vmem>>
        %dma_wait3A_137 = tpu.memref_squeeze %dma_wait3A_136 : memref<1x64xi32, #tpu.memory_space<vmem>> -> memref<64xi32, #tpu.memory_space<vmem>>
        %dma_wait3A_138 = arith.constant 0 : i32
        %dma_wait3A_139 = arith.constant 0 : i32
        %dma_wait3A_140 = tpu.memref_slice %arg2[%dma_wait3A_138, %dma_wait3A_139] : memref<10000x128xf32, #tpu.memory_space<hbm>> -> memref<10000x128xf32, #tpu.memory_space<hbm>>
        tpu.wait_indirect_dma semaphore(%arg15 : memref<!tpu.dma_semaphore, #tpu.memory_space<semaphore_mem>>) src(%dma_wait3A_140 : memref<10000x128xf32, #tpu.memory_space<hbm>>) dst(%arg10 : memref<64x128xf32, #tpu.memory_space<vmem>>)
        %add3A_141 = arith.constant 1 : i32
        %add3A_142 = arith.addi %add3A_114, %add3A_141 : i32
        "tpu.region"() ({
          %run_scoped3A = tpu.sem_alloc : memref<!tpu.dma_semaphore, #tpu.memory_space<semaphore_mem>>
          %dma_start3A_190 = arith.constant 0 : i32
          %dma_start3A_191 = tpu.memref_slice %arg8[%add3A_142, %dma_start3A_190] : memref<40x64xi32, #tpu.memory_space<vmem>> -> memref<1x64xi32, #tpu.memory_space<vmem>>
          %dma_start3A_192 = tpu.memref_squeeze %dma_start3A_191 : memref<1x64xi32, #tpu.memory_space<vmem>> -> memref<64xi32, #tpu.memory_space<vmem>>
          %dma_start3A_193 = arith.constant 0 : i32
          %dma_start3A_194 = arith.constant 0 : i32
          %dma_start3A_195 = tpu.memref_slice %arg13[%dma_start3A_193, %dma_start3A_194] : memref<10000x128xf32, #tpu.memory_space<vmem_shared>> -> memref<10000x128xf32, #tpu.memory_space<vmem_shared>>
          tpu.enqueue_indirect_dma source(%arg10 : memref<64x128xf32, #tpu.memory_space<vmem>>) target(%dma_start3A_195 : memref<10000x128xf32, #tpu.memory_space<vmem_shared>>) offsets(%dma_start3A_192 : memref<64xi32, #tpu.memory_space<vmem>>) semaphore(%run_scoped3A : memref<!tpu.dma_semaphore, #tpu.memory_space<semaphore_mem>>) {add = true}
          %dma_wait3A_196 = arith.constant 0 : i32
          %dma_wait3A_197 = tpu.memref_slice %arg8[%add3A_142, %dma_wait3A_196] : memref<40x64xi32, #tpu.memory_space<vmem>> -> memref<1x64xi32, #tpu.memory_space<vmem>>
          %dma_wait3A_198 = tpu.memref_squeeze %dma_wait3A_197 : memref<1x64xi32, #tpu.memory_space<vmem>> -> memref<64xi32, #tpu.memory_space<vmem>>
          %dma_wait3A_199 = arith.constant 0 : i32
          %dma_wait3A_200 = arith.constant 0 : i32
          %dma_wait3A_201 = tpu.memref_slice %arg13[%dma_wait3A_199, %dma_wait3A_200] : memref<10000x128xf32, #tpu.memory_space<vmem_shared>> -> memref<10000x128xf32, #tpu.memory_space<vmem_shared>>
          tpu.wait_indirect_dma semaphore(%run_scoped3A : memref<!tpu.dma_semaphore, #tpu.memory_space<semaphore_mem>>) src(%arg10 : memref<64x128xf32, #tpu.memory_space<vmem>>) dst(%dma_wait3A_201 : memref<10000x128xf32, #tpu.memory_space<vmem_shared>>)
          tpu.yield
        }) : () -> ()
        %add3A_143 = arith.constant 4 : i32
        %add3A_144 = arith.addi %add3A_114, %add3A_143 : i32
        %add3A_145 = arith.constant 1 : i32
        %add3A_146 = arith.addi %add3A_144, %add3A_145 : i32
        %lt3A_147 = arith.constant 40 : i32
        %lt3A_148 = arith.cmpi slt, %add3A_146, %lt3A_147 : i32
        %convert_element_type3A_149 = arith.extui %lt3A_148 : i1 to i32
        %cond3A_150 = arith.constant 0 : i32
        %cond3A_151 = arith.cmpi ne, %convert_element_type3A_149, %cond3A_150 : i32
        scf.if %cond3A_151 {
          %add3A_190 = arith.constant 4 : i32
          %add3A_191 = arith.addi %add3A_114, %add3A_190 : i32
          %add3A_192 = arith.constant 1 : i32
          %add3A_193 = arith.addi %add3A_191, %add3A_192 : i32
          %dma_start3A_194 = arith.constant 0 : i32
          %dma_start3A_195 = tpu.memref_slice %arg7[%add3A_193, %dma_start3A_194] : memref<40x64xi32, #tpu.memory_space<vmem>> -> memref<1x64xi32, #tpu.memory_space<vmem>>
          %dma_start3A_196 = tpu.memref_squeeze %dma_start3A_195 : memref<1x64xi32, #tpu.memory_space<vmem>> -> memref<64xi32, #tpu.memory_space<vmem>>
          %dma_start3A_197 = arith.constant 0 : i32
          %dma_start3A_198 = arith.constant 0 : i32
          %dma_start3A_199 = tpu.memref_slice %arg2[%dma_start3A_197, %dma_start3A_198] : memref<10000x128xf32, #tpu.memory_space<hbm>> -> memref<10000x128xf32, #tpu.memory_space<hbm>>
          tpu.enqueue_indirect_dma source(%dma_start3A_199 : memref<10000x128xf32, #tpu.memory_space<hbm>>) target(%arg10 : memref<64x128xf32, #tpu.memory_space<vmem>>) offsets(%dma_start3A_196 : memref<64xi32, #tpu.memory_space<vmem>>) semaphore(%arg15 : memref<!tpu.dma_semaphore, #tpu.memory_space<semaphore_mem>>)
        } else {
        }
        %add3A_152 = arith.constant 2 : i32
        %add3A_153 = arith.addi %add3A_114, %add3A_152 : i32
        %dma_wait3A_154 = arith.constant 0 : i32
        %dma_wait3A_155 = tpu.memref_slice %arg7[%add3A_153, %dma_wait3A_154] : memref<40x64xi32, #tpu.memory_space<vmem>> -> memref<1x64xi32, #tpu.memory_space<vmem>>
        %dma_wait3A_156 = tpu.memref_squeeze %dma_wait3A_155 : memref<1x64xi32, #tpu.memory_space<vmem>> -> memref<64xi32, #tpu.memory_space<vmem>>
        %dma_wait3A_157 = arith.constant 0 : i32
        %dma_wait3A_158 = arith.constant 0 : i32
        %dma_wait3A_159 = tpu.memref_slice %arg2[%dma_wait3A_157, %dma_wait3A_158] : memref<10000x128xf32, #tpu.memory_space<hbm>> -> memref<10000x128xf32, #tpu.memory_space<hbm>>
        tpu.wait_indirect_dma semaphore(%arg16 : memref<!tpu.dma_semaphore, #tpu.memory_space<semaphore_mem>>) src(%dma_wait3A_159 : memref<10000x128xf32, #tpu.memory_space<hbm>>) dst(%arg11 : memref<64x128xf32, #tpu.memory_space<vmem>>)
        %add3A_160 = arith.constant 2 : i32
        %add3A_161 = arith.addi %add3A_114, %add3A_160 : i32
        "tpu.region"() ({
          %run_scoped3A = tpu.sem_alloc : memref<!tpu.dma_semaphore, #tpu.memory_space<semaphore_mem>>
          %dma_start3A_190 = arith.constant 0 : i32
          %dma_start3A_191 = tpu.memref_slice %arg8[%add3A_161, %dma_start3A_190] : memref<40x64xi32, #tpu.memory_space<vmem>> -> memref<1x64xi32, #tpu.memory_space<vmem>>
          %dma_start3A_192 = tpu.memref_squeeze %dma_start3A_191 : memref<1x64xi32, #tpu.memory_space<vmem>> -> memref<64xi32, #tpu.memory_space<vmem>>
          %dma_start3A_193 = arith.constant 0 : i32
          %dma_start3A_194 = arith.constant 0 : i32
          %dma_start3A_195 = tpu.memref_slice %arg13[%dma_start3A_193, %dma_start3A_194] : memref<10000x128xf32, #tpu.memory_space<vmem_shared>> -> memref<10000x128xf32, #tpu.memory_space<vmem_shared>>
          tpu.enqueue_indirect_dma source(%arg11 : memref<64x128xf32, #tpu.memory_space<vmem>>) target(%dma_start3A_195 : memref<10000x128xf32, #tpu.memory_space<vmem_shared>>) offsets(%dma_start3A_192 : memref<64xi32, #tpu.memory_space<vmem>>) semaphore(%run_scoped3A : memref<!tpu.dma_semaphore, #tpu.memory_space<semaphore_mem>>) {add = true}
          %dma_wait3A_196 = arith.constant 0 : i32
          %dma_wait3A_197 = tpu.memref_slice %arg8[%add3A_161, %dma_wait3A_196] : memref<40x64xi32, #tpu.memory_space<vmem>> -> memref<1x64xi32, #tpu.memory_space<vmem>>
          %dma_wait3A_198 = tpu.memref_squeeze %dma_wait3A_197 : memref<1x64xi32, #tpu.memory_space<vmem>> -> memref<64xi32, #tpu.memory_space<vmem>>
          %dma_wait3A_199 = arith.constant 0 : i32
          %dma_wait3A_200 = arith.constant 0 : i32
          %dma_wait3A_201 = tpu.memref_slice %arg13[%dma_wait3A_199, %dma_wait3A_200] : memref<10000x128xf32, #tpu.memory_space<vmem_shared>> -> memref<10000x128xf32, #tpu.memory_space<vmem_shared>>
          tpu.wait_indirect_dma semaphore(%run_scoped3A : memref<!tpu.dma_semaphore, #tpu.memory_space<semaphore_mem>>) src(%arg11 : memref<64x128xf32, #tpu.memory_space<vmem>>) dst(%dma_wait3A_201 : memref<10000x128xf32, #tpu.memory_space<vmem_shared>>)
          tpu.yield
        }) : () -> ()
        %add3A_162 = arith.constant 4 : i32
        %add3A_163 = arith.addi %add3A_114, %add3A_162 : i32
        %add3A_164 = arith.constant 2 : i32
        %add3A_165 = arith.addi %add3A_163, %add3A_164 : i32
        %lt3A_166 = arith.constant 40 : i32
        %lt3A_167 = arith.cmpi slt, %add3A_165, %lt3A_166 : i32
        %convert_element_type3A_168 = arith.extui %lt3A_167 : i1 to i32
        %cond3A_169 = arith.constant 0 : i32
        %cond3A_170 = arith.cmpi ne, %convert_element_type3A_168, %cond3A_169 : i32
        scf.if %cond3A_170 {
          %add3A_190 = arith.constant 4 : i32
          %add3A_191 = arith.addi %add3A_114, %add3A_190 : i32
          %add3A_192 = arith.constant 2 : i32
          %add3A_193 = arith.addi %add3A_191, %add3A_192 : i32
          %dma_start3A_194 = arith.constant 0 : i32
          %dma_start3A_195 = tpu.memref_slice %arg7[%add3A_193, %dma_start3A_194] : memref<40x64xi32, #tpu.memory_space<vmem>> -> memref<1x64xi32, #tpu.memory_space<vmem>>
          %dma_start3A_196 = tpu.memref_squeeze %dma_start3A_195 : memref<1x64xi32, #tpu.memory_space<vmem>> -> memref<64xi32, #tpu.memory_space<vmem>>
          %dma_start3A_197 = arith.constant 0 : i32
          %dma_start3A_198 = arith.constant 0 : i32
          %dma_start3A_199 = tpu.memref_slice %arg2[%dma_start3A_197, %dma_start3A_198] : memref<10000x128xf32, #tpu.memory_space<hbm>> -> memref<10000x128xf32, #tpu.memory_space<hbm>>
          tpu.enqueue_indirect_dma source(%dma_start3A_199 : memref<10000x128xf32, #tpu.memory_space<hbm>>) target(%arg11 : memref<64x128xf32, #tpu.memory_space<vmem>>) offsets(%dma_start3A_196 : memref<64xi32, #tpu.memory_space<vmem>>) semaphore(%arg16 : memref<!tpu.dma_semaphore, #tpu.memory_space<semaphore_mem>>)
        } else {
        }
        %add3A_171 = arith.constant 3 : i32
        %add3A_172 = arith.addi %add3A_114, %add3A_171 : i32
        %dma_wait3A_173 = arith.constant 0 : i32
        %dma_wait3A_174 = tpu.memref_slice %arg7[%add3A_172, %dma_wait3A_173] : memref<40x64xi32, #tpu.memory_space<vmem>> -> memref<1x64xi32, #tpu.memory_space<vmem>>
        %dma_wait3A_175 = tpu.memref_squeeze %dma_wait3A_174 : memref<1x64xi32, #tpu.memory_space<vmem>> -> memref<64xi32, #tpu.memory_space<vmem>>
        %dma_wait3A_176 = arith.constant 0 : i32
        %dma_wait3A_177 = arith.constant 0 : i32
        %dma_wait3A_178 = tpu.memref_slice %arg2[%dma_wait3A_176, %dma_wait3A_177] : memref<10000x128xf32, #tpu.memory_space<hbm>> -> memref<10000x128xf32, #tpu.memory_space<hbm>>
        tpu.wait_indirect_dma semaphore(%arg17 : memref<!tpu.dma_semaphore, #tpu.memory_space<semaphore_mem>>) src(%dma_wait3A_178 : memref<10000x128xf32, #tpu.memory_space<hbm>>) dst(%arg12 : memref<64x128xf32, #tpu.memory_space<vmem>>)
        %add3A_179 = arith.constant 3 : i32
        %add3A_180 = arith.addi %add3A_114, %add3A_179 : i32
        "tpu.region"() ({
          %run_scoped3A = tpu.sem_alloc : memref<!tpu.dma_semaphore, #tpu.memory_space<semaphore_mem>>
          %dma_start3A_190 = arith.constant 0 : i32
          %dma_start3A_191 = tpu.memref_slice %arg8[%add3A_180, %dma_start3A_190] : memref<40x64xi32, #tpu.memory_space<vmem>> -> memref<1x64xi32, #tpu.memory_space<vmem>>
          %dma_start3A_192 = tpu.memref_squeeze %dma_start3A_191 : memref<1x64xi32, #tpu.memory_space<vmem>> -> memref<64xi32, #tpu.memory_space<vmem>>
          %dma_start3A_193 = arith.constant 0 : i32
          %dma_start3A_194 = arith.constant 0 : i32
          %dma_start3A_195 = tpu.memref_slice %arg13[%dma_start3A_193, %dma_start3A_194] : memref<10000x128xf32, #tpu.memory_space<vmem_shared>> -> memref<10000x128xf32, #tpu.memory_space<vmem_shared>>
          tpu.enqueue_indirect_dma source(%arg12 : memref<64x128xf32, #tpu.memory_space<vmem>>) target(%dma_start3A_195 : memref<10000x128xf32, #tpu.memory_space<vmem_shared>>) offsets(%dma_start3A_192 : memref<64xi32, #tpu.memory_space<vmem>>) semaphore(%run_scoped3A : memref<!tpu.dma_semaphore, #tpu.memory_space<semaphore_mem>>) {add = true}
          %dma_wait3A_196 = arith.constant 0 : i32
          %dma_wait3A_197 = tpu.memref_slice %arg8[%add3A_180, %dma_wait3A_196] : memref<40x64xi32, #tpu.memory_space<vmem>> -> memref<1x64xi32, #tpu.memory_space<vmem>>
          %dma_wait3A_198 = tpu.memref_squeeze %dma_wait3A_197 : memref<1x64xi32, #tpu.memory_space<vmem>> -> memref<64xi32, #tpu.memory_space<vmem>>
          %dma_wait3A_199 = arith.constant 0 : i32
          %dma_wait3A_200 = arith.constant 0 : i32
          %dma_wait3A_201 = tpu.memref_slice %arg13[%dma_wait3A_199, %dma_wait3A_200] : memref<10000x128xf32, #tpu.memory_space<vmem_shared>> -> memref<10000x128xf32, #tpu.memory_space<vmem_shared>>
          tpu.wait_indirect_dma semaphore(%run_scoped3A : memref<!tpu.dma_semaphore, #tpu.memory_space<semaphore_mem>>) src(%arg12 : memref<64x128xf32, #tpu.memory_space<vmem>>) dst(%dma_wait3A_201 : memref<10000x128xf32, #tpu.memory_space<vmem_shared>>)
          tpu.yield
        }) : () -> ()
        %add3A_181 = arith.constant 4 : i32
        %add3A_182 = arith.addi %add3A_114, %add3A_181 : i32
        %add3A_183 = arith.constant 3 : i32
        %add3A_184 = arith.addi %add3A_182, %add3A_183 : i32
        %lt3A_185 = arith.constant 40 : i32
        %lt3A_186 = arith.cmpi slt, %add3A_184, %lt3A_185 : i32
        %convert_element_type3A_187 = arith.extui %lt3A_186 : i1 to i32
        %cond3A_188 = arith.constant 0 : i32
        %cond3A_189 = arith.cmpi ne, %convert_element_type3A_187, %cond3A_188 : i32
        scf.if %cond3A_189 {
          %add3A_190 = arith.constant 4 : i32
          %add3A_191 = arith.addi %add3A_114, %add3A_190 : i32
          %add3A_192 = arith.constant 3 : i32
          %add3A_193 = arith.addi %add3A_191, %add3A_192 : i32
          %dma_start3A_194 = arith.constant 0 : i32
          %dma_start3A_195 = tpu.memref_slice %arg7[%add3A_193, %dma_start3A_194] : memref<40x64xi32, #tpu.memory_space<vmem>> -> memref<1x64xi32, #tpu.memory_space<vmem>>
          %dma_start3A_196 = tpu.memref_squeeze %dma_start3A_195 : memref<1x64xi32, #tpu.memory_space<vmem>> -> memref<64xi32, #tpu.memory_space<vmem>>
          %dma_start3A_197 = arith.constant 0 : i32
          %dma_start3A_198 = arith.constant 0 : i32
          %dma_start3A_199 = tpu.memref_slice %arg2[%dma_start3A_197, %dma_start3A_198] : memref<10000x128xf32, #tpu.memory_space<hbm>> -> memref<10000x128xf32, #tpu.memory_space<hbm>>
          tpu.enqueue_indirect_dma source(%dma_start3A_199 : memref<10000x128xf32, #tpu.memory_space<hbm>>) target(%arg12 : memref<64x128xf32, #tpu.memory_space<vmem>>) offsets(%dma_start3A_196 : memref<64xi32, #tpu.memory_space<vmem>>) semaphore(%arg17 : memref<!tpu.dma_semaphore, #tpu.memory_space<semaphore_mem>>)
        } else {
        }
      }
      %scan3A_68 = arith.constant 10 : i32
      %mul3A_69 = arith.constant 80 : i32
      %mul3A_70 = arith.muli %add3A, %mul3A_69 : i32
      %add3A_71 = arith.constant 40 : i32
      %add3A_72 = arith.addi %mul3A_70, %add3A_71 : i32
      "tpu.region"() ({
        %run_scoped3A = tpu.sem_alloc : memref<!tpu.dma_semaphore, #tpu.memory_space<semaphore_mem>>
        %dma_start3A_110 = arith.constant 0 : i32
        %dma_start3A_111 = tpu.memref_slice %arg3[%add3A_72, %dma_start3A_110] : memref<2500x64xi32, #tpu.memory_space<hbm>> -> memref<40x64xi32, #tpu.memory_space<hbm>>
        %dma_start3A_112 = arith.constant 0 : i32
        %dma_start3A_113 = tpu.memref_slice %arg3[%add3A_72, %dma_start3A_112] : memref<2500x64xi32, #tpu.memory_space<hbm>> -> memref<40x64xi32, #tpu.memory_space<hbm>>
        tpu.enqueue_dma source(%dma_start3A_113 : memref<40x64xi32, #tpu.memory_space<hbm>>) target(%arg7 : memref<40x64xi32, #tpu.memory_space<vmem>>) target_semaphore(%run_scoped3A : memref<!tpu.dma_semaphore, #tpu.memory_space<semaphore_mem>>)
        %dma_wait3A = arith.constant 0 : i32
        %dma_wait3A_114 = tpu.memref_slice %arg3[%add3A_72, %dma_wait3A] : memref<2500x64xi32, #tpu.memory_space<hbm>> -> memref<40x64xi32, #tpu.memory_space<hbm>>
        %dma_wait3A_115 = arith.constant 0 : i32
        %dma_wait3A_116 = tpu.memref_slice %arg3[%add3A_72, %dma_wait3A_115] : memref<2500x64xi32, #tpu.memory_space<hbm>> -> memref<40x64xi32, #tpu.memory_space<hbm>>
        tpu.wait_dma2 semaphore(%run_scoped3A : memref<!tpu.dma_semaphore, #tpu.memory_space<semaphore_mem>>) src(%dma_wait3A_116 : memref<40x64xi32, #tpu.memory_space<hbm>>) dst(%arg7 : memref<40x64xi32, #tpu.memory_space<vmem>>)
        tpu.yield
      }) : () -> ()
      %mul3A_73 = arith.constant 80 : i32
      %mul3A_74 = arith.muli %add3A, %mul3A_73 : i32
      %add3A_75 = arith.constant 40 : i32
      %add3A_76 = arith.addi %mul3A_74, %add3A_75 : i32
      "tpu.region"() ({
        %run_scoped3A = tpu.sem_alloc : memref<!tpu.dma_semaphore, #tpu.memory_space<semaphore_mem>>
        %dma_start3A_110 = arith.constant 0 : i32
        %dma_start3A_111 = tpu.memref_slice %arg4[%add3A_76, %dma_start3A_110] : memref<2500x64xi32, #tpu.memory_space<hbm>> -> memref<40x64xi32, #tpu.memory_space<hbm>>
        %dma_start3A_112 = arith.constant 0 : i32
        %dma_start3A_113 = tpu.memref_slice %arg4[%add3A_76, %dma_start3A_112] : memref<2500x64xi32, #tpu.memory_space<hbm>> -> memref<40x64xi32, #tpu.memory_space<hbm>>
        tpu.enqueue_dma source(%dma_start3A_113 : memref<40x64xi32, #tpu.memory_space<hbm>>) target(%arg8 : memref<40x64xi32, #tpu.memory_space<vmem>>) target_semaphore(%run_scoped3A : memref<!tpu.dma_semaphore, #tpu.memory_space<semaphore_mem>>)
        %dma_wait3A = arith.constant 0 : i32
        %dma_wait3A_114 = tpu.memref_slice %arg4[%add3A_76, %dma_wait3A] : memref<2500x64xi32, #tpu.memory_space<hbm>> -> memref<40x64xi32, #tpu.memory_space<hbm>>
        %dma_wait3A_115 = arith.constant 0 : i32
        %dma_wait3A_116 = tpu.memref_slice %arg4[%add3A_76, %dma_wait3A_115] : memref<2500x64xi32, #tpu.memory_space<hbm>> -> memref<40x64xi32, #tpu.memory_space<hbm>>
        tpu.wait_dma2 semaphore(%run_scoped3A : memref<!tpu.dma_semaphore, #tpu.memory_space<semaphore_mem>>) src(%dma_wait3A_116 : memref<40x64xi32, #tpu.memory_space<hbm>>) dst(%arg8 : memref<40x64xi32, #tpu.memory_space<vmem>>)
        tpu.yield
      }) : () -> ()
      %dma_start3A_77 = arith.constant 0 : i32
      %dma_start3A_78 = arith.constant 0 : i32
      %dma_start3A_79 = tpu.memref_slice %arg7[%dma_start3A_77, %dma_start3A_78] : memref<40x64xi32, #tpu.memory_space<vmem>> -> memref<1x64xi32, #tpu.memory_space<vmem>>
      %dma_start3A_80 = tpu.memref_squeeze %dma_start3A_79 : memref<1x64xi32, #tpu.memory_space<vmem>> -> memref<64xi32, #tpu.memory_space<vmem>>
      %dma_start3A_81 = arith.constant 0 : i32
      %dma_start3A_82 = arith.constant 0 : i32
      %dma_start3A_83 = tpu.memref_slice %arg2[%dma_start3A_81, %dma_start3A_82] : memref<10000x128xf32, #tpu.memory_space<hbm>> -> memref<10000x128xf32, #tpu.memory_space<hbm>>
      tpu.enqueue_indirect_dma source(%dma_start3A_83 : memref<10000x128xf32, #tpu.memory_space<hbm>>) target(%arg9 : memref<64x128xf32, #tpu.memory_space<vmem>>) offsets(%dma_start3A_80 : memref<64xi32, #tpu.memory_space<vmem>>) semaphore(%arg14 : memref<!tpu.dma_semaphore, #tpu.memory_space<semaphore_mem>>)
      %dma_start3A_84 = arith.constant 1 : i32
      %dma_start3A_85 = arith.constant 0 : i32
      %dma_start3A_86 = tpu.memref_slice %arg7[%dma_start3A_84, %dma_start3A_85] : memref<40x64xi32, #tpu.memory_space<vmem>> -> memref<1x64xi32, #tpu.memory_space<vmem>>
      %dma_start3A_87 = tpu.memref_squeeze %dma_start3A_86 : memref<1x64xi32, #tpu.memory_space<vmem>> -> memref<64xi32, #tpu.memory_space<vmem>>
      %dma_start3A_88 = arith.constant 0 : i32
      %dma_start3A_89 = arith.constant 0 : i32
      %dma_start3A_90 = tpu.memref_slice %arg2[%dma_start3A_88, %dma_start3A_89] : memref<10000x128xf32, #tpu.memory_space<hbm>> -> memref<10000x128xf32, #tpu.memory_space<hbm>>
      tpu.enqueue_indirect_dma source(%dma_start3A_90 : memref<10000x128xf32, #tpu.memory_space<hbm>>) target(%arg10 : memref<64x128xf32, #tpu.memory_space<vmem>>) offsets(%dma_start3A_87 : memref<64xi32, #tpu.memory_space<vmem>>) semaphore(%arg15 : memref<!tpu.dma_semaphore, #tpu.memory_space<semaphore_mem>>)
      %dma_start3A_91 = arith.constant 2 : i32
      %dma_start3A_92 = arith.constant 0 : i32
      %dma_start3A_93 = tpu.memref_slice %arg7[%dma_start3A_91, %dma_start3A_92] : memref<40x64xi32, #tpu.memory_space<vmem>> -> memref<1x64xi32, #tpu.memory_space<vmem>>
      %dma_start3A_94 = tpu.memref_squeeze %dma_start3A_93 : memref<1x64xi32, #tpu.memory_space<vmem>> -> memref<64xi32, #tpu.memory_space<vmem>>
      %dma_start3A_95 = arith.constant 0 : i32
      %dma_start3A_96 = arith.constant 0 : i32
      %dma_start3A_97 = tpu.memref_slice %arg2[%dma_start3A_95, %dma_start3A_96] : memref<10000x128xf32, #tpu.memory_space<hbm>> -> memref<10000x128xf32, #tpu.memory_space<hbm>>
      tpu.enqueue_indirect_dma source(%dma_start3A_97 : memref<10000x128xf32, #tpu.memory_space<hbm>>) target(%arg11 : memref<64x128xf32, #tpu.memory_space<vmem>>) offsets(%dma_start3A_94 : memref<64xi32, #tpu.memory_space<vmem>>) semaphore(%arg16 : memref<!tpu.dma_semaphore, #tpu.memory_space<semaphore_mem>>)
      %dma_start3A_98 = arith.constant 3 : i32
      %dma_start3A_99 = arith.constant 0 : i32
      %dma_start3A_100 = tpu.memref_slice %arg7[%dma_start3A_98, %dma_start3A_99] : memref<40x64xi32, #tpu.memory_space<vmem>> -> memref<1x64xi32, #tpu.memory_space<vmem>>
      %dma_start3A_101 = tpu.memref_squeeze %dma_start3A_100 : memref<1x64xi32, #tpu.memory_space<vmem>> -> memref<64xi32, #tpu.memory_space<vmem>>
      %dma_start3A_102 = arith.constant 0 : i32
      %dma_start3A_103 = arith.constant 0 : i32
      %dma_start3A_104 = tpu.memref_slice %arg2[%dma_start3A_102, %dma_start3A_103] : memref<10000x128xf32, #tpu.memory_space<hbm>> -> memref<10000x128xf32, #tpu.memory_space<hbm>>
      tpu.enqueue_indirect_dma source(%dma_start3A_104 : memref<10000x128xf32, #tpu.memory_space<hbm>>) target(%arg12 : memref<64x128xf32, #tpu.memory_space<vmem>>) offsets(%dma_start3A_101 : memref<64xi32, #tpu.memory_space<vmem>>) semaphore(%arg17 : memref<!tpu.dma_semaphore, #tpu.memory_space<semaphore_mem>>)
      %scan3A_105 = arith.constant 0 : i32
      %scan3A_106 = arith.constant 10 : i32
      %scan3A_107 = arith.addi %scan3A_105, %scan3A_106 : i32
      %scan3A_108 = arith.constant 1 : i32
      scf.for %scan3A_110 = %scan3A_105 to %scan3A_107 step %scan3A_108  : i32 {
        %mul3A_111 = arith.constant 4 : i32
        %mul3A_112 = arith.muli %scan3A_110, %mul3A_111 : i32
        %add3A_113 = arith.constant 0 : i32
        %add3A_114 = arith.addi %add3A_113, %mul3A_112 : i32
        %add3A_115 = arith.constant 0 : i32
        %add3A_116 = arith.addi %add3A_114, %add3A_115 : i32
        %dma_wait3A = arith.constant 0 : i32
        %dma_wait3A_117 = tpu.memref_slice %arg7[%add3A_116, %dma_wait3A] : memref<40x64xi32, #tpu.memory_space<vmem>> -> memref<1x64xi32, #tpu.memory_space<vmem>>
        %dma_wait3A_118 = tpu.memref_squeeze %dma_wait3A_117 : memref<1x64xi32, #tpu.memory_space<vmem>> -> memref<64xi32, #tpu.memory_space<vmem>>
        %dma_wait3A_119 = arith.constant 0 : i32
        %dma_wait3A_120 = arith.constant 0 : i32
        %dma_wait3A_121 = tpu.memref_slice %arg2[%dma_wait3A_119, %dma_wait3A_120] : memref<10000x128xf32, #tpu.memory_space<hbm>> -> memref<10000x128xf32, #tpu.memory_space<hbm>>
        tpu.wait_indirect_dma semaphore(%arg14 : memref<!tpu.dma_semaphore, #tpu.memory_space<semaphore_mem>>) src(%dma_wait3A_121 : memref<10000x128xf32, #tpu.memory_space<hbm>>) dst(%arg9 : memref<64x128xf32, #tpu.memory_space<vmem>>)
        %add3A_122 = arith.constant 0 : i32
        %add3A_123 = arith.addi %add3A_114, %add3A_122 : i32
        "tpu.region"() ({
          %run_scoped3A = tpu.sem_alloc : memref<!tpu.dma_semaphore, #tpu.memory_space<semaphore_mem>>
          %dma_start3A_190 = arith.constant 0 : i32
          %dma_start3A_191 = tpu.memref_slice %arg8[%add3A_123, %dma_start3A_190] : memref<40x64xi32, #tpu.memory_space<vmem>> -> memref<1x64xi32, #tpu.memory_space<vmem>>
          %dma_start3A_192 = tpu.memref_squeeze %dma_start3A_191 : memref<1x64xi32, #tpu.memory_space<vmem>> -> memref<64xi32, #tpu.memory_space<vmem>>
          %dma_start3A_193 = arith.constant 0 : i32
          %dma_start3A_194 = arith.constant 0 : i32
          %dma_start3A_195 = tpu.memref_slice %arg13[%dma_start3A_193, %dma_start3A_194] : memref<10000x128xf32, #tpu.memory_space<vmem_shared>> -> memref<10000x128xf32, #tpu.memory_space<vmem_shared>>
          tpu.enqueue_indirect_dma source(%arg9 : memref<64x128xf32, #tpu.memory_space<vmem>>) target(%dma_start3A_195 : memref<10000x128xf32, #tpu.memory_space<vmem_shared>>) offsets(%dma_start3A_192 : memref<64xi32, #tpu.memory_space<vmem>>) semaphore(%run_scoped3A : memref<!tpu.dma_semaphore, #tpu.memory_space<semaphore_mem>>) {add = true}
          %dma_wait3A_196 = arith.constant 0 : i32
          %dma_wait3A_197 = tpu.memref_slice %arg8[%add3A_123, %dma_wait3A_196] : memref<40x64xi32, #tpu.memory_space<vmem>> -> memref<1x64xi32, #tpu.memory_space<vmem>>
          %dma_wait3A_198 = tpu.memref_squeeze %dma_wait3A_197 : memref<1x64xi32, #tpu.memory_space<vmem>> -> memref<64xi32, #tpu.memory_space<vmem>>
          %dma_wait3A_199 = arith.constant 0 : i32
          %dma_wait3A_200 = arith.constant 0 : i32
          %dma_wait3A_201 = tpu.memref_slice %arg13[%dma_wait3A_199, %dma_wait3A_200] : memref<10000x128xf32, #tpu.memory_space<vmem_shared>> -> memref<10000x128xf32, #tpu.memory_space<vmem_shared>>
          tpu.wait_indirect_dma semaphore(%run_scoped3A : memref<!tpu.dma_semaphore, #tpu.memory_space<semaphore_mem>>) src(%arg9 : memref<64x128xf32, #tpu.memory_space<vmem>>) dst(%dma_wait3A_201 : memref<10000x128xf32, #tpu.memory_space<vmem_shared>>)
          tpu.yield
        }) : () -> ()
        %add3A_124 = arith.constant 4 : i32
        %add3A_125 = arith.addi %add3A_114, %add3A_124 : i32
        %add3A_126 = arith.constant 0 : i32
        %add3A_127 = arith.addi %add3A_125, %add3A_126 : i32
        %lt3A_128 = arith.constant 40 : i32
        %lt3A_129 = arith.cmpi slt, %add3A_127, %lt3A_128 : i32
        %convert_element_type3A_130 = arith.extui %lt3A_129 : i1 to i32
        %cond3A_131 = arith.constant 0 : i32
        %cond3A_132 = arith.cmpi ne, %convert_element_type3A_130, %cond3A_131 : i32
        scf.if %cond3A_132 {
          %add3A_190 = arith.constant 4 : i32
          %add3A_191 = arith.addi %add3A_114, %add3A_190 : i32
          %add3A_192 = arith.constant 0 : i32
          %add3A_193 = arith.addi %add3A_191, %add3A_192 : i32
          %dma_start3A_194 = arith.constant 0 : i32
          %dma_start3A_195 = tpu.memref_slice %arg7[%add3A_193, %dma_start3A_194] : memref<40x64xi32, #tpu.memory_space<vmem>> -> memref<1x64xi32, #tpu.memory_space<vmem>>
          %dma_start3A_196 = tpu.memref_squeeze %dma_start3A_195 : memref<1x64xi32, #tpu.memory_space<vmem>> -> memref<64xi32, #tpu.memory_space<vmem>>
          %dma_start3A_197 = arith.constant 0 : i32
          %dma_start3A_198 = arith.constant 0 : i32
          %dma_start3A_199 = tpu.memref_slice %arg2[%dma_start3A_197, %dma_start3A_198] : memref<10000x128xf32, #tpu.memory_space<hbm>> -> memref<10000x128xf32, #tpu.memory_space<hbm>>
          tpu.enqueue_indirect_dma source(%dma_start3A_199 : memref<10000x128xf32, #tpu.memory_space<hbm>>) target(%arg9 : memref<64x128xf32, #tpu.memory_space<vmem>>) offsets(%dma_start3A_196 : memref<64xi32, #tpu.memory_space<vmem>>) semaphore(%arg14 : memref<!tpu.dma_semaphore, #tpu.memory_space<semaphore_mem>>)
        } else {
        }
        %add3A_133 = arith.constant 1 : i32
        %add3A_134 = arith.addi %add3A_114, %add3A_133 : i32
        %dma_wait3A_135 = arith.constant 0 : i32
        %dma_wait3A_136 = tpu.memref_slice %arg7[%add3A_134, %dma_wait3A_135] : memref<40x64xi32, #tpu.memory_space<vmem>> -> memref<1x64xi32, #tpu.memory_space<vmem>>
        %dma_wait3A_137 = tpu.memref_squeeze %dma_wait3A_136 : memref<1x64xi32, #tpu.memory_space<vmem>> -> memref<64xi32, #tpu.memory_space<vmem>>
        %dma_wait3A_138 = arith.constant 0 : i32
        %dma_wait3A_139 = arith.constant 0 : i32
        %dma_wait3A_140 = tpu.memref_slice %arg2[%dma_wait3A_138, %dma_wait3A_139] : memref<10000x128xf32, #tpu.memory_space<hbm>> -> memref<10000x128xf32, #tpu.memory_space<hbm>>
        tpu.wait_indirect_dma semaphore(%arg15 : memref<!tpu.dma_semaphore, #tpu.memory_space<semaphore_mem>>) src(%dma_wait3A_140 : memref<10000x128xf32, #tpu.memory_space<hbm>>) dst(%arg10 : memref<64x128xf32, #tpu.memory_space<vmem>>)
        %add3A_141 = arith.constant 1 : i32
        %add3A_142 = arith.addi %add3A_114, %add3A_141 : i32
        "tpu.region"() ({
          %run_scoped3A = tpu.sem_alloc : memref<!tpu.dma_semaphore, #tpu.memory_space<semaphore_mem>>
          %dma_start3A_190 = arith.constant 0 : i32
          %dma_start3A_191 = tpu.memref_slice %arg8[%add3A_142, %dma_start3A_190] : memref<40x64xi32, #tpu.memory_space<vmem>> -> memref<1x64xi32, #tpu.memory_space<vmem>>
          %dma_start3A_192 = tpu.memref_squeeze %dma_start3A_191 : memref<1x64xi32, #tpu.memory_space<vmem>> -> memref<64xi32, #tpu.memory_space<vmem>>
          %dma_start3A_193 = arith.constant 0 : i32
          %dma_start3A_194 = arith.constant 0 : i32
          %dma_start3A_195 = tpu.memref_slice %arg13[%dma_start3A_193, %dma_start3A_194] : memref<10000x128xf32, #tpu.memory_space<vmem_shared>> -> memref<10000x128xf32, #tpu.memory_space<vmem_shared>>
          tpu.enqueue_indirect_dma source(%arg10 : memref<64x128xf32, #tpu.memory_space<vmem>>) target(%dma_start3A_195 : memref<10000x128xf32, #tpu.memory_space<vmem_shared>>) offsets(%dma_start3A_192 : memref<64xi32, #tpu.memory_space<vmem>>) semaphore(%run_scoped3A : memref<!tpu.dma_semaphore, #tpu.memory_space<semaphore_mem>>) {add = true}
          %dma_wait3A_196 = arith.constant 0 : i32
          %dma_wait3A_197 = tpu.memref_slice %arg8[%add3A_142, %dma_wait3A_196] : memref<40x64xi32, #tpu.memory_space<vmem>> -> memref<1x64xi32, #tpu.memory_space<vmem>>
          %dma_wait3A_198 = tpu.memref_squeeze %dma_wait3A_197 : memref<1x64xi32, #tpu.memory_space<vmem>> -> memref<64xi32, #tpu.memory_space<vmem>>
          %dma_wait3A_199 = arith.constant 0 : i32
          %dma_wait3A_200 = arith.constant 0 : i32
          %dma_wait3A_201 = tpu.memref_slice %arg13[%dma_wait3A_199, %dma_wait3A_200] : memref<10000x128xf32, #tpu.memory_space<vmem_shared>> -> memref<10000x128xf32, #tpu.memory_space<vmem_shared>>
          tpu.wait_indirect_dma semaphore(%run_scoped3A : memref<!tpu.dma_semaphore, #tpu.memory_space<semaphore_mem>>) src(%arg10 : memref<64x128xf32, #tpu.memory_space<vmem>>) dst(%dma_wait3A_201 : memref<10000x128xf32, #tpu.memory_space<vmem_shared>>)
          tpu.yield
        }) : () -> ()
        %add3A_143 = arith.constant 4 : i32
        %add3A_144 = arith.addi %add3A_114, %add3A_143 : i32
        %add3A_145 = arith.constant 1 : i32
        %add3A_146 = arith.addi %add3A_144, %add3A_145 : i32
        %lt3A_147 = arith.constant 40 : i32
        %lt3A_148 = arith.cmpi slt, %add3A_146, %lt3A_147 : i32
        %convert_element_type3A_149 = arith.extui %lt3A_148 : i1 to i32
        %cond3A_150 = arith.constant 0 : i32
        %cond3A_151 = arith.cmpi ne, %convert_element_type3A_149, %cond3A_150 : i32
        scf.if %cond3A_151 {
          %add3A_190 = arith.constant 4 : i32
          %add3A_191 = arith.addi %add3A_114, %add3A_190 : i32
          %add3A_192 = arith.constant 1 : i32
          %add3A_193 = arith.addi %add3A_191, %add3A_192 : i32
          %dma_start3A_194 = arith.constant 0 : i32
          %dma_start3A_195 = tpu.memref_slice %arg7[%add3A_193, %dma_start3A_194] : memref<40x64xi32, #tpu.memory_space<vmem>> -> memref<1x64xi32, #tpu.memory_space<vmem>>
          %dma_start3A_196 = tpu.memref_squeeze %dma_start3A_195 : memref<1x64xi32, #tpu.memory_space<vmem>> -> memref<64xi32, #tpu.memory_space<vmem>>
          %dma_start3A_197 = arith.constant 0 : i32
          %dma_start3A_198 = arith.constant 0 : i32
          %dma_start3A_199 = tpu.memref_slice %arg2[%dma_start3A_197, %dma_start3A_198] : memref<10000x128xf32, #tpu.memory_space<hbm>> -> memref<10000x128xf32, #tpu.memory_space<hbm>>
          tpu.enqueue_indirect_dma source(%dma_start3A_199 : memref<10000x128xf32, #tpu.memory_space<hbm>>) target(%arg10 : memref<64x128xf32, #tpu.memory_space<vmem>>) offsets(%dma_start3A_196 : memref<64xi32, #tpu.memory_space<vmem>>) semaphore(%arg15 : memref<!tpu.dma_semaphore, #tpu.memory_space<semaphore_mem>>)
        } else {
        }
        %add3A_152 = arith.constant 2 : i32
        %add3A_153 = arith.addi %add3A_114, %add3A_152 : i32
        %dma_wait3A_154 = arith.constant 0 : i32
        %dma_wait3A_155 = tpu.memref_slice %arg7[%add3A_153, %dma_wait3A_154] : memref<40x64xi32, #tpu.memory_space<vmem>> -> memref<1x64xi32, #tpu.memory_space<vmem>>
        %dma_wait3A_156 = tpu.memref_squeeze %dma_wait3A_155 : memref<1x64xi32, #tpu.memory_space<vmem>> -> memref<64xi32, #tpu.memory_space<vmem>>
        %dma_wait3A_157 = arith.constant 0 : i32
        %dma_wait3A_158 = arith.constant 0 : i32
        %dma_wait3A_159 = tpu.memref_slice %arg2[%dma_wait3A_157, %dma_wait3A_158] : memref<10000x128xf32, #tpu.memory_space<hbm>> -> memref<10000x128xf32, #tpu.memory_space<hbm>>
        tpu.wait_indirect_dma semaphore(%arg16 : memref<!tpu.dma_semaphore, #tpu.memory_space<semaphore_mem>>) src(%dma_wait3A_159 : memref<10000x128xf32, #tpu.memory_space<hbm>>) dst(%arg11 : memref<64x128xf32, #tpu.memory_space<vmem>>)
        %add3A_160 = arith.constant 2 : i32
        %add3A_161 = arith.addi %add3A_114, %add3A_160 : i32
        "tpu.region"() ({
          %run_scoped3A = tpu.sem_alloc : memref<!tpu.dma_semaphore, #tpu.memory_space<semaphore_mem>>
          %dma_start3A_190 = arith.constant 0 : i32
          %dma_start3A_191 = tpu.memref_slice %arg8[%add3A_161, %dma_start3A_190] : memref<40x64xi32, #tpu.memory_space<vmem>> -> memref<1x64xi32, #tpu.memory_space<vmem>>
          %dma_start3A_192 = tpu.memref_squeeze %dma_start3A_191 : memref<1x64xi32, #tpu.memory_space<vmem>> -> memref<64xi32, #tpu.memory_space<vmem>>
          %dma_start3A_193 = arith.constant 0 : i32
          %dma_start3A_194 = arith.constant 0 : i32
          %dma_start3A_195 = tpu.memref_slice %arg13[%dma_start3A_193, %dma_start3A_194] : memref<10000x128xf32, #tpu.memory_space<vmem_shared>> -> memref<10000x128xf32, #tpu.memory_space<vmem_shared>>
          tpu.enqueue_indirect_dma source(%arg11 : memref<64x128xf32, #tpu.memory_space<vmem>>) target(%dma_start3A_195 : memref<10000x128xf32, #tpu.memory_space<vmem_shared>>) offsets(%dma_start3A_192 : memref<64xi32, #tpu.memory_space<vmem>>) semaphore(%run_scoped3A : memref<!tpu.dma_semaphore, #tpu.memory_space<semaphore_mem>>) {add = true}
          %dma_wait3A_196 = arith.constant 0 : i32
          %dma_wait3A_197 = tpu.memref_slice %arg8[%add3A_161, %dma_wait3A_196] : memref<40x64xi32, #tpu.memory_space<vmem>> -> memref<1x64xi32, #tpu.memory_space<vmem>>
          %dma_wait3A_198 = tpu.memref_squeeze %dma_wait3A_197 : memref<1x64xi32, #tpu.memory_space<vmem>> -> memref<64xi32, #tpu.memory_space<vmem>>
          %dma_wait3A_199 = arith.constant 0 : i32
          %dma_wait3A_200 = arith.constant 0 : i32
          %dma_wait3A_201 = tpu.memref_slice %arg13[%dma_wait3A_199, %dma_wait3A_200] : memref<10000x128xf32, #tpu.memory_space<vmem_shared>> -> memref<10000x128xf32, #tpu.memory_space<vmem_shared>>
          tpu.wait_indirect_dma semaphore(%run_scoped3A : memref<!tpu.dma_semaphore, #tpu.memory_space<semaphore_mem>>) src(%arg11 : memref<64x128xf32, #tpu.memory_space<vmem>>) dst(%dma_wait3A_201 : memref<10000x128xf32, #tpu.memory_space<vmem_shared>>)
          tpu.yield
        }) : () -> ()
        %add3A_162 = arith.constant 4 : i32
        %add3A_163 = arith.addi %add3A_114, %add3A_162 : i32
        %add3A_164 = arith.constant 2 : i32
        %add3A_165 = arith.addi %add3A_163, %add3A_164 : i32
        %lt3A_166 = arith.constant 40 : i32
        %lt3A_167 = arith.cmpi slt, %add3A_165, %lt3A_166 : i32
        %convert_element_type3A_168 = arith.extui %lt3A_167 : i1 to i32
        %cond3A_169 = arith.constant 0 : i32
        %cond3A_170 = arith.cmpi ne, %convert_element_type3A_168, %cond3A_169 : i32
        scf.if %cond3A_170 {
          %add3A_190 = arith.constant 4 : i32
          %add3A_191 = arith.addi %add3A_114, %add3A_190 : i32
          %add3A_192 = arith.constant 2 : i32
          %add3A_193 = arith.addi %add3A_191, %add3A_192 : i32
          %dma_start3A_194 = arith.constant 0 : i32
          %dma_start3A_195 = tpu.memref_slice %arg7[%add3A_193, %dma_start3A_194] : memref<40x64xi32, #tpu.memory_space<vmem>> -> memref<1x64xi32, #tpu.memory_space<vmem>>
          %dma_start3A_196 = tpu.memref_squeeze %dma_start3A_195 : memref<1x64xi32, #tpu.memory_space<vmem>> -> memref<64xi32, #tpu.memory_space<vmem>>
          %dma_start3A_197 = arith.constant 0 : i32
          %dma_start3A_198 = arith.constant 0 : i32
          %dma_start3A_199 = tpu.memref_slice %arg2[%dma_start3A_197, %dma_start3A_198] : memref<10000x128xf32, #tpu.memory_space<hbm>> -> memref<10000x128xf32, #tpu.memory_space<hbm>>
          tpu.enqueue_indirect_dma source(%dma_start3A_199 : memref<10000x128xf32, #tpu.memory_space<hbm>>) target(%arg11 : memref<64x128xf32, #tpu.memory_space<vmem>>) offsets(%dma_start3A_196 : memref<64xi32, #tpu.memory_space<vmem>>) semaphore(%arg16 : memref<!tpu.dma_semaphore, #tpu.memory_space<semaphore_mem>>)
        } else {
        }
        %add3A_171 = arith.constant 3 : i32
        %add3A_172 = arith.addi %add3A_114, %add3A_171 : i32
        %dma_wait3A_173 = arith.constant 0 : i32
        %dma_wait3A_174 = tpu.memref_slice %arg7[%add3A_172, %dma_wait3A_173] : memref<40x64xi32, #tpu.memory_space<vmem>> -> memref<1x64xi32, #tpu.memory_space<vmem>>
        %dma_wait3A_175 = tpu.memref_squeeze %dma_wait3A_174 : memref<1x64xi32, #tpu.memory_space<vmem>> -> memref<64xi32, #tpu.memory_space<vmem>>
        %dma_wait3A_176 = arith.constant 0 : i32
        %dma_wait3A_177 = arith.constant 0 : i32
        %dma_wait3A_178 = tpu.memref_slice %arg2[%dma_wait3A_176, %dma_wait3A_177] : memref<10000x128xf32, #tpu.memory_space<hbm>> -> memref<10000x128xf32, #tpu.memory_space<hbm>>
        tpu.wait_indirect_dma semaphore(%arg17 : memref<!tpu.dma_semaphore, #tpu.memory_space<semaphore_mem>>) src(%dma_wait3A_178 : memref<10000x128xf32, #tpu.memory_space<hbm>>) dst(%arg12 : memref<64x128xf32, #tpu.memory_space<vmem>>)
        %add3A_179 = arith.constant 3 : i32
        %add3A_180 = arith.addi %add3A_114, %add3A_179 : i32
        "tpu.region"() ({
          %run_scoped3A = tpu.sem_alloc : memref<!tpu.dma_semaphore, #tpu.memory_space<semaphore_mem>>
          %dma_start3A_190 = arith.constant 0 : i32
          %dma_start3A_191 = tpu.memref_slice %arg8[%add3A_180, %dma_start3A_190] : memref<40x64xi32, #tpu.memory_space<vmem>> -> memref<1x64xi32, #tpu.memory_space<vmem>>
          %dma_start3A_192 = tpu.memref_squeeze %dma_start3A_191 : memref<1x64xi32, #tpu.memory_space<vmem>> -> memref<64xi32, #tpu.memory_space<vmem>>
          %dma_start3A_193 = arith.constant 0 : i32
          %dma_start3A_194 = arith.constant 0 : i32
          %dma_start3A_195 = tpu.memref_slice %arg13[%dma_start3A_193, %dma_start3A_194] : memref<10000x128xf32, #tpu.memory_space<vmem_shared>> -> memref<10000x128xf32, #tpu.memory_space<vmem_shared>>
          tpu.enqueue_indirect_dma source(%arg12 : memref<64x128xf32, #tpu.memory_space<vmem>>) target(%dma_start3A_195 : memref<10000x128xf32, #tpu.memory_space<vmem_shared>>) offsets(%dma_start3A_192 : memref<64xi32, #tpu.memory_space<vmem>>) semaphore(%run_scoped3A : memref<!tpu.dma_semaphore, #tpu.memory_space<semaphore_mem>>) {add = true}
          %dma_wait3A_196 = arith.constant 0 : i32
          %dma_wait3A_197 = tpu.memref_slice %arg8[%add3A_180, %dma_wait3A_196] : memref<40x64xi32, #tpu.memory_space<vmem>> -> memref<1x64xi32, #tpu.memory_space<vmem>>
          %dma_wait3A_198 = tpu.memref_squeeze %dma_wait3A_197 : memref<1x64xi32, #tpu.memory_space<vmem>> -> memref<64xi32, #tpu.memory_space<vmem>>
          %dma_wait3A_199 = arith.constant 0 : i32
          %dma_wait3A_200 = arith.constant 0 : i32
          %dma_wait3A_201 = tpu.memref_slice %arg13[%dma_wait3A_199, %dma_wait3A_200] : memref<10000x128xf32, #tpu.memory_space<vmem_shared>> -> memref<10000x128xf32, #tpu.memory_space<vmem_shared>>
          tpu.wait_indirect_dma semaphore(%run_scoped3A : memref<!tpu.dma_semaphore, #tpu.memory_space<semaphore_mem>>) src(%arg12 : memref<64x128xf32, #tpu.memory_space<vmem>>) dst(%dma_wait3A_201 : memref<10000x128xf32, #tpu.memory_space<vmem_shared>>)
          tpu.yield
        }) : () -> ()
        %add3A_181 = arith.constant 4 : i32
        %add3A_182 = arith.addi %add3A_114, %add3A_181 : i32
        %add3A_183 = arith.constant 3 : i32
        %add3A_184 = arith.addi %add3A_182, %add3A_183 : i32
        %lt3A_185 = arith.constant 40 : i32
        %lt3A_186 = arith.cmpi slt, %add3A_184, %lt3A_185 : i32
        %convert_element_type3A_187 = arith.extui %lt3A_186 : i1 to i32
        %cond3A_188 = arith.constant 0 : i32
        %cond3A_189 = arith.cmpi ne, %convert_element_type3A_187, %cond3A_188 : i32
        scf.if %cond3A_189 {
          %add3A_190 = arith.constant 4 : i32
          %add3A_191 = arith.addi %add3A_114, %add3A_190 : i32
          %add3A_192 = arith.constant 3 : i32
          %add3A_193 = arith.addi %add3A_191, %add3A_192 : i32
          %dma_start3A_194 = arith.constant 0 : i32
          %dma_start3A_195 = tpu.memref_slice %arg7[%add3A_193, %dma_start3A_194] : memref<40x64xi32, #tpu.memory_space<vmem>> -> memref<1x64xi32, #tpu.memory_space<vmem>>
          %dma_start3A_196 = tpu.memref_squeeze %dma_start3A_195 : memref<1x64xi32, #tpu.memory_space<vmem>> -> memref<64xi32, #tpu.memory_space<vmem>>
          %dma_start3A_197 = arith.constant 0 : i32
          %dma_start3A_198 = arith.constant 0 : i32
          %dma_start3A_199 = tpu.memref_slice %arg2[%dma_start3A_197, %dma_start3A_198] : memref<10000x128xf32, #tpu.memory_space<hbm>> -> memref<10000x128xf32, #tpu.memory_space<hbm>>
          tpu.enqueue_indirect_dma source(%dma_start3A_199 : memref<10000x128xf32, #tpu.memory_space<hbm>>) target(%arg12 : memref<64x128xf32, #tpu.memory_space<vmem>>) offsets(%dma_start3A_196 : memref<64xi32, #tpu.memory_space<vmem>>) semaphore(%arg17 : memref<!tpu.dma_semaphore, #tpu.memory_space<semaphore_mem>>)
        } else {
        }
      }
      %scan3A_109 = arith.constant 10 : i32
    } else {
    }
    %eq3A_22 = arith.constant 31 : i32
    %eq3A_23 = arith.cmpi eq, %add3A, %eq3A_22 : i32
    %convert_element_type3A_24 = arith.extui %eq3A_23 : i1 to i32
    %cond3A_25 = arith.constant 0 : i32
    %cond3A_26 = arith.cmpi ne, %convert_element_type3A_24, %cond3A_25 : i32
    scf.if %cond3A_26 {
      %dma_start3A = arith.constant 0 : i32
      %dma_start3A_38 = arith.constant 0 : i32
      %dma_start3A_39 = tpu.memref_slice %arg7[%dma_start3A, %dma_start3A_38] : memref<40x64xi32, #tpu.memory_space<vmem>> -> memref<1x64xi32, #tpu.memory_space<vmem>>
      %dma_start3A_40 = tpu.memref_squeeze %dma_start3A_39 : memref<1x64xi32, #tpu.memory_space<vmem>> -> memref<64xi32, #tpu.memory_space<vmem>>
      %dma_start3A_41 = arith.constant 0 : i32
      %dma_start3A_42 = arith.constant 0 : i32
      %dma_start3A_43 = tpu.memref_slice %arg2[%dma_start3A_41, %dma_start3A_42] : memref<10000x128xf32, #tpu.memory_space<hbm>> -> memref<10000x128xf32, #tpu.memory_space<hbm>>
      tpu.enqueue_indirect_dma source(%dma_start3A_43 : memref<10000x128xf32, #tpu.memory_space<hbm>>) target(%arg9 : memref<64x128xf32, #tpu.memory_space<vmem>>) offsets(%dma_start3A_40 : memref<64xi32, #tpu.memory_space<vmem>>) semaphore(%arg14 : memref<!tpu.dma_semaphore, #tpu.memory_space<semaphore_mem>>)
      %dma_start3A_44 = arith.constant 1 : i32
      %dma_start3A_45 = arith.constant 0 : i32
      %dma_start3A_46 = tpu.memref_slice %arg7[%dma_start3A_44, %dma_start3A_45] : memref<40x64xi32, #tpu.memory_space<vmem>> -> memref<1x64xi32, #tpu.memory_space<vmem>>
      %dma_start3A_47 = tpu.memref_squeeze %dma_start3A_46 : memref<1x64xi32, #tpu.memory_space<vmem>> -> memref<64xi32, #tpu.memory_space<vmem>>
      %dma_start3A_48 = arith.constant 0 : i32
      %dma_start3A_49 = arith.constant 0 : i32
      %dma_start3A_50 = tpu.memref_slice %arg2[%dma_start3A_48, %dma_start3A_49] : memref<10000x128xf32, #tpu.memory_space<hbm>> -> memref<10000x128xf32, #tpu.memory_space<hbm>>
      tpu.enqueue_indirect_dma source(%dma_start3A_50 : memref<10000x128xf32, #tpu.memory_space<hbm>>) target(%arg10 : memref<64x128xf32, #tpu.memory_space<vmem>>) offsets(%dma_start3A_47 : memref<64xi32, #tpu.memory_space<vmem>>) semaphore(%arg15 : memref<!tpu.dma_semaphore, #tpu.memory_space<semaphore_mem>>)
      %dma_start3A_51 = arith.constant 2 : i32
      %dma_start3A_52 = arith.constant 0 : i32
      %dma_start3A_53 = tpu.memref_slice %arg7[%dma_start3A_51, %dma_start3A_52] : memref<40x64xi32, #tpu.memory_space<vmem>> -> memref<1x64xi32, #tpu.memory_space<vmem>>
      %dma_start3A_54 = tpu.memref_squeeze %dma_start3A_53 : memref<1x64xi32, #tpu.memory_space<vmem>> -> memref<64xi32, #tpu.memory_space<vmem>>
      %dma_start3A_55 = arith.constant 0 : i32
      %dma_start3A_56 = arith.constant 0 : i32
      %dma_start3A_57 = tpu.memref_slice %arg2[%dma_start3A_55, %dma_start3A_56] : memref<10000x128xf32, #tpu.memory_space<hbm>> -> memref<10000x128xf32, #tpu.memory_space<hbm>>
      tpu.enqueue_indirect_dma source(%dma_start3A_57 : memref<10000x128xf32, #tpu.memory_space<hbm>>) target(%arg11 : memref<64x128xf32, #tpu.memory_space<vmem>>) offsets(%dma_start3A_54 : memref<64xi32, #tpu.memory_space<vmem>>) semaphore(%arg16 : memref<!tpu.dma_semaphore, #tpu.memory_space<semaphore_mem>>)
      %dma_start3A_58 = arith.constant 3 : i32
      %dma_start3A_59 = arith.constant 0 : i32
      %dma_start3A_60 = tpu.memref_slice %arg7[%dma_start3A_58, %dma_start3A_59] : memref<40x64xi32, #tpu.memory_space<vmem>> -> memref<1x64xi32, #tpu.memory_space<vmem>>
      %dma_start3A_61 = tpu.memref_squeeze %dma_start3A_60 : memref<1x64xi32, #tpu.memory_space<vmem>> -> memref<64xi32, #tpu.memory_space<vmem>>
      %dma_start3A_62 = arith.constant 0 : i32
      %dma_start3A_63 = arith.constant 0 : i32
      %dma_start3A_64 = tpu.memref_slice %arg2[%dma_start3A_62, %dma_start3A_63] : memref<10000x128xf32, #tpu.memory_space<hbm>> -> memref<10000x128xf32, #tpu.memory_space<hbm>>
      tpu.enqueue_indirect_dma source(%dma_start3A_64 : memref<10000x128xf32, #tpu.memory_space<hbm>>) target(%arg12 : memref<64x128xf32, #tpu.memory_space<vmem>>) offsets(%dma_start3A_61 : memref<64xi32, #tpu.memory_space<vmem>>) semaphore(%arg17 : memref<!tpu.dma_semaphore, #tpu.memory_space<semaphore_mem>>)
      %scan3A = arith.constant 0 : i32
      %scan3A_65 = arith.constant 5 : i32
      %scan3A_66 = arith.addi %scan3A, %scan3A_65 : i32
      %scan3A_67 = arith.constant 1 : i32
      scf.for %scan3A_69 = %scan3A to %scan3A_66 step %scan3A_67  : i32 {
        %mul3A_70 = arith.constant 4 : i32
        %mul3A_71 = arith.muli %scan3A_69, %mul3A_70 : i32
        %add3A_72 = arith.constant 0 : i32
        %add3A_73 = arith.addi %add3A_72, %mul3A_71 : i32
        %add3A_74 = arith.constant 0 : i32
        %add3A_75 = arith.addi %add3A_73, %add3A_74 : i32
        %dma_wait3A = arith.constant 0 : i32
        %dma_wait3A_76 = tpu.memref_slice %arg7[%add3A_75, %dma_wait3A] : memref<40x64xi32, #tpu.memory_space<vmem>> -> memref<1x64xi32, #tpu.memory_space<vmem>>
        %dma_wait3A_77 = tpu.memref_squeeze %dma_wait3A_76 : memref<1x64xi32, #tpu.memory_space<vmem>> -> memref<64xi32, #tpu.memory_space<vmem>>
        %dma_wait3A_78 = arith.constant 0 : i32
        %dma_wait3A_79 = arith.constant 0 : i32
        %dma_wait3A_80 = tpu.memref_slice %arg2[%dma_wait3A_78, %dma_wait3A_79] : memref<10000x128xf32, #tpu.memory_space<hbm>> -> memref<10000x128xf32, #tpu.memory_space<hbm>>
        tpu.wait_indirect_dma semaphore(%arg14 : memref<!tpu.dma_semaphore, #tpu.memory_space<semaphore_mem>>) src(%dma_wait3A_80 : memref<10000x128xf32, #tpu.memory_space<hbm>>) dst(%arg9 : memref<64x128xf32, #tpu.memory_space<vmem>>)
        %add3A_81 = arith.constant 0 : i32
        %add3A_82 = arith.addi %add3A_73, %add3A_81 : i32
        "tpu.region"() ({
          %run_scoped3A = tpu.sem_alloc : memref<!tpu.dma_semaphore, #tpu.memory_space<semaphore_mem>>
          %dma_start3A_149 = arith.constant 0 : i32
          %dma_start3A_150 = tpu.memref_slice %arg8[%add3A_82, %dma_start3A_149] : memref<40x64xi32, #tpu.memory_space<vmem>> -> memref<1x64xi32, #tpu.memory_space<vmem>>
          %dma_start3A_151 = tpu.memref_squeeze %dma_start3A_150 : memref<1x64xi32, #tpu.memory_space<vmem>> -> memref<64xi32, #tpu.memory_space<vmem>>
          %dma_start3A_152 = arith.constant 0 : i32
          %dma_start3A_153 = arith.constant 0 : i32
          %dma_start3A_154 = tpu.memref_slice %arg13[%dma_start3A_152, %dma_start3A_153] : memref<10000x128xf32, #tpu.memory_space<vmem_shared>> -> memref<10000x128xf32, #tpu.memory_space<vmem_shared>>
          tpu.enqueue_indirect_dma source(%arg9 : memref<64x128xf32, #tpu.memory_space<vmem>>) target(%dma_start3A_154 : memref<10000x128xf32, #tpu.memory_space<vmem_shared>>) offsets(%dma_start3A_151 : memref<64xi32, #tpu.memory_space<vmem>>) semaphore(%run_scoped3A : memref<!tpu.dma_semaphore, #tpu.memory_space<semaphore_mem>>) {add = true}
          %dma_wait3A_155 = arith.constant 0 : i32
          %dma_wait3A_156 = tpu.memref_slice %arg8[%add3A_82, %dma_wait3A_155] : memref<40x64xi32, #tpu.memory_space<vmem>> -> memref<1x64xi32, #tpu.memory_space<vmem>>
          %dma_wait3A_157 = tpu.memref_squeeze %dma_wait3A_156 : memref<1x64xi32, #tpu.memory_space<vmem>> -> memref<64xi32, #tpu.memory_space<vmem>>
          %dma_wait3A_158 = arith.constant 0 : i32
          %dma_wait3A_159 = arith.constant 0 : i32
          %dma_wait3A_160 = tpu.memref_slice %arg13[%dma_wait3A_158, %dma_wait3A_159] : memref<10000x128xf32, #tpu.memory_space<vmem_shared>> -> memref<10000x128xf32, #tpu.memory_space<vmem_shared>>
          tpu.wait_indirect_dma semaphore(%run_scoped3A : memref<!tpu.dma_semaphore, #tpu.memory_space<semaphore_mem>>) src(%arg9 : memref<64x128xf32, #tpu.memory_space<vmem>>) dst(%dma_wait3A_160 : memref<10000x128xf32, #tpu.memory_space<vmem_shared>>)
          tpu.yield
        }) : () -> ()
        %add3A_83 = arith.constant 4 : i32
        %add3A_84 = arith.addi %add3A_73, %add3A_83 : i32
        %add3A_85 = arith.constant 0 : i32
        %add3A_86 = arith.addi %add3A_84, %add3A_85 : i32
        %lt3A_87 = arith.constant 20 : i32
        %lt3A_88 = arith.cmpi slt, %add3A_86, %lt3A_87 : i32
        %convert_element_type3A_89 = arith.extui %lt3A_88 : i1 to i32
        %cond3A_90 = arith.constant 0 : i32
        %cond3A_91 = arith.cmpi ne, %convert_element_type3A_89, %cond3A_90 : i32
        scf.if %cond3A_91 {
          %add3A_149 = arith.constant 4 : i32
          %add3A_150 = arith.addi %add3A_73, %add3A_149 : i32
          %add3A_151 = arith.constant 0 : i32
          %add3A_152 = arith.addi %add3A_150, %add3A_151 : i32
          %dma_start3A_153 = arith.constant 0 : i32
          %dma_start3A_154 = tpu.memref_slice %arg7[%add3A_152, %dma_start3A_153] : memref<40x64xi32, #tpu.memory_space<vmem>> -> memref<1x64xi32, #tpu.memory_space<vmem>>
          %dma_start3A_155 = tpu.memref_squeeze %dma_start3A_154 : memref<1x64xi32, #tpu.memory_space<vmem>> -> memref<64xi32, #tpu.memory_space<vmem>>
          %dma_start3A_156 = arith.constant 0 : i32
          %dma_start3A_157 = arith.constant 0 : i32
          %dma_start3A_158 = tpu.memref_slice %arg2[%dma_start3A_156, %dma_start3A_157] : memref<10000x128xf32, #tpu.memory_space<hbm>> -> memref<10000x128xf32, #tpu.memory_space<hbm>>
          tpu.enqueue_indirect_dma source(%dma_start3A_158 : memref<10000x128xf32, #tpu.memory_space<hbm>>) target(%arg9 : memref<64x128xf32, #tpu.memory_space<vmem>>) offsets(%dma_start3A_155 : memref<64xi32, #tpu.memory_space<vmem>>) semaphore(%arg14 : memref<!tpu.dma_semaphore, #tpu.memory_space<semaphore_mem>>)
        } else {
        }
        %add3A_92 = arith.constant 1 : i32
        %add3A_93 = arith.addi %add3A_73, %add3A_92 : i32
        %dma_wait3A_94 = arith.constant 0 : i32
        %dma_wait3A_95 = tpu.memref_slice %arg7[%add3A_93, %dma_wait3A_94] : memref<40x64xi32, #tpu.memory_space<vmem>> -> memref<1x64xi32, #tpu.memory_space<vmem>>
        %dma_wait3A_96 = tpu.memref_squeeze %dma_wait3A_95 : memref<1x64xi32, #tpu.memory_space<vmem>> -> memref<64xi32, #tpu.memory_space<vmem>>
        %dma_wait3A_97 = arith.constant 0 : i32
        %dma_wait3A_98 = arith.constant 0 : i32
        %dma_wait3A_99 = tpu.memref_slice %arg2[%dma_wait3A_97, %dma_wait3A_98] : memref<10000x128xf32, #tpu.memory_space<hbm>> -> memref<10000x128xf32, #tpu.memory_space<hbm>>
        tpu.wait_indirect_dma semaphore(%arg15 : memref<!tpu.dma_semaphore, #tpu.memory_space<semaphore_mem>>) src(%dma_wait3A_99 : memref<10000x128xf32, #tpu.memory_space<hbm>>) dst(%arg10 : memref<64x128xf32, #tpu.memory_space<vmem>>)
        %add3A_100 = arith.constant 1 : i32
        %add3A_101 = arith.addi %add3A_73, %add3A_100 : i32
        "tpu.region"() ({
          %run_scoped3A = tpu.sem_alloc : memref<!tpu.dma_semaphore, #tpu.memory_space<semaphore_mem>>
          %dma_start3A_149 = arith.constant 0 : i32
          %dma_start3A_150 = tpu.memref_slice %arg8[%add3A_101, %dma_start3A_149] : memref<40x64xi32, #tpu.memory_space<vmem>> -> memref<1x64xi32, #tpu.memory_space<vmem>>
          %dma_start3A_151 = tpu.memref_squeeze %dma_start3A_150 : memref<1x64xi32, #tpu.memory_space<vmem>> -> memref<64xi32, #tpu.memory_space<vmem>>
          %dma_start3A_152 = arith.constant 0 : i32
          %dma_start3A_153 = arith.constant 0 : i32
          %dma_start3A_154 = tpu.memref_slice %arg13[%dma_start3A_152, %dma_start3A_153] : memref<10000x128xf32, #tpu.memory_space<vmem_shared>> -> memref<10000x128xf32, #tpu.memory_space<vmem_shared>>
          tpu.enqueue_indirect_dma source(%arg10 : memref<64x128xf32, #tpu.memory_space<vmem>>) target(%dma_start3A_154 : memref<10000x128xf32, #tpu.memory_space<vmem_shared>>) offsets(%dma_start3A_151 : memref<64xi32, #tpu.memory_space<vmem>>) semaphore(%run_scoped3A : memref<!tpu.dma_semaphore, #tpu.memory_space<semaphore_mem>>) {add = true}
          %dma_wait3A_155 = arith.constant 0 : i32
          %dma_wait3A_156 = tpu.memref_slice %arg8[%add3A_101, %dma_wait3A_155] : memref<40x64xi32, #tpu.memory_space<vmem>> -> memref<1x64xi32, #tpu.memory_space<vmem>>
          %dma_wait3A_157 = tpu.memref_squeeze %dma_wait3A_156 : memref<1x64xi32, #tpu.memory_space<vmem>> -> memref<64xi32, #tpu.memory_space<vmem>>
          %dma_wait3A_158 = arith.constant 0 : i32
          %dma_wait3A_159 = arith.constant 0 : i32
          %dma_wait3A_160 = tpu.memref_slice %arg13[%dma_wait3A_158, %dma_wait3A_159] : memref<10000x128xf32, #tpu.memory_space<vmem_shared>> -> memref<10000x128xf32, #tpu.memory_space<vmem_shared>>
          tpu.wait_indirect_dma semaphore(%run_scoped3A : memref<!tpu.dma_semaphore, #tpu.memory_space<semaphore_mem>>) src(%arg10 : memref<64x128xf32, #tpu.memory_space<vmem>>) dst(%dma_wait3A_160 : memref<10000x128xf32, #tpu.memory_space<vmem_shared>>)
          tpu.yield
        }) : () -> ()
        %add3A_102 = arith.constant 4 : i32
        %add3A_103 = arith.addi %add3A_73, %add3A_102 : i32
        %add3A_104 = arith.constant 1 : i32
        %add3A_105 = arith.addi %add3A_103, %add3A_104 : i32
        %lt3A_106 = arith.constant 20 : i32
        %lt3A_107 = arith.cmpi slt, %add3A_105, %lt3A_106 : i32
        %convert_element_type3A_108 = arith.extui %lt3A_107 : i1 to i32
        %cond3A_109 = arith.constant 0 : i32
        %cond3A_110 = arith.cmpi ne, %convert_element_type3A_108, %cond3A_109 : i32
        scf.if %cond3A_110 {
          %add3A_149 = arith.constant 4 : i32
          %add3A_150 = arith.addi %add3A_73, %add3A_149 : i32
          %add3A_151 = arith.constant 1 : i32
          %add3A_152 = arith.addi %add3A_150, %add3A_151 : i32
          %dma_start3A_153 = arith.constant 0 : i32
          %dma_start3A_154 = tpu.memref_slice %arg7[%add3A_152, %dma_start3A_153] : memref<40x64xi32, #tpu.memory_space<vmem>> -> memref<1x64xi32, #tpu.memory_space<vmem>>
          %dma_start3A_155 = tpu.memref_squeeze %dma_start3A_154 : memref<1x64xi32, #tpu.memory_space<vmem>> -> memref<64xi32, #tpu.memory_space<vmem>>
          %dma_start3A_156 = arith.constant 0 : i32
          %dma_start3A_157 = arith.constant 0 : i32
          %dma_start3A_158 = tpu.memref_slice %arg2[%dma_start3A_156, %dma_start3A_157] : memref<10000x128xf32, #tpu.memory_space<hbm>> -> memref<10000x128xf32, #tpu.memory_space<hbm>>
          tpu.enqueue_indirect_dma source(%dma_start3A_158 : memref<10000x128xf32, #tpu.memory_space<hbm>>) target(%arg10 : memref<64x128xf32, #tpu.memory_space<vmem>>) offsets(%dma_start3A_155 : memref<64xi32, #tpu.memory_space<vmem>>) semaphore(%arg15 : memref<!tpu.dma_semaphore, #tpu.memory_space<semaphore_mem>>)
        } else {
        }
        %add3A_111 = arith.constant 2 : i32
        %add3A_112 = arith.addi %add3A_73, %add3A_111 : i32
        %dma_wait3A_113 = arith.constant 0 : i32
        %dma_wait3A_114 = tpu.memref_slice %arg7[%add3A_112, %dma_wait3A_113] : memref<40x64xi32, #tpu.memory_space<vmem>> -> memref<1x64xi32, #tpu.memory_space<vmem>>
        %dma_wait3A_115 = tpu.memref_squeeze %dma_wait3A_114 : memref<1x64xi32, #tpu.memory_space<vmem>> -> memref<64xi32, #tpu.memory_space<vmem>>
        %dma_wait3A_116 = arith.constant 0 : i32
        %dma_wait3A_117 = arith.constant 0 : i32
        %dma_wait3A_118 = tpu.memref_slice %arg2[%dma_wait3A_116, %dma_wait3A_117] : memref<10000x128xf32, #tpu.memory_space<hbm>> -> memref<10000x128xf32, #tpu.memory_space<hbm>>
        tpu.wait_indirect_dma semaphore(%arg16 : memref<!tpu.dma_semaphore, #tpu.memory_space<semaphore_mem>>) src(%dma_wait3A_118 : memref<10000x128xf32, #tpu.memory_space<hbm>>) dst(%arg11 : memref<64x128xf32, #tpu.memory_space<vmem>>)
        %add3A_119 = arith.constant 2 : i32
        %add3A_120 = arith.addi %add3A_73, %add3A_119 : i32
        "tpu.region"() ({
          %run_scoped3A = tpu.sem_alloc : memref<!tpu.dma_semaphore, #tpu.memory_space<semaphore_mem>>
          %dma_start3A_149 = arith.constant 0 : i32
          %dma_start3A_150 = tpu.memref_slice %arg8[%add3A_120, %dma_start3A_149] : memref<40x64xi32, #tpu.memory_space<vmem>> -> memref<1x64xi32, #tpu.memory_space<vmem>>
          %dma_start3A_151 = tpu.memref_squeeze %dma_start3A_150 : memref<1x64xi32, #tpu.memory_space<vmem>> -> memref<64xi32, #tpu.memory_space<vmem>>
          %dma_start3A_152 = arith.constant 0 : i32
          %dma_start3A_153 = arith.constant 0 : i32
          %dma_start3A_154 = tpu.memref_slice %arg13[%dma_start3A_152, %dma_start3A_153] : memref<10000x128xf32, #tpu.memory_space<vmem_shared>> -> memref<10000x128xf32, #tpu.memory_space<vmem_shared>>
          tpu.enqueue_indirect_dma source(%arg11 : memref<64x128xf32, #tpu.memory_space<vmem>>) target(%dma_start3A_154 : memref<10000x128xf32, #tpu.memory_space<vmem_shared>>) offsets(%dma_start3A_151 : memref<64xi32, #tpu.memory_space<vmem>>) semaphore(%run_scoped3A : memref<!tpu.dma_semaphore, #tpu.memory_space<semaphore_mem>>) {add = true}
          %dma_wait3A_155 = arith.constant 0 : i32
          %dma_wait3A_156 = tpu.memref_slice %arg8[%add3A_120, %dma_wait3A_155] : memref<40x64xi32, #tpu.memory_space<vmem>> -> memref<1x64xi32, #tpu.memory_space<vmem>>
          %dma_wait3A_157 = tpu.memref_squeeze %dma_wait3A_156 : memref<1x64xi32, #tpu.memory_space<vmem>> -> memref<64xi32, #tpu.memory_space<vmem>>
          %dma_wait3A_158 = arith.constant 0 : i32
          %dma_wait3A_159 = arith.constant 0 : i32
          %dma_wait3A_160 = tpu.memref_slice %arg13[%dma_wait3A_158, %dma_wait3A_159] : memref<10000x128xf32, #tpu.memory_space<vmem_shared>> -> memref<10000x128xf32, #tpu.memory_space<vmem_shared>>
          tpu.wait_indirect_dma semaphore(%run_scoped3A : memref<!tpu.dma_semaphore, #tpu.memory_space<semaphore_mem>>) src(%arg11 : memref<64x128xf32, #tpu.memory_space<vmem>>) dst(%dma_wait3A_160 : memref<10000x128xf32, #tpu.memory_space<vmem_shared>>)
          tpu.yield
        }) : () -> ()
        %add3A_121 = arith.constant 4 : i32
        %add3A_122 = arith.addi %add3A_73, %add3A_121 : i32
        %add3A_123 = arith.constant 2 : i32
        %add3A_124 = arith.addi %add3A_122, %add3A_123 : i32
        %lt3A_125 = arith.constant 20 : i32
        %lt3A_126 = arith.cmpi slt, %add3A_124, %lt3A_125 : i32
        %convert_element_type3A_127 = arith.extui %lt3A_126 : i1 to i32
        %cond3A_128 = arith.constant 0 : i32
        %cond3A_129 = arith.cmpi ne, %convert_element_type3A_127, %cond3A_128 : i32
        scf.if %cond3A_129 {
          %add3A_149 = arith.constant 4 : i32
          %add3A_150 = arith.addi %add3A_73, %add3A_149 : i32
          %add3A_151 = arith.constant 2 : i32
          %add3A_152 = arith.addi %add3A_150, %add3A_151 : i32
          %dma_start3A_153 = arith.constant 0 : i32
          %dma_start3A_154 = tpu.memref_slice %arg7[%add3A_152, %dma_start3A_153] : memref<40x64xi32, #tpu.memory_space<vmem>> -> memref<1x64xi32, #tpu.memory_space<vmem>>
          %dma_start3A_155 = tpu.memref_squeeze %dma_start3A_154 : memref<1x64xi32, #tpu.memory_space<vmem>> -> memref<64xi32, #tpu.memory_space<vmem>>
          %dma_start3A_156 = arith.constant 0 : i32
          %dma_start3A_157 = arith.constant 0 : i32
          %dma_start3A_158 = tpu.memref_slice %arg2[%dma_start3A_156, %dma_start3A_157] : memref<10000x128xf32, #tpu.memory_space<hbm>> -> memref<10000x128xf32, #tpu.memory_space<hbm>>
          tpu.enqueue_indirect_dma source(%dma_start3A_158 : memref<10000x128xf32, #tpu.memory_space<hbm>>) target(%arg11 : memref<64x128xf32, #tpu.memory_space<vmem>>) offsets(%dma_start3A_155 : memref<64xi32, #tpu.memory_space<vmem>>) semaphore(%arg16 : memref<!tpu.dma_semaphore, #tpu.memory_space<semaphore_mem>>)
        } else {
        }
        %add3A_130 = arith.constant 3 : i32
        %add3A_131 = arith.addi %add3A_73, %add3A_130 : i32
        %dma_wait3A_132 = arith.constant 0 : i32
        %dma_wait3A_133 = tpu.memref_slice %arg7[%add3A_131, %dma_wait3A_132] : memref<40x64xi32, #tpu.memory_space<vmem>> -> memref<1x64xi32, #tpu.memory_space<vmem>>
        %dma_wait3A_134 = tpu.memref_squeeze %dma_wait3A_133 : memref<1x64xi32, #tpu.memory_space<vmem>> -> memref<64xi32, #tpu.memory_space<vmem>>
        %dma_wait3A_135 = arith.constant 0 : i32
        %dma_wait3A_136 = arith.constant 0 : i32
        %dma_wait3A_137 = tpu.memref_slice %arg2[%dma_wait3A_135, %dma_wait3A_136] : memref<10000x128xf32, #tpu.memory_space<hbm>> -> memref<10000x128xf32, #tpu.memory_space<hbm>>
        tpu.wait_indirect_dma semaphore(%arg17 : memref<!tpu.dma_semaphore, #tpu.memory_space<semaphore_mem>>) src(%dma_wait3A_137 : memref<10000x128xf32, #tpu.memory_space<hbm>>) dst(%arg12 : memref<64x128xf32, #tpu.memory_space<vmem>>)
        %add3A_138 = arith.constant 3 : i32
        %add3A_139 = arith.addi %add3A_73, %add3A_138 : i32
        "tpu.region"() ({
          %run_scoped3A = tpu.sem_alloc : memref<!tpu.dma_semaphore, #tpu.memory_space<semaphore_mem>>
          %dma_start3A_149 = arith.constant 0 : i32
          %dma_start3A_150 = tpu.memref_slice %arg8[%add3A_139, %dma_start3A_149] : memref<40x64xi32, #tpu.memory_space<vmem>> -> memref<1x64xi32, #tpu.memory_space<vmem>>
          %dma_start3A_151 = tpu.memref_squeeze %dma_start3A_150 : memref<1x64xi32, #tpu.memory_space<vmem>> -> memref<64xi32, #tpu.memory_space<vmem>>
          %dma_start3A_152 = arith.constant 0 : i32
          %dma_start3A_153 = arith.constant 0 : i32
          %dma_start3A_154 = tpu.memref_slice %arg13[%dma_start3A_152, %dma_start3A_153] : memref<10000x128xf32, #tpu.memory_space<vmem_shared>> -> memref<10000x128xf32, #tpu.memory_space<vmem_shared>>
          tpu.enqueue_indirect_dma source(%arg12 : memref<64x128xf32, #tpu.memory_space<vmem>>) target(%dma_start3A_154 : memref<10000x128xf32, #tpu.memory_space<vmem_shared>>) offsets(%dma_start3A_151 : memref<64xi32, #tpu.memory_space<vmem>>) semaphore(%run_scoped3A : memref<!tpu.dma_semaphore, #tpu.memory_space<semaphore_mem>>) {add = true}
          %dma_wait3A_155 = arith.constant 0 : i32
          %dma_wait3A_156 = tpu.memref_slice %arg8[%add3A_139, %dma_wait3A_155] : memref<40x64xi32, #tpu.memory_space<vmem>> -> memref<1x64xi32, #tpu.memory_space<vmem>>
          %dma_wait3A_157 = tpu.memref_squeeze %dma_wait3A_156 : memref<1x64xi32, #tpu.memory_space<vmem>> -> memref<64xi32, #tpu.memory_space<vmem>>
          %dma_wait3A_158 = arith.constant 0 : i32
          %dma_wait3A_159 = arith.constant 0 : i32
          %dma_wait3A_160 = tpu.memref_slice %arg13[%dma_wait3A_158, %dma_wait3A_159] : memref<10000x128xf32, #tpu.memory_space<vmem_shared>> -> memref<10000x128xf32, #tpu.memory_space<vmem_shared>>
          tpu.wait_indirect_dma semaphore(%run_scoped3A : memref<!tpu.dma_semaphore, #tpu.memory_space<semaphore_mem>>) src(%arg12 : memref<64x128xf32, #tpu.memory_space<vmem>>) dst(%dma_wait3A_160 : memref<10000x128xf32, #tpu.memory_space<vmem_shared>>)
          tpu.yield
        }) : () -> ()
        %add3A_140 = arith.constant 4 : i32
        %add3A_141 = arith.addi %add3A_73, %add3A_140 : i32
        %add3A_142 = arith.constant 3 : i32
        %add3A_143 = arith.addi %add3A_141, %add3A_142 : i32
        %lt3A_144 = arith.constant 20 : i32
        %lt3A_145 = arith.cmpi slt, %add3A_143, %lt3A_144 : i32
        %convert_element_type3A_146 = arith.extui %lt3A_145 : i1 to i32
        %cond3A_147 = arith.constant 0 : i32
        %cond3A_148 = arith.cmpi ne, %convert_element_type3A_146, %cond3A_147 : i32
        scf.if %cond3A_148 {
          %add3A_149 = arith.constant 4 : i32
          %add3A_150 = arith.addi %add3A_73, %add3A_149 : i32
          %add3A_151 = arith.constant 3 : i32
          %add3A_152 = arith.addi %add3A_150, %add3A_151 : i32
          %dma_start3A_153 = arith.constant 0 : i32
          %dma_start3A_154 = tpu.memref_slice %arg7[%add3A_152, %dma_start3A_153] : memref<40x64xi32, #tpu.memory_space<vmem>> -> memref<1x64xi32, #tpu.memory_space<vmem>>
          %dma_start3A_155 = tpu.memref_squeeze %dma_start3A_154 : memref<1x64xi32, #tpu.memory_space<vmem>> -> memref<64xi32, #tpu.memory_space<vmem>>
          %dma_start3A_156 = arith.constant 0 : i32
          %dma_start3A_157 = arith.constant 0 : i32
          %dma_start3A_158 = tpu.memref_slice %arg2[%dma_start3A_156, %dma_start3A_157] : memref<10000x128xf32, #tpu.memory_space<hbm>> -> memref<10000x128xf32, #tpu.memory_space<hbm>>
          tpu.enqueue_indirect_dma source(%dma_start3A_158 : memref<10000x128xf32, #tpu.memory_space<hbm>>) target(%arg12 : memref<64x128xf32, #tpu.memory_space<vmem>>) offsets(%dma_start3A_155 : memref<64xi32, #tpu.memory_space<vmem>>) semaphore(%arg17 : memref<!tpu.dma_semaphore, #tpu.memory_space<semaphore_mem>>)
        } else {
        }
      }
      %scan3A_68 = arith.constant 5 : i32
    } else {
    }
    %barrier3A_27 = arith.constant 0 : index
    tpu.barrier barrier_id(%barrier3A_27)
    %lt3A_28 = arith.constant 15 : i32
    %lt3A_29 = arith.cmpi slt, %arg1, %lt3A_28 : i32
    %convert_element_type3A_30 = arith.extui %lt3A_29 : i1 to i32
    %cond3A_31 = arith.constant 0 : i32
    %cond3A_32 = arith.cmpi ne, %convert_element_type3A_30, %cond3A_31 : i32
    scf.if %cond3A_32 {
      %mul3A_38 = arith.constant 624 : i32
      %mul3A_39 = arith.muli %arg1, %mul3A_38 : i32
      %mul3A_40 = arith.constant 624 : i32
      %mul3A_41 = arith.muli %arg1, %mul3A_40 : i32
      "tpu.region"() ({
        %run_scoped3A = tpu.sem_alloc : memref<!tpu.dma_semaphore, #tpu.memory_space<semaphore_mem>>
        %dma_start3A = arith.constant 0 : i32
        %dma_start3A_42 = tpu.memref_slice %arg6[%arg0, %mul3A_41, %dma_start3A] : memref<2x10000x128xf32, #tpu.memory_space<hbm>> -> memref<1x624x128xf32, #tpu.memory_space<hbm>>
        %dma_start3A_43 = tpu.memref_squeeze %dma_start3A_42 : memref<1x624x128xf32, #tpu.memory_space<hbm>> -> memref<624x128xf32, #tpu.memory_space<hbm>>
        %dma_start3A_44 = arith.constant 0 : i32
        %dma_start3A_45 = tpu.memref_slice %arg13[%mul3A_39, %dma_start3A_44] : memref<10000x128xf32, #tpu.memory_space<vmem_shared>> -> memref<624x128xf32, #tpu.memory_space<vmem_shared>>
        tpu.enqueue_dma source(%dma_start3A_45 : memref<624x128xf32, #tpu.memory_space<vmem_shared>>) target(%dma_start3A_43 : memref<624x128xf32, #tpu.memory_space<hbm>>) target_semaphore(%run_scoped3A : memref<!tpu.dma_semaphore, #tpu.memory_space<semaphore_mem>>)
        %dma_wait3A = arith.constant 0 : i32
        %dma_wait3A_46 = tpu.memref_slice %arg6[%arg0, %mul3A_41, %dma_wait3A] : memref<2x10000x128xf32, #tpu.memory_space<hbm>> -> memref<1x624x128xf32, #tpu.memory_space<hbm>>
        %dma_wait3A_47 = tpu.memref_squeeze %dma_wait3A_46 : memref<1x624x128xf32, #tpu.memory_space<hbm>> -> memref<624x128xf32, #tpu.memory_space<hbm>>
        %dma_wait3A_48 = arith.constant 0 : i32
        %dma_wait3A_49 = tpu.memref_slice %arg13[%mul3A_39, %dma_wait3A_48] : memref<10000x128xf32, #tpu.memory_space<vmem_shared>> -> memref<624x128xf32, #tpu.memory_space<vmem_shared>>
        tpu.wait_dma2 semaphore(%run_scoped3A : memref<!tpu.dma_semaphore, #tpu.memory_space<semaphore_mem>>) src(%dma_wait3A_49 : memref<624x128xf32, #tpu.memory_space<vmem_shared>>) dst(%dma_wait3A_47 : memref<624x128xf32, #tpu.memory_space<hbm>>)
        tpu.yield
      }) : () -> ()
    } else {
    }
    %eq3A_33 = arith.constant 15 : i32
    %eq3A_34 = arith.cmpi eq, %arg1, %eq3A_33 : i32
    %convert_element_type3A_35 = arith.extui %eq3A_34 : i1 to i32
    %cond3A_36 = arith.constant 0 : i32
    %cond3A_37 = arith.cmpi ne, %convert_element_type3A_35, %cond3A_36 : i32
    scf.if %cond3A_37 {
      "tpu.region"() ({
        %run_scoped3A = tpu.sem_alloc : memref<!tpu.dma_semaphore, #tpu.memory_space<semaphore_mem>>
        %dma_start3A = arith.constant 9360 : i32
        %dma_start3A_38 = arith.constant 0 : i32
        %dma_start3A_39 = tpu.memref_slice %arg6[%arg0, %dma_start3A, %dma_start3A_38] : memref<2x10000x128xf32, #tpu.memory_space<hbm>> -> memref<1x640x128xf32, #tpu.memory_space<hbm>>
        %dma_start3A_40 = tpu.memref_squeeze %dma_start3A_39 : memref<1x640x128xf32, #tpu.memory_space<hbm>> -> memref<640x128xf32, #tpu.memory_space<hbm>>
        %dma_start3A_41 = arith.constant 9360 : i32
        %dma_start3A_42 = arith.constant 0 : i32
        %dma_start3A_43 = tpu.memref_slice %arg13[%dma_start3A_41, %dma_start3A_42] : memref<10000x128xf32, #tpu.memory_space<vmem_shared>> -> memref<640x128xf32, #tpu.memory_space<vmem_shared>>
        tpu.enqueue_dma source(%dma_start3A_43 : memref<640x128xf32, #tpu.memory_space<vmem_shared>>) target(%dma_start3A_40 : memref<640x128xf32, #tpu.memory_space<hbm>>) target_semaphore(%run_scoped3A : memref<!tpu.dma_semaphore, #tpu.memory_space<semaphore_mem>>)
        %dma_wait3A = arith.constant 9360 : i32
        %dma_wait3A_44 = arith.constant 0 : i32
        %dma_wait3A_45 = tpu.memref_slice %arg6[%arg0, %dma_wait3A, %dma_wait3A_44] : memref<2x10000x128xf32, #tpu.memory_space<hbm>> -> memref<1x640x128xf32, #tpu.memory_space<hbm>>
        %dma_wait3A_46 = tpu.memref_squeeze %dma_wait3A_45 : memref<1x640x128xf32, #tpu.memory_space<hbm>> -> memref<640x128xf32, #tpu.memory_space<hbm>>
        %dma_wait3A_47 = arith.constant 9360 : i32
        %dma_wait3A_48 = arith.constant 0 : i32
        %dma_wait3A_49 = tpu.memref_slice %arg13[%dma_wait3A_47, %dma_wait3A_48] : memref<10000x128xf32, #tpu.memory_space<vmem_shared>> -> memref<640x128xf32, #tpu.memory_space<vmem_shared>>
        tpu.wait_dma2 semaphore(%run_scoped3A : memref<!tpu.dma_semaphore, #tpu.memory_space<semaphore_mem>>) src(%dma_wait3A_49 : memref<640x128xf32, #tpu.memory_space<vmem_shared>>) dst(%dma_wait3A_46 : memref<640x128xf32, #tpu.memory_space<hbm>>)
        tpu.yield
      }) : () -> ()
    } else {
    }
    return
  }
}

#map = affine_map<(d0, d1) -> (0, 0)>
#map1 = affine_map<(d0, d1) -> (0, 0, 0)>
module attributes {stable_mosaic.version = 14 : i64} {
  func.func @_prop(%arg0: i32, %arg1: i32, %arg2: memref<10000x128xf32, #tpu.memory_space<hbm>>, %arg3: memref<2500x64xi32, #tpu.memory_space<hbm>>, %arg4: memref<2500x64xi32, #tpu.memory_space<hbm>>, %arg5: memref<640x128xf32, #tpu.memory_space<hbm>>, %arg6: memref<2x10000x128xf32, #tpu.memory_space<hbm>>, %arg7: memref<40x64xi32, #tpu.memory_space<vmem>>, %arg8: memref<40x64xi32, #tpu.memory_space<vmem>>, %arg9: memref<64x128xf32, #tpu.memory_space<vmem>>, %arg10: memref<64x128xf32, #tpu.memory_space<vmem>>, %arg11: memref<64x128xf32, #tpu.memory_space<vmem>>, %arg12: memref<64x128xf32, #tpu.memory_space<vmem>>, %arg13: memref<10000x128xf32, #tpu.memory_space<vmem_shared>>, %arg14: memref<!tpu.dma_semaphore, #tpu.memory_space<semaphore_mem>>, %arg15: memref<!tpu.dma_semaphore, #tpu.memory_space<semaphore_mem>>, %arg16: memref<!tpu.dma_semaphore, #tpu.memory_space<semaphore_mem>>, %arg17: memref<!tpu.dma_semaphore, #tpu.memory_space<semaphore_mem>>) attributes {dimension_semantics = [#tpu.dimension_semantics<core_parallel>, #tpu.dimension_semantics<subcore_parallel>], iteration_bounds = array<i64: 2, 16>, scalar_prefetch = 0 : i64, scratch_operands = 11 : i64, tpu.core_type = #tpu.core_type<sc_vector_subcore>, window_params = [{transform_indices = #map}, {transform_indices = #map}, {transform_indices = #map}, {transform_indices = #map}, {transform_indices = #map1}]} {
    %mul3A = arith.constant 16 : i32
    %mul3A_0 = arith.muli %arg0, %mul3A : i32
    %add3A = arith.addi %mul3A_0, %arg1 : i32
    %lt3A = arith.constant 15 : i32
    %lt3A_1 = arith.cmpi slt, %arg1, %lt3A : i32
    %convert_element_type3A = arith.extui %lt3A_1 : i1 to i32
    %cond3A = arith.constant 0 : i32
    %cond3A_2 = arith.cmpi ne, %convert_element_type3A, %cond3A : i32
    scf.if %cond3A_2 {
      %mul3A_38 = arith.constant 624 : i32
      %mul3A_39 = arith.muli %arg1, %mul3A_38 : i32
      "tpu.region"() ({
        %run_scoped3A = tpu.sem_alloc : memref<!tpu.dma_semaphore, #tpu.memory_space<semaphore_mem>>
        %dma_start3A = arith.constant 0 : i32
        %dma_start3A_40 = tpu.memref_slice %arg13[%mul3A_39, %dma_start3A] : memref<10000x128xf32, #tpu.memory_space<vmem_shared>> -> memref<624x128xf32, #tpu.memory_space<vmem_shared>>
        %dma_start3A_41 = arith.constant 0 : i32
        %dma_start3A_42 = arith.constant 0 : i32
        %dma_start3A_43 = tpu.memref_slice %arg5[%dma_start3A_41, %dma_start3A_42] : memref<640x128xf32, #tpu.memory_space<hbm>> -> memref<624x128xf32, #tpu.memory_space<hbm>>
        tpu.enqueue_dma source(%dma_start3A_43 : memref<624x128xf32, #tpu.memory_space<hbm>>) target(%dma_start3A_40 : memref<624x128xf32, #tpu.memory_space<vmem_shared>>) target_semaphore(%run_scoped3A : memref<!tpu.dma_semaphore, #tpu.memory_space<semaphore_mem>>)
        %dma_wait3A = arith.constant 0 : i32
        %dma_wait3A_44 = tpu.memref_slice %arg13[%mul3A_39, %dma_wait3A] : memref<10000x128xf32, #tpu.memory_space<vmem_shared>> -> memref<624x128xf32, #tpu.memory_space<vmem_shared>>
        %dma_wait3A_45 = arith.constant 0 : i32
        %dma_wait3A_46 = arith.constant 0 : i32
        %dma_wait3A_47 = tpu.memref_slice %arg5[%dma_wait3A_45, %dma_wait3A_46] : memref<640x128xf32, #tpu.memory_space<hbm>> -> memref<624x128xf32, #tpu.memory_space<hbm>>
        tpu.wait_dma2 semaphore(%run_scoped3A : memref<!tpu.dma_semaphore, #tpu.memory_space<semaphore_mem>>) src(%dma_wait3A_47 : memref<624x128xf32, #tpu.memory_space<hbm>>) dst(%dma_wait3A_44 : memref<624x128xf32, #tpu.memory_space<vmem_shared>>)
        tpu.yield
      }) : () -> ()
    } else {
    }
    %eq3A = arith.constant 15 : i32
    %eq3A_3 = arith.cmpi eq, %arg1, %eq3A : i32
    %convert_element_type3A_4 = arith.extui %eq3A_3 : i1 to i32
    %cond3A_5 = arith.constant 0 : i32
    %cond3A_6 = arith.cmpi ne, %convert_element_type3A_4, %cond3A_5 : i32
    scf.if %cond3A_6 {
      "tpu.region"() ({
        %run_scoped3A = tpu.sem_alloc : memref<!tpu.dma_semaphore, #tpu.memory_space<semaphore_mem>>
        %dma_start3A = arith.constant 9360 : i32
        %dma_start3A_38 = arith.constant 0 : i32
        %dma_start3A_39 = tpu.memref_slice %arg13[%dma_start3A, %dma_start3A_38] : memref<10000x128xf32, #tpu.memory_space<vmem_shared>> -> memref<640x128xf32, #tpu.memory_space<vmem_shared>>
        tpu.enqueue_dma source(%arg5 : memref<640x128xf32, #tpu.memory_space<hbm>>) target(%dma_start3A_39 : memref<640x128xf32, #tpu.memory_space<vmem_shared>>) target_semaphore(%run_scoped3A : memref<!tpu.dma_semaphore, #tpu.memory_space<semaphore_mem>>)
        %dma_wait3A = arith.constant 9360 : i32
        %dma_wait3A_40 = arith.constant 0 : i32
        %dma_wait3A_41 = tpu.memref_slice %arg13[%dma_wait3A, %dma_wait3A_40] : memref<10000x128xf32, #tpu.memory_space<vmem_shared>> -> memref<640x128xf32, #tpu.memory_space<vmem_shared>>
        tpu.wait_dma2 semaphore(%run_scoped3A : memref<!tpu.dma_semaphore, #tpu.memory_space<semaphore_mem>>) src(%arg5 : memref<640x128xf32, #tpu.memory_space<hbm>>) dst(%dma_wait3A_41 : memref<640x128xf32, #tpu.memory_space<vmem_shared>>)
        tpu.yield
      }) : () -> ()
    } else {
    }
    %lt3A_7 = arith.constant 31 : i32
    %lt3A_8 = arith.cmpi slt, %add3A, %lt3A_7 : i32
    %convert_element_type3A_9 = arith.extui %lt3A_8 : i1 to i32
    %cond3A_10 = arith.constant 0 : i32
    %cond3A_11 = arith.cmpi ne, %convert_element_type3A_9, %cond3A_10 : i32
    scf.if %cond3A_11 {
      %mul3A_38 = arith.constant 80 : i32
      %mul3A_39 = arith.muli %add3A, %mul3A_38 : i32
      "tpu.region"() ({
        %run_scoped3A = tpu.sem_alloc : memref<!tpu.dma_semaphore, #tpu.memory_space<semaphore_mem>>
        %dma_start3A = arith.constant 0 : i32
        %dma_start3A_42 = tpu.memref_slice %arg3[%mul3A_39, %dma_start3A] : memref<2500x64xi32, #tpu.memory_space<hbm>> -> memref<40x64xi32, #tpu.memory_space<hbm>>
        %dma_start3A_43 = arith.constant 0 : i32
        %dma_start3A_44 = tpu.memref_slice %arg3[%mul3A_39, %dma_start3A_43] : memref<2500x64xi32, #tpu.memory_space<hbm>> -> memref<40x64xi32, #tpu.memory_space<hbm>>
        tpu.enqueue_dma source(%dma_start3A_44 : memref<40x64xi32, #tpu.memory_space<hbm>>) target(%arg7 : memref<40x64xi32, #tpu.memory_space<vmem>>) target_semaphore(%run_scoped3A : memref<!tpu.dma_semaphore, #tpu.memory_space<semaphore_mem>>)
        %dma_wait3A = arith.constant 0 : i32
        %dma_wait3A_45 = tpu.memref_slice %arg3[%mul3A_39, %dma_wait3A] : memref<2500x64xi32, #tpu.memory_space<hbm>> -> memref<40x64xi32, #tpu.memory_space<hbm>>
        %dma_wait3A_46 = arith.constant 0 : i32
        %dma_wait3A_47 = tpu.memref_slice %arg3[%mul3A_39, %dma_wait3A_46] : memref<2500x64xi32, #tpu.memory_space<hbm>> -> memref<40x64xi32, #tpu.memory_space<hbm>>
        tpu.wait_dma2 semaphore(%run_scoped3A : memref<!tpu.dma_semaphore, #tpu.memory_space<semaphore_mem>>) src(%dma_wait3A_47 : memref<40x64xi32, #tpu.memory_space<hbm>>) dst(%arg7 : memref<40x64xi32, #tpu.memory_space<vmem>>)
        tpu.yield
      }) : () -> ()
      %mul3A_40 = arith.constant 80 : i32
      %mul3A_41 = arith.muli %add3A, %mul3A_40 : i32
      "tpu.region"() ({
        %run_scoped3A = tpu.sem_alloc : memref<!tpu.dma_semaphore, #tpu.memory_space<semaphore_mem>>
        %dma_start3A = arith.constant 0 : i32
        %dma_start3A_42 = tpu.memref_slice %arg4[%mul3A_41, %dma_start3A] : memref<2500x64xi32, #tpu.memory_space<hbm>> -> memref<40x64xi32, #tpu.memory_space<hbm>>
        %dma_start3A_43 = arith.constant 0 : i32
        %dma_start3A_44 = tpu.memref_slice %arg4[%mul3A_41, %dma_start3A_43] : memref<2500x64xi32, #tpu.memory_space<hbm>> -> memref<40x64xi32, #tpu.memory_space<hbm>>
        tpu.enqueue_dma source(%dma_start3A_44 : memref<40x64xi32, #tpu.memory_space<hbm>>) target(%arg8 : memref<40x64xi32, #tpu.memory_space<vmem>>) target_semaphore(%run_scoped3A : memref<!tpu.dma_semaphore, #tpu.memory_space<semaphore_mem>>)
        %dma_wait3A = arith.constant 0 : i32
        %dma_wait3A_45 = tpu.memref_slice %arg4[%mul3A_41, %dma_wait3A] : memref<2500x64xi32, #tpu.memory_space<hbm>> -> memref<40x64xi32, #tpu.memory_space<hbm>>
        %dma_wait3A_46 = arith.constant 0 : i32
        %dma_wait3A_47 = tpu.memref_slice %arg4[%mul3A_41, %dma_wait3A_46] : memref<2500x64xi32, #tpu.memory_space<hbm>> -> memref<40x64xi32, #tpu.memory_space<hbm>>
        tpu.wait_dma2 semaphore(%run_scoped3A : memref<!tpu.dma_semaphore, #tpu.memory_space<semaphore_mem>>) src(%dma_wait3A_47 : memref<40x64xi32, #tpu.memory_space<hbm>>) dst(%arg8 : memref<40x64xi32, #tpu.memory_space<vmem>>)
        tpu.yield
      }) : () -> ()
    } else {
    }
    %eq3A_12 = arith.constant 31 : i32
    %eq3A_13 = arith.cmpi eq, %add3A, %eq3A_12 : i32
    %convert_element_type3A_14 = arith.extui %eq3A_13 : i1 to i32
    %cond3A_15 = arith.constant 0 : i32
    %cond3A_16 = arith.cmpi ne, %convert_element_type3A_14, %cond3A_15 : i32
    scf.if %cond3A_16 {
      "tpu.region"() ({
        %run_scoped3A = tpu.sem_alloc : memref<!tpu.dma_semaphore, #tpu.memory_space<semaphore_mem>>
        %dma_start3A = arith.constant 0 : i32
        %dma_start3A_38 = arith.constant 0 : i32
        %dma_start3A_39 = tpu.memref_slice %arg7[%dma_start3A, %dma_start3A_38] : memref<40x64xi32, #tpu.memory_space<vmem>> -> memref<20x64xi32, #tpu.memory_space<vmem>>
        %dma_start3A_40 = arith.constant 2480 : i32
        %dma_start3A_41 = arith.constant 0 : i32
        %dma_start3A_42 = tpu.memref_slice %arg3[%dma_start3A_40, %dma_start3A_41] : memref<2500x64xi32, #tpu.memory_space<hbm>> -> memref<20x64xi32, #tpu.memory_space<hbm>>
        %dma_start3A_43 = arith.constant 0 : i32
        %dma_start3A_44 = arith.constant 0 : i32
        %dma_start3A_45 = tpu.memref_slice %arg7[%dma_start3A_43, %dma_start3A_44] : memref<40x64xi32, #tpu.memory_space<vmem>> -> memref<20x64xi32, #tpu.memory_space<vmem>>
        %dma_start3A_46 = arith.constant 2480 : i32
        %dma_start3A_47 = arith.constant 0 : i32
        %dma_start3A_48 = tpu.memref_slice %arg3[%dma_start3A_46, %dma_start3A_47] : memref<2500x64xi32, #tpu.memory_space<hbm>> -> memref<20x64xi32, #tpu.memory_space<hbm>>
        tpu.enqueue_dma source(%dma_start3A_48 : memref<20x64xi32, #tpu.memory_space<hbm>>) target(%dma_start3A_45 : memref<20x64xi32, #tpu.memory_space<vmem>>) target_semaphore(%run_scoped3A : memref<!tpu.dma_semaphore, #tpu.memory_space<semaphore_mem>>)
        %dma_wait3A = arith.constant 0 : i32
        %dma_wait3A_49 = arith.constant 0 : i32
        %dma_wait3A_50 = tpu.memref_slice %arg7[%dma_wait3A, %dma_wait3A_49] : memref<40x64xi32, #tpu.memory_space<vmem>> -> memref<20x64xi32, #tpu.memory_space<vmem>>
        %dma_wait3A_51 = arith.constant 2480 : i32
        %dma_wait3A_52 = arith.constant 0 : i32
        %dma_wait3A_53 = tpu.memref_slice %arg3[%dma_wait3A_51, %dma_wait3A_52] : memref<2500x64xi32, #tpu.memory_space<hbm>> -> memref<20x64xi32, #tpu.memory_space<hbm>>
        %dma_wait3A_54 = arith.constant 0 : i32
        %dma_wait3A_55 = arith.constant 0 : i32
        %dma_wait3A_56 = tpu.memref_slice %arg7[%dma_wait3A_54, %dma_wait3A_55] : memref<40x64xi32, #tpu.memory_space<vmem>> -> memref<20x64xi32, #tpu.memory_space<vmem>>
        %dma_wait3A_57 = arith.constant 2480 : i32
        %dma_wait3A_58 = arith.constant 0 : i32
        %dma_wait3A_59 = tpu.memref_slice %arg3[%dma_wait3A_57, %dma_wait3A_58] : memref<2500x64xi32, #tpu.memory_space<hbm>> -> memref<20x64xi32, #tpu.memory_space<hbm>>
        tpu.wait_dma2 semaphore(%run_scoped3A : memref<!tpu.dma_semaphore, #tpu.memory_space<semaphore_mem>>) src(%dma_wait3A_59 : memref<20x64xi32, #tpu.memory_space<hbm>>) dst(%dma_wait3A_56 : memref<20x64xi32, #tpu.memory_space<vmem>>)
        tpu.yield
      }) : () -> ()
      "tpu.region"() ({
        %run_scoped3A = tpu.sem_alloc : memref<!tpu.dma_semaphore, #tpu.memory_space<semaphore_mem>>
        %dma_start3A = arith.constant 0 : i32
        %dma_start3A_38 = arith.constant 0 : i32
        %dma_start3A_39 = tpu.memref_slice %arg8[%dma_start3A, %dma_start3A_38] : memref<40x64xi32, #tpu.memory_space<vmem>> -> memref<20x64xi32, #tpu.memory_space<vmem>>
        %dma_start3A_40 = arith.constant 2480 : i32
        %dma_start3A_41 = arith.constant 0 : i32
        %dma_start3A_42 = tpu.memref_slice %arg4[%dma_start3A_40, %dma_start3A_41] : memref<2500x64xi32, #tpu.memory_space<hbm>> -> memref<20x64xi32, #tpu.memory_space<hbm>>
        %dma_start3A_43 = arith.constant 0 : i32
        %dma_start3A_44 = arith.constant 0 : i32
        %dma_start3A_45 = tpu.memref_slice %arg8[%dma_start3A_43, %dma_start3A_44] : memref<40x64xi32, #tpu.memory_space<vmem>> -> memref<20x64xi32, #tpu.memory_space<vmem>>
        %dma_start3A_46 = arith.constant 2480 : i32
        %dma_start3A_47 = arith.constant 0 : i32
        %dma_start3A_48 = tpu.memref_slice %arg4[%dma_start3A_46, %dma_start3A_47] : memref<2500x64xi32, #tpu.memory_space<hbm>> -> memref<20x64xi32, #tpu.memory_space<hbm>>
        tpu.enqueue_dma source(%dma_start3A_48 : memref<20x64xi32, #tpu.memory_space<hbm>>) target(%dma_start3A_45 : memref<20x64xi32, #tpu.memory_space<vmem>>) target_semaphore(%run_scoped3A : memref<!tpu.dma_semaphore, #tpu.memory_space<semaphore_mem>>)
        %dma_wait3A = arith.constant 0 : i32
        %dma_wait3A_49 = arith.constant 0 : i32
        %dma_wait3A_50 = tpu.memref_slice %arg8[%dma_wait3A, %dma_wait3A_49] : memref<40x64xi32, #tpu.memory_space<vmem>> -> memref<20x64xi32, #tpu.memory_space<vmem>>
        %dma_wait3A_51 = arith.constant 2480 : i32
        %dma_wait3A_52 = arith.constant 0 : i32
        %dma_wait3A_53 = tpu.memref_slice %arg4[%dma_wait3A_51, %dma_wait3A_52] : memref<2500x64xi32, #tpu.memory_space<hbm>> -> memref<20x64xi32, #tpu.memory_space<hbm>>
        %dma_wait3A_54 = arith.constant 0 : i32
        %dma_wait3A_55 = arith.constant 0 : i32
        %dma_wait3A_56 = tpu.memref_slice %arg8[%dma_wait3A_54, %dma_wait3A_55] : memref<40x64xi32, #tpu.memory_space<vmem>> -> memref<20x64xi32, #tpu.memory_space<vmem>>
        %dma_wait3A_57 = arith.constant 2480 : i32
        %dma_wait3A_58 = arith.constant 0 : i32
        %dma_wait3A_59 = tpu.memref_slice %arg4[%dma_wait3A_57, %dma_wait3A_58] : memref<2500x64xi32, #tpu.memory_space<hbm>> -> memref<20x64xi32, #tpu.memory_space<hbm>>
        tpu.wait_dma2 semaphore(%run_scoped3A : memref<!tpu.dma_semaphore, #tpu.memory_space<semaphore_mem>>) src(%dma_wait3A_59 : memref<20x64xi32, #tpu.memory_space<hbm>>) dst(%dma_wait3A_56 : memref<20x64xi32, #tpu.memory_space<vmem>>)
        tpu.yield
      }) : () -> ()
    } else {
    }
    %barrier3A = arith.constant 0 : index
    tpu.barrier barrier_id(%barrier3A)
    %lt3A_17 = arith.constant 31 : i32
    %lt3A_18 = arith.cmpi slt, %add3A, %lt3A_17 : i32
    %convert_element_type3A_19 = arith.extui %lt3A_18 : i1 to i32
    %cond3A_20 = arith.constant 0 : i32
    %cond3A_21 = arith.cmpi ne, %convert_element_type3A_19, %cond3A_20 : i32
    scf.if %cond3A_21 {
      %dma_start3A = arith.constant 0 : i32
      %dma_start3A_38 = arith.constant 0 : i32
      %dma_start3A_39 = tpu.memref_slice %arg7[%dma_start3A, %dma_start3A_38] : memref<40x64xi32, #tpu.memory_space<vmem>> -> memref<1x64xi32, #tpu.memory_space<vmem>>
      %dma_start3A_40 = tpu.memref_squeeze %dma_start3A_39 : memref<1x64xi32, #tpu.memory_space<vmem>> -> memref<64xi32, #tpu.memory_space<vmem>>
      %dma_start3A_41 = arith.constant 0 : i32
      %dma_start3A_42 = arith.constant 0 : i32
      %dma_start3A_43 = tpu.memref_slice %arg2[%dma_start3A_41, %dma_start3A_42] : memref<10000x128xf32, #tpu.memory_space<hbm>> -> memref<10000x128xf32, #tpu.memory_space<hbm>>
      tpu.enqueue_indirect_dma source(%dma_start3A_43 : memref<10000x128xf32, #tpu.memory_space<hbm>>) target(%arg9 : memref<64x128xf32, #tpu.memory_space<vmem>>) offsets(%dma_start3A_40 : memref<64xi32, #tpu.memory_space<vmem>>) semaphore(%arg14 : memref<!tpu.dma_semaphore, #tpu.memory_space<semaphore_mem>>)
      %dma_start3A_44 = arith.constant 1 : i32
      %dma_start3A_45 = arith.constant 0 : i32
      %dma_start3A_46 = tpu.memref_slice %arg7[%dma_start3A_44, %dma_start3A_45] : memref<40x64xi32, #tpu.memory_space<vmem>> -> memref<1x64xi32, #tpu.memory_space<vmem>>
      %dma_start3A_47 = tpu.memref_squeeze %dma_start3A_46 : memref<1x64xi32, #tpu.memory_space<vmem>> -> memref<64xi32, #tpu.memory_space<vmem>>
      %dma_start3A_48 = arith.constant 0 : i32
      %dma_start3A_49 = arith.constant 0 : i32
      %dma_start3A_50 = tpu.memref_slice %arg2[%dma_start3A_48, %dma_start3A_49] : memref<10000x128xf32, #tpu.memory_space<hbm>> -> memref<10000x128xf32, #tpu.memory_space<hbm>>
      tpu.enqueue_indirect_dma source(%dma_start3A_50 : memref<10000x128xf32, #tpu.memory_space<hbm>>) target(%arg10 : memref<64x128xf32, #tpu.memory_space<vmem>>) offsets(%dma_start3A_47 : memref<64xi32, #tpu.memory_space<vmem>>) semaphore(%arg15 : memref<!tpu.dma_semaphore, #tpu.memory_space<semaphore_mem>>)
      %dma_start3A_51 = arith.constant 2 : i32
      %dma_start3A_52 = arith.constant 0 : i32
      %dma_start3A_53 = tpu.memref_slice %arg7[%dma_start3A_51, %dma_start3A_52] : memref<40x64xi32, #tpu.memory_space<vmem>> -> memref<1x64xi32, #tpu.memory_space<vmem>>
      %dma_start3A_54 = tpu.memref_squeeze %dma_start3A_53 : memref<1x64xi32, #tpu.memory_space<vmem>> -> memref<64xi32, #tpu.memory_space<vmem>>
      %dma_start3A_55 = arith.constant 0 : i32
      %dma_start3A_56 = arith.constant 0 : i32
      %dma_start3A_57 = tpu.memref_slice %arg2[%dma_start3A_55, %dma_start3A_56] : memref<10000x128xf32, #tpu.memory_space<hbm>> -> memref<10000x128xf32, #tpu.memory_space<hbm>>
      tpu.enqueue_indirect_dma source(%dma_start3A_57 : memref<10000x128xf32, #tpu.memory_space<hbm>>) target(%arg11 : memref<64x128xf32, #tpu.memory_space<vmem>>) offsets(%dma_start3A_54 : memref<64xi32, #tpu.memory_space<vmem>>) semaphore(%arg16 : memref<!tpu.dma_semaphore, #tpu.memory_space<semaphore_mem>>)
      %dma_start3A_58 = arith.constant 3 : i32
      %dma_start3A_59 = arith.constant 0 : i32
      %dma_start3A_60 = tpu.memref_slice %arg7[%dma_start3A_58, %dma_start3A_59] : memref<40x64xi32, #tpu.memory_space<vmem>> -> memref<1x64xi32, #tpu.memory_space<vmem>>
      %dma_start3A_61 = tpu.memref_squeeze %dma_start3A_60 : memref<1x64xi32, #tpu.memory_space<vmem>> -> memref<64xi32, #tpu.memory_space<vmem>>
      %dma_start3A_62 = arith.constant 0 : i32
      %dma_start3A_63 = arith.constant 0 : i32
      %dma_start3A_64 = tpu.memref_slice %arg2[%dma_start3A_62, %dma_start3A_63] : memref<10000x128xf32, #tpu.memory_space<hbm>> -> memref<10000x128xf32, #tpu.memory_space<hbm>>
      tpu.enqueue_indirect_dma source(%dma_start3A_64 : memref<10000x128xf32, #tpu.memory_space<hbm>>) target(%arg12 : memref<64x128xf32, #tpu.memory_space<vmem>>) offsets(%dma_start3A_61 : memref<64xi32, #tpu.memory_space<vmem>>) semaphore(%arg17 : memref<!tpu.dma_semaphore, #tpu.memory_space<semaphore_mem>>)
      %scan3A = arith.constant 0 : i32
      %scan3A_65 = arith.constant 10 : i32
      %scan3A_66 = arith.addi %scan3A, %scan3A_65 : i32
      %scan3A_67 = arith.constant 1 : i32
      scf.for %scan3A_110 = %scan3A to %scan3A_66 step %scan3A_67  : i32 {
        %mul3A_111 = arith.constant 4 : i32
        %mul3A_112 = arith.muli %scan3A_110, %mul3A_111 : i32
        %add3A_113 = arith.constant 0 : i32
        %add3A_114 = arith.addi %add3A_113, %mul3A_112 : i32
        %add3A_115 = arith.constant 0 : i32
        %add3A_116 = arith.addi %add3A_114, %add3A_115 : i32
        %dma_wait3A = arith.constant 0 : i32
        %dma_wait3A_117 = tpu.memref_slice %arg7[%add3A_116, %dma_wait3A] : memref<40x64xi32, #tpu.memory_space<vmem>> -> memref<1x64xi32, #tpu.memory_space<vmem>>
        %dma_wait3A_118 = tpu.memref_squeeze %dma_wait3A_117 : memref<1x64xi32, #tpu.memory_space<vmem>> -> memref<64xi32, #tpu.memory_space<vmem>>
        %dma_wait3A_119 = arith.constant 0 : i32
        %dma_wait3A_120 = arith.constant 0 : i32
        %dma_wait3A_121 = tpu.memref_slice %arg2[%dma_wait3A_119, %dma_wait3A_120] : memref<10000x128xf32, #tpu.memory_space<hbm>> -> memref<10000x128xf32, #tpu.memory_space<hbm>>
        tpu.wait_indirect_dma semaphore(%arg14 : memref<!tpu.dma_semaphore, #tpu.memory_space<semaphore_mem>>) src(%dma_wait3A_121 : memref<10000x128xf32, #tpu.memory_space<hbm>>) dst(%arg9 : memref<64x128xf32, #tpu.memory_space<vmem>>)
        %add3A_122 = arith.constant 0 : i32
        %add3A_123 = arith.addi %add3A_114, %add3A_122 : i32
        "tpu.region"() ({
          %run_scoped3A = tpu.sem_alloc : memref<!tpu.dma_semaphore, #tpu.memory_space<semaphore_mem>>
          %dma_start3A_190 = arith.constant 0 : i32
          %dma_start3A_191 = tpu.memref_slice %arg8[%add3A_123, %dma_start3A_190] : memref<40x64xi32, #tpu.memory_space<vmem>> -> memref<1x64xi32, #tpu.memory_space<vmem>>
          %dma_start3A_192 = tpu.memref_squeeze %dma_start3A_191 : memref<1x64xi32, #tpu.memory_space<vmem>> -> memref<64xi32, #tpu.memory_space<vmem>>
          %dma_start3A_193 = arith.constant 0 : i32
          %dma_start3A_194 = arith.constant 0 : i32
          %dma_start3A_195 = tpu.memref_slice %arg13[%dma_start3A_193, %dma_start3A_194] : memref<10000x128xf32, #tpu.memory_space<vmem_shared>> -> memref<10000x128xf32, #tpu.memory_space<vmem_shared>>
          tpu.enqueue_indirect_dma source(%arg9 : memref<64x128xf32, #tpu.memory_space<vmem>>) target(%dma_start3A_195 : memref<10000x128xf32, #tpu.memory_space<vmem_shared>>) offsets(%dma_start3A_192 : memref<64xi32, #tpu.memory_space<vmem>>) semaphore(%run_scoped3A : memref<!tpu.dma_semaphore, #tpu.memory_space<semaphore_mem>>) {add = true}
          %dma_wait3A_196 = arith.constant 0 : i32
          %dma_wait3A_197 = tpu.memref_slice %arg8[%add3A_123, %dma_wait3A_196] : memref<40x64xi32, #tpu.memory_space<vmem>> -> memref<1x64xi32, #tpu.memory_space<vmem>>
          %dma_wait3A_198 = tpu.memref_squeeze %dma_wait3A_197 : memref<1x64xi32, #tpu.memory_space<vmem>> -> memref<64xi32, #tpu.memory_space<vmem>>
          %dma_wait3A_199 = arith.constant 0 : i32
          %dma_wait3A_200 = arith.constant 0 : i32
          %dma_wait3A_201 = tpu.memref_slice %arg13[%dma_wait3A_199, %dma_wait3A_200] : memref<10000x128xf32, #tpu.memory_space<vmem_shared>> -> memref<10000x128xf32, #tpu.memory_space<vmem_shared>>
          tpu.wait_indirect_dma semaphore(%run_scoped3A : memref<!tpu.dma_semaphore, #tpu.memory_space<semaphore_mem>>) src(%arg9 : memref<64x128xf32, #tpu.memory_space<vmem>>) dst(%dma_wait3A_201 : memref<10000x128xf32, #tpu.memory_space<vmem_shared>>)
          tpu.yield
        }) : () -> ()
        %add3A_124 = arith.constant 4 : i32
        %add3A_125 = arith.addi %add3A_114, %add3A_124 : i32
        %add3A_126 = arith.constant 0 : i32
        %add3A_127 = arith.addi %add3A_125, %add3A_126 : i32
        %lt3A_128 = arith.constant 40 : i32
        %lt3A_129 = arith.cmpi slt, %add3A_127, %lt3A_128 : i32
        %convert_element_type3A_130 = arith.extui %lt3A_129 : i1 to i32
        %cond3A_131 = arith.constant 0 : i32
        %cond3A_132 = arith.cmpi ne, %convert_element_type3A_130, %cond3A_131 : i32
        scf.if %cond3A_132 {
          %add3A_190 = arith.constant 4 : i32
          %add3A_191 = arith.addi %add3A_114, %add3A_190 : i32
          %add3A_192 = arith.constant 0 : i32
          %add3A_193 = arith.addi %add3A_191, %add3A_192 : i32
          %dma_start3A_194 = arith.constant 0 : i32
          %dma_start3A_195 = tpu.memref_slice %arg7[%add3A_193, %dma_start3A_194] : memref<40x64xi32, #tpu.memory_space<vmem>> -> memref<1x64xi32, #tpu.memory_space<vmem>>
          %dma_start3A_196 = tpu.memref_squeeze %dma_start3A_195 : memref<1x64xi32, #tpu.memory_space<vmem>> -> memref<64xi32, #tpu.memory_space<vmem>>
          %dma_start3A_197 = arith.constant 0 : i32
          %dma_start3A_198 = arith.constant 0 : i32
          %dma_start3A_199 = tpu.memref_slice %arg2[%dma_start3A_197, %dma_start3A_198] : memref<10000x128xf32, #tpu.memory_space<hbm>> -> memref<10000x128xf32, #tpu.memory_space<hbm>>
          tpu.enqueue_indirect_dma source(%dma_start3A_199 : memref<10000x128xf32, #tpu.memory_space<hbm>>) target(%arg9 : memref<64x128xf32, #tpu.memory_space<vmem>>) offsets(%dma_start3A_196 : memref<64xi32, #tpu.memory_space<vmem>>) semaphore(%arg14 : memref<!tpu.dma_semaphore, #tpu.memory_space<semaphore_mem>>)
        } else {
        }
        %add3A_133 = arith.constant 1 : i32
        %add3A_134 = arith.addi %add3A_114, %add3A_133 : i32
        %dma_wait3A_135 = arith.constant 0 : i32
        %dma_wait3A_136 = tpu.memref_slice %arg7[%add3A_134, %dma_wait3A_135] : memref<40x64xi32, #tpu.memory_space<vmem>> -> memref<1x64xi32, #tpu.memory_space<vmem>>
        %dma_wait3A_137 = tpu.memref_squeeze %dma_wait3A_136 : memref<1x64xi32, #tpu.memory_space<vmem>> -> memref<64xi32, #tpu.memory_space<vmem>>
        %dma_wait3A_138 = arith.constant 0 : i32
        %dma_wait3A_139 = arith.constant 0 : i32
        %dma_wait3A_140 = tpu.memref_slice %arg2[%dma_wait3A_138, %dma_wait3A_139] : memref<10000x128xf32, #tpu.memory_space<hbm>> -> memref<10000x128xf32, #tpu.memory_space<hbm>>
        tpu.wait_indirect_dma semaphore(%arg15 : memref<!tpu.dma_semaphore, #tpu.memory_space<semaphore_mem>>) src(%dma_wait3A_140 : memref<10000x128xf32, #tpu.memory_space<hbm>>) dst(%arg10 : memref<64x128xf32, #tpu.memory_space<vmem>>)
        %add3A_141 = arith.constant 1 : i32
        %add3A_142 = arith.addi %add3A_114, %add3A_141 : i32
        "tpu.region"() ({
          %run_scoped3A = tpu.sem_alloc : memref<!tpu.dma_semaphore, #tpu.memory_space<semaphore_mem>>
          %dma_start3A_190 = arith.constant 0 : i32
          %dma_start3A_191 = tpu.memref_slice %arg8[%add3A_142, %dma_start3A_190] : memref<40x64xi32, #tpu.memory_space<vmem>> -> memref<1x64xi32, #tpu.memory_space<vmem>>
          %dma_start3A_192 = tpu.memref_squeeze %dma_start3A_191 : memref<1x64xi32, #tpu.memory_space<vmem>> -> memref<64xi32, #tpu.memory_space<vmem>>
          %dma_start3A_193 = arith.constant 0 : i32
          %dma_start3A_194 = arith.constant 0 : i32
          %dma_start3A_195 = tpu.memref_slice %arg13[%dma_start3A_193, %dma_start3A_194] : memref<10000x128xf32, #tpu.memory_space<vmem_shared>> -> memref<10000x128xf32, #tpu.memory_space<vmem_shared>>
          tpu.enqueue_indirect_dma source(%arg10 : memref<64x128xf32, #tpu.memory_space<vmem>>) target(%dma_start3A_195 : memref<10000x128xf32, #tpu.memory_space<vmem_shared>>) offsets(%dma_start3A_192 : memref<64xi32, #tpu.memory_space<vmem>>) semaphore(%run_scoped3A : memref<!tpu.dma_semaphore, #tpu.memory_space<semaphore_mem>>) {add = true}
          %dma_wait3A_196 = arith.constant 0 : i32
          %dma_wait3A_197 = tpu.memref_slice %arg8[%add3A_142, %dma_wait3A_196] : memref<40x64xi32, #tpu.memory_space<vmem>> -> memref<1x64xi32, #tpu.memory_space<vmem>>
          %dma_wait3A_198 = tpu.memref_squeeze %dma_wait3A_197 : memref<1x64xi32, #tpu.memory_space<vmem>> -> memref<64xi32, #tpu.memory_space<vmem>>
          %dma_wait3A_199 = arith.constant 0 : i32
          %dma_wait3A_200 = arith.constant 0 : i32
          %dma_wait3A_201 = tpu.memref_slice %arg13[%dma_wait3A_199, %dma_wait3A_200] : memref<10000x128xf32, #tpu.memory_space<vmem_shared>> -> memref<10000x128xf32, #tpu.memory_space<vmem_shared>>
          tpu.wait_indirect_dma semaphore(%run_scoped3A : memref<!tpu.dma_semaphore, #tpu.memory_space<semaphore_mem>>) src(%arg10 : memref<64x128xf32, #tpu.memory_space<vmem>>) dst(%dma_wait3A_201 : memref<10000x128xf32, #tpu.memory_space<vmem_shared>>)
          tpu.yield
        }) : () -> ()
        %add3A_143 = arith.constant 4 : i32
        %add3A_144 = arith.addi %add3A_114, %add3A_143 : i32
        %add3A_145 = arith.constant 1 : i32
        %add3A_146 = arith.addi %add3A_144, %add3A_145 : i32
        %lt3A_147 = arith.constant 40 : i32
        %lt3A_148 = arith.cmpi slt, %add3A_146, %lt3A_147 : i32
        %convert_element_type3A_149 = arith.extui %lt3A_148 : i1 to i32
        %cond3A_150 = arith.constant 0 : i32
        %cond3A_151 = arith.cmpi ne, %convert_element_type3A_149, %cond3A_150 : i32
        scf.if %cond3A_151 {
          %add3A_190 = arith.constant 4 : i32
          %add3A_191 = arith.addi %add3A_114, %add3A_190 : i32
          %add3A_192 = arith.constant 1 : i32
          %add3A_193 = arith.addi %add3A_191, %add3A_192 : i32
          %dma_start3A_194 = arith.constant 0 : i32
          %dma_start3A_195 = tpu.memref_slice %arg7[%add3A_193, %dma_start3A_194] : memref<40x64xi32, #tpu.memory_space<vmem>> -> memref<1x64xi32, #tpu.memory_space<vmem>>
          %dma_start3A_196 = tpu.memref_squeeze %dma_start3A_195 : memref<1x64xi32, #tpu.memory_space<vmem>> -> memref<64xi32, #tpu.memory_space<vmem>>
          %dma_start3A_197 = arith.constant 0 : i32
          %dma_start3A_198 = arith.constant 0 : i32
          %dma_start3A_199 = tpu.memref_slice %arg2[%dma_start3A_197, %dma_start3A_198] : memref<10000x128xf32, #tpu.memory_space<hbm>> -> memref<10000x128xf32, #tpu.memory_space<hbm>>
          tpu.enqueue_indirect_dma source(%dma_start3A_199 : memref<10000x128xf32, #tpu.memory_space<hbm>>) target(%arg10 : memref<64x128xf32, #tpu.memory_space<vmem>>) offsets(%dma_start3A_196 : memref<64xi32, #tpu.memory_space<vmem>>) semaphore(%arg15 : memref<!tpu.dma_semaphore, #tpu.memory_space<semaphore_mem>>)
        } else {
        }
        %add3A_152 = arith.constant 2 : i32
        %add3A_153 = arith.addi %add3A_114, %add3A_152 : i32
        %dma_wait3A_154 = arith.constant 0 : i32
        %dma_wait3A_155 = tpu.memref_slice %arg7[%add3A_153, %dma_wait3A_154] : memref<40x64xi32, #tpu.memory_space<vmem>> -> memref<1x64xi32, #tpu.memory_space<vmem>>
        %dma_wait3A_156 = tpu.memref_squeeze %dma_wait3A_155 : memref<1x64xi32, #tpu.memory_space<vmem>> -> memref<64xi32, #tpu.memory_space<vmem>>
        %dma_wait3A_157 = arith.constant 0 : i32
        %dma_wait3A_158 = arith.constant 0 : i32
        %dma_wait3A_159 = tpu.memref_slice %arg2[%dma_wait3A_157, %dma_wait3A_158] : memref<10000x128xf32, #tpu.memory_space<hbm>> -> memref<10000x128xf32, #tpu.memory_space<hbm>>
        tpu.wait_indirect_dma semaphore(%arg16 : memref<!tpu.dma_semaphore, #tpu.memory_space<semaphore_mem>>) src(%dma_wait3A_159 : memref<10000x128xf32, #tpu.memory_space<hbm>>) dst(%arg11 : memref<64x128xf32, #tpu.memory_space<vmem>>)
        %add3A_160 = arith.constant 2 : i32
        %add3A_161 = arith.addi %add3A_114, %add3A_160 : i32
        "tpu.region"() ({
          %run_scoped3A = tpu.sem_alloc : memref<!tpu.dma_semaphore, #tpu.memory_space<semaphore_mem>>
          %dma_start3A_190 = arith.constant 0 : i32
          %dma_start3A_191 = tpu.memref_slice %arg8[%add3A_161, %dma_start3A_190] : memref<40x64xi32, #tpu.memory_space<vmem>> -> memref<1x64xi32, #tpu.memory_space<vmem>>
          %dma_start3A_192 = tpu.memref_squeeze %dma_start3A_191 : memref<1x64xi32, #tpu.memory_space<vmem>> -> memref<64xi32, #tpu.memory_space<vmem>>
          %dma_start3A_193 = arith.constant 0 : i32
          %dma_start3A_194 = arith.constant 0 : i32
          %dma_start3A_195 = tpu.memref_slice %arg13[%dma_start3A_193, %dma_start3A_194] : memref<10000x128xf32, #tpu.memory_space<vmem_shared>> -> memref<10000x128xf32, #tpu.memory_space<vmem_shared>>
          tpu.enqueue_indirect_dma source(%arg11 : memref<64x128xf32, #tpu.memory_space<vmem>>) target(%dma_start3A_195 : memref<10000x128xf32, #tpu.memory_space<vmem_shared>>) offsets(%dma_start3A_192 : memref<64xi32, #tpu.memory_space<vmem>>) semaphore(%run_scoped3A : memref<!tpu.dma_semaphore, #tpu.memory_space<semaphore_mem>>) {add = true}
          %dma_wait3A_196 = arith.constant 0 : i32
          %dma_wait3A_197 = tpu.memref_slice %arg8[%add3A_161, %dma_wait3A_196] : memref<40x64xi32, #tpu.memory_space<vmem>> -> memref<1x64xi32, #tpu.memory_space<vmem>>
          %dma_wait3A_198 = tpu.memref_squeeze %dma_wait3A_197 : memref<1x64xi32, #tpu.memory_space<vmem>> -> memref<64xi32, #tpu.memory_space<vmem>>
          %dma_wait3A_199 = arith.constant 0 : i32
          %dma_wait3A_200 = arith.constant 0 : i32
          %dma_wait3A_201 = tpu.memref_slice %arg13[%dma_wait3A_199, %dma_wait3A_200] : memref<10000x128xf32, #tpu.memory_space<vmem_shared>> -> memref<10000x128xf32, #tpu.memory_space<vmem_shared>>
          tpu.wait_indirect_dma semaphore(%run_scoped3A : memref<!tpu.dma_semaphore, #tpu.memory_space<semaphore_mem>>) src(%arg11 : memref<64x128xf32, #tpu.memory_space<vmem>>) dst(%dma_wait3A_201 : memref<10000x128xf32, #tpu.memory_space<vmem_shared>>)
          tpu.yield
        }) : () -> ()
        %add3A_162 = arith.constant 4 : i32
        %add3A_163 = arith.addi %add3A_114, %add3A_162 : i32
        %add3A_164 = arith.constant 2 : i32
        %add3A_165 = arith.addi %add3A_163, %add3A_164 : i32
        %lt3A_166 = arith.constant 40 : i32
        %lt3A_167 = arith.cmpi slt, %add3A_165, %lt3A_166 : i32
        %convert_element_type3A_168 = arith.extui %lt3A_167 : i1 to i32
        %cond3A_169 = arith.constant 0 : i32
        %cond3A_170 = arith.cmpi ne, %convert_element_type3A_168, %cond3A_169 : i32
        scf.if %cond3A_170 {
          %add3A_190 = arith.constant 4 : i32
          %add3A_191 = arith.addi %add3A_114, %add3A_190 : i32
          %add3A_192 = arith.constant 2 : i32
          %add3A_193 = arith.addi %add3A_191, %add3A_192 : i32
          %dma_start3A_194 = arith.constant 0 : i32
          %dma_start3A_195 = tpu.memref_slice %arg7[%add3A_193, %dma_start3A_194] : memref<40x64xi32, #tpu.memory_space<vmem>> -> memref<1x64xi32, #tpu.memory_space<vmem>>
          %dma_start3A_196 = tpu.memref_squeeze %dma_start3A_195 : memref<1x64xi32, #tpu.memory_space<vmem>> -> memref<64xi32, #tpu.memory_space<vmem>>
          %dma_start3A_197 = arith.constant 0 : i32
          %dma_start3A_198 = arith.constant 0 : i32
          %dma_start3A_199 = tpu.memref_slice %arg2[%dma_start3A_197, %dma_start3A_198] : memref<10000x128xf32, #tpu.memory_space<hbm>> -> memref<10000x128xf32, #tpu.memory_space<hbm>>
          tpu.enqueue_indirect_dma source(%dma_start3A_199 : memref<10000x128xf32, #tpu.memory_space<hbm>>) target(%arg11 : memref<64x128xf32, #tpu.memory_space<vmem>>) offsets(%dma_start3A_196 : memref<64xi32, #tpu.memory_space<vmem>>) semaphore(%arg16 : memref<!tpu.dma_semaphore, #tpu.memory_space<semaphore_mem>>)
        } else {
        }
        %add3A_171 = arith.constant 3 : i32
        %add3A_172 = arith.addi %add3A_114, %add3A_171 : i32
        %dma_wait3A_173 = arith.constant 0 : i32
        %dma_wait3A_174 = tpu.memref_slice %arg7[%add3A_172, %dma_wait3A_173] : memref<40x64xi32, #tpu.memory_space<vmem>> -> memref<1x64xi32, #tpu.memory_space<vmem>>
        %dma_wait3A_175 = tpu.memref_squeeze %dma_wait3A_174 : memref<1x64xi32, #tpu.memory_space<vmem>> -> memref<64xi32, #tpu.memory_space<vmem>>
        %dma_wait3A_176 = arith.constant 0 : i32
        %dma_wait3A_177 = arith.constant 0 : i32
        %dma_wait3A_178 = tpu.memref_slice %arg2[%dma_wait3A_176, %dma_wait3A_177] : memref<10000x128xf32, #tpu.memory_space<hbm>> -> memref<10000x128xf32, #tpu.memory_space<hbm>>
        tpu.wait_indirect_dma semaphore(%arg17 : memref<!tpu.dma_semaphore, #tpu.memory_space<semaphore_mem>>) src(%dma_wait3A_178 : memref<10000x128xf32, #tpu.memory_space<hbm>>) dst(%arg12 : memref<64x128xf32, #tpu.memory_space<vmem>>)
        %add3A_179 = arith.constant 3 : i32
        %add3A_180 = arith.addi %add3A_114, %add3A_179 : i32
        "tpu.region"() ({
          %run_scoped3A = tpu.sem_alloc : memref<!tpu.dma_semaphore, #tpu.memory_space<semaphore_mem>>
          %dma_start3A_190 = arith.constant 0 : i32
          %dma_start3A_191 = tpu.memref_slice %arg8[%add3A_180, %dma_start3A_190] : memref<40x64xi32, #tpu.memory_space<vmem>> -> memref<1x64xi32, #tpu.memory_space<vmem>>
          %dma_start3A_192 = tpu.memref_squeeze %dma_start3A_191 : memref<1x64xi32, #tpu.memory_space<vmem>> -> memref<64xi32, #tpu.memory_space<vmem>>
          %dma_start3A_193 = arith.constant 0 : i32
          %dma_start3A_194 = arith.constant 0 : i32
          %dma_start3A_195 = tpu.memref_slice %arg13[%dma_start3A_193, %dma_start3A_194] : memref<10000x128xf32, #tpu.memory_space<vmem_shared>> -> memref<10000x128xf32, #tpu.memory_space<vmem_shared>>
          tpu.enqueue_indirect_dma source(%arg12 : memref<64x128xf32, #tpu.memory_space<vmem>>) target(%dma_start3A_195 : memref<10000x128xf32, #tpu.memory_space<vmem_shared>>) offsets(%dma_start3A_192 : memref<64xi32, #tpu.memory_space<vmem>>) semaphore(%run_scoped3A : memref<!tpu.dma_semaphore, #tpu.memory_space<semaphore_mem>>) {add = true}
          %dma_wait3A_196 = arith.constant 0 : i32
          %dma_wait3A_197 = tpu.memref_slice %arg8[%add3A_180, %dma_wait3A_196] : memref<40x64xi32, #tpu.memory_space<vmem>> -> memref<1x64xi32, #tpu.memory_space<vmem>>
          %dma_wait3A_198 = tpu.memref_squeeze %dma_wait3A_197 : memref<1x64xi32, #tpu.memory_space<vmem>> -> memref<64xi32, #tpu.memory_space<vmem>>
          %dma_wait3A_199 = arith.constant 0 : i32
          %dma_wait3A_200 = arith.constant 0 : i32
          %dma_wait3A_201 = tpu.memref_slice %arg13[%dma_wait3A_199, %dma_wait3A_200] : memref<10000x128xf32, #tpu.memory_space<vmem_shared>> -> memref<10000x128xf32, #tpu.memory_space<vmem_shared>>
          tpu.wait_indirect_dma semaphore(%run_scoped3A : memref<!tpu.dma_semaphore, #tpu.memory_space<semaphore_mem>>) src(%arg12 : memref<64x128xf32, #tpu.memory_space<vmem>>) dst(%dma_wait3A_201 : memref<10000x128xf32, #tpu.memory_space<vmem_shared>>)
          tpu.yield
        }) : () -> ()
        %add3A_181 = arith.constant 4 : i32
        %add3A_182 = arith.addi %add3A_114, %add3A_181 : i32
        %add3A_183 = arith.constant 3 : i32
        %add3A_184 = arith.addi %add3A_182, %add3A_183 : i32
        %lt3A_185 = arith.constant 40 : i32
        %lt3A_186 = arith.cmpi slt, %add3A_184, %lt3A_185 : i32
        %convert_element_type3A_187 = arith.extui %lt3A_186 : i1 to i32
        %cond3A_188 = arith.constant 0 : i32
        %cond3A_189 = arith.cmpi ne, %convert_element_type3A_187, %cond3A_188 : i32
        scf.if %cond3A_189 {
          %add3A_190 = arith.constant 4 : i32
          %add3A_191 = arith.addi %add3A_114, %add3A_190 : i32
          %add3A_192 = arith.constant 3 : i32
          %add3A_193 = arith.addi %add3A_191, %add3A_192 : i32
          %dma_start3A_194 = arith.constant 0 : i32
          %dma_start3A_195 = tpu.memref_slice %arg7[%add3A_193, %dma_start3A_194] : memref<40x64xi32, #tpu.memory_space<vmem>> -> memref<1x64xi32, #tpu.memory_space<vmem>>
          %dma_start3A_196 = tpu.memref_squeeze %dma_start3A_195 : memref<1x64xi32, #tpu.memory_space<vmem>> -> memref<64xi32, #tpu.memory_space<vmem>>
          %dma_start3A_197 = arith.constant 0 : i32
          %dma_start3A_198 = arith.constant 0 : i32
          %dma_start3A_199 = tpu.memref_slice %arg2[%dma_start3A_197, %dma_start3A_198] : memref<10000x128xf32, #tpu.memory_space<hbm>> -> memref<10000x128xf32, #tpu.memory_space<hbm>>
          tpu.enqueue_indirect_dma source(%dma_start3A_199 : memref<10000x128xf32, #tpu.memory_space<hbm>>) target(%arg12 : memref<64x128xf32, #tpu.memory_space<vmem>>) offsets(%dma_start3A_196 : memref<64xi32, #tpu.memory_space<vmem>>) semaphore(%arg17 : memref<!tpu.dma_semaphore, #tpu.memory_space<semaphore_mem>>)
        } else {
        }
      }
      %scan3A_68 = arith.constant 10 : i32
      %mul3A_69 = arith.constant 80 : i32
      %mul3A_70 = arith.muli %add3A, %mul3A_69 : i32
      %add3A_71 = arith.constant 40 : i32
      %add3A_72 = arith.addi %mul3A_70, %add3A_71 : i32
      "tpu.region"() ({
        %run_scoped3A = tpu.sem_alloc : memref<!tpu.dma_semaphore, #tpu.memory_space<semaphore_mem>>
        %dma_start3A_110 = arith.constant 0 : i32
        %dma_start3A_111 = tpu.memref_slice %arg3[%add3A_72, %dma_start3A_110] : memref<2500x64xi32, #tpu.memory_space<hbm>> -> memref<40x64xi32, #tpu.memory_space<hbm>>
        %dma_start3A_112 = arith.constant 0 : i32
        %dma_start3A_113 = tpu.memref_slice %arg3[%add3A_72, %dma_start3A_112] : memref<2500x64xi32, #tpu.memory_space<hbm>> -> memref<40x64xi32, #tpu.memory_space<hbm>>
        tpu.enqueue_dma source(%dma_start3A_113 : memref<40x64xi32, #tpu.memory_space<hbm>>) target(%arg7 : memref<40x64xi32, #tpu.memory_space<vmem>>) target_semaphore(%run_scoped3A : memref<!tpu.dma_semaphore, #tpu.memory_space<semaphore_mem>>)
        %dma_wait3A = arith.constant 0 : i32
        %dma_wait3A_114 = tpu.memref_slice %arg3[%add3A_72, %dma_wait3A] : memref<2500x64xi32, #tpu.memory_space<hbm>> -> memref<40x64xi32, #tpu.memory_space<hbm>>
        %dma_wait3A_115 = arith.constant 0 : i32
        %dma_wait3A_116 = tpu.memref_slice %arg3[%add3A_72, %dma_wait3A_115] : memref<2500x64xi32, #tpu.memory_space<hbm>> -> memref<40x64xi32, #tpu.memory_space<hbm>>
        tpu.wait_dma2 semaphore(%run_scoped3A : memref<!tpu.dma_semaphore, #tpu.memory_space<semaphore_mem>>) src(%dma_wait3A_116 : memref<40x64xi32, #tpu.memory_space<hbm>>) dst(%arg7 : memref<40x64xi32, #tpu.memory_space<vmem>>)
        tpu.yield
      }) : () -> ()
      %mul3A_73 = arith.constant 80 : i32
      %mul3A_74 = arith.muli %add3A, %mul3A_73 : i32
      %add3A_75 = arith.constant 40 : i32
      %add3A_76 = arith.addi %mul3A_74, %add3A_75 : i32
      "tpu.region"() ({
        %run_scoped3A = tpu.sem_alloc : memref<!tpu.dma_semaphore, #tpu.memory_space<semaphore_mem>>
        %dma_start3A_110 = arith.constant 0 : i32
        %dma_start3A_111 = tpu.memref_slice %arg4[%add3A_76, %dma_start3A_110] : memref<2500x64xi32, #tpu.memory_space<hbm>> -> memref<40x64xi32, #tpu.memory_space<hbm>>
        %dma_start3A_112 = arith.constant 0 : i32
        %dma_start3A_113 = tpu.memref_slice %arg4[%add3A_76, %dma_start3A_112] : memref<2500x64xi32, #tpu.memory_space<hbm>> -> memref<40x64xi32, #tpu.memory_space<hbm>>
        tpu.enqueue_dma source(%dma_start3A_113 : memref<40x64xi32, #tpu.memory_space<hbm>>) target(%arg8 : memref<40x64xi32, #tpu.memory_space<vmem>>) target_semaphore(%run_scoped3A : memref<!tpu.dma_semaphore, #tpu.memory_space<semaphore_mem>>)
        %dma_wait3A = arith.constant 0 : i32
        %dma_wait3A_114 = tpu.memref_slice %arg4[%add3A_76, %dma_wait3A] : memref<2500x64xi32, #tpu.memory_space<hbm>> -> memref<40x64xi32, #tpu.memory_space<hbm>>
        %dma_wait3A_115 = arith.constant 0 : i32
        %dma_wait3A_116 = tpu.memref_slice %arg4[%add3A_76, %dma_wait3A_115] : memref<2500x64xi32, #tpu.memory_space<hbm>> -> memref<40x64xi32, #tpu.memory_space<hbm>>
        tpu.wait_dma2 semaphore(%run_scoped3A : memref<!tpu.dma_semaphore, #tpu.memory_space<semaphore_mem>>) src(%dma_wait3A_116 : memref<40x64xi32, #tpu.memory_space<hbm>>) dst(%arg8 : memref<40x64xi32, #tpu.memory_space<vmem>>)
        tpu.yield
      }) : () -> ()
      %dma_start3A_77 = arith.constant 0 : i32
      %dma_start3A_78 = arith.constant 0 : i32
      %dma_start3A_79 = tpu.memref_slice %arg7[%dma_start3A_77, %dma_start3A_78] : memref<40x64xi32, #tpu.memory_space<vmem>> -> memref<1x64xi32, #tpu.memory_space<vmem>>
      %dma_start3A_80 = tpu.memref_squeeze %dma_start3A_79 : memref<1x64xi32, #tpu.memory_space<vmem>> -> memref<64xi32, #tpu.memory_space<vmem>>
      %dma_start3A_81 = arith.constant 0 : i32
      %dma_start3A_82 = arith.constant 0 : i32
      %dma_start3A_83 = tpu.memref_slice %arg2[%dma_start3A_81, %dma_start3A_82] : memref<10000x128xf32, #tpu.memory_space<hbm>> -> memref<10000x128xf32, #tpu.memory_space<hbm>>
      tpu.enqueue_indirect_dma source(%dma_start3A_83 : memref<10000x128xf32, #tpu.memory_space<hbm>>) target(%arg9 : memref<64x128xf32, #tpu.memory_space<vmem>>) offsets(%dma_start3A_80 : memref<64xi32, #tpu.memory_space<vmem>>) semaphore(%arg14 : memref<!tpu.dma_semaphore, #tpu.memory_space<semaphore_mem>>)
      %dma_start3A_84 = arith.constant 1 : i32
      %dma_start3A_85 = arith.constant 0 : i32
      %dma_start3A_86 = tpu.memref_slice %arg7[%dma_start3A_84, %dma_start3A_85] : memref<40x64xi32, #tpu.memory_space<vmem>> -> memref<1x64xi32, #tpu.memory_space<vmem>>
      %dma_start3A_87 = tpu.memref_squeeze %dma_start3A_86 : memref<1x64xi32, #tpu.memory_space<vmem>> -> memref<64xi32, #tpu.memory_space<vmem>>
      %dma_start3A_88 = arith.constant 0 : i32
      %dma_start3A_89 = arith.constant 0 : i32
      %dma_start3A_90 = tpu.memref_slice %arg2[%dma_start3A_88, %dma_start3A_89] : memref<10000x128xf32, #tpu.memory_space<hbm>> -> memref<10000x128xf32, #tpu.memory_space<hbm>>
      tpu.enqueue_indirect_dma source(%dma_start3A_90 : memref<10000x128xf32, #tpu.memory_space<hbm>>) target(%arg10 : memref<64x128xf32, #tpu.memory_space<vmem>>) offsets(%dma_start3A_87 : memref<64xi32, #tpu.memory_space<vmem>>) semaphore(%arg15 : memref<!tpu.dma_semaphore, #tpu.memory_space<semaphore_mem>>)
      %dma_start3A_91 = arith.constant 2 : i32
      %dma_start3A_92 = arith.constant 0 : i32
      %dma_start3A_93 = tpu.memref_slice %arg7[%dma_start3A_91, %dma_start3A_92] : memref<40x64xi32, #tpu.memory_space<vmem>> -> memref<1x64xi32, #tpu.memory_space<vmem>>
      %dma_start3A_94 = tpu.memref_squeeze %dma_start3A_93 : memref<1x64xi32, #tpu.memory_space<vmem>> -> memref<64xi32, #tpu.memory_space<vmem>>
      %dma_start3A_95 = arith.constant 0 : i32
      %dma_start3A_96 = arith.constant 0 : i32
      %dma_start3A_97 = tpu.memref_slice %arg2[%dma_start3A_95, %dma_start3A_96] : memref<10000x128xf32, #tpu.memory_space<hbm>> -> memref<10000x128xf32, #tpu.memory_space<hbm>>
      tpu.enqueue_indirect_dma source(%dma_start3A_97 : memref<10000x128xf32, #tpu.memory_space<hbm>>) target(%arg11 : memref<64x128xf32, #tpu.memory_space<vmem>>) offsets(%dma_start3A_94 : memref<64xi32, #tpu.memory_space<vmem>>) semaphore(%arg16 : memref<!tpu.dma_semaphore, #tpu.memory_space<semaphore_mem>>)
      %dma_start3A_98 = arith.constant 3 : i32
      %dma_start3A_99 = arith.constant 0 : i32
      %dma_start3A_100 = tpu.memref_slice %arg7[%dma_start3A_98, %dma_start3A_99] : memref<40x64xi32, #tpu.memory_space<vmem>> -> memref<1x64xi32, #tpu.memory_space<vmem>>
      %dma_start3A_101 = tpu.memref_squeeze %dma_start3A_100 : memref<1x64xi32, #tpu.memory_space<vmem>> -> memref<64xi32, #tpu.memory_space<vmem>>
      %dma_start3A_102 = arith.constant 0 : i32
      %dma_start3A_103 = arith.constant 0 : i32
      %dma_start3A_104 = tpu.memref_slice %arg2[%dma_start3A_102, %dma_start3A_103] : memref<10000x128xf32, #tpu.memory_space<hbm>> -> memref<10000x128xf32, #tpu.memory_space<hbm>>
      tpu.enqueue_indirect_dma source(%dma_start3A_104 : memref<10000x128xf32, #tpu.memory_space<hbm>>) target(%arg12 : memref<64x128xf32, #tpu.memory_space<vmem>>) offsets(%dma_start3A_101 : memref<64xi32, #tpu.memory_space<vmem>>) semaphore(%arg17 : memref<!tpu.dma_semaphore, #tpu.memory_space<semaphore_mem>>)
      %scan3A_105 = arith.constant 0 : i32
      %scan3A_106 = arith.constant 10 : i32
      %scan3A_107 = arith.addi %scan3A_105, %scan3A_106 : i32
      %scan3A_108 = arith.constant 1 : i32
      scf.for %scan3A_110 = %scan3A_105 to %scan3A_107 step %scan3A_108  : i32 {
        %mul3A_111 = arith.constant 4 : i32
        %mul3A_112 = arith.muli %scan3A_110, %mul3A_111 : i32
        %add3A_113 = arith.constant 0 : i32
        %add3A_114 = arith.addi %add3A_113, %mul3A_112 : i32
        %add3A_115 = arith.constant 0 : i32
        %add3A_116 = arith.addi %add3A_114, %add3A_115 : i32
        %dma_wait3A = arith.constant 0 : i32
        %dma_wait3A_117 = tpu.memref_slice %arg7[%add3A_116, %dma_wait3A] : memref<40x64xi32, #tpu.memory_space<vmem>> -> memref<1x64xi32, #tpu.memory_space<vmem>>
        %dma_wait3A_118 = tpu.memref_squeeze %dma_wait3A_117 : memref<1x64xi32, #tpu.memory_space<vmem>> -> memref<64xi32, #tpu.memory_space<vmem>>
        %dma_wait3A_119 = arith.constant 0 : i32
        %dma_wait3A_120 = arith.constant 0 : i32
        %dma_wait3A_121 = tpu.memref_slice %arg2[%dma_wait3A_119, %dma_wait3A_120] : memref<10000x128xf32, #tpu.memory_space<hbm>> -> memref<10000x128xf32, #tpu.memory_space<hbm>>
        tpu.wait_indirect_dma semaphore(%arg14 : memref<!tpu.dma_semaphore, #tpu.memory_space<semaphore_mem>>) src(%dma_wait3A_121 : memref<10000x128xf32, #tpu.memory_space<hbm>>) dst(%arg9 : memref<64x128xf32, #tpu.memory_space<vmem>>)
        %add3A_122 = arith.constant 0 : i32
        %add3A_123 = arith.addi %add3A_114, %add3A_122 : i32
        "tpu.region"() ({
          %run_scoped3A = tpu.sem_alloc : memref<!tpu.dma_semaphore, #tpu.memory_space<semaphore_mem>>
          %dma_start3A_190 = arith.constant 0 : i32
          %dma_start3A_191 = tpu.memref_slice %arg8[%add3A_123, %dma_start3A_190] : memref<40x64xi32, #tpu.memory_space<vmem>> -> memref<1x64xi32, #tpu.memory_space<vmem>>
          %dma_start3A_192 = tpu.memref_squeeze %dma_start3A_191 : memref<1x64xi32, #tpu.memory_space<vmem>> -> memref<64xi32, #tpu.memory_space<vmem>>
          %dma_start3A_193 = arith.constant 0 : i32
          %dma_start3A_194 = arith.constant 0 : i32
          %dma_start3A_195 = tpu.memref_slice %arg13[%dma_start3A_193, %dma_start3A_194] : memref<10000x128xf32, #tpu.memory_space<vmem_shared>> -> memref<10000x128xf32, #tpu.memory_space<vmem_shared>>
          tpu.enqueue_indirect_dma source(%arg9 : memref<64x128xf32, #tpu.memory_space<vmem>>) target(%dma_start3A_195 : memref<10000x128xf32, #tpu.memory_space<vmem_shared>>) offsets(%dma_start3A_192 : memref<64xi32, #tpu.memory_space<vmem>>) semaphore(%run_scoped3A : memref<!tpu.dma_semaphore, #tpu.memory_space<semaphore_mem>>) {add = true}
          %dma_wait3A_196 = arith.constant 0 : i32
          %dma_wait3A_197 = tpu.memref_slice %arg8[%add3A_123, %dma_wait3A_196] : memref<40x64xi32, #tpu.memory_space<vmem>> -> memref<1x64xi32, #tpu.memory_space<vmem>>
          %dma_wait3A_198 = tpu.memref_squeeze %dma_wait3A_197 : memref<1x64xi32, #tpu.memory_space<vmem>> -> memref<64xi32, #tpu.memory_space<vmem>>
          %dma_wait3A_199 = arith.constant 0 : i32
          %dma_wait3A_200 = arith.constant 0 : i32
          %dma_wait3A_201 = tpu.memref_slice %arg13[%dma_wait3A_199, %dma_wait3A_200] : memref<10000x128xf32, #tpu.memory_space<vmem_shared>> -> memref<10000x128xf32, #tpu.memory_space<vmem_shared>>
          tpu.wait_indirect_dma semaphore(%run_scoped3A : memref<!tpu.dma_semaphore, #tpu.memory_space<semaphore_mem>>) src(%arg9 : memref<64x128xf32, #tpu.memory_space<vmem>>) dst(%dma_wait3A_201 : memref<10000x128xf32, #tpu.memory_space<vmem_shared>>)
          tpu.yield
        }) : () -> ()
        %add3A_124 = arith.constant 4 : i32
        %add3A_125 = arith.addi %add3A_114, %add3A_124 : i32
        %add3A_126 = arith.constant 0 : i32
        %add3A_127 = arith.addi %add3A_125, %add3A_126 : i32
        %lt3A_128 = arith.constant 40 : i32
        %lt3A_129 = arith.cmpi slt, %add3A_127, %lt3A_128 : i32
        %convert_element_type3A_130 = arith.extui %lt3A_129 : i1 to i32
        %cond3A_131 = arith.constant 0 : i32
        %cond3A_132 = arith.cmpi ne, %convert_element_type3A_130, %cond3A_131 : i32
        scf.if %cond3A_132 {
          %add3A_190 = arith.constant 4 : i32
          %add3A_191 = arith.addi %add3A_114, %add3A_190 : i32
          %add3A_192 = arith.constant 0 : i32
          %add3A_193 = arith.addi %add3A_191, %add3A_192 : i32
          %dma_start3A_194 = arith.constant 0 : i32
          %dma_start3A_195 = tpu.memref_slice %arg7[%add3A_193, %dma_start3A_194] : memref<40x64xi32, #tpu.memory_space<vmem>> -> memref<1x64xi32, #tpu.memory_space<vmem>>
          %dma_start3A_196 = tpu.memref_squeeze %dma_start3A_195 : memref<1x64xi32, #tpu.memory_space<vmem>> -> memref<64xi32, #tpu.memory_space<vmem>>
          %dma_start3A_197 = arith.constant 0 : i32
          %dma_start3A_198 = arith.constant 0 : i32
          %dma_start3A_199 = tpu.memref_slice %arg2[%dma_start3A_197, %dma_start3A_198] : memref<10000x128xf32, #tpu.memory_space<hbm>> -> memref<10000x128xf32, #tpu.memory_space<hbm>>
          tpu.enqueue_indirect_dma source(%dma_start3A_199 : memref<10000x128xf32, #tpu.memory_space<hbm>>) target(%arg9 : memref<64x128xf32, #tpu.memory_space<vmem>>) offsets(%dma_start3A_196 : memref<64xi32, #tpu.memory_space<vmem>>) semaphore(%arg14 : memref<!tpu.dma_semaphore, #tpu.memory_space<semaphore_mem>>)
        } else {
        }
        %add3A_133 = arith.constant 1 : i32
        %add3A_134 = arith.addi %add3A_114, %add3A_133 : i32
        %dma_wait3A_135 = arith.constant 0 : i32
        %dma_wait3A_136 = tpu.memref_slice %arg7[%add3A_134, %dma_wait3A_135] : memref<40x64xi32, #tpu.memory_space<vmem>> -> memref<1x64xi32, #tpu.memory_space<vmem>>
        %dma_wait3A_137 = tpu.memref_squeeze %dma_wait3A_136 : memref<1x64xi32, #tpu.memory_space<vmem>> -> memref<64xi32, #tpu.memory_space<vmem>>
        %dma_wait3A_138 = arith.constant 0 : i32
        %dma_wait3A_139 = arith.constant 0 : i32
        %dma_wait3A_140 = tpu.memref_slice %arg2[%dma_wait3A_138, %dma_wait3A_139] : memref<10000x128xf32, #tpu.memory_space<hbm>> -> memref<10000x128xf32, #tpu.memory_space<hbm>>
        tpu.wait_indirect_dma semaphore(%arg15 : memref<!tpu.dma_semaphore, #tpu.memory_space<semaphore_mem>>) src(%dma_wait3A_140 : memref<10000x128xf32, #tpu.memory_space<hbm>>) dst(%arg10 : memref<64x128xf32, #tpu.memory_space<vmem>>)
        %add3A_141 = arith.constant 1 : i32
        %add3A_142 = arith.addi %add3A_114, %add3A_141 : i32
        "tpu.region"() ({
          %run_scoped3A = tpu.sem_alloc : memref<!tpu.dma_semaphore, #tpu.memory_space<semaphore_mem>>
          %dma_start3A_190 = arith.constant 0 : i32
          %dma_start3A_191 = tpu.memref_slice %arg8[%add3A_142, %dma_start3A_190] : memref<40x64xi32, #tpu.memory_space<vmem>> -> memref<1x64xi32, #tpu.memory_space<vmem>>
          %dma_start3A_192 = tpu.memref_squeeze %dma_start3A_191 : memref<1x64xi32, #tpu.memory_space<vmem>> -> memref<64xi32, #tpu.memory_space<vmem>>
          %dma_start3A_193 = arith.constant 0 : i32
          %dma_start3A_194 = arith.constant 0 : i32
          %dma_start3A_195 = tpu.memref_slice %arg13[%dma_start3A_193, %dma_start3A_194] : memref<10000x128xf32, #tpu.memory_space<vmem_shared>> -> memref<10000x128xf32, #tpu.memory_space<vmem_shared>>
          tpu.enqueue_indirect_dma source(%arg10 : memref<64x128xf32, #tpu.memory_space<vmem>>) target(%dma_start3A_195 : memref<10000x128xf32, #tpu.memory_space<vmem_shared>>) offsets(%dma_start3A_192 : memref<64xi32, #tpu.memory_space<vmem>>) semaphore(%run_scoped3A : memref<!tpu.dma_semaphore, #tpu.memory_space<semaphore_mem>>) {add = true}
          %dma_wait3A_196 = arith.constant 0 : i32
          %dma_wait3A_197 = tpu.memref_slice %arg8[%add3A_142, %dma_wait3A_196] : memref<40x64xi32, #tpu.memory_space<vmem>> -> memref<1x64xi32, #tpu.memory_space<vmem>>
          %dma_wait3A_198 = tpu.memref_squeeze %dma_wait3A_197 : memref<1x64xi32, #tpu.memory_space<vmem>> -> memref<64xi32, #tpu.memory_space<vmem>>
          %dma_wait3A_199 = arith.constant 0 : i32
          %dma_wait3A_200 = arith.constant 0 : i32
          %dma_wait3A_201 = tpu.memref_slice %arg13[%dma_wait3A_199, %dma_wait3A_200] : memref<10000x128xf32, #tpu.memory_space<vmem_shared>> -> memref<10000x128xf32, #tpu.memory_space<vmem_shared>>
          tpu.wait_indirect_dma semaphore(%run_scoped3A : memref<!tpu.dma_semaphore, #tpu.memory_space<semaphore_mem>>) src(%arg10 : memref<64x128xf32, #tpu.memory_space<vmem>>) dst(%dma_wait3A_201 : memref<10000x128xf32, #tpu.memory_space<vmem_shared>>)
          tpu.yield
        }) : () -> ()
        %add3A_143 = arith.constant 4 : i32
        %add3A_144 = arith.addi %add3A_114, %add3A_143 : i32
        %add3A_145 = arith.constant 1 : i32
        %add3A_146 = arith.addi %add3A_144, %add3A_145 : i32
        %lt3A_147 = arith.constant 40 : i32
        %lt3A_148 = arith.cmpi slt, %add3A_146, %lt3A_147 : i32
        %convert_element_type3A_149 = arith.extui %lt3A_148 : i1 to i32
        %cond3A_150 = arith.constant 0 : i32
        %cond3A_151 = arith.cmpi ne, %convert_element_type3A_149, %cond3A_150 : i32
        scf.if %cond3A_151 {
          %add3A_190 = arith.constant 4 : i32
          %add3A_191 = arith.addi %add3A_114, %add3A_190 : i32
          %add3A_192 = arith.constant 1 : i32
          %add3A_193 = arith.addi %add3A_191, %add3A_192 : i32
          %dma_start3A_194 = arith.constant 0 : i32
          %dma_start3A_195 = tpu.memref_slice %arg7[%add3A_193, %dma_start3A_194] : memref<40x64xi32, #tpu.memory_space<vmem>> -> memref<1x64xi32, #tpu.memory_space<vmem>>
          %dma_start3A_196 = tpu.memref_squeeze %dma_start3A_195 : memref<1x64xi32, #tpu.memory_space<vmem>> -> memref<64xi32, #tpu.memory_space<vmem>>
          %dma_start3A_197 = arith.constant 0 : i32
          %dma_start3A_198 = arith.constant 0 : i32
          %dma_start3A_199 = tpu.memref_slice %arg2[%dma_start3A_197, %dma_start3A_198] : memref<10000x128xf32, #tpu.memory_space<hbm>> -> memref<10000x128xf32, #tpu.memory_space<hbm>>
          tpu.enqueue_indirect_dma source(%dma_start3A_199 : memref<10000x128xf32, #tpu.memory_space<hbm>>) target(%arg10 : memref<64x128xf32, #tpu.memory_space<vmem>>) offsets(%dma_start3A_196 : memref<64xi32, #tpu.memory_space<vmem>>) semaphore(%arg15 : memref<!tpu.dma_semaphore, #tpu.memory_space<semaphore_mem>>)
        } else {
        }
        %add3A_152 = arith.constant 2 : i32
        %add3A_153 = arith.addi %add3A_114, %add3A_152 : i32
        %dma_wait3A_154 = arith.constant 0 : i32
        %dma_wait3A_155 = tpu.memref_slice %arg7[%add3A_153, %dma_wait3A_154] : memref<40x64xi32, #tpu.memory_space<vmem>> -> memref<1x64xi32, #tpu.memory_space<vmem>>
        %dma_wait3A_156 = tpu.memref_squeeze %dma_wait3A_155 : memref<1x64xi32, #tpu.memory_space<vmem>> -> memref<64xi32, #tpu.memory_space<vmem>>
        %dma_wait3A_157 = arith.constant 0 : i32
        %dma_wait3A_158 = arith.constant 0 : i32
        %dma_wait3A_159 = tpu.memref_slice %arg2[%dma_wait3A_157, %dma_wait3A_158] : memref<10000x128xf32, #tpu.memory_space<hbm>> -> memref<10000x128xf32, #tpu.memory_space<hbm>>
        tpu.wait_indirect_dma semaphore(%arg16 : memref<!tpu.dma_semaphore, #tpu.memory_space<semaphore_mem>>) src(%dma_wait3A_159 : memref<10000x128xf32, #tpu.memory_space<hbm>>) dst(%arg11 : memref<64x128xf32, #tpu.memory_space<vmem>>)
        %add3A_160 = arith.constant 2 : i32
        %add3A_161 = arith.addi %add3A_114, %add3A_160 : i32
        "tpu.region"() ({
          %run_scoped3A = tpu.sem_alloc : memref<!tpu.dma_semaphore, #tpu.memory_space<semaphore_mem>>
          %dma_start3A_190 = arith.constant 0 : i32
          %dma_start3A_191 = tpu.memref_slice %arg8[%add3A_161, %dma_start3A_190] : memref<40x64xi32, #tpu.memory_space<vmem>> -> memref<1x64xi32, #tpu.memory_space<vmem>>
          %dma_start3A_192 = tpu.memref_squeeze %dma_start3A_191 : memref<1x64xi32, #tpu.memory_space<vmem>> -> memref<64xi32, #tpu.memory_space<vmem>>
          %dma_start3A_193 = arith.constant 0 : i32
          %dma_start3A_194 = arith.constant 0 : i32
          %dma_start3A_195 = tpu.memref_slice %arg13[%dma_start3A_193, %dma_start3A_194] : memref<10000x128xf32, #tpu.memory_space<vmem_shared>> -> memref<10000x128xf32, #tpu.memory_space<vmem_shared>>
          tpu.enqueue_indirect_dma source(%arg11 : memref<64x128xf32, #tpu.memory_space<vmem>>) target(%dma_start3A_195 : memref<10000x128xf32, #tpu.memory_space<vmem_shared>>) offsets(%dma_start3A_192 : memref<64xi32, #tpu.memory_space<vmem>>) semaphore(%run_scoped3A : memref<!tpu.dma_semaphore, #tpu.memory_space<semaphore_mem>>) {add = true}
          %dma_wait3A_196 = arith.constant 0 : i32
          %dma_wait3A_197 = tpu.memref_slice %arg8[%add3A_161, %dma_wait3A_196] : memref<40x64xi32, #tpu.memory_space<vmem>> -> memref<1x64xi32, #tpu.memory_space<vmem>>
          %dma_wait3A_198 = tpu.memref_squeeze %dma_wait3A_197 : memref<1x64xi32, #tpu.memory_space<vmem>> -> memref<64xi32, #tpu.memory_space<vmem>>
          %dma_wait3A_199 = arith.constant 0 : i32
          %dma_wait3A_200 = arith.constant 0 : i32
          %dma_wait3A_201 = tpu.memref_slice %arg13[%dma_wait3A_199, %dma_wait3A_200] : memref<10000x128xf32, #tpu.memory_space<vmem_shared>> -> memref<10000x128xf32, #tpu.memory_space<vmem_shared>>
          tpu.wait_indirect_dma semaphore(%run_scoped3A : memref<!tpu.dma_semaphore, #tpu.memory_space<semaphore_mem>>) src(%arg11 : memref<64x128xf32, #tpu.memory_space<vmem>>) dst(%dma_wait3A_201 : memref<10000x128xf32, #tpu.memory_space<vmem_shared>>)
          tpu.yield
        }) : () -> ()
        %add3A_162 = arith.constant 4 : i32
        %add3A_163 = arith.addi %add3A_114, %add3A_162 : i32
        %add3A_164 = arith.constant 2 : i32
        %add3A_165 = arith.addi %add3A_163, %add3A_164 : i32
        %lt3A_166 = arith.constant 40 : i32
        %lt3A_167 = arith.cmpi slt, %add3A_165, %lt3A_166 : i32
        %convert_element_type3A_168 = arith.extui %lt3A_167 : i1 to i32
        %cond3A_169 = arith.constant 0 : i32
        %cond3A_170 = arith.cmpi ne, %convert_element_type3A_168, %cond3A_169 : i32
        scf.if %cond3A_170 {
          %add3A_190 = arith.constant 4 : i32
          %add3A_191 = arith.addi %add3A_114, %add3A_190 : i32
          %add3A_192 = arith.constant 2 : i32
          %add3A_193 = arith.addi %add3A_191, %add3A_192 : i32
          %dma_start3A_194 = arith.constant 0 : i32
          %dma_start3A_195 = tpu.memref_slice %arg7[%add3A_193, %dma_start3A_194] : memref<40x64xi32, #tpu.memory_space<vmem>> -> memref<1x64xi32, #tpu.memory_space<vmem>>
          %dma_start3A_196 = tpu.memref_squeeze %dma_start3A_195 : memref<1x64xi32, #tpu.memory_space<vmem>> -> memref<64xi32, #tpu.memory_space<vmem>>
          %dma_start3A_197 = arith.constant 0 : i32
          %dma_start3A_198 = arith.constant 0 : i32
          %dma_start3A_199 = tpu.memref_slice %arg2[%dma_start3A_197, %dma_start3A_198] : memref<10000x128xf32, #tpu.memory_space<hbm>> -> memref<10000x128xf32, #tpu.memory_space<hbm>>
          tpu.enqueue_indirect_dma source(%dma_start3A_199 : memref<10000x128xf32, #tpu.memory_space<hbm>>) target(%arg11 : memref<64x128xf32, #tpu.memory_space<vmem>>) offsets(%dma_start3A_196 : memref<64xi32, #tpu.memory_space<vmem>>) semaphore(%arg16 : memref<!tpu.dma_semaphore, #tpu.memory_space<semaphore_mem>>)
        } else {
        }
        %add3A_171 = arith.constant 3 : i32
        %add3A_172 = arith.addi %add3A_114, %add3A_171 : i32
        %dma_wait3A_173 = arith.constant 0 : i32
        %dma_wait3A_174 = tpu.memref_slice %arg7[%add3A_172, %dma_wait3A_173] : memref<40x64xi32, #tpu.memory_space<vmem>> -> memref<1x64xi32, #tpu.memory_space<vmem>>
        %dma_wait3A_175 = tpu.memref_squeeze %dma_wait3A_174 : memref<1x64xi32, #tpu.memory_space<vmem>> -> memref<64xi32, #tpu.memory_space<vmem>>
        %dma_wait3A_176 = arith.constant 0 : i32
        %dma_wait3A_177 = arith.constant 0 : i32
        %dma_wait3A_178 = tpu.memref_slice %arg2[%dma_wait3A_176, %dma_wait3A_177] : memref<10000x128xf32, #tpu.memory_space<hbm>> -> memref<10000x128xf32, #tpu.memory_space<hbm>>
        tpu.wait_indirect_dma semaphore(%arg17 : memref<!tpu.dma_semaphore, #tpu.memory_space<semaphore_mem>>) src(%dma_wait3A_178 : memref<10000x128xf32, #tpu.memory_space<hbm>>) dst(%arg12 : memref<64x128xf32, #tpu.memory_space<vmem>>)
        %add3A_179 = arith.constant 3 : i32
        %add3A_180 = arith.addi %add3A_114, %add3A_179 : i32
        "tpu.region"() ({
          %run_scoped3A = tpu.sem_alloc : memref<!tpu.dma_semaphore, #tpu.memory_space<semaphore_mem>>
          %dma_start3A_190 = arith.constant 0 : i32
          %dma_start3A_191 = tpu.memref_slice %arg8[%add3A_180, %dma_start3A_190] : memref<40x64xi32, #tpu.memory_space<vmem>> -> memref<1x64xi32, #tpu.memory_space<vmem>>
          %dma_start3A_192 = tpu.memref_squeeze %dma_start3A_191 : memref<1x64xi32, #tpu.memory_space<vmem>> -> memref<64xi32, #tpu.memory_space<vmem>>
          %dma_start3A_193 = arith.constant 0 : i32
          %dma_start3A_194 = arith.constant 0 : i32
          %dma_start3A_195 = tpu.memref_slice %arg13[%dma_start3A_193, %dma_start3A_194] : memref<10000x128xf32, #tpu.memory_space<vmem_shared>> -> memref<10000x128xf32, #tpu.memory_space<vmem_shared>>
          tpu.enqueue_indirect_dma source(%arg12 : memref<64x128xf32, #tpu.memory_space<vmem>>) target(%dma_start3A_195 : memref<10000x128xf32, #tpu.memory_space<vmem_shared>>) offsets(%dma_start3A_192 : memref<64xi32, #tpu.memory_space<vmem>>) semaphore(%run_scoped3A : memref<!tpu.dma_semaphore, #tpu.memory_space<semaphore_mem>>) {add = true}
          %dma_wait3A_196 = arith.constant 0 : i32
          %dma_wait3A_197 = tpu.memref_slice %arg8[%add3A_180, %dma_wait3A_196] : memref<40x64xi32, #tpu.memory_space<vmem>> -> memref<1x64xi32, #tpu.memory_space<vmem>>
          %dma_wait3A_198 = tpu.memref_squeeze %dma_wait3A_197 : memref<1x64xi32, #tpu.memory_space<vmem>> -> memref<64xi32, #tpu.memory_space<vmem>>
          %dma_wait3A_199 = arith.constant 0 : i32
          %dma_wait3A_200 = arith.constant 0 : i32
          %dma_wait3A_201 = tpu.memref_slice %arg13[%dma_wait3A_199, %dma_wait3A_200] : memref<10000x128xf32, #tpu.memory_space<vmem_shared>> -> memref<10000x128xf32, #tpu.memory_space<vmem_shared>>
          tpu.wait_indirect_dma semaphore(%run_scoped3A : memref<!tpu.dma_semaphore, #tpu.memory_space<semaphore_mem>>) src(%arg12 : memref<64x128xf32, #tpu.memory_space<vmem>>) dst(%dma_wait3A_201 : memref<10000x128xf32, #tpu.memory_space<vmem_shared>>)
          tpu.yield
        }) : () -> ()
        %add3A_181 = arith.constant 4 : i32
        %add3A_182 = arith.addi %add3A_114, %add3A_181 : i32
        %add3A_183 = arith.constant 3 : i32
        %add3A_184 = arith.addi %add3A_182, %add3A_183 : i32
        %lt3A_185 = arith.constant 40 : i32
        %lt3A_186 = arith.cmpi slt, %add3A_184, %lt3A_185 : i32
        %convert_element_type3A_187 = arith.extui %lt3A_186 : i1 to i32
        %cond3A_188 = arith.constant 0 : i32
        %cond3A_189 = arith.cmpi ne, %convert_element_type3A_187, %cond3A_188 : i32
        scf.if %cond3A_189 {
          %add3A_190 = arith.constant 4 : i32
          %add3A_191 = arith.addi %add3A_114, %add3A_190 : i32
          %add3A_192 = arith.constant 3 : i32
          %add3A_193 = arith.addi %add3A_191, %add3A_192 : i32
          %dma_start3A_194 = arith.constant 0 : i32
          %dma_start3A_195 = tpu.memref_slice %arg7[%add3A_193, %dma_start3A_194] : memref<40x64xi32, #tpu.memory_space<vmem>> -> memref<1x64xi32, #tpu.memory_space<vmem>>
          %dma_start3A_196 = tpu.memref_squeeze %dma_start3A_195 : memref<1x64xi32, #tpu.memory_space<vmem>> -> memref<64xi32, #tpu.memory_space<vmem>>
          %dma_start3A_197 = arith.constant 0 : i32
          %dma_start3A_198 = arith.constant 0 : i32
          %dma_start3A_199 = tpu.memref_slice %arg2[%dma_start3A_197, %dma_start3A_198] : memref<10000x128xf32, #tpu.memory_space<hbm>> -> memref<10000x128xf32, #tpu.memory_space<hbm>>
          tpu.enqueue_indirect_dma source(%dma_start3A_199 : memref<10000x128xf32, #tpu.memory_space<hbm>>) target(%arg12 : memref<64x128xf32, #tpu.memory_space<vmem>>) offsets(%dma_start3A_196 : memref<64xi32, #tpu.memory_space<vmem>>) semaphore(%arg17 : memref<!tpu.dma_semaphore, #tpu.memory_space<semaphore_mem>>)
        } else {
        }
      }
      %scan3A_109 = arith.constant 10 : i32
    } else {
    }
    %eq3A_22 = arith.constant 31 : i32
    %eq3A_23 = arith.cmpi eq, %add3A, %eq3A_22 : i32
    %convert_element_type3A_24 = arith.extui %eq3A_23 : i1 to i32
    %cond3A_25 = arith.constant 0 : i32
    %cond3A_26 = arith.cmpi ne, %convert_element_type3A_24, %cond3A_25 : i32
    scf.if %cond3A_26 {
      %dma_start3A = arith.constant 0 : i32
      %dma_start3A_38 = arith.constant 0 : i32
      %dma_start3A_39 = tpu.memref_slice %arg7[%dma_start3A, %dma_start3A_38] : memref<40x64xi32, #tpu.memory_space<vmem>> -> memref<1x64xi32, #tpu.memory_space<vmem>>
      %dma_start3A_40 = tpu.memref_squeeze %dma_start3A_39 : memref<1x64xi32, #tpu.memory_space<vmem>> -> memref<64xi32, #tpu.memory_space<vmem>>
      %dma_start3A_41 = arith.constant 0 : i32
      %dma_start3A_42 = arith.constant 0 : i32
      %dma_start3A_43 = tpu.memref_slice %arg2[%dma_start3A_41, %dma_start3A_42] : memref<10000x128xf32, #tpu.memory_space<hbm>> -> memref<10000x128xf32, #tpu.memory_space<hbm>>
      tpu.enqueue_indirect_dma source(%dma_start3A_43 : memref<10000x128xf32, #tpu.memory_space<hbm>>) target(%arg9 : memref<64x128xf32, #tpu.memory_space<vmem>>) offsets(%dma_start3A_40 : memref<64xi32, #tpu.memory_space<vmem>>) semaphore(%arg14 : memref<!tpu.dma_semaphore, #tpu.memory_space<semaphore_mem>>)
      %dma_start3A_44 = arith.constant 1 : i32
      %dma_start3A_45 = arith.constant 0 : i32
      %dma_start3A_46 = tpu.memref_slice %arg7[%dma_start3A_44, %dma_start3A_45] : memref<40x64xi32, #tpu.memory_space<vmem>> -> memref<1x64xi32, #tpu.memory_space<vmem>>
      %dma_start3A_47 = tpu.memref_squeeze %dma_start3A_46 : memref<1x64xi32, #tpu.memory_space<vmem>> -> memref<64xi32, #tpu.memory_space<vmem>>
      %dma_start3A_48 = arith.constant 0 : i32
      %dma_start3A_49 = arith.constant 0 : i32
      %dma_start3A_50 = tpu.memref_slice %arg2[%dma_start3A_48, %dma_start3A_49] : memref<10000x128xf32, #tpu.memory_space<hbm>> -> memref<10000x128xf32, #tpu.memory_space<hbm>>
      tpu.enqueue_indirect_dma source(%dma_start3A_50 : memref<10000x128xf32, #tpu.memory_space<hbm>>) target(%arg10 : memref<64x128xf32, #tpu.memory_space<vmem>>) offsets(%dma_start3A_47 : memref<64xi32, #tpu.memory_space<vmem>>) semaphore(%arg15 : memref<!tpu.dma_semaphore, #tpu.memory_space<semaphore_mem>>)
      %dma_start3A_51 = arith.constant 2 : i32
      %dma_start3A_52 = arith.constant 0 : i32
      %dma_start3A_53 = tpu.memref_slice %arg7[%dma_start3A_51, %dma_start3A_52] : memref<40x64xi32, #tpu.memory_space<vmem>> -> memref<1x64xi32, #tpu.memory_space<vmem>>
      %dma_start3A_54 = tpu.memref_squeeze %dma_start3A_53 : memref<1x64xi32, #tpu.memory_space<vmem>> -> memref<64xi32, #tpu.memory_space<vmem>>
      %dma_start3A_55 = arith.constant 0 : i32
      %dma_start3A_56 = arith.constant 0 : i32
      %dma_start3A_57 = tpu.memref_slice %arg2[%dma_start3A_55, %dma_start3A_56] : memref<10000x128xf32, #tpu.memory_space<hbm>> -> memref<10000x128xf32, #tpu.memory_space<hbm>>
      tpu.enqueue_indirect_dma source(%dma_start3A_57 : memref<10000x128xf32, #tpu.memory_space<hbm>>) target(%arg11 : memref<64x128xf32, #tpu.memory_space<vmem>>) offsets(%dma_start3A_54 : memref<64xi32, #tpu.memory_space<vmem>>) semaphore(%arg16 : memref<!tpu.dma_semaphore, #tpu.memory_space<semaphore_mem>>)
      %dma_start3A_58 = arith.constant 3 : i32
      %dma_start3A_59 = arith.constant 0 : i32
      %dma_start3A_60 = tpu.memref_slice %arg7[%dma_start3A_58, %dma_start3A_59] : memref<40x64xi32, #tpu.memory_space<vmem>> -> memref<1x64xi32, #tpu.memory_space<vmem>>
      %dma_start3A_61 = tpu.memref_squeeze %dma_start3A_60 : memref<1x64xi32, #tpu.memory_space<vmem>> -> memref<64xi32, #tpu.memory_space<vmem>>
      %dma_start3A_62 = arith.constant 0 : i32
      %dma_start3A_63 = arith.constant 0 : i32
      %dma_start3A_64 = tpu.memref_slice %arg2[%dma_start3A_62, %dma_start3A_63] : memref<10000x128xf32, #tpu.memory_space<hbm>> -> memref<10000x128xf32, #tpu.memory_space<hbm>>
      tpu.enqueue_indirect_dma source(%dma_start3A_64 : memref<10000x128xf32, #tpu.memory_space<hbm>>) target(%arg12 : memref<64x128xf32, #tpu.memory_space<vmem>>) offsets(%dma_start3A_61 : memref<64xi32, #tpu.memory_space<vmem>>) semaphore(%arg17 : memref<!tpu.dma_semaphore, #tpu.memory_space<semaphore_mem>>)
      %scan3A = arith.constant 0 : i32
      %scan3A_65 = arith.constant 5 : i32
      %scan3A_66 = arith.addi %scan3A, %scan3A_65 : i32
      %scan3A_67 = arith.constant 1 : i32
      scf.for %scan3A_69 = %scan3A to %scan3A_66 step %scan3A_67  : i32 {
        %mul3A_70 = arith.constant 4 : i32
        %mul3A_71 = arith.muli %scan3A_69, %mul3A_70 : i32
        %add3A_72 = arith.constant 0 : i32
        %add3A_73 = arith.addi %add3A_72, %mul3A_71 : i32
        %add3A_74 = arith.constant 0 : i32
        %add3A_75 = arith.addi %add3A_73, %add3A_74 : i32
        %dma_wait3A = arith.constant 0 : i32
        %dma_wait3A_76 = tpu.memref_slice %arg7[%add3A_75, %dma_wait3A] : memref<40x64xi32, #tpu.memory_space<vmem>> -> memref<1x64xi32, #tpu.memory_space<vmem>>
        %dma_wait3A_77 = tpu.memref_squeeze %dma_wait3A_76 : memref<1x64xi32, #tpu.memory_space<vmem>> -> memref<64xi32, #tpu.memory_space<vmem>>
        %dma_wait3A_78 = arith.constant 0 : i32
        %dma_wait3A_79 = arith.constant 0 : i32
        %dma_wait3A_80 = tpu.memref_slice %arg2[%dma_wait3A_78, %dma_wait3A_79] : memref<10000x128xf32, #tpu.memory_space<hbm>> -> memref<10000x128xf32, #tpu.memory_space<hbm>>
        tpu.wait_indirect_dma semaphore(%arg14 : memref<!tpu.dma_semaphore, #tpu.memory_space<semaphore_mem>>) src(%dma_wait3A_80 : memref<10000x128xf32, #tpu.memory_space<hbm>>) dst(%arg9 : memref<64x128xf32, #tpu.memory_space<vmem>>)
        %add3A_81 = arith.constant 0 : i32
        %add3A_82 = arith.addi %add3A_73, %add3A_81 : i32
        "tpu.region"() ({
          %run_scoped3A = tpu.sem_alloc : memref<!tpu.dma_semaphore, #tpu.memory_space<semaphore_mem>>
          %dma_start3A_149 = arith.constant 0 : i32
          %dma_start3A_150 = tpu.memref_slice %arg8[%add3A_82, %dma_start3A_149] : memref<40x64xi32, #tpu.memory_space<vmem>> -> memref<1x64xi32, #tpu.memory_space<vmem>>
          %dma_start3A_151 = tpu.memref_squeeze %dma_start3A_150 : memref<1x64xi32, #tpu.memory_space<vmem>> -> memref<64xi32, #tpu.memory_space<vmem>>
          %dma_start3A_152 = arith.constant 0 : i32
          %dma_start3A_153 = arith.constant 0 : i32
          %dma_start3A_154 = tpu.memref_slice %arg13[%dma_start3A_152, %dma_start3A_153] : memref<10000x128xf32, #tpu.memory_space<vmem_shared>> -> memref<10000x128xf32, #tpu.memory_space<vmem_shared>>
          tpu.enqueue_indirect_dma source(%arg9 : memref<64x128xf32, #tpu.memory_space<vmem>>) target(%dma_start3A_154 : memref<10000x128xf32, #tpu.memory_space<vmem_shared>>) offsets(%dma_start3A_151 : memref<64xi32, #tpu.memory_space<vmem>>) semaphore(%run_scoped3A : memref<!tpu.dma_semaphore, #tpu.memory_space<semaphore_mem>>) {add = true}
          %dma_wait3A_155 = arith.constant 0 : i32
          %dma_wait3A_156 = tpu.memref_slice %arg8[%add3A_82, %dma_wait3A_155] : memref<40x64xi32, #tpu.memory_space<vmem>> -> memref<1x64xi32, #tpu.memory_space<vmem>>
          %dma_wait3A_157 = tpu.memref_squeeze %dma_wait3A_156 : memref<1x64xi32, #tpu.memory_space<vmem>> -> memref<64xi32, #tpu.memory_space<vmem>>
          %dma_wait3A_158 = arith.constant 0 : i32
          %dma_wait3A_159 = arith.constant 0 : i32
          %dma_wait3A_160 = tpu.memref_slice %arg13[%dma_wait3A_158, %dma_wait3A_159] : memref<10000x128xf32, #tpu.memory_space<vmem_shared>> -> memref<10000x128xf32, #tpu.memory_space<vmem_shared>>
          tpu.wait_indirect_dma semaphore(%run_scoped3A : memref<!tpu.dma_semaphore, #tpu.memory_space<semaphore_mem>>) src(%arg9 : memref<64x128xf32, #tpu.memory_space<vmem>>) dst(%dma_wait3A_160 : memref<10000x128xf32, #tpu.memory_space<vmem_shared>>)
          tpu.yield
        }) : () -> ()
        %add3A_83 = arith.constant 4 : i32
        %add3A_84 = arith.addi %add3A_73, %add3A_83 : i32
        %add3A_85 = arith.constant 0 : i32
        %add3A_86 = arith.addi %add3A_84, %add3A_85 : i32
        %lt3A_87 = arith.constant 20 : i32
        %lt3A_88 = arith.cmpi slt, %add3A_86, %lt3A_87 : i32
        %convert_element_type3A_89 = arith.extui %lt3A_88 : i1 to i32
        %cond3A_90 = arith.constant 0 : i32
        %cond3A_91 = arith.cmpi ne, %convert_element_type3A_89, %cond3A_90 : i32
        scf.if %cond3A_91 {
          %add3A_149 = arith.constant 4 : i32
          %add3A_150 = arith.addi %add3A_73, %add3A_149 : i32
          %add3A_151 = arith.constant 0 : i32
          %add3A_152 = arith.addi %add3A_150, %add3A_151 : i32
          %dma_start3A_153 = arith.constant 0 : i32
          %dma_start3A_154 = tpu.memref_slice %arg7[%add3A_152, %dma_start3A_153] : memref<40x64xi32, #tpu.memory_space<vmem>> -> memref<1x64xi32, #tpu.memory_space<vmem>>
          %dma_start3A_155 = tpu.memref_squeeze %dma_start3A_154 : memref<1x64xi32, #tpu.memory_space<vmem>> -> memref<64xi32, #tpu.memory_space<vmem>>
          %dma_start3A_156 = arith.constant 0 : i32
          %dma_start3A_157 = arith.constant 0 : i32
          %dma_start3A_158 = tpu.memref_slice %arg2[%dma_start3A_156, %dma_start3A_157] : memref<10000x128xf32, #tpu.memory_space<hbm>> -> memref<10000x128xf32, #tpu.memory_space<hbm>>
          tpu.enqueue_indirect_dma source(%dma_start3A_158 : memref<10000x128xf32, #tpu.memory_space<hbm>>) target(%arg9 : memref<64x128xf32, #tpu.memory_space<vmem>>) offsets(%dma_start3A_155 : memref<64xi32, #tpu.memory_space<vmem>>) semaphore(%arg14 : memref<!tpu.dma_semaphore, #tpu.memory_space<semaphore_mem>>)
        } else {
        }
        %add3A_92 = arith.constant 1 : i32
        %add3A_93 = arith.addi %add3A_73, %add3A_92 : i32
        %dma_wait3A_94 = arith.constant 0 : i32
        %dma_wait3A_95 = tpu.memref_slice %arg7[%add3A_93, %dma_wait3A_94] : memref<40x64xi32, #tpu.memory_space<vmem>> -> memref<1x64xi32, #tpu.memory_space<vmem>>
        %dma_wait3A_96 = tpu.memref_squeeze %dma_wait3A_95 : memref<1x64xi32, #tpu.memory_space<vmem>> -> memref<64xi32, #tpu.memory_space<vmem>>
        %dma_wait3A_97 = arith.constant 0 : i32
        %dma_wait3A_98 = arith.constant 0 : i32
        %dma_wait3A_99 = tpu.memref_slice %arg2[%dma_wait3A_97, %dma_wait3A_98] : memref<10000x128xf32, #tpu.memory_space<hbm>> -> memref<10000x128xf32, #tpu.memory_space<hbm>>
        tpu.wait_indirect_dma semaphore(%arg15 : memref<!tpu.dma_semaphore, #tpu.memory_space<semaphore_mem>>) src(%dma_wait3A_99 : memref<10000x128xf32, #tpu.memory_space<hbm>>) dst(%arg10 : memref<64x128xf32, #tpu.memory_space<vmem>>)
        %add3A_100 = arith.constant 1 : i32
        %add3A_101 = arith.addi %add3A_73, %add3A_100 : i32
        "tpu.region"() ({
          %run_scoped3A = tpu.sem_alloc : memref<!tpu.dma_semaphore, #tpu.memory_space<semaphore_mem>>
          %dma_start3A_149 = arith.constant 0 : i32
          %dma_start3A_150 = tpu.memref_slice %arg8[%add3A_101, %dma_start3A_149] : memref<40x64xi32, #tpu.memory_space<vmem>> -> memref<1x64xi32, #tpu.memory_space<vmem>>
          %dma_start3A_151 = tpu.memref_squeeze %dma_start3A_150 : memref<1x64xi32, #tpu.memory_space<vmem>> -> memref<64xi32, #tpu.memory_space<vmem>>
          %dma_start3A_152 = arith.constant 0 : i32
          %dma_start3A_153 = arith.constant 0 : i32
          %dma_start3A_154 = tpu.memref_slice %arg13[%dma_start3A_152, %dma_start3A_153] : memref<10000x128xf32, #tpu.memory_space<vmem_shared>> -> memref<10000x128xf32, #tpu.memory_space<vmem_shared>>
          tpu.enqueue_indirect_dma source(%arg10 : memref<64x128xf32, #tpu.memory_space<vmem>>) target(%dma_start3A_154 : memref<10000x128xf32, #tpu.memory_space<vmem_shared>>) offsets(%dma_start3A_151 : memref<64xi32, #tpu.memory_space<vmem>>) semaphore(%run_scoped3A : memref<!tpu.dma_semaphore, #tpu.memory_space<semaphore_mem>>) {add = true}
          %dma_wait3A_155 = arith.constant 0 : i32
          %dma_wait3A_156 = tpu.memref_slice %arg8[%add3A_101, %dma_wait3A_155] : memref<40x64xi32, #tpu.memory_space<vmem>> -> memref<1x64xi32, #tpu.memory_space<vmem>>
          %dma_wait3A_157 = tpu.memref_squeeze %dma_wait3A_156 : memref<1x64xi32, #tpu.memory_space<vmem>> -> memref<64xi32, #tpu.memory_space<vmem>>
          %dma_wait3A_158 = arith.constant 0 : i32
          %dma_wait3A_159 = arith.constant 0 : i32
          %dma_wait3A_160 = tpu.memref_slice %arg13[%dma_wait3A_158, %dma_wait3A_159] : memref<10000x128xf32, #tpu.memory_space<vmem_shared>> -> memref<10000x128xf32, #tpu.memory_space<vmem_shared>>
          tpu.wait_indirect_dma semaphore(%run_scoped3A : memref<!tpu.dma_semaphore, #tpu.memory_space<semaphore_mem>>) src(%arg10 : memref<64x128xf32, #tpu.memory_space<vmem>>) dst(%dma_wait3A_160 : memref<10000x128xf32, #tpu.memory_space<vmem_shared>>)
          tpu.yield
        }) : () -> ()
        %add3A_102 = arith.constant 4 : i32
        %add3A_103 = arith.addi %add3A_73, %add3A_102 : i32
        %add3A_104 = arith.constant 1 : i32
        %add3A_105 = arith.addi %add3A_103, %add3A_104 : i32
        %lt3A_106 = arith.constant 20 : i32
        %lt3A_107 = arith.cmpi slt, %add3A_105, %lt3A_106 : i32
        %convert_element_type3A_108 = arith.extui %lt3A_107 : i1 to i32
        %cond3A_109 = arith.constant 0 : i32
        %cond3A_110 = arith.cmpi ne, %convert_element_type3A_108, %cond3A_109 : i32
        scf.if %cond3A_110 {
          %add3A_149 = arith.constant 4 : i32
          %add3A_150 = arith.addi %add3A_73, %add3A_149 : i32
          %add3A_151 = arith.constant 1 : i32
          %add3A_152 = arith.addi %add3A_150, %add3A_151 : i32
          %dma_start3A_153 = arith.constant 0 : i32
          %dma_start3A_154 = tpu.memref_slice %arg7[%add3A_152, %dma_start3A_153] : memref<40x64xi32, #tpu.memory_space<vmem>> -> memref<1x64xi32, #tpu.memory_space<vmem>>
          %dma_start3A_155 = tpu.memref_squeeze %dma_start3A_154 : memref<1x64xi32, #tpu.memory_space<vmem>> -> memref<64xi32, #tpu.memory_space<vmem>>
          %dma_start3A_156 = arith.constant 0 : i32
          %dma_start3A_157 = arith.constant 0 : i32
          %dma_start3A_158 = tpu.memref_slice %arg2[%dma_start3A_156, %dma_start3A_157] : memref<10000x128xf32, #tpu.memory_space<hbm>> -> memref<10000x128xf32, #tpu.memory_space<hbm>>
          tpu.enqueue_indirect_dma source(%dma_start3A_158 : memref<10000x128xf32, #tpu.memory_space<hbm>>) target(%arg10 : memref<64x128xf32, #tpu.memory_space<vmem>>) offsets(%dma_start3A_155 : memref<64xi32, #tpu.memory_space<vmem>>) semaphore(%arg15 : memref<!tpu.dma_semaphore, #tpu.memory_space<semaphore_mem>>)
        } else {
        }
        %add3A_111 = arith.constant 2 : i32
        %add3A_112 = arith.addi %add3A_73, %add3A_111 : i32
        %dma_wait3A_113 = arith.constant 0 : i32
        %dma_wait3A_114 = tpu.memref_slice %arg7[%add3A_112, %dma_wait3A_113] : memref<40x64xi32, #tpu.memory_space<vmem>> -> memref<1x64xi32, #tpu.memory_space<vmem>>
        %dma_wait3A_115 = tpu.memref_squeeze %dma_wait3A_114 : memref<1x64xi32, #tpu.memory_space<vmem>> -> memref<64xi32, #tpu.memory_space<vmem>>
        %dma_wait3A_116 = arith.constant 0 : i32
        %dma_wait3A_117 = arith.constant 0 : i32
        %dma_wait3A_118 = tpu.memref_slice %arg2[%dma_wait3A_116, %dma_wait3A_117] : memref<10000x128xf32, #tpu.memory_space<hbm>> -> memref<10000x128xf32, #tpu.memory_space<hbm>>
        tpu.wait_indirect_dma semaphore(%arg16 : memref<!tpu.dma_semaphore, #tpu.memory_space<semaphore_mem>>) src(%dma_wait3A_118 : memref<10000x128xf32, #tpu.memory_space<hbm>>) dst(%arg11 : memref<64x128xf32, #tpu.memory_space<vmem>>)
        %add3A_119 = arith.constant 2 : i32
        %add3A_120 = arith.addi %add3A_73, %add3A_119 : i32
        "tpu.region"() ({
          %run_scoped3A = tpu.sem_alloc : memref<!tpu.dma_semaphore, #tpu.memory_space<semaphore_mem>>
          %dma_start3A_149 = arith.constant 0 : i32
          %dma_start3A_150 = tpu.memref_slice %arg8[%add3A_120, %dma_start3A_149] : memref<40x64xi32, #tpu.memory_space<vmem>> -> memref<1x64xi32, #tpu.memory_space<vmem>>
          %dma_start3A_151 = tpu.memref_squeeze %dma_start3A_150 : memref<1x64xi32, #tpu.memory_space<vmem>> -> memref<64xi32, #tpu.memory_space<vmem>>
          %dma_start3A_152 = arith.constant 0 : i32
          %dma_start3A_153 = arith.constant 0 : i32
          %dma_start3A_154 = tpu.memref_slice %arg13[%dma_start3A_152, %dma_start3A_153] : memref<10000x128xf32, #tpu.memory_space<vmem_shared>> -> memref<10000x128xf32, #tpu.memory_space<vmem_shared>>
          tpu.enqueue_indirect_dma source(%arg11 : memref<64x128xf32, #tpu.memory_space<vmem>>) target(%dma_start3A_154 : memref<10000x128xf32, #tpu.memory_space<vmem_shared>>) offsets(%dma_start3A_151 : memref<64xi32, #tpu.memory_space<vmem>>) semaphore(%run_scoped3A : memref<!tpu.dma_semaphore, #tpu.memory_space<semaphore_mem>>) {add = true}
          %dma_wait3A_155 = arith.constant 0 : i32
          %dma_wait3A_156 = tpu.memref_slice %arg8[%add3A_120, %dma_wait3A_155] : memref<40x64xi32, #tpu.memory_space<vmem>> -> memref<1x64xi32, #tpu.memory_space<vmem>>
          %dma_wait3A_157 = tpu.memref_squeeze %dma_wait3A_156 : memref<1x64xi32, #tpu.memory_space<vmem>> -> memref<64xi32, #tpu.memory_space<vmem>>
          %dma_wait3A_158 = arith.constant 0 : i32
          %dma_wait3A_159 = arith.constant 0 : i32
          %dma_wait3A_160 = tpu.memref_slice %arg13[%dma_wait3A_158, %dma_wait3A_159] : memref<10000x128xf32, #tpu.memory_space<vmem_shared>> -> memref<10000x128xf32, #tpu.memory_space<vmem_shared>>
          tpu.wait_indirect_dma semaphore(%run_scoped3A : memref<!tpu.dma_semaphore, #tpu.memory_space<semaphore_mem>>) src(%arg11 : memref<64x128xf32, #tpu.memory_space<vmem>>) dst(%dma_wait3A_160 : memref<10000x128xf32, #tpu.memory_space<vmem_shared>>)
          tpu.yield
        }) : () -> ()
        %add3A_121 = arith.constant 4 : i32
        %add3A_122 = arith.addi %add3A_73, %add3A_121 : i32
        %add3A_123 = arith.constant 2 : i32
        %add3A_124 = arith.addi %add3A_122, %add3A_123 : i32
        %lt3A_125 = arith.constant 20 : i32
        %lt3A_126 = arith.cmpi slt, %add3A_124, %lt3A_125 : i32
        %convert_element_type3A_127 = arith.extui %lt3A_126 : i1 to i32
        %cond3A_128 = arith.constant 0 : i32
        %cond3A_129 = arith.cmpi ne, %convert_element_type3A_127, %cond3A_128 : i32
        scf.if %cond3A_129 {
          %add3A_149 = arith.constant 4 : i32
          %add3A_150 = arith.addi %add3A_73, %add3A_149 : i32
          %add3A_151 = arith.constant 2 : i32
          %add3A_152 = arith.addi %add3A_150, %add3A_151 : i32
          %dma_start3A_153 = arith.constant 0 : i32
          %dma_start3A_154 = tpu.memref_slice %arg7[%add3A_152, %dma_start3A_153] : memref<40x64xi32, #tpu.memory_space<vmem>> -> memref<1x64xi32, #tpu.memory_space<vmem>>
          %dma_start3A_155 = tpu.memref_squeeze %dma_start3A_154 : memref<1x64xi32, #tpu.memory_space<vmem>> -> memref<64xi32, #tpu.memory_space<vmem>>
          %dma_start3A_156 = arith.constant 0 : i32
          %dma_start3A_157 = arith.constant 0 : i32
          %dma_start3A_158 = tpu.memref_slice %arg2[%dma_start3A_156, %dma_start3A_157] : memref<10000x128xf32, #tpu.memory_space<hbm>> -> memref<10000x128xf32, #tpu.memory_space<hbm>>
          tpu.enqueue_indirect_dma source(%dma_start3A_158 : memref<10000x128xf32, #tpu.memory_space<hbm>>) target(%arg11 : memref<64x128xf32, #tpu.memory_space<vmem>>) offsets(%dma_start3A_155 : memref<64xi32, #tpu.memory_space<vmem>>) semaphore(%arg16 : memref<!tpu.dma_semaphore, #tpu.memory_space<semaphore_mem>>)
        } else {
        }
        %add3A_130 = arith.constant 3 : i32
        %add3A_131 = arith.addi %add3A_73, %add3A_130 : i32
        %dma_wait3A_132 = arith.constant 0 : i32
        %dma_wait3A_133 = tpu.memref_slice %arg7[%add3A_131, %dma_wait3A_132] : memref<40x64xi32, #tpu.memory_space<vmem>> -> memref<1x64xi32, #tpu.memory_space<vmem>>
        %dma_wait3A_134 = tpu.memref_squeeze %dma_wait3A_133 : memref<1x64xi32, #tpu.memory_space<vmem>> -> memref<64xi32, #tpu.memory_space<vmem>>
        %dma_wait3A_135 = arith.constant 0 : i32
        %dma_wait3A_136 = arith.constant 0 : i32
        %dma_wait3A_137 = tpu.memref_slice %arg2[%dma_wait3A_135, %dma_wait3A_136] : memref<10000x128xf32, #tpu.memory_space<hbm>> -> memref<10000x128xf32, #tpu.memory_space<hbm>>
        tpu.wait_indirect_dma semaphore(%arg17 : memref<!tpu.dma_semaphore, #tpu.memory_space<semaphore_mem>>) src(%dma_wait3A_137 : memref<10000x128xf32, #tpu.memory_space<hbm>>) dst(%arg12 : memref<64x128xf32, #tpu.memory_space<vmem>>)
        %add3A_138 = arith.constant 3 : i32
        %add3A_139 = arith.addi %add3A_73, %add3A_138 : i32
        "tpu.region"() ({
          %run_scoped3A = tpu.sem_alloc : memref<!tpu.dma_semaphore, #tpu.memory_space<semaphore_mem>>
          %dma_start3A_149 = arith.constant 0 : i32
          %dma_start3A_150 = tpu.memref_slice %arg8[%add3A_139, %dma_start3A_149] : memref<40x64xi32, #tpu.memory_space<vmem>> -> memref<1x64xi32, #tpu.memory_space<vmem>>
          %dma_start3A_151 = tpu.memref_squeeze %dma_start3A_150 : memref<1x64xi32, #tpu.memory_space<vmem>> -> memref<64xi32, #tpu.memory_space<vmem>>
          %dma_start3A_152 = arith.constant 0 : i32
          %dma_start3A_153 = arith.constant 0 : i32
          %dma_start3A_154 = tpu.memref_slice %arg13[%dma_start3A_152, %dma_start3A_153] : memref<10000x128xf32, #tpu.memory_space<vmem_shared>> -> memref<10000x128xf32, #tpu.memory_space<vmem_shared>>
          tpu.enqueue_indirect_dma source(%arg12 : memref<64x128xf32, #tpu.memory_space<vmem>>) target(%dma_start3A_154 : memref<10000x128xf32, #tpu.memory_space<vmem_shared>>) offsets(%dma_start3A_151 : memref<64xi32, #tpu.memory_space<vmem>>) semaphore(%run_scoped3A : memref<!tpu.dma_semaphore, #tpu.memory_space<semaphore_mem>>) {add = true}
          %dma_wait3A_155 = arith.constant 0 : i32
          %dma_wait3A_156 = tpu.memref_slice %arg8[%add3A_139, %dma_wait3A_155] : memref<40x64xi32, #tpu.memory_space<vmem>> -> memref<1x64xi32, #tpu.memory_space<vmem>>
          %dma_wait3A_157 = tpu.memref_squeeze %dma_wait3A_156 : memref<1x64xi32, #tpu.memory_space<vmem>> -> memref<64xi32, #tpu.memory_space<vmem>>
          %dma_wait3A_158 = arith.constant 0 : i32
          %dma_wait3A_159 = arith.constant 0 : i32
          %dma_wait3A_160 = tpu.memref_slice %arg13[%dma_wait3A_158, %dma_wait3A_159] : memref<10000x128xf32, #tpu.memory_space<vmem_shared>> -> memref<10000x128xf32, #tpu.memory_space<vmem_shared>>
          tpu.wait_indirect_dma semaphore(%run_scoped3A : memref<!tpu.dma_semaphore, #tpu.memory_space<semaphore_mem>>) src(%arg12 : memref<64x128xf32, #tpu.memory_space<vmem>>) dst(%dma_wait3A_160 : memref<10000x128xf32, #tpu.memory_space<vmem_shared>>)
          tpu.yield
        }) : () -> ()
        %add3A_140 = arith.constant 4 : i32
        %add3A_141 = arith.addi %add3A_73, %add3A_140 : i32
        %add3A_142 = arith.constant 3 : i32
        %add3A_143 = arith.addi %add3A_141, %add3A_142 : i32
        %lt3A_144 = arith.constant 20 : i32
        %lt3A_145 = arith.cmpi slt, %add3A_143, %lt3A_144 : i32
        %convert_element_type3A_146 = arith.extui %lt3A_145 : i1 to i32
        %cond3A_147 = arith.constant 0 : i32
        %cond3A_148 = arith.cmpi ne, %convert_element_type3A_146, %cond3A_147 : i32
        scf.if %cond3A_148 {
          %add3A_149 = arith.constant 4 : i32
          %add3A_150 = arith.addi %add3A_73, %add3A_149 : i32
          %add3A_151 = arith.constant 3 : i32
          %add3A_152 = arith.addi %add3A_150, %add3A_151 : i32
          %dma_start3A_153 = arith.constant 0 : i32
          %dma_start3A_154 = tpu.memref_slice %arg7[%add3A_152, %dma_start3A_153] : memref<40x64xi32, #tpu.memory_space<vmem>> -> memref<1x64xi32, #tpu.memory_space<vmem>>
          %dma_start3A_155 = tpu.memref_squeeze %dma_start3A_154 : memref<1x64xi32, #tpu.memory_space<vmem>> -> memref<64xi32, #tpu.memory_space<vmem>>
          %dma_start3A_156 = arith.constant 0 : i32
          %dma_start3A_157 = arith.constant 0 : i32
          %dma_start3A_158 = tpu.memref_slice %arg2[%dma_start3A_156, %dma_start3A_157] : memref<10000x128xf32, #tpu.memory_space<hbm>> -> memref<10000x128xf32, #tpu.memory_space<hbm>>
          tpu.enqueue_indirect_dma source(%dma_start3A_158 : memref<10000x128xf32, #tpu.memory_space<hbm>>) target(%arg12 : memref<64x128xf32, #tpu.memory_space<vmem>>) offsets(%dma_start3A_155 : memref<64xi32, #tpu.memory_space<vmem>>) semaphore(%arg17 : memref<!tpu.dma_semaphore, #tpu.memory_space<semaphore_mem>>)
        } else {
        }
      }
      %scan3A_68 = arith.constant 5 : i32
    } else {
    }
    %barrier3A_27 = arith.constant 0 : index
    tpu.barrier barrier_id(%barrier3A_27)
    %lt3A_28 = arith.constant 15 : i32
    %lt3A_29 = arith.cmpi slt, %arg1, %lt3A_28 : i32
    %convert_element_type3A_30 = arith.extui %lt3A_29 : i1 to i32
    %cond3A_31 = arith.constant 0 : i32
    %cond3A_32 = arith.cmpi ne, %convert_element_type3A_30, %cond3A_31 : i32
    scf.if %cond3A_32 {
      %mul3A_38 = arith.constant 624 : i32
      %mul3A_39 = arith.muli %arg1, %mul3A_38 : i32
      %mul3A_40 = arith.constant 624 : i32
      %mul3A_41 = arith.muli %arg1, %mul3A_40 : i32
      "tpu.region"() ({
        %run_scoped3A = tpu.sem_alloc : memref<!tpu.dma_semaphore, #tpu.memory_space<semaphore_mem>>
        %dma_start3A = arith.constant 0 : i32
        %dma_start3A_42 = tpu.memref_slice %arg6[%arg0, %mul3A_41, %dma_start3A] : memref<2x10000x128xf32, #tpu.memory_space<hbm>> -> memref<1x624x128xf32, #tpu.memory_space<hbm>>
        %dma_start3A_43 = tpu.memref_squeeze %dma_start3A_42 : memref<1x624x128xf32, #tpu.memory_space<hbm>> -> memref<624x128xf32, #tpu.memory_space<hbm>>
        %dma_start3A_44 = arith.constant 0 : i32
        %dma_start3A_45 = tpu.memref_slice %arg13[%mul3A_39, %dma_start3A_44] : memref<10000x128xf32, #tpu.memory_space<vmem_shared>> -> memref<624x128xf32, #tpu.memory_space<vmem_shared>>
        tpu.enqueue_dma source(%dma_start3A_45 : memref<624x128xf32, #tpu.memory_space<vmem_shared>>) target(%dma_start3A_43 : memref<624x128xf32, #tpu.memory_space<hbm>>) target_semaphore(%run_scoped3A : memref<!tpu.dma_semaphore, #tpu.memory_space<semaphore_mem>>)
        %dma_wait3A = arith.constant 0 : i32
        %dma_wait3A_46 = tpu.memref_slice %arg6[%arg0, %mul3A_41, %dma_wait3A] : memref<2x10000x128xf32, #tpu.memory_space<hbm>> -> memref<1x624x128xf32, #tpu.memory_space<hbm>>
        %dma_wait3A_47 = tpu.memref_squeeze %dma_wait3A_46 : memref<1x624x128xf32, #tpu.memory_space<hbm>> -> memref<624x128xf32, #tpu.memory_space<hbm>>
        %dma_wait3A_48 = arith.constant 0 : i32
        %dma_wait3A_49 = tpu.memref_slice %arg13[%mul3A_39, %dma_wait3A_48] : memref<10000x128xf32, #tpu.memory_space<vmem_shared>> -> memref<624x128xf32, #tpu.memory_space<vmem_shared>>
        tpu.wait_dma2 semaphore(%run_scoped3A : memref<!tpu.dma_semaphore, #tpu.memory_space<semaphore_mem>>) src(%dma_wait3A_49 : memref<624x128xf32, #tpu.memory_space<vmem_shared>>) dst(%dma_wait3A_47 : memref<624x128xf32, #tpu.memory_space<hbm>>)
        tpu.yield
      }) : () -> ()
    } else {
    }
    %eq3A_33 = arith.constant 15 : i32
    %eq3A_34 = arith.cmpi eq, %arg1, %eq3A_33 : i32
    %convert_element_type3A_35 = arith.extui %eq3A_34 : i1 to i32
    %cond3A_36 = arith.constant 0 : i32
    %cond3A_37 = arith.cmpi ne, %convert_element_type3A_35, %cond3A_36 : i32
    scf.if %cond3A_37 {
      "tpu.region"() ({
        %run_scoped3A = tpu.sem_alloc : memref<!tpu.dma_semaphore, #tpu.memory_space<semaphore_mem>>
        %dma_start3A = arith.constant 9360 : i32
        %dma_start3A_38 = arith.constant 0 : i32
        %dma_start3A_39 = tpu.memref_slice %arg6[%arg0, %dma_start3A, %dma_start3A_38] : memref<2x10000x128xf32, #tpu.memory_space<hbm>> -> memref<1x640x128xf32, #tpu.memory_space<hbm>>
        %dma_start3A_40 = tpu.memref_squeeze %dma_start3A_39 : memref<1x640x128xf32, #tpu.memory_space<hbm>> -> memref<640x128xf32, #tpu.memory_space<hbm>>
        %dma_start3A_41 = arith.constant 9360 : i32
        %dma_start3A_42 = arith.constant 0 : i32
        %dma_start3A_43 = tpu.memref_slice %arg13[%dma_start3A_41, %dma_start3A_42] : memref<10000x128xf32, #tpu.memory_space<vmem_shared>> -> memref<640x128xf32, #tpu.memory_space<vmem_shared>>
        tpu.enqueue_dma source(%dma_start3A_43 : memref<640x128xf32, #tpu.memory_space<vmem_shared>>) target(%dma_start3A_40 : memref<640x128xf32, #tpu.memory_space<hbm>>) target_semaphore(%run_scoped3A : memref<!tpu.dma_semaphore, #tpu.memory_space<semaphore_mem>>)
        %dma_wait3A = arith.constant 9360 : i32
        %dma_wait3A_44 = arith.constant 0 : i32
        %dma_wait3A_45 = tpu.memref_slice %arg6[%arg0, %dma_wait3A, %dma_wait3A_44] : memref<2x10000x128xf32, #tpu.memory_space<hbm>> -> memref<1x640x128xf32, #tpu.memory_space<hbm>>
        %dma_wait3A_46 = tpu.memref_squeeze %dma_wait3A_45 : memref<1x640x128xf32, #tpu.memory_space<hbm>> -> memref<640x128xf32, #tpu.memory_space<hbm>>
        %dma_wait3A_47 = arith.constant 9360 : i32
        %dma_wait3A_48 = arith.constant 0 : i32
        %dma_wait3A_49 = tpu.memref_slice %arg13[%dma_wait3A_47, %dma_wait3A_48] : memref<10000x128xf32, #tpu.memory_space<vmem_shared>> -> memref<640x128xf32, #tpu.memory_space<vmem_shared>>
        tpu.wait_dma2 semaphore(%run_scoped3A : memref<!tpu.dma_semaphore, #tpu.memory_space<semaphore_mem>>) src(%dma_wait3A_49 : memref<640x128xf32, #tpu.memory_space<vmem_shared>>) dst(%dma_wait3A_46 : memref<640x128xf32, #tpu.memory_space<hbm>>)
        tpu.yield
      }) : () -> ()
    } else {
    }
    return
  }
}

#map = affine_map<(d0, d1) -> (0, 0)>
#map1 = affine_map<(d0, d1) -> (0, 0, 0)>
module attributes {stable_mosaic.version = 14 : i64} {
  func.func @_prop(%arg0: i32, %arg1: i32, %arg2: memref<10000x128xf32, #tpu.memory_space<hbm>>, %arg3: memref<2500x64xi32, #tpu.memory_space<hbm>>, %arg4: memref<2500x64xi32, #tpu.memory_space<hbm>>, %arg5: memref<640x128xf32, #tpu.memory_space<hbm>>, %arg6: memref<2x10000x128xf32, #tpu.memory_space<hbm>>, %arg7: memref<40x64xi32, #tpu.memory_space<vmem>>, %arg8: memref<40x64xi32, #tpu.memory_space<vmem>>, %arg9: memref<64x128xf32, #tpu.memory_space<vmem>>, %arg10: memref<64x128xf32, #tpu.memory_space<vmem>>, %arg11: memref<64x128xf32, #tpu.memory_space<vmem>>, %arg12: memref<64x128xf32, #tpu.memory_space<vmem>>, %arg13: memref<10000x128xf32, #tpu.memory_space<vmem_shared>>, %arg14: memref<!tpu.dma_semaphore, #tpu.memory_space<semaphore_mem>>, %arg15: memref<!tpu.dma_semaphore, #tpu.memory_space<semaphore_mem>>, %arg16: memref<!tpu.dma_semaphore, #tpu.memory_space<semaphore_mem>>, %arg17: memref<!tpu.dma_semaphore, #tpu.memory_space<semaphore_mem>>) attributes {dimension_semantics = [#tpu.dimension_semantics<core_parallel>, #tpu.dimension_semantics<subcore_parallel>], iteration_bounds = array<i64: 2, 16>, scalar_prefetch = 0 : i64, scratch_operands = 11 : i64, tpu.core_type = #tpu.core_type<sc_vector_subcore>, window_params = [{transform_indices = #map}, {transform_indices = #map}, {transform_indices = #map}, {transform_indices = #map}, {transform_indices = #map1}]} {
    %mul3A = arith.constant 16 : i32
    %mul3A_0 = arith.muli %arg0, %mul3A : i32
    %add3A = arith.addi %mul3A_0, %arg1 : i32
    %lt3A = arith.constant 15 : i32
    %lt3A_1 = arith.cmpi slt, %arg1, %lt3A : i32
    %convert_element_type3A = arith.extui %lt3A_1 : i1 to i32
    %cond3A = arith.constant 0 : i32
    %cond3A_2 = arith.cmpi ne, %convert_element_type3A, %cond3A : i32
    scf.if %cond3A_2 {
      %mul3A_38 = arith.constant 624 : i32
      %mul3A_39 = arith.muli %arg1, %mul3A_38 : i32
      "tpu.region"() ({
        %run_scoped3A = tpu.sem_alloc : memref<!tpu.dma_semaphore, #tpu.memory_space<semaphore_mem>>
        %dma_start3A = arith.constant 0 : i32
        %dma_start3A_40 = tpu.memref_slice %arg13[%mul3A_39, %dma_start3A] : memref<10000x128xf32, #tpu.memory_space<vmem_shared>> -> memref<624x128xf32, #tpu.memory_space<vmem_shared>>
        %dma_start3A_41 = arith.constant 0 : i32
        %dma_start3A_42 = arith.constant 0 : i32
        %dma_start3A_43 = tpu.memref_slice %arg5[%dma_start3A_41, %dma_start3A_42] : memref<640x128xf32, #tpu.memory_space<hbm>> -> memref<624x128xf32, #tpu.memory_space<hbm>>
        tpu.enqueue_dma source(%dma_start3A_43 : memref<624x128xf32, #tpu.memory_space<hbm>>) target(%dma_start3A_40 : memref<624x128xf32, #tpu.memory_space<vmem_shared>>) target_semaphore(%run_scoped3A : memref<!tpu.dma_semaphore, #tpu.memory_space<semaphore_mem>>)
        %dma_wait3A = arith.constant 0 : i32
        %dma_wait3A_44 = tpu.memref_slice %arg13[%mul3A_39, %dma_wait3A] : memref<10000x128xf32, #tpu.memory_space<vmem_shared>> -> memref<624x128xf32, #tpu.memory_space<vmem_shared>>
        %dma_wait3A_45 = arith.constant 0 : i32
        %dma_wait3A_46 = arith.constant 0 : i32
        %dma_wait3A_47 = tpu.memref_slice %arg5[%dma_wait3A_45, %dma_wait3A_46] : memref<640x128xf32, #tpu.memory_space<hbm>> -> memref<624x128xf32, #tpu.memory_space<hbm>>
        tpu.wait_dma2 semaphore(%run_scoped3A : memref<!tpu.dma_semaphore, #tpu.memory_space<semaphore_mem>>) src(%dma_wait3A_47 : memref<624x128xf32, #tpu.memory_space<hbm>>) dst(%dma_wait3A_44 : memref<624x128xf32, #tpu.memory_space<vmem_shared>>)
        tpu.yield
      }) : () -> ()
    } else {
    }
    %eq3A = arith.constant 15 : i32
    %eq3A_3 = arith.cmpi eq, %arg1, %eq3A : i32
    %convert_element_type3A_4 = arith.extui %eq3A_3 : i1 to i32
    %cond3A_5 = arith.constant 0 : i32
    %cond3A_6 = arith.cmpi ne, %convert_element_type3A_4, %cond3A_5 : i32
    scf.if %cond3A_6 {
      "tpu.region"() ({
        %run_scoped3A = tpu.sem_alloc : memref<!tpu.dma_semaphore, #tpu.memory_space<semaphore_mem>>
        %dma_start3A = arith.constant 9360 : i32
        %dma_start3A_38 = arith.constant 0 : i32
        %dma_start3A_39 = tpu.memref_slice %arg13[%dma_start3A, %dma_start3A_38] : memref<10000x128xf32, #tpu.memory_space<vmem_shared>> -> memref<640x128xf32, #tpu.memory_space<vmem_shared>>
        tpu.enqueue_dma source(%arg5 : memref<640x128xf32, #tpu.memory_space<hbm>>) target(%dma_start3A_39 : memref<640x128xf32, #tpu.memory_space<vmem_shared>>) target_semaphore(%run_scoped3A : memref<!tpu.dma_semaphore, #tpu.memory_space<semaphore_mem>>)
        %dma_wait3A = arith.constant 9360 : i32
        %dma_wait3A_40 = arith.constant 0 : i32
        %dma_wait3A_41 = tpu.memref_slice %arg13[%dma_wait3A, %dma_wait3A_40] : memref<10000x128xf32, #tpu.memory_space<vmem_shared>> -> memref<640x128xf32, #tpu.memory_space<vmem_shared>>
        tpu.wait_dma2 semaphore(%run_scoped3A : memref<!tpu.dma_semaphore, #tpu.memory_space<semaphore_mem>>) src(%arg5 : memref<640x128xf32, #tpu.memory_space<hbm>>) dst(%dma_wait3A_41 : memref<640x128xf32, #tpu.memory_space<vmem_shared>>)
        tpu.yield
      }) : () -> ()
    } else {
    }
    %lt3A_7 = arith.constant 31 : i32
    %lt3A_8 = arith.cmpi slt, %add3A, %lt3A_7 : i32
    %convert_element_type3A_9 = arith.extui %lt3A_8 : i1 to i32
    %cond3A_10 = arith.constant 0 : i32
    %cond3A_11 = arith.cmpi ne, %convert_element_type3A_9, %cond3A_10 : i32
    scf.if %cond3A_11 {
      %mul3A_38 = arith.constant 80 : i32
      %mul3A_39 = arith.muli %add3A, %mul3A_38 : i32
      "tpu.region"() ({
        %run_scoped3A = tpu.sem_alloc : memref<!tpu.dma_semaphore, #tpu.memory_space<semaphore_mem>>
        %dma_start3A = arith.constant 0 : i32
        %dma_start3A_42 = tpu.memref_slice %arg3[%mul3A_39, %dma_start3A] : memref<2500x64xi32, #tpu.memory_space<hbm>> -> memref<40x64xi32, #tpu.memory_space<hbm>>
        %dma_start3A_43 = arith.constant 0 : i32
        %dma_start3A_44 = tpu.memref_slice %arg3[%mul3A_39, %dma_start3A_43] : memref<2500x64xi32, #tpu.memory_space<hbm>> -> memref<40x64xi32, #tpu.memory_space<hbm>>
        tpu.enqueue_dma source(%dma_start3A_44 : memref<40x64xi32, #tpu.memory_space<hbm>>) target(%arg7 : memref<40x64xi32, #tpu.memory_space<vmem>>) target_semaphore(%run_scoped3A : memref<!tpu.dma_semaphore, #tpu.memory_space<semaphore_mem>>)
        %dma_wait3A = arith.constant 0 : i32
        %dma_wait3A_45 = tpu.memref_slice %arg3[%mul3A_39, %dma_wait3A] : memref<2500x64xi32, #tpu.memory_space<hbm>> -> memref<40x64xi32, #tpu.memory_space<hbm>>
        %dma_wait3A_46 = arith.constant 0 : i32
        %dma_wait3A_47 = tpu.memref_slice %arg3[%mul3A_39, %dma_wait3A_46] : memref<2500x64xi32, #tpu.memory_space<hbm>> -> memref<40x64xi32, #tpu.memory_space<hbm>>
        tpu.wait_dma2 semaphore(%run_scoped3A : memref<!tpu.dma_semaphore, #tpu.memory_space<semaphore_mem>>) src(%dma_wait3A_47 : memref<40x64xi32, #tpu.memory_space<hbm>>) dst(%arg7 : memref<40x64xi32, #tpu.memory_space<vmem>>)
        tpu.yield
      }) : () -> ()
      %mul3A_40 = arith.constant 80 : i32
      %mul3A_41 = arith.muli %add3A, %mul3A_40 : i32
      "tpu.region"() ({
        %run_scoped3A = tpu.sem_alloc : memref<!tpu.dma_semaphore, #tpu.memory_space<semaphore_mem>>
        %dma_start3A = arith.constant 0 : i32
        %dma_start3A_42 = tpu.memref_slice %arg4[%mul3A_41, %dma_start3A] : memref<2500x64xi32, #tpu.memory_space<hbm>> -> memref<40x64xi32, #tpu.memory_space<hbm>>
        %dma_start3A_43 = arith.constant 0 : i32
        %dma_start3A_44 = tpu.memref_slice %arg4[%mul3A_41, %dma_start3A_43] : memref<2500x64xi32, #tpu.memory_space<hbm>> -> memref<40x64xi32, #tpu.memory_space<hbm>>
        tpu.enqueue_dma source(%dma_start3A_44 : memref<40x64xi32, #tpu.memory_space<hbm>>) target(%arg8 : memref<40x64xi32, #tpu.memory_space<vmem>>) target_semaphore(%run_scoped3A : memref<!tpu.dma_semaphore, #tpu.memory_space<semaphore_mem>>)
        %dma_wait3A = arith.constant 0 : i32
        %dma_wait3A_45 = tpu.memref_slice %arg4[%mul3A_41, %dma_wait3A] : memref<2500x64xi32, #tpu.memory_space<hbm>> -> memref<40x64xi32, #tpu.memory_space<hbm>>
        %dma_wait3A_46 = arith.constant 0 : i32
        %dma_wait3A_47 = tpu.memref_slice %arg4[%mul3A_41, %dma_wait3A_46] : memref<2500x64xi32, #tpu.memory_space<hbm>> -> memref<40x64xi32, #tpu.memory_space<hbm>>
        tpu.wait_dma2 semaphore(%run_scoped3A : memref<!tpu.dma_semaphore, #tpu.memory_space<semaphore_mem>>) src(%dma_wait3A_47 : memref<40x64xi32, #tpu.memory_space<hbm>>) dst(%arg8 : memref<40x64xi32, #tpu.memory_space<vmem>>)
        tpu.yield
      }) : () -> ()
    } else {
    }
    %eq3A_12 = arith.constant 31 : i32
    %eq3A_13 = arith.cmpi eq, %add3A, %eq3A_12 : i32
    %convert_element_type3A_14 = arith.extui %eq3A_13 : i1 to i32
    %cond3A_15 = arith.constant 0 : i32
    %cond3A_16 = arith.cmpi ne, %convert_element_type3A_14, %cond3A_15 : i32
    scf.if %cond3A_16 {
      "tpu.region"() ({
        %run_scoped3A = tpu.sem_alloc : memref<!tpu.dma_semaphore, #tpu.memory_space<semaphore_mem>>
        %dma_start3A = arith.constant 0 : i32
        %dma_start3A_38 = arith.constant 0 : i32
        %dma_start3A_39 = tpu.memref_slice %arg7[%dma_start3A, %dma_start3A_38] : memref<40x64xi32, #tpu.memory_space<vmem>> -> memref<20x64xi32, #tpu.memory_space<vmem>>
        %dma_start3A_40 = arith.constant 2480 : i32
        %dma_start3A_41 = arith.constant 0 : i32
        %dma_start3A_42 = tpu.memref_slice %arg3[%dma_start3A_40, %dma_start3A_41] : memref<2500x64xi32, #tpu.memory_space<hbm>> -> memref<20x64xi32, #tpu.memory_space<hbm>>
        %dma_start3A_43 = arith.constant 0 : i32
        %dma_start3A_44 = arith.constant 0 : i32
        %dma_start3A_45 = tpu.memref_slice %arg7[%dma_start3A_43, %dma_start3A_44] : memref<40x64xi32, #tpu.memory_space<vmem>> -> memref<20x64xi32, #tpu.memory_space<vmem>>
        %dma_start3A_46 = arith.constant 2480 : i32
        %dma_start3A_47 = arith.constant 0 : i32
        %dma_start3A_48 = tpu.memref_slice %arg3[%dma_start3A_46, %dma_start3A_47] : memref<2500x64xi32, #tpu.memory_space<hbm>> -> memref<20x64xi32, #tpu.memory_space<hbm>>
        tpu.enqueue_dma source(%dma_start3A_48 : memref<20x64xi32, #tpu.memory_space<hbm>>) target(%dma_start3A_45 : memref<20x64xi32, #tpu.memory_space<vmem>>) target_semaphore(%run_scoped3A : memref<!tpu.dma_semaphore, #tpu.memory_space<semaphore_mem>>)
        %dma_wait3A = arith.constant 0 : i32
        %dma_wait3A_49 = arith.constant 0 : i32
        %dma_wait3A_50 = tpu.memref_slice %arg7[%dma_wait3A, %dma_wait3A_49] : memref<40x64xi32, #tpu.memory_space<vmem>> -> memref<20x64xi32, #tpu.memory_space<vmem>>
        %dma_wait3A_51 = arith.constant 2480 : i32
        %dma_wait3A_52 = arith.constant 0 : i32
        %dma_wait3A_53 = tpu.memref_slice %arg3[%dma_wait3A_51, %dma_wait3A_52] : memref<2500x64xi32, #tpu.memory_space<hbm>> -> memref<20x64xi32, #tpu.memory_space<hbm>>
        %dma_wait3A_54 = arith.constant 0 : i32
        %dma_wait3A_55 = arith.constant 0 : i32
        %dma_wait3A_56 = tpu.memref_slice %arg7[%dma_wait3A_54, %dma_wait3A_55] : memref<40x64xi32, #tpu.memory_space<vmem>> -> memref<20x64xi32, #tpu.memory_space<vmem>>
        %dma_wait3A_57 = arith.constant 2480 : i32
        %dma_wait3A_58 = arith.constant 0 : i32
        %dma_wait3A_59 = tpu.memref_slice %arg3[%dma_wait3A_57, %dma_wait3A_58] : memref<2500x64xi32, #tpu.memory_space<hbm>> -> memref<20x64xi32, #tpu.memory_space<hbm>>
        tpu.wait_dma2 semaphore(%run_scoped3A : memref<!tpu.dma_semaphore, #tpu.memory_space<semaphore_mem>>) src(%dma_wait3A_59 : memref<20x64xi32, #tpu.memory_space<hbm>>) dst(%dma_wait3A_56 : memref<20x64xi32, #tpu.memory_space<vmem>>)
        tpu.yield
      }) : () -> ()
      "tpu.region"() ({
        %run_scoped3A = tpu.sem_alloc : memref<!tpu.dma_semaphore, #tpu.memory_space<semaphore_mem>>
        %dma_start3A = arith.constant 0 : i32
        %dma_start3A_38 = arith.constant 0 : i32
        %dma_start3A_39 = tpu.memref_slice %arg8[%dma_start3A, %dma_start3A_38] : memref<40x64xi32, #tpu.memory_space<vmem>> -> memref<20x64xi32, #tpu.memory_space<vmem>>
        %dma_start3A_40 = arith.constant 2480 : i32
        %dma_start3A_41 = arith.constant 0 : i32
        %dma_start3A_42 = tpu.memref_slice %arg4[%dma_start3A_40, %dma_start3A_41] : memref<2500x64xi32, #tpu.memory_space<hbm>> -> memref<20x64xi32, #tpu.memory_space<hbm>>
        %dma_start3A_43 = arith.constant 0 : i32
        %dma_start3A_44 = arith.constant 0 : i32
        %dma_start3A_45 = tpu.memref_slice %arg8[%dma_start3A_43, %dma_start3A_44] : memref<40x64xi32, #tpu.memory_space<vmem>> -> memref<20x64xi32, #tpu.memory_space<vmem>>
        %dma_start3A_46 = arith.constant 2480 : i32
        %dma_start3A_47 = arith.constant 0 : i32
        %dma_start3A_48 = tpu.memref_slice %arg4[%dma_start3A_46, %dma_start3A_47] : memref<2500x64xi32, #tpu.memory_space<hbm>> -> memref<20x64xi32, #tpu.memory_space<hbm>>
        tpu.enqueue_dma source(%dma_start3A_48 : memref<20x64xi32, #tpu.memory_space<hbm>>) target(%dma_start3A_45 : memref<20x64xi32, #tpu.memory_space<vmem>>) target_semaphore(%run_scoped3A : memref<!tpu.dma_semaphore, #tpu.memory_space<semaphore_mem>>)
        %dma_wait3A = arith.constant 0 : i32
        %dma_wait3A_49 = arith.constant 0 : i32
        %dma_wait3A_50 = tpu.memref_slice %arg8[%dma_wait3A, %dma_wait3A_49] : memref<40x64xi32, #tpu.memory_space<vmem>> -> memref<20x64xi32, #tpu.memory_space<vmem>>
        %dma_wait3A_51 = arith.constant 2480 : i32
        %dma_wait3A_52 = arith.constant 0 : i32
        %dma_wait3A_53 = tpu.memref_slice %arg4[%dma_wait3A_51, %dma_wait3A_52] : memref<2500x64xi32, #tpu.memory_space<hbm>> -> memref<20x64xi32, #tpu.memory_space<hbm>>
        %dma_wait3A_54 = arith.constant 0 : i32
        %dma_wait3A_55 = arith.constant 0 : i32
        %dma_wait3A_56 = tpu.memref_slice %arg8[%dma_wait3A_54, %dma_wait3A_55] : memref<40x64xi32, #tpu.memory_space<vmem>> -> memref<20x64xi32, #tpu.memory_space<vmem>>
        %dma_wait3A_57 = arith.constant 2480 : i32
        %dma_wait3A_58 = arith.constant 0 : i32
        %dma_wait3A_59 = tpu.memref_slice %arg4[%dma_wait3A_57, %dma_wait3A_58] : memref<2500x64xi32, #tpu.memory_space<hbm>> -> memref<20x64xi32, #tpu.memory_space<hbm>>
        tpu.wait_dma2 semaphore(%run_scoped3A : memref<!tpu.dma_semaphore, #tpu.memory_space<semaphore_mem>>) src(%dma_wait3A_59 : memref<20x64xi32, #tpu.memory_space<hbm>>) dst(%dma_wait3A_56 : memref<20x64xi32, #tpu.memory_space<vmem>>)
        tpu.yield
      }) : () -> ()
    } else {
    }
    %barrier3A = arith.constant 0 : index
    tpu.barrier barrier_id(%barrier3A)
    %lt3A_17 = arith.constant 31 : i32
    %lt3A_18 = arith.cmpi slt, %add3A, %lt3A_17 : i32
    %convert_element_type3A_19 = arith.extui %lt3A_18 : i1 to i32
    %cond3A_20 = arith.constant 0 : i32
    %cond3A_21 = arith.cmpi ne, %convert_element_type3A_19, %cond3A_20 : i32
    scf.if %cond3A_21 {
      %dma_start3A = arith.constant 0 : i32
      %dma_start3A_38 = arith.constant 0 : i32
      %dma_start3A_39 = tpu.memref_slice %arg7[%dma_start3A, %dma_start3A_38] : memref<40x64xi32, #tpu.memory_space<vmem>> -> memref<1x64xi32, #tpu.memory_space<vmem>>
      %dma_start3A_40 = tpu.memref_squeeze %dma_start3A_39 : memref<1x64xi32, #tpu.memory_space<vmem>> -> memref<64xi32, #tpu.memory_space<vmem>>
      %dma_start3A_41 = arith.constant 0 : i32
      %dma_start3A_42 = arith.constant 0 : i32
      %dma_start3A_43 = tpu.memref_slice %arg2[%dma_start3A_41, %dma_start3A_42] : memref<10000x128xf32, #tpu.memory_space<hbm>> -> memref<10000x128xf32, #tpu.memory_space<hbm>>
      tpu.enqueue_indirect_dma source(%dma_start3A_43 : memref<10000x128xf32, #tpu.memory_space<hbm>>) target(%arg9 : memref<64x128xf32, #tpu.memory_space<vmem>>) offsets(%dma_start3A_40 : memref<64xi32, #tpu.memory_space<vmem>>) semaphore(%arg14 : memref<!tpu.dma_semaphore, #tpu.memory_space<semaphore_mem>>)
      %dma_start3A_44 = arith.constant 1 : i32
      %dma_start3A_45 = arith.constant 0 : i32
      %dma_start3A_46 = tpu.memref_slice %arg7[%dma_start3A_44, %dma_start3A_45] : memref<40x64xi32, #tpu.memory_space<vmem>> -> memref<1x64xi32, #tpu.memory_space<vmem>>
      %dma_start3A_47 = tpu.memref_squeeze %dma_start3A_46 : memref<1x64xi32, #tpu.memory_space<vmem>> -> memref<64xi32, #tpu.memory_space<vmem>>
      %dma_start3A_48 = arith.constant 0 : i32
      %dma_start3A_49 = arith.constant 0 : i32
      %dma_start3A_50 = tpu.memref_slice %arg2[%dma_start3A_48, %dma_start3A_49] : memref<10000x128xf32, #tpu.memory_space<hbm>> -> memref<10000x128xf32, #tpu.memory_space<hbm>>
      tpu.enqueue_indirect_dma source(%dma_start3A_50 : memref<10000x128xf32, #tpu.memory_space<hbm>>) target(%arg10 : memref<64x128xf32, #tpu.memory_space<vmem>>) offsets(%dma_start3A_47 : memref<64xi32, #tpu.memory_space<vmem>>) semaphore(%arg15 : memref<!tpu.dma_semaphore, #tpu.memory_space<semaphore_mem>>)
      %dma_start3A_51 = arith.constant 2 : i32
      %dma_start3A_52 = arith.constant 0 : i32
      %dma_start3A_53 = tpu.memref_slice %arg7[%dma_start3A_51, %dma_start3A_52] : memref<40x64xi32, #tpu.memory_space<vmem>> -> memref<1x64xi32, #tpu.memory_space<vmem>>
      %dma_start3A_54 = tpu.memref_squeeze %dma_start3A_53 : memref<1x64xi32, #tpu.memory_space<vmem>> -> memref<64xi32, #tpu.memory_space<vmem>>
      %dma_start3A_55 = arith.constant 0 : i32
      %dma_start3A_56 = arith.constant 0 : i32
      %dma_start3A_57 = tpu.memref_slice %arg2[%dma_start3A_55, %dma_start3A_56] : memref<10000x128xf32, #tpu.memory_space<hbm>> -> memref<10000x128xf32, #tpu.memory_space<hbm>>
      tpu.enqueue_indirect_dma source(%dma_start3A_57 : memref<10000x128xf32, #tpu.memory_space<hbm>>) target(%arg11 : memref<64x128xf32, #tpu.memory_space<vmem>>) offsets(%dma_start3A_54 : memref<64xi32, #tpu.memory_space<vmem>>) semaphore(%arg16 : memref<!tpu.dma_semaphore, #tpu.memory_space<semaphore_mem>>)
      %dma_start3A_58 = arith.constant 3 : i32
      %dma_start3A_59 = arith.constant 0 : i32
      %dma_start3A_60 = tpu.memref_slice %arg7[%dma_start3A_58, %dma_start3A_59] : memref<40x64xi32, #tpu.memory_space<vmem>> -> memref<1x64xi32, #tpu.memory_space<vmem>>
      %dma_start3A_61 = tpu.memref_squeeze %dma_start3A_60 : memref<1x64xi32, #tpu.memory_space<vmem>> -> memref<64xi32, #tpu.memory_space<vmem>>
      %dma_start3A_62 = arith.constant 0 : i32
      %dma_start3A_63 = arith.constant 0 : i32
      %dma_start3A_64 = tpu.memref_slice %arg2[%dma_start3A_62, %dma_start3A_63] : memref<10000x128xf32, #tpu.memory_space<hbm>> -> memref<10000x128xf32, #tpu.memory_space<hbm>>
      tpu.enqueue_indirect_dma source(%dma_start3A_64 : memref<10000x128xf32, #tpu.memory_space<hbm>>) target(%arg12 : memref<64x128xf32, #tpu.memory_space<vmem>>) offsets(%dma_start3A_61 : memref<64xi32, #tpu.memory_space<vmem>>) semaphore(%arg17 : memref<!tpu.dma_semaphore, #tpu.memory_space<semaphore_mem>>)
      %scan3A = arith.constant 0 : i32
      %scan3A_65 = arith.constant 10 : i32
      %scan3A_66 = arith.addi %scan3A, %scan3A_65 : i32
      %scan3A_67 = arith.constant 1 : i32
      scf.for %scan3A_110 = %scan3A to %scan3A_66 step %scan3A_67  : i32 {
        %mul3A_111 = arith.constant 4 : i32
        %mul3A_112 = arith.muli %scan3A_110, %mul3A_111 : i32
        %add3A_113 = arith.constant 0 : i32
        %add3A_114 = arith.addi %add3A_113, %mul3A_112 : i32
        %add3A_115 = arith.constant 0 : i32
        %add3A_116 = arith.addi %add3A_114, %add3A_115 : i32
        %dma_wait3A = arith.constant 0 : i32
        %dma_wait3A_117 = tpu.memref_slice %arg7[%add3A_116, %dma_wait3A] : memref<40x64xi32, #tpu.memory_space<vmem>> -> memref<1x64xi32, #tpu.memory_space<vmem>>
        %dma_wait3A_118 = tpu.memref_squeeze %dma_wait3A_117 : memref<1x64xi32, #tpu.memory_space<vmem>> -> memref<64xi32, #tpu.memory_space<vmem>>
        %dma_wait3A_119 = arith.constant 0 : i32
        %dma_wait3A_120 = arith.constant 0 : i32
        %dma_wait3A_121 = tpu.memref_slice %arg2[%dma_wait3A_119, %dma_wait3A_120] : memref<10000x128xf32, #tpu.memory_space<hbm>> -> memref<10000x128xf32, #tpu.memory_space<hbm>>
        tpu.wait_indirect_dma semaphore(%arg14 : memref<!tpu.dma_semaphore, #tpu.memory_space<semaphore_mem>>) src(%dma_wait3A_121 : memref<10000x128xf32, #tpu.memory_space<hbm>>) dst(%arg9 : memref<64x128xf32, #tpu.memory_space<vmem>>)
        %add3A_122 = arith.constant 0 : i32
        %add3A_123 = arith.addi %add3A_114, %add3A_122 : i32
        "tpu.region"() ({
          %run_scoped3A = tpu.sem_alloc : memref<!tpu.dma_semaphore, #tpu.memory_space<semaphore_mem>>
          %dma_start3A_190 = arith.constant 0 : i32
          %dma_start3A_191 = tpu.memref_slice %arg8[%add3A_123, %dma_start3A_190] : memref<40x64xi32, #tpu.memory_space<vmem>> -> memref<1x64xi32, #tpu.memory_space<vmem>>
          %dma_start3A_192 = tpu.memref_squeeze %dma_start3A_191 : memref<1x64xi32, #tpu.memory_space<vmem>> -> memref<64xi32, #tpu.memory_space<vmem>>
          %dma_start3A_193 = arith.constant 0 : i32
          %dma_start3A_194 = arith.constant 0 : i32
          %dma_start3A_195 = tpu.memref_slice %arg13[%dma_start3A_193, %dma_start3A_194] : memref<10000x128xf32, #tpu.memory_space<vmem_shared>> -> memref<10000x128xf32, #tpu.memory_space<vmem_shared>>
          tpu.enqueue_indirect_dma source(%arg9 : memref<64x128xf32, #tpu.memory_space<vmem>>) target(%dma_start3A_195 : memref<10000x128xf32, #tpu.memory_space<vmem_shared>>) offsets(%dma_start3A_192 : memref<64xi32, #tpu.memory_space<vmem>>) semaphore(%run_scoped3A : memref<!tpu.dma_semaphore, #tpu.memory_space<semaphore_mem>>) {add = true}
          %dma_wait3A_196 = arith.constant 0 : i32
          %dma_wait3A_197 = tpu.memref_slice %arg8[%add3A_123, %dma_wait3A_196] : memref<40x64xi32, #tpu.memory_space<vmem>> -> memref<1x64xi32, #tpu.memory_space<vmem>>
          %dma_wait3A_198 = tpu.memref_squeeze %dma_wait3A_197 : memref<1x64xi32, #tpu.memory_space<vmem>> -> memref<64xi32, #tpu.memory_space<vmem>>
          %dma_wait3A_199 = arith.constant 0 : i32
          %dma_wait3A_200 = arith.constant 0 : i32
          %dma_wait3A_201 = tpu.memref_slice %arg13[%dma_wait3A_199, %dma_wait3A_200] : memref<10000x128xf32, #tpu.memory_space<vmem_shared>> -> memref<10000x128xf32, #tpu.memory_space<vmem_shared>>
          tpu.wait_indirect_dma semaphore(%run_scoped3A : memref<!tpu.dma_semaphore, #tpu.memory_space<semaphore_mem>>) src(%arg9 : memref<64x128xf32, #tpu.memory_space<vmem>>) dst(%dma_wait3A_201 : memref<10000x128xf32, #tpu.memory_space<vmem_shared>>)
          tpu.yield
        }) : () -> ()
        %add3A_124 = arith.constant 4 : i32
        %add3A_125 = arith.addi %add3A_114, %add3A_124 : i32
        %add3A_126 = arith.constant 0 : i32
        %add3A_127 = arith.addi %add3A_125, %add3A_126 : i32
        %lt3A_128 = arith.constant 40 : i32
        %lt3A_129 = arith.cmpi slt, %add3A_127, %lt3A_128 : i32
        %convert_element_type3A_130 = arith.extui %lt3A_129 : i1 to i32
        %cond3A_131 = arith.constant 0 : i32
        %cond3A_132 = arith.cmpi ne, %convert_element_type3A_130, %cond3A_131 : i32
        scf.if %cond3A_132 {
          %add3A_190 = arith.constant 4 : i32
          %add3A_191 = arith.addi %add3A_114, %add3A_190 : i32
          %add3A_192 = arith.constant 0 : i32
          %add3A_193 = arith.addi %add3A_191, %add3A_192 : i32
          %dma_start3A_194 = arith.constant 0 : i32
          %dma_start3A_195 = tpu.memref_slice %arg7[%add3A_193, %dma_start3A_194] : memref<40x64xi32, #tpu.memory_space<vmem>> -> memref<1x64xi32, #tpu.memory_space<vmem>>
          %dma_start3A_196 = tpu.memref_squeeze %dma_start3A_195 : memref<1x64xi32, #tpu.memory_space<vmem>> -> memref<64xi32, #tpu.memory_space<vmem>>
          %dma_start3A_197 = arith.constant 0 : i32
          %dma_start3A_198 = arith.constant 0 : i32
          %dma_start3A_199 = tpu.memref_slice %arg2[%dma_start3A_197, %dma_start3A_198] : memref<10000x128xf32, #tpu.memory_space<hbm>> -> memref<10000x128xf32, #tpu.memory_space<hbm>>
          tpu.enqueue_indirect_dma source(%dma_start3A_199 : memref<10000x128xf32, #tpu.memory_space<hbm>>) target(%arg9 : memref<64x128xf32, #tpu.memory_space<vmem>>) offsets(%dma_start3A_196 : memref<64xi32, #tpu.memory_space<vmem>>) semaphore(%arg14 : memref<!tpu.dma_semaphore, #tpu.memory_space<semaphore_mem>>)
        } else {
        }
        %add3A_133 = arith.constant 1 : i32
        %add3A_134 = arith.addi %add3A_114, %add3A_133 : i32
        %dma_wait3A_135 = arith.constant 0 : i32
        %dma_wait3A_136 = tpu.memref_slice %arg7[%add3A_134, %dma_wait3A_135] : memref<40x64xi32, #tpu.memory_space<vmem>> -> memref<1x64xi32, #tpu.memory_space<vmem>>
        %dma_wait3A_137 = tpu.memref_squeeze %dma_wait3A_136 : memref<1x64xi32, #tpu.memory_space<vmem>> -> memref<64xi32, #tpu.memory_space<vmem>>
        %dma_wait3A_138 = arith.constant 0 : i32
        %dma_wait3A_139 = arith.constant 0 : i32
        %dma_wait3A_140 = tpu.memref_slice %arg2[%dma_wait3A_138, %dma_wait3A_139] : memref<10000x128xf32, #tpu.memory_space<hbm>> -> memref<10000x128xf32, #tpu.memory_space<hbm>>
        tpu.wait_indirect_dma semaphore(%arg15 : memref<!tpu.dma_semaphore, #tpu.memory_space<semaphore_mem>>) src(%dma_wait3A_140 : memref<10000x128xf32, #tpu.memory_space<hbm>>) dst(%arg10 : memref<64x128xf32, #tpu.memory_space<vmem>>)
        %add3A_141 = arith.constant 1 : i32
        %add3A_142 = arith.addi %add3A_114, %add3A_141 : i32
        "tpu.region"() ({
          %run_scoped3A = tpu.sem_alloc : memref<!tpu.dma_semaphore, #tpu.memory_space<semaphore_mem>>
          %dma_start3A_190 = arith.constant 0 : i32
          %dma_start3A_191 = tpu.memref_slice %arg8[%add3A_142, %dma_start3A_190] : memref<40x64xi32, #tpu.memory_space<vmem>> -> memref<1x64xi32, #tpu.memory_space<vmem>>
          %dma_start3A_192 = tpu.memref_squeeze %dma_start3A_191 : memref<1x64xi32, #tpu.memory_space<vmem>> -> memref<64xi32, #tpu.memory_space<vmem>>
          %dma_start3A_193 = arith.constant 0 : i32
          %dma_start3A_194 = arith.constant 0 : i32
          %dma_start3A_195 = tpu.memref_slice %arg13[%dma_start3A_193, %dma_start3A_194] : memref<10000x128xf32, #tpu.memory_space<vmem_shared>> -> memref<10000x128xf32, #tpu.memory_space<vmem_shared>>
          tpu.enqueue_indirect_dma source(%arg10 : memref<64x128xf32, #tpu.memory_space<vmem>>) target(%dma_start3A_195 : memref<10000x128xf32, #tpu.memory_space<vmem_shared>>) offsets(%dma_start3A_192 : memref<64xi32, #tpu.memory_space<vmem>>) semaphore(%run_scoped3A : memref<!tpu.dma_semaphore, #tpu.memory_space<semaphore_mem>>) {add = true}
          %dma_wait3A_196 = arith.constant 0 : i32
          %dma_wait3A_197 = tpu.memref_slice %arg8[%add3A_142, %dma_wait3A_196] : memref<40x64xi32, #tpu.memory_space<vmem>> -> memref<1x64xi32, #tpu.memory_space<vmem>>
          %dma_wait3A_198 = tpu.memref_squeeze %dma_wait3A_197 : memref<1x64xi32, #tpu.memory_space<vmem>> -> memref<64xi32, #tpu.memory_space<vmem>>
          %dma_wait3A_199 = arith.constant 0 : i32
          %dma_wait3A_200 = arith.constant 0 : i32
          %dma_wait3A_201 = tpu.memref_slice %arg13[%dma_wait3A_199, %dma_wait3A_200] : memref<10000x128xf32, #tpu.memory_space<vmem_shared>> -> memref<10000x128xf32, #tpu.memory_space<vmem_shared>>
          tpu.wait_indirect_dma semaphore(%run_scoped3A : memref<!tpu.dma_semaphore, #tpu.memory_space<semaphore_mem>>) src(%arg10 : memref<64x128xf32, #tpu.memory_space<vmem>>) dst(%dma_wait3A_201 : memref<10000x128xf32, #tpu.memory_space<vmem_shared>>)
          tpu.yield
        }) : () -> ()
        %add3A_143 = arith.constant 4 : i32
        %add3A_144 = arith.addi %add3A_114, %add3A_143 : i32
        %add3A_145 = arith.constant 1 : i32
        %add3A_146 = arith.addi %add3A_144, %add3A_145 : i32
        %lt3A_147 = arith.constant 40 : i32
        %lt3A_148 = arith.cmpi slt, %add3A_146, %lt3A_147 : i32
        %convert_element_type3A_149 = arith.extui %lt3A_148 : i1 to i32
        %cond3A_150 = arith.constant 0 : i32
        %cond3A_151 = arith.cmpi ne, %convert_element_type3A_149, %cond3A_150 : i32
        scf.if %cond3A_151 {
          %add3A_190 = arith.constant 4 : i32
          %add3A_191 = arith.addi %add3A_114, %add3A_190 : i32
          %add3A_192 = arith.constant 1 : i32
          %add3A_193 = arith.addi %add3A_191, %add3A_192 : i32
          %dma_start3A_194 = arith.constant 0 : i32
          %dma_start3A_195 = tpu.memref_slice %arg7[%add3A_193, %dma_start3A_194] : memref<40x64xi32, #tpu.memory_space<vmem>> -> memref<1x64xi32, #tpu.memory_space<vmem>>
          %dma_start3A_196 = tpu.memref_squeeze %dma_start3A_195 : memref<1x64xi32, #tpu.memory_space<vmem>> -> memref<64xi32, #tpu.memory_space<vmem>>
          %dma_start3A_197 = arith.constant 0 : i32
          %dma_start3A_198 = arith.constant 0 : i32
          %dma_start3A_199 = tpu.memref_slice %arg2[%dma_start3A_197, %dma_start3A_198] : memref<10000x128xf32, #tpu.memory_space<hbm>> -> memref<10000x128xf32, #tpu.memory_space<hbm>>
          tpu.enqueue_indirect_dma source(%dma_start3A_199 : memref<10000x128xf32, #tpu.memory_space<hbm>>) target(%arg10 : memref<64x128xf32, #tpu.memory_space<vmem>>) offsets(%dma_start3A_196 : memref<64xi32, #tpu.memory_space<vmem>>) semaphore(%arg15 : memref<!tpu.dma_semaphore, #tpu.memory_space<semaphore_mem>>)
        } else {
        }
        %add3A_152 = arith.constant 2 : i32
        %add3A_153 = arith.addi %add3A_114, %add3A_152 : i32
        %dma_wait3A_154 = arith.constant 0 : i32
        %dma_wait3A_155 = tpu.memref_slice %arg7[%add3A_153, %dma_wait3A_154] : memref<40x64xi32, #tpu.memory_space<vmem>> -> memref<1x64xi32, #tpu.memory_space<vmem>>
        %dma_wait3A_156 = tpu.memref_squeeze %dma_wait3A_155 : memref<1x64xi32, #tpu.memory_space<vmem>> -> memref<64xi32, #tpu.memory_space<vmem>>
        %dma_wait3A_157 = arith.constant 0 : i32
        %dma_wait3A_158 = arith.constant 0 : i32
        %dma_wait3A_159 = tpu.memref_slice %arg2[%dma_wait3A_157, %dma_wait3A_158] : memref<10000x128xf32, #tpu.memory_space<hbm>> -> memref<10000x128xf32, #tpu.memory_space<hbm>>
        tpu.wait_indirect_dma semaphore(%arg16 : memref<!tpu.dma_semaphore, #tpu.memory_space<semaphore_mem>>) src(%dma_wait3A_159 : memref<10000x128xf32, #tpu.memory_space<hbm>>) dst(%arg11 : memref<64x128xf32, #tpu.memory_space<vmem>>)
        %add3A_160 = arith.constant 2 : i32
        %add3A_161 = arith.addi %add3A_114, %add3A_160 : i32
        "tpu.region"() ({
          %run_scoped3A = tpu.sem_alloc : memref<!tpu.dma_semaphore, #tpu.memory_space<semaphore_mem>>
          %dma_start3A_190 = arith.constant 0 : i32
          %dma_start3A_191 = tpu.memref_slice %arg8[%add3A_161, %dma_start3A_190] : memref<40x64xi32, #tpu.memory_space<vmem>> -> memref<1x64xi32, #tpu.memory_space<vmem>>
          %dma_start3A_192 = tpu.memref_squeeze %dma_start3A_191 : memref<1x64xi32, #tpu.memory_space<vmem>> -> memref<64xi32, #tpu.memory_space<vmem>>
          %dma_start3A_193 = arith.constant 0 : i32
          %dma_start3A_194 = arith.constant 0 : i32
          %dma_start3A_195 = tpu.memref_slice %arg13[%dma_start3A_193, %dma_start3A_194] : memref<10000x128xf32, #tpu.memory_space<vmem_shared>> -> memref<10000x128xf32, #tpu.memory_space<vmem_shared>>
          tpu.enqueue_indirect_dma source(%arg11 : memref<64x128xf32, #tpu.memory_space<vmem>>) target(%dma_start3A_195 : memref<10000x128xf32, #tpu.memory_space<vmem_shared>>) offsets(%dma_start3A_192 : memref<64xi32, #tpu.memory_space<vmem>>) semaphore(%run_scoped3A : memref<!tpu.dma_semaphore, #tpu.memory_space<semaphore_mem>>) {add = true}
          %dma_wait3A_196 = arith.constant 0 : i32
          %dma_wait3A_197 = tpu.memref_slice %arg8[%add3A_161, %dma_wait3A_196] : memref<40x64xi32, #tpu.memory_space<vmem>> -> memref<1x64xi32, #tpu.memory_space<vmem>>
          %dma_wait3A_198 = tpu.memref_squeeze %dma_wait3A_197 : memref<1x64xi32, #tpu.memory_space<vmem>> -> memref<64xi32, #tpu.memory_space<vmem>>
          %dma_wait3A_199 = arith.constant 0 : i32
          %dma_wait3A_200 = arith.constant 0 : i32
          %dma_wait3A_201 = tpu.memref_slice %arg13[%dma_wait3A_199, %dma_wait3A_200] : memref<10000x128xf32, #tpu.memory_space<vmem_shared>> -> memref<10000x128xf32, #tpu.memory_space<vmem_shared>>
          tpu.wait_indirect_dma semaphore(%run_scoped3A : memref<!tpu.dma_semaphore, #tpu.memory_space<semaphore_mem>>) src(%arg11 : memref<64x128xf32, #tpu.memory_space<vmem>>) dst(%dma_wait3A_201 : memref<10000x128xf32, #tpu.memory_space<vmem_shared>>)
          tpu.yield
        }) : () -> ()
        %add3A_162 = arith.constant 4 : i32
        %add3A_163 = arith.addi %add3A_114, %add3A_162 : i32
        %add3A_164 = arith.constant 2 : i32
        %add3A_165 = arith.addi %add3A_163, %add3A_164 : i32
        %lt3A_166 = arith.constant 40 : i32
        %lt3A_167 = arith.cmpi slt, %add3A_165, %lt3A_166 : i32
        %convert_element_type3A_168 = arith.extui %lt3A_167 : i1 to i32
        %cond3A_169 = arith.constant 0 : i32
        %cond3A_170 = arith.cmpi ne, %convert_element_type3A_168, %cond3A_169 : i32
        scf.if %cond3A_170 {
          %add3A_190 = arith.constant 4 : i32
          %add3A_191 = arith.addi %add3A_114, %add3A_190 : i32
          %add3A_192 = arith.constant 2 : i32
          %add3A_193 = arith.addi %add3A_191, %add3A_192 : i32
          %dma_start3A_194 = arith.constant 0 : i32
          %dma_start3A_195 = tpu.memref_slice %arg7[%add3A_193, %dma_start3A_194] : memref<40x64xi32, #tpu.memory_space<vmem>> -> memref<1x64xi32, #tpu.memory_space<vmem>>
          %dma_start3A_196 = tpu.memref_squeeze %dma_start3A_195 : memref<1x64xi32, #tpu.memory_space<vmem>> -> memref<64xi32, #tpu.memory_space<vmem>>
          %dma_start3A_197 = arith.constant 0 : i32
          %dma_start3A_198 = arith.constant 0 : i32
          %dma_start3A_199 = tpu.memref_slice %arg2[%dma_start3A_197, %dma_start3A_198] : memref<10000x128xf32, #tpu.memory_space<hbm>> -> memref<10000x128xf32, #tpu.memory_space<hbm>>
          tpu.enqueue_indirect_dma source(%dma_start3A_199 : memref<10000x128xf32, #tpu.memory_space<hbm>>) target(%arg11 : memref<64x128xf32, #tpu.memory_space<vmem>>) offsets(%dma_start3A_196 : memref<64xi32, #tpu.memory_space<vmem>>) semaphore(%arg16 : memref<!tpu.dma_semaphore, #tpu.memory_space<semaphore_mem>>)
        } else {
        }
        %add3A_171 = arith.constant 3 : i32
        %add3A_172 = arith.addi %add3A_114, %add3A_171 : i32
        %dma_wait3A_173 = arith.constant 0 : i32
        %dma_wait3A_174 = tpu.memref_slice %arg7[%add3A_172, %dma_wait3A_173] : memref<40x64xi32, #tpu.memory_space<vmem>> -> memref<1x64xi32, #tpu.memory_space<vmem>>
        %dma_wait3A_175 = tpu.memref_squeeze %dma_wait3A_174 : memref<1x64xi32, #tpu.memory_space<vmem>> -> memref<64xi32, #tpu.memory_space<vmem>>
        %dma_wait3A_176 = arith.constant 0 : i32
        %dma_wait3A_177 = arith.constant 0 : i32
        %dma_wait3A_178 = tpu.memref_slice %arg2[%dma_wait3A_176, %dma_wait3A_177] : memref<10000x128xf32, #tpu.memory_space<hbm>> -> memref<10000x128xf32, #tpu.memory_space<hbm>>
        tpu.wait_indirect_dma semaphore(%arg17 : memref<!tpu.dma_semaphore, #tpu.memory_space<semaphore_mem>>) src(%dma_wait3A_178 : memref<10000x128xf32, #tpu.memory_space<hbm>>) dst(%arg12 : memref<64x128xf32, #tpu.memory_space<vmem>>)
        %add3A_179 = arith.constant 3 : i32
        %add3A_180 = arith.addi %add3A_114, %add3A_179 : i32
        "tpu.region"() ({
          %run_scoped3A = tpu.sem_alloc : memref<!tpu.dma_semaphore, #tpu.memory_space<semaphore_mem>>
          %dma_start3A_190 = arith.constant 0 : i32
          %dma_start3A_191 = tpu.memref_slice %arg8[%add3A_180, %dma_start3A_190] : memref<40x64xi32, #tpu.memory_space<vmem>> -> memref<1x64xi32, #tpu.memory_space<vmem>>
          %dma_start3A_192 = tpu.memref_squeeze %dma_start3A_191 : memref<1x64xi32, #tpu.memory_space<vmem>> -> memref<64xi32, #tpu.memory_space<vmem>>
          %dma_start3A_193 = arith.constant 0 : i32
          %dma_start3A_194 = arith.constant 0 : i32
          %dma_start3A_195 = tpu.memref_slice %arg13[%dma_start3A_193, %dma_start3A_194] : memref<10000x128xf32, #tpu.memory_space<vmem_shared>> -> memref<10000x128xf32, #tpu.memory_space<vmem_shared>>
          tpu.enqueue_indirect_dma source(%arg12 : memref<64x128xf32, #tpu.memory_space<vmem>>) target(%dma_start3A_195 : memref<10000x128xf32, #tpu.memory_space<vmem_shared>>) offsets(%dma_start3A_192 : memref<64xi32, #tpu.memory_space<vmem>>) semaphore(%run_scoped3A : memref<!tpu.dma_semaphore, #tpu.memory_space<semaphore_mem>>) {add = true}
          %dma_wait3A_196 = arith.constant 0 : i32
          %dma_wait3A_197 = tpu.memref_slice %arg8[%add3A_180, %dma_wait3A_196] : memref<40x64xi32, #tpu.memory_space<vmem>> -> memref<1x64xi32, #tpu.memory_space<vmem>>
          %dma_wait3A_198 = tpu.memref_squeeze %dma_wait3A_197 : memref<1x64xi32, #tpu.memory_space<vmem>> -> memref<64xi32, #tpu.memory_space<vmem>>
          %dma_wait3A_199 = arith.constant 0 : i32
          %dma_wait3A_200 = arith.constant 0 : i32
          %dma_wait3A_201 = tpu.memref_slice %arg13[%dma_wait3A_199, %dma_wait3A_200] : memref<10000x128xf32, #tpu.memory_space<vmem_shared>> -> memref<10000x128xf32, #tpu.memory_space<vmem_shared>>
          tpu.wait_indirect_dma semaphore(%run_scoped3A : memref<!tpu.dma_semaphore, #tpu.memory_space<semaphore_mem>>) src(%arg12 : memref<64x128xf32, #tpu.memory_space<vmem>>) dst(%dma_wait3A_201 : memref<10000x128xf32, #tpu.memory_space<vmem_shared>>)
          tpu.yield
        }) : () -> ()
        %add3A_181 = arith.constant 4 : i32
        %add3A_182 = arith.addi %add3A_114, %add3A_181 : i32
        %add3A_183 = arith.constant 3 : i32
        %add3A_184 = arith.addi %add3A_182, %add3A_183 : i32
        %lt3A_185 = arith.constant 40 : i32
        %lt3A_186 = arith.cmpi slt, %add3A_184, %lt3A_185 : i32
        %convert_element_type3A_187 = arith.extui %lt3A_186 : i1 to i32
        %cond3A_188 = arith.constant 0 : i32
        %cond3A_189 = arith.cmpi ne, %convert_element_type3A_187, %cond3A_188 : i32
        scf.if %cond3A_189 {
          %add3A_190 = arith.constant 4 : i32
          %add3A_191 = arith.addi %add3A_114, %add3A_190 : i32
          %add3A_192 = arith.constant 3 : i32
          %add3A_193 = arith.addi %add3A_191, %add3A_192 : i32
          %dma_start3A_194 = arith.constant 0 : i32
          %dma_start3A_195 = tpu.memref_slice %arg7[%add3A_193, %dma_start3A_194] : memref<40x64xi32, #tpu.memory_space<vmem>> -> memref<1x64xi32, #tpu.memory_space<vmem>>
          %dma_start3A_196 = tpu.memref_squeeze %dma_start3A_195 : memref<1x64xi32, #tpu.memory_space<vmem>> -> memref<64xi32, #tpu.memory_space<vmem>>
          %dma_start3A_197 = arith.constant 0 : i32
          %dma_start3A_198 = arith.constant 0 : i32
          %dma_start3A_199 = tpu.memref_slice %arg2[%dma_start3A_197, %dma_start3A_198] : memref<10000x128xf32, #tpu.memory_space<hbm>> -> memref<10000x128xf32, #tpu.memory_space<hbm>>
          tpu.enqueue_indirect_dma source(%dma_start3A_199 : memref<10000x128xf32, #tpu.memory_space<hbm>>) target(%arg12 : memref<64x128xf32, #tpu.memory_space<vmem>>) offsets(%dma_start3A_196 : memref<64xi32, #tpu.memory_space<vmem>>) semaphore(%arg17 : memref<!tpu.dma_semaphore, #tpu.memory_space<semaphore_mem>>)
        } else {
        }
      }
      %scan3A_68 = arith.constant 10 : i32
      %mul3A_69 = arith.constant 80 : i32
      %mul3A_70 = arith.muli %add3A, %mul3A_69 : i32
      %add3A_71 = arith.constant 40 : i32
      %add3A_72 = arith.addi %mul3A_70, %add3A_71 : i32
      "tpu.region"() ({
        %run_scoped3A = tpu.sem_alloc : memref<!tpu.dma_semaphore, #tpu.memory_space<semaphore_mem>>
        %dma_start3A_110 = arith.constant 0 : i32
        %dma_start3A_111 = tpu.memref_slice %arg3[%add3A_72, %dma_start3A_110] : memref<2500x64xi32, #tpu.memory_space<hbm>> -> memref<40x64xi32, #tpu.memory_space<hbm>>
        %dma_start3A_112 = arith.constant 0 : i32
        %dma_start3A_113 = tpu.memref_slice %arg3[%add3A_72, %dma_start3A_112] : memref<2500x64xi32, #tpu.memory_space<hbm>> -> memref<40x64xi32, #tpu.memory_space<hbm>>
        tpu.enqueue_dma source(%dma_start3A_113 : memref<40x64xi32, #tpu.memory_space<hbm>>) target(%arg7 : memref<40x64xi32, #tpu.memory_space<vmem>>) target_semaphore(%run_scoped3A : memref<!tpu.dma_semaphore, #tpu.memory_space<semaphore_mem>>)
        %dma_wait3A = arith.constant 0 : i32
        %dma_wait3A_114 = tpu.memref_slice %arg3[%add3A_72, %dma_wait3A] : memref<2500x64xi32, #tpu.memory_space<hbm>> -> memref<40x64xi32, #tpu.memory_space<hbm>>
        %dma_wait3A_115 = arith.constant 0 : i32
        %dma_wait3A_116 = tpu.memref_slice %arg3[%add3A_72, %dma_wait3A_115] : memref<2500x64xi32, #tpu.memory_space<hbm>> -> memref<40x64xi32, #tpu.memory_space<hbm>>
        tpu.wait_dma2 semaphore(%run_scoped3A : memref<!tpu.dma_semaphore, #tpu.memory_space<semaphore_mem>>) src(%dma_wait3A_116 : memref<40x64xi32, #tpu.memory_space<hbm>>) dst(%arg7 : memref<40x64xi32, #tpu.memory_space<vmem>>)
        tpu.yield
      }) : () -> ()
      %mul3A_73 = arith.constant 80 : i32
      %mul3A_74 = arith.muli %add3A, %mul3A_73 : i32
      %add3A_75 = arith.constant 40 : i32
      %add3A_76 = arith.addi %mul3A_74, %add3A_75 : i32
      "tpu.region"() ({
        %run_scoped3A = tpu.sem_alloc : memref<!tpu.dma_semaphore, #tpu.memory_space<semaphore_mem>>
        %dma_start3A_110 = arith.constant 0 : i32
        %dma_start3A_111 = tpu.memref_slice %arg4[%add3A_76, %dma_start3A_110] : memref<2500x64xi32, #tpu.memory_space<hbm>> -> memref<40x64xi32, #tpu.memory_space<hbm>>
        %dma_start3A_112 = arith.constant 0 : i32
        %dma_start3A_113 = tpu.memref_slice %arg4[%add3A_76, %dma_start3A_112] : memref<2500x64xi32, #tpu.memory_space<hbm>> -> memref<40x64xi32, #tpu.memory_space<hbm>>
        tpu.enqueue_dma source(%dma_start3A_113 : memref<40x64xi32, #tpu.memory_space<hbm>>) target(%arg8 : memref<40x64xi32, #tpu.memory_space<vmem>>) target_semaphore(%run_scoped3A : memref<!tpu.dma_semaphore, #tpu.memory_space<semaphore_mem>>)
        %dma_wait3A = arith.constant 0 : i32
        %dma_wait3A_114 = tpu.memref_slice %arg4[%add3A_76, %dma_wait3A] : memref<2500x64xi32, #tpu.memory_space<hbm>> -> memref<40x64xi32, #tpu.memory_space<hbm>>
        %dma_wait3A_115 = arith.constant 0 : i32
        %dma_wait3A_116 = tpu.memref_slice %arg4[%add3A_76, %dma_wait3A_115] : memref<2500x64xi32, #tpu.memory_space<hbm>> -> memref<40x64xi32, #tpu.memory_space<hbm>>
        tpu.wait_dma2 semaphore(%run_scoped3A : memref<!tpu.dma_semaphore, #tpu.memory_space<semaphore_mem>>) src(%dma_wait3A_116 : memref<40x64xi32, #tpu.memory_space<hbm>>) dst(%arg8 : memref<40x64xi32, #tpu.memory_space<vmem>>)
        tpu.yield
      }) : () -> ()
      %dma_start3A_77 = arith.constant 0 : i32
      %dma_start3A_78 = arith.constant 0 : i32
      %dma_start3A_79 = tpu.memref_slice %arg7[%dma_start3A_77, %dma_start3A_78] : memref<40x64xi32, #tpu.memory_space<vmem>> -> memref<1x64xi32, #tpu.memory_space<vmem>>
      %dma_start3A_80 = tpu.memref_squeeze %dma_start3A_79 : memref<1x64xi32, #tpu.memory_space<vmem>> -> memref<64xi32, #tpu.memory_space<vmem>>
      %dma_start3A_81 = arith.constant 0 : i32
      %dma_start3A_82 = arith.constant 0 : i32
      %dma_start3A_83 = tpu.memref_slice %arg2[%dma_start3A_81, %dma_start3A_82] : memref<10000x128xf32, #tpu.memory_space<hbm>> -> memref<10000x128xf32, #tpu.memory_space<hbm>>
      tpu.enqueue_indirect_dma source(%dma_start3A_83 : memref<10000x128xf32, #tpu.memory_space<hbm>>) target(%arg9 : memref<64x128xf32, #tpu.memory_space<vmem>>) offsets(%dma_start3A_80 : memref<64xi32, #tpu.memory_space<vmem>>) semaphore(%arg14 : memref<!tpu.dma_semaphore, #tpu.memory_space<semaphore_mem>>)
      %dma_start3A_84 = arith.constant 1 : i32
      %dma_start3A_85 = arith.constant 0 : i32
      %dma_start3A_86 = tpu.memref_slice %arg7[%dma_start3A_84, %dma_start3A_85] : memref<40x64xi32, #tpu.memory_space<vmem>> -> memref<1x64xi32, #tpu.memory_space<vmem>>
      %dma_start3A_87 = tpu.memref_squeeze %dma_start3A_86 : memref<1x64xi32, #tpu.memory_space<vmem>> -> memref<64xi32, #tpu.memory_space<vmem>>
      %dma_start3A_88 = arith.constant 0 : i32
      %dma_start3A_89 = arith.constant 0 : i32
      %dma_start3A_90 = tpu.memref_slice %arg2[%dma_start3A_88, %dma_start3A_89] : memref<10000x128xf32, #tpu.memory_space<hbm>> -> memref<10000x128xf32, #tpu.memory_space<hbm>>
      tpu.enqueue_indirect_dma source(%dma_start3A_90 : memref<10000x128xf32, #tpu.memory_space<hbm>>) target(%arg10 : memref<64x128xf32, #tpu.memory_space<vmem>>) offsets(%dma_start3A_87 : memref<64xi32, #tpu.memory_space<vmem>>) semaphore(%arg15 : memref<!tpu.dma_semaphore, #tpu.memory_space<semaphore_mem>>)
      %dma_start3A_91 = arith.constant 2 : i32
      %dma_start3A_92 = arith.constant 0 : i32
      %dma_start3A_93 = tpu.memref_slice %arg7[%dma_start3A_91, %dma_start3A_92] : memref<40x64xi32, #tpu.memory_space<vmem>> -> memref<1x64xi32, #tpu.memory_space<vmem>>
      %dma_start3A_94 = tpu.memref_squeeze %dma_start3A_93 : memref<1x64xi32, #tpu.memory_space<vmem>> -> memref<64xi32, #tpu.memory_space<vmem>>
      %dma_start3A_95 = arith.constant 0 : i32
      %dma_start3A_96 = arith.constant 0 : i32
      %dma_start3A_97 = tpu.memref_slice %arg2[%dma_start3A_95, %dma_start3A_96] : memref<10000x128xf32, #tpu.memory_space<hbm>> -> memref<10000x128xf32, #tpu.memory_space<hbm>>
      tpu.enqueue_indirect_dma source(%dma_start3A_97 : memref<10000x128xf32, #tpu.memory_space<hbm>>) target(%arg11 : memref<64x128xf32, #tpu.memory_space<vmem>>) offsets(%dma_start3A_94 : memref<64xi32, #tpu.memory_space<vmem>>) semaphore(%arg16 : memref<!tpu.dma_semaphore, #tpu.memory_space<semaphore_mem>>)
      %dma_start3A_98 = arith.constant 3 : i32
      %dma_start3A_99 = arith.constant 0 : i32
      %dma_start3A_100 = tpu.memref_slice %arg7[%dma_start3A_98, %dma_start3A_99] : memref<40x64xi32, #tpu.memory_space<vmem>> -> memref<1x64xi32, #tpu.memory_space<vmem>>
      %dma_start3A_101 = tpu.memref_squeeze %dma_start3A_100 : memref<1x64xi32, #tpu.memory_space<vmem>> -> memref<64xi32, #tpu.memory_space<vmem>>
      %dma_start3A_102 = arith.constant 0 : i32
      %dma_start3A_103 = arith.constant 0 : i32
      %dma_start3A_104 = tpu.memref_slice %arg2[%dma_start3A_102, %dma_start3A_103] : memref<10000x128xf32, #tpu.memory_space<hbm>> -> memref<10000x128xf32, #tpu.memory_space<hbm>>
      tpu.enqueue_indirect_dma source(%dma_start3A_104 : memref<10000x128xf32, #tpu.memory_space<hbm>>) target(%arg12 : memref<64x128xf32, #tpu.memory_space<vmem>>) offsets(%dma_start3A_101 : memref<64xi32, #tpu.memory_space<vmem>>) semaphore(%arg17 : memref<!tpu.dma_semaphore, #tpu.memory_space<semaphore_mem>>)
      %scan3A_105 = arith.constant 0 : i32
      %scan3A_106 = arith.constant 10 : i32
      %scan3A_107 = arith.addi %scan3A_105, %scan3A_106 : i32
      %scan3A_108 = arith.constant 1 : i32
      scf.for %scan3A_110 = %scan3A_105 to %scan3A_107 step %scan3A_108  : i32 {
        %mul3A_111 = arith.constant 4 : i32
        %mul3A_112 = arith.muli %scan3A_110, %mul3A_111 : i32
        %add3A_113 = arith.constant 0 : i32
        %add3A_114 = arith.addi %add3A_113, %mul3A_112 : i32
        %add3A_115 = arith.constant 0 : i32
        %add3A_116 = arith.addi %add3A_114, %add3A_115 : i32
        %dma_wait3A = arith.constant 0 : i32
        %dma_wait3A_117 = tpu.memref_slice %arg7[%add3A_116, %dma_wait3A] : memref<40x64xi32, #tpu.memory_space<vmem>> -> memref<1x64xi32, #tpu.memory_space<vmem>>
        %dma_wait3A_118 = tpu.memref_squeeze %dma_wait3A_117 : memref<1x64xi32, #tpu.memory_space<vmem>> -> memref<64xi32, #tpu.memory_space<vmem>>
        %dma_wait3A_119 = arith.constant 0 : i32
        %dma_wait3A_120 = arith.constant 0 : i32
        %dma_wait3A_121 = tpu.memref_slice %arg2[%dma_wait3A_119, %dma_wait3A_120] : memref<10000x128xf32, #tpu.memory_space<hbm>> -> memref<10000x128xf32, #tpu.memory_space<hbm>>
        tpu.wait_indirect_dma semaphore(%arg14 : memref<!tpu.dma_semaphore, #tpu.memory_space<semaphore_mem>>) src(%dma_wait3A_121 : memref<10000x128xf32, #tpu.memory_space<hbm>>) dst(%arg9 : memref<64x128xf32, #tpu.memory_space<vmem>>)
        %add3A_122 = arith.constant 0 : i32
        %add3A_123 = arith.addi %add3A_114, %add3A_122 : i32
        "tpu.region"() ({
          %run_scoped3A = tpu.sem_alloc : memref<!tpu.dma_semaphore, #tpu.memory_space<semaphore_mem>>
          %dma_start3A_190 = arith.constant 0 : i32
          %dma_start3A_191 = tpu.memref_slice %arg8[%add3A_123, %dma_start3A_190] : memref<40x64xi32, #tpu.memory_space<vmem>> -> memref<1x64xi32, #tpu.memory_space<vmem>>
          %dma_start3A_192 = tpu.memref_squeeze %dma_start3A_191 : memref<1x64xi32, #tpu.memory_space<vmem>> -> memref<64xi32, #tpu.memory_space<vmem>>
          %dma_start3A_193 = arith.constant 0 : i32
          %dma_start3A_194 = arith.constant 0 : i32
          %dma_start3A_195 = tpu.memref_slice %arg13[%dma_start3A_193, %dma_start3A_194] : memref<10000x128xf32, #tpu.memory_space<vmem_shared>> -> memref<10000x128xf32, #tpu.memory_space<vmem_shared>>
          tpu.enqueue_indirect_dma source(%arg9 : memref<64x128xf32, #tpu.memory_space<vmem>>) target(%dma_start3A_195 : memref<10000x128xf32, #tpu.memory_space<vmem_shared>>) offsets(%dma_start3A_192 : memref<64xi32, #tpu.memory_space<vmem>>) semaphore(%run_scoped3A : memref<!tpu.dma_semaphore, #tpu.memory_space<semaphore_mem>>) {add = true}
          %dma_wait3A_196 = arith.constant 0 : i32
          %dma_wait3A_197 = tpu.memref_slice %arg8[%add3A_123, %dma_wait3A_196] : memref<40x64xi32, #tpu.memory_space<vmem>> -> memref<1x64xi32, #tpu.memory_space<vmem>>
          %dma_wait3A_198 = tpu.memref_squeeze %dma_wait3A_197 : memref<1x64xi32, #tpu.memory_space<vmem>> -> memref<64xi32, #tpu.memory_space<vmem>>
          %dma_wait3A_199 = arith.constant 0 : i32
          %dma_wait3A_200 = arith.constant 0 : i32
          %dma_wait3A_201 = tpu.memref_slice %arg13[%dma_wait3A_199, %dma_wait3A_200] : memref<10000x128xf32, #tpu.memory_space<vmem_shared>> -> memref<10000x128xf32, #tpu.memory_space<vmem_shared>>
          tpu.wait_indirect_dma semaphore(%run_scoped3A : memref<!tpu.dma_semaphore, #tpu.memory_space<semaphore_mem>>) src(%arg9 : memref<64x128xf32, #tpu.memory_space<vmem>>) dst(%dma_wait3A_201 : memref<10000x128xf32, #tpu.memory_space<vmem_shared>>)
          tpu.yield
        }) : () -> ()
        %add3A_124 = arith.constant 4 : i32
        %add3A_125 = arith.addi %add3A_114, %add3A_124 : i32
        %add3A_126 = arith.constant 0 : i32
        %add3A_127 = arith.addi %add3A_125, %add3A_126 : i32
        %lt3A_128 = arith.constant 40 : i32
        %lt3A_129 = arith.cmpi slt, %add3A_127, %lt3A_128 : i32
        %convert_element_type3A_130 = arith.extui %lt3A_129 : i1 to i32
        %cond3A_131 = arith.constant 0 : i32
        %cond3A_132 = arith.cmpi ne, %convert_element_type3A_130, %cond3A_131 : i32
        scf.if %cond3A_132 {
          %add3A_190 = arith.constant 4 : i32
          %add3A_191 = arith.addi %add3A_114, %add3A_190 : i32
          %add3A_192 = arith.constant 0 : i32
          %add3A_193 = arith.addi %add3A_191, %add3A_192 : i32
          %dma_start3A_194 = arith.constant 0 : i32
          %dma_start3A_195 = tpu.memref_slice %arg7[%add3A_193, %dma_start3A_194] : memref<40x64xi32, #tpu.memory_space<vmem>> -> memref<1x64xi32, #tpu.memory_space<vmem>>
          %dma_start3A_196 = tpu.memref_squeeze %dma_start3A_195 : memref<1x64xi32, #tpu.memory_space<vmem>> -> memref<64xi32, #tpu.memory_space<vmem>>
          %dma_start3A_197 = arith.constant 0 : i32
          %dma_start3A_198 = arith.constant 0 : i32
          %dma_start3A_199 = tpu.memref_slice %arg2[%dma_start3A_197, %dma_start3A_198] : memref<10000x128xf32, #tpu.memory_space<hbm>> -> memref<10000x128xf32, #tpu.memory_space<hbm>>
          tpu.enqueue_indirect_dma source(%dma_start3A_199 : memref<10000x128xf32, #tpu.memory_space<hbm>>) target(%arg9 : memref<64x128xf32, #tpu.memory_space<vmem>>) offsets(%dma_start3A_196 : memref<64xi32, #tpu.memory_space<vmem>>) semaphore(%arg14 : memref<!tpu.dma_semaphore, #tpu.memory_space<semaphore_mem>>)
        } else {
        }
        %add3A_133 = arith.constant 1 : i32
        %add3A_134 = arith.addi %add3A_114, %add3A_133 : i32
        %dma_wait3A_135 = arith.constant 0 : i32
        %dma_wait3A_136 = tpu.memref_slice %arg7[%add3A_134, %dma_wait3A_135] : memref<40x64xi32, #tpu.memory_space<vmem>> -> memref<1x64xi32, #tpu.memory_space<vmem>>
        %dma_wait3A_137 = tpu.memref_squeeze %dma_wait3A_136 : memref<1x64xi32, #tpu.memory_space<vmem>> -> memref<64xi32, #tpu.memory_space<vmem>>
        %dma_wait3A_138 = arith.constant 0 : i32
        %dma_wait3A_139 = arith.constant 0 : i32
        %dma_wait3A_140 = tpu.memref_slice %arg2[%dma_wait3A_138, %dma_wait3A_139] : memref<10000x128xf32, #tpu.memory_space<hbm>> -> memref<10000x128xf32, #tpu.memory_space<hbm>>
        tpu.wait_indirect_dma semaphore(%arg15 : memref<!tpu.dma_semaphore, #tpu.memory_space<semaphore_mem>>) src(%dma_wait3A_140 : memref<10000x128xf32, #tpu.memory_space<hbm>>) dst(%arg10 : memref<64x128xf32, #tpu.memory_space<vmem>>)
        %add3A_141 = arith.constant 1 : i32
        %add3A_142 = arith.addi %add3A_114, %add3A_141 : i32
        "tpu.region"() ({
          %run_scoped3A = tpu.sem_alloc : memref<!tpu.dma_semaphore, #tpu.memory_space<semaphore_mem>>
          %dma_start3A_190 = arith.constant 0 : i32
          %dma_start3A_191 = tpu.memref_slice %arg8[%add3A_142, %dma_start3A_190] : memref<40x64xi32, #tpu.memory_space<vmem>> -> memref<1x64xi32, #tpu.memory_space<vmem>>
          %dma_start3A_192 = tpu.memref_squeeze %dma_start3A_191 : memref<1x64xi32, #tpu.memory_space<vmem>> -> memref<64xi32, #tpu.memory_space<vmem>>
          %dma_start3A_193 = arith.constant 0 : i32
          %dma_start3A_194 = arith.constant 0 : i32
          %dma_start3A_195 = tpu.memref_slice %arg13[%dma_start3A_193, %dma_start3A_194] : memref<10000x128xf32, #tpu.memory_space<vmem_shared>> -> memref<10000x128xf32, #tpu.memory_space<vmem_shared>>
          tpu.enqueue_indirect_dma source(%arg10 : memref<64x128xf32, #tpu.memory_space<vmem>>) target(%dma_start3A_195 : memref<10000x128xf32, #tpu.memory_space<vmem_shared>>) offsets(%dma_start3A_192 : memref<64xi32, #tpu.memory_space<vmem>>) semaphore(%run_scoped3A : memref<!tpu.dma_semaphore, #tpu.memory_space<semaphore_mem>>) {add = true}
          %dma_wait3A_196 = arith.constant 0 : i32
          %dma_wait3A_197 = tpu.memref_slice %arg8[%add3A_142, %dma_wait3A_196] : memref<40x64xi32, #tpu.memory_space<vmem>> -> memref<1x64xi32, #tpu.memory_space<vmem>>
          %dma_wait3A_198 = tpu.memref_squeeze %dma_wait3A_197 : memref<1x64xi32, #tpu.memory_space<vmem>> -> memref<64xi32, #tpu.memory_space<vmem>>
          %dma_wait3A_199 = arith.constant 0 : i32
          %dma_wait3A_200 = arith.constant 0 : i32
          %dma_wait3A_201 = tpu.memref_slice %arg13[%dma_wait3A_199, %dma_wait3A_200] : memref<10000x128xf32, #tpu.memory_space<vmem_shared>> -> memref<10000x128xf32, #tpu.memory_space<vmem_shared>>
          tpu.wait_indirect_dma semaphore(%run_scoped3A : memref<!tpu.dma_semaphore, #tpu.memory_space<semaphore_mem>>) src(%arg10 : memref<64x128xf32, #tpu.memory_space<vmem>>) dst(%dma_wait3A_201 : memref<10000x128xf32, #tpu.memory_space<vmem_shared>>)
          tpu.yield
        }) : () -> ()
        %add3A_143 = arith.constant 4 : i32
        %add3A_144 = arith.addi %add3A_114, %add3A_143 : i32
        %add3A_145 = arith.constant 1 : i32
        %add3A_146 = arith.addi %add3A_144, %add3A_145 : i32
        %lt3A_147 = arith.constant 40 : i32
        %lt3A_148 = arith.cmpi slt, %add3A_146, %lt3A_147 : i32
        %convert_element_type3A_149 = arith.extui %lt3A_148 : i1 to i32
        %cond3A_150 = arith.constant 0 : i32
        %cond3A_151 = arith.cmpi ne, %convert_element_type3A_149, %cond3A_150 : i32
        scf.if %cond3A_151 {
          %add3A_190 = arith.constant 4 : i32
          %add3A_191 = arith.addi %add3A_114, %add3A_190 : i32
          %add3A_192 = arith.constant 1 : i32
          %add3A_193 = arith.addi %add3A_191, %add3A_192 : i32
          %dma_start3A_194 = arith.constant 0 : i32
          %dma_start3A_195 = tpu.memref_slice %arg7[%add3A_193, %dma_start3A_194] : memref<40x64xi32, #tpu.memory_space<vmem>> -> memref<1x64xi32, #tpu.memory_space<vmem>>
          %dma_start3A_196 = tpu.memref_squeeze %dma_start3A_195 : memref<1x64xi32, #tpu.memory_space<vmem>> -> memref<64xi32, #tpu.memory_space<vmem>>
          %dma_start3A_197 = arith.constant 0 : i32
          %dma_start3A_198 = arith.constant 0 : i32
          %dma_start3A_199 = tpu.memref_slice %arg2[%dma_start3A_197, %dma_start3A_198] : memref<10000x128xf32, #tpu.memory_space<hbm>> -> memref<10000x128xf32, #tpu.memory_space<hbm>>
          tpu.enqueue_indirect_dma source(%dma_start3A_199 : memref<10000x128xf32, #tpu.memory_space<hbm>>) target(%arg10 : memref<64x128xf32, #tpu.memory_space<vmem>>) offsets(%dma_start3A_196 : memref<64xi32, #tpu.memory_space<vmem>>) semaphore(%arg15 : memref<!tpu.dma_semaphore, #tpu.memory_space<semaphore_mem>>)
        } else {
        }
        %add3A_152 = arith.constant 2 : i32
        %add3A_153 = arith.addi %add3A_114, %add3A_152 : i32
        %dma_wait3A_154 = arith.constant 0 : i32
        %dma_wait3A_155 = tpu.memref_slice %arg7[%add3A_153, %dma_wait3A_154] : memref<40x64xi32, #tpu.memory_space<vmem>> -> memref<1x64xi32, #tpu.memory_space<vmem>>
        %dma_wait3A_156 = tpu.memref_squeeze %dma_wait3A_155 : memref<1x64xi32, #tpu.memory_space<vmem>> -> memref<64xi32, #tpu.memory_space<vmem>>
        %dma_wait3A_157 = arith.constant 0 : i32
        %dma_wait3A_158 = arith.constant 0 : i32
        %dma_wait3A_159 = tpu.memref_slice %arg2[%dma_wait3A_157, %dma_wait3A_158] : memref<10000x128xf32, #tpu.memory_space<hbm>> -> memref<10000x128xf32, #tpu.memory_space<hbm>>
        tpu.wait_indirect_dma semaphore(%arg16 : memref<!tpu.dma_semaphore, #tpu.memory_space<semaphore_mem>>) src(%dma_wait3A_159 : memref<10000x128xf32, #tpu.memory_space<hbm>>) dst(%arg11 : memref<64x128xf32, #tpu.memory_space<vmem>>)
        %add3A_160 = arith.constant 2 : i32
        %add3A_161 = arith.addi %add3A_114, %add3A_160 : i32
        "tpu.region"() ({
          %run_scoped3A = tpu.sem_alloc : memref<!tpu.dma_semaphore, #tpu.memory_space<semaphore_mem>>
          %dma_start3A_190 = arith.constant 0 : i32
          %dma_start3A_191 = tpu.memref_slice %arg8[%add3A_161, %dma_start3A_190] : memref<40x64xi32, #tpu.memory_space<vmem>> -> memref<1x64xi32, #tpu.memory_space<vmem>>
          %dma_start3A_192 = tpu.memref_squeeze %dma_start3A_191 : memref<1x64xi32, #tpu.memory_space<vmem>> -> memref<64xi32, #tpu.memory_space<vmem>>
          %dma_start3A_193 = arith.constant 0 : i32
          %dma_start3A_194 = arith.constant 0 : i32
          %dma_start3A_195 = tpu.memref_slice %arg13[%dma_start3A_193, %dma_start3A_194] : memref<10000x128xf32, #tpu.memory_space<vmem_shared>> -> memref<10000x128xf32, #tpu.memory_space<vmem_shared>>
          tpu.enqueue_indirect_dma source(%arg11 : memref<64x128xf32, #tpu.memory_space<vmem>>) target(%dma_start3A_195 : memref<10000x128xf32, #tpu.memory_space<vmem_shared>>) offsets(%dma_start3A_192 : memref<64xi32, #tpu.memory_space<vmem>>) semaphore(%run_scoped3A : memref<!tpu.dma_semaphore, #tpu.memory_space<semaphore_mem>>) {add = true}
          %dma_wait3A_196 = arith.constant 0 : i32
          %dma_wait3A_197 = tpu.memref_slice %arg8[%add3A_161, %dma_wait3A_196] : memref<40x64xi32, #tpu.memory_space<vmem>> -> memref<1x64xi32, #tpu.memory_space<vmem>>
          %dma_wait3A_198 = tpu.memref_squeeze %dma_wait3A_197 : memref<1x64xi32, #tpu.memory_space<vmem>> -> memref<64xi32, #tpu.memory_space<vmem>>
          %dma_wait3A_199 = arith.constant 0 : i32
          %dma_wait3A_200 = arith.constant 0 : i32
          %dma_wait3A_201 = tpu.memref_slice %arg13[%dma_wait3A_199, %dma_wait3A_200] : memref<10000x128xf32, #tpu.memory_space<vmem_shared>> -> memref<10000x128xf32, #tpu.memory_space<vmem_shared>>
          tpu.wait_indirect_dma semaphore(%run_scoped3A : memref<!tpu.dma_semaphore, #tpu.memory_space<semaphore_mem>>) src(%arg11 : memref<64x128xf32, #tpu.memory_space<vmem>>) dst(%dma_wait3A_201 : memref<10000x128xf32, #tpu.memory_space<vmem_shared>>)
          tpu.yield
        }) : () -> ()
        %add3A_162 = arith.constant 4 : i32
        %add3A_163 = arith.addi %add3A_114, %add3A_162 : i32
        %add3A_164 = arith.constant 2 : i32
        %add3A_165 = arith.addi %add3A_163, %add3A_164 : i32
        %lt3A_166 = arith.constant 40 : i32
        %lt3A_167 = arith.cmpi slt, %add3A_165, %lt3A_166 : i32
        %convert_element_type3A_168 = arith.extui %lt3A_167 : i1 to i32
        %cond3A_169 = arith.constant 0 : i32
        %cond3A_170 = arith.cmpi ne, %convert_element_type3A_168, %cond3A_169 : i32
        scf.if %cond3A_170 {
          %add3A_190 = arith.constant 4 : i32
          %add3A_191 = arith.addi %add3A_114, %add3A_190 : i32
          %add3A_192 = arith.constant 2 : i32
          %add3A_193 = arith.addi %add3A_191, %add3A_192 : i32
          %dma_start3A_194 = arith.constant 0 : i32
          %dma_start3A_195 = tpu.memref_slice %arg7[%add3A_193, %dma_start3A_194] : memref<40x64xi32, #tpu.memory_space<vmem>> -> memref<1x64xi32, #tpu.memory_space<vmem>>
          %dma_start3A_196 = tpu.memref_squeeze %dma_start3A_195 : memref<1x64xi32, #tpu.memory_space<vmem>> -> memref<64xi32, #tpu.memory_space<vmem>>
          %dma_start3A_197 = arith.constant 0 : i32
          %dma_start3A_198 = arith.constant 0 : i32
          %dma_start3A_199 = tpu.memref_slice %arg2[%dma_start3A_197, %dma_start3A_198] : memref<10000x128xf32, #tpu.memory_space<hbm>> -> memref<10000x128xf32, #tpu.memory_space<hbm>>
          tpu.enqueue_indirect_dma source(%dma_start3A_199 : memref<10000x128xf32, #tpu.memory_space<hbm>>) target(%arg11 : memref<64x128xf32, #tpu.memory_space<vmem>>) offsets(%dma_start3A_196 : memref<64xi32, #tpu.memory_space<vmem>>) semaphore(%arg16 : memref<!tpu.dma_semaphore, #tpu.memory_space<semaphore_mem>>)
        } else {
        }
        %add3A_171 = arith.constant 3 : i32
        %add3A_172 = arith.addi %add3A_114, %add3A_171 : i32
        %dma_wait3A_173 = arith.constant 0 : i32
        %dma_wait3A_174 = tpu.memref_slice %arg7[%add3A_172, %dma_wait3A_173] : memref<40x64xi32, #tpu.memory_space<vmem>> -> memref<1x64xi32, #tpu.memory_space<vmem>>
        %dma_wait3A_175 = tpu.memref_squeeze %dma_wait3A_174 : memref<1x64xi32, #tpu.memory_space<vmem>> -> memref<64xi32, #tpu.memory_space<vmem>>
        %dma_wait3A_176 = arith.constant 0 : i32
        %dma_wait3A_177 = arith.constant 0 : i32
        %dma_wait3A_178 = tpu.memref_slice %arg2[%dma_wait3A_176, %dma_wait3A_177] : memref<10000x128xf32, #tpu.memory_space<hbm>> -> memref<10000x128xf32, #tpu.memory_space<hbm>>
        tpu.wait_indirect_dma semaphore(%arg17 : memref<!tpu.dma_semaphore, #tpu.memory_space<semaphore_mem>>) src(%dma_wait3A_178 : memref<10000x128xf32, #tpu.memory_space<hbm>>) dst(%arg12 : memref<64x128xf32, #tpu.memory_space<vmem>>)
        %add3A_179 = arith.constant 3 : i32
        %add3A_180 = arith.addi %add3A_114, %add3A_179 : i32
        "tpu.region"() ({
          %run_scoped3A = tpu.sem_alloc : memref<!tpu.dma_semaphore, #tpu.memory_space<semaphore_mem>>
          %dma_start3A_190 = arith.constant 0 : i32
          %dma_start3A_191 = tpu.memref_slice %arg8[%add3A_180, %dma_start3A_190] : memref<40x64xi32, #tpu.memory_space<vmem>> -> memref<1x64xi32, #tpu.memory_space<vmem>>
          %dma_start3A_192 = tpu.memref_squeeze %dma_start3A_191 : memref<1x64xi32, #tpu.memory_space<vmem>> -> memref<64xi32, #tpu.memory_space<vmem>>
          %dma_start3A_193 = arith.constant 0 : i32
          %dma_start3A_194 = arith.constant 0 : i32
          %dma_start3A_195 = tpu.memref_slice %arg13[%dma_start3A_193, %dma_start3A_194] : memref<10000x128xf32, #tpu.memory_space<vmem_shared>> -> memref<10000x128xf32, #tpu.memory_space<vmem_shared>>
          tpu.enqueue_indirect_dma source(%arg12 : memref<64x128xf32, #tpu.memory_space<vmem>>) target(%dma_start3A_195 : memref<10000x128xf32, #tpu.memory_space<vmem_shared>>) offsets(%dma_start3A_192 : memref<64xi32, #tpu.memory_space<vmem>>) semaphore(%run_scoped3A : memref<!tpu.dma_semaphore, #tpu.memory_space<semaphore_mem>>) {add = true}
          %dma_wait3A_196 = arith.constant 0 : i32
          %dma_wait3A_197 = tpu.memref_slice %arg8[%add3A_180, %dma_wait3A_196] : memref<40x64xi32, #tpu.memory_space<vmem>> -> memref<1x64xi32, #tpu.memory_space<vmem>>
          %dma_wait3A_198 = tpu.memref_squeeze %dma_wait3A_197 : memref<1x64xi32, #tpu.memory_space<vmem>> -> memref<64xi32, #tpu.memory_space<vmem>>
          %dma_wait3A_199 = arith.constant 0 : i32
          %dma_wait3A_200 = arith.constant 0 : i32
          %dma_wait3A_201 = tpu.memref_slice %arg13[%dma_wait3A_199, %dma_wait3A_200] : memref<10000x128xf32, #tpu.memory_space<vmem_shared>> -> memref<10000x128xf32, #tpu.memory_space<vmem_shared>>
          tpu.wait_indirect_dma semaphore(%run_scoped3A : memref<!tpu.dma_semaphore, #tpu.memory_space<semaphore_mem>>) src(%arg12 : memref<64x128xf32, #tpu.memory_space<vmem>>) dst(%dma_wait3A_201 : memref<10000x128xf32, #tpu.memory_space<vmem_shared>>)
          tpu.yield
        }) : () -> ()
        %add3A_181 = arith.constant 4 : i32
        %add3A_182 = arith.addi %add3A_114, %add3A_181 : i32
        %add3A_183 = arith.constant 3 : i32
        %add3A_184 = arith.addi %add3A_182, %add3A_183 : i32
        %lt3A_185 = arith.constant 40 : i32
        %lt3A_186 = arith.cmpi slt, %add3A_184, %lt3A_185 : i32
        %convert_element_type3A_187 = arith.extui %lt3A_186 : i1 to i32
        %cond3A_188 = arith.constant 0 : i32
        %cond3A_189 = arith.cmpi ne, %convert_element_type3A_187, %cond3A_188 : i32
        scf.if %cond3A_189 {
          %add3A_190 = arith.constant 4 : i32
          %add3A_191 = arith.addi %add3A_114, %add3A_190 : i32
          %add3A_192 = arith.constant 3 : i32
          %add3A_193 = arith.addi %add3A_191, %add3A_192 : i32
          %dma_start3A_194 = arith.constant 0 : i32
          %dma_start3A_195 = tpu.memref_slice %arg7[%add3A_193, %dma_start3A_194] : memref<40x64xi32, #tpu.memory_space<vmem>> -> memref<1x64xi32, #tpu.memory_space<vmem>>
          %dma_start3A_196 = tpu.memref_squeeze %dma_start3A_195 : memref<1x64xi32, #tpu.memory_space<vmem>> -> memref<64xi32, #tpu.memory_space<vmem>>
          %dma_start3A_197 = arith.constant 0 : i32
          %dma_start3A_198 = arith.constant 0 : i32
          %dma_start3A_199 = tpu.memref_slice %arg2[%dma_start3A_197, %dma_start3A_198] : memref<10000x128xf32, #tpu.memory_space<hbm>> -> memref<10000x128xf32, #tpu.memory_space<hbm>>
          tpu.enqueue_indirect_dma source(%dma_start3A_199 : memref<10000x128xf32, #tpu.memory_space<hbm>>) target(%arg12 : memref<64x128xf32, #tpu.memory_space<vmem>>) offsets(%dma_start3A_196 : memref<64xi32, #tpu.memory_space<vmem>>) semaphore(%arg17 : memref<!tpu.dma_semaphore, #tpu.memory_space<semaphore_mem>>)
        } else {
        }
      }
      %scan3A_109 = arith.constant 10 : i32
    } else {
    }
    %eq3A_22 = arith.constant 31 : i32
    %eq3A_23 = arith.cmpi eq, %add3A, %eq3A_22 : i32
    %convert_element_type3A_24 = arith.extui %eq3A_23 : i1 to i32
    %cond3A_25 = arith.constant 0 : i32
    %cond3A_26 = arith.cmpi ne, %convert_element_type3A_24, %cond3A_25 : i32
    scf.if %cond3A_26 {
      %dma_start3A = arith.constant 0 : i32
      %dma_start3A_38 = arith.constant 0 : i32
      %dma_start3A_39 = tpu.memref_slice %arg7[%dma_start3A, %dma_start3A_38] : memref<40x64xi32, #tpu.memory_space<vmem>> -> memref<1x64xi32, #tpu.memory_space<vmem>>
      %dma_start3A_40 = tpu.memref_squeeze %dma_start3A_39 : memref<1x64xi32, #tpu.memory_space<vmem>> -> memref<64xi32, #tpu.memory_space<vmem>>
      %dma_start3A_41 = arith.constant 0 : i32
      %dma_start3A_42 = arith.constant 0 : i32
      %dma_start3A_43 = tpu.memref_slice %arg2[%dma_start3A_41, %dma_start3A_42] : memref<10000x128xf32, #tpu.memory_space<hbm>> -> memref<10000x128xf32, #tpu.memory_space<hbm>>
      tpu.enqueue_indirect_dma source(%dma_start3A_43 : memref<10000x128xf32, #tpu.memory_space<hbm>>) target(%arg9 : memref<64x128xf32, #tpu.memory_space<vmem>>) offsets(%dma_start3A_40 : memref<64xi32, #tpu.memory_space<vmem>>) semaphore(%arg14 : memref<!tpu.dma_semaphore, #tpu.memory_space<semaphore_mem>>)
      %dma_start3A_44 = arith.constant 1 : i32
      %dma_start3A_45 = arith.constant 0 : i32
      %dma_start3A_46 = tpu.memref_slice %arg7[%dma_start3A_44, %dma_start3A_45] : memref<40x64xi32, #tpu.memory_space<vmem>> -> memref<1x64xi32, #tpu.memory_space<vmem>>
      %dma_start3A_47 = tpu.memref_squeeze %dma_start3A_46 : memref<1x64xi32, #tpu.memory_space<vmem>> -> memref<64xi32, #tpu.memory_space<vmem>>
      %dma_start3A_48 = arith.constant 0 : i32
      %dma_start3A_49 = arith.constant 0 : i32
      %dma_start3A_50 = tpu.memref_slice %arg2[%dma_start3A_48, %dma_start3A_49] : memref<10000x128xf32, #tpu.memory_space<hbm>> -> memref<10000x128xf32, #tpu.memory_space<hbm>>
      tpu.enqueue_indirect_dma source(%dma_start3A_50 : memref<10000x128xf32, #tpu.memory_space<hbm>>) target(%arg10 : memref<64x128xf32, #tpu.memory_space<vmem>>) offsets(%dma_start3A_47 : memref<64xi32, #tpu.memory_space<vmem>>) semaphore(%arg15 : memref<!tpu.dma_semaphore, #tpu.memory_space<semaphore_mem>>)
      %dma_start3A_51 = arith.constant 2 : i32
      %dma_start3A_52 = arith.constant 0 : i32
      %dma_start3A_53 = tpu.memref_slice %arg7[%dma_start3A_51, %dma_start3A_52] : memref<40x64xi32, #tpu.memory_space<vmem>> -> memref<1x64xi32, #tpu.memory_space<vmem>>
      %dma_start3A_54 = tpu.memref_squeeze %dma_start3A_53 : memref<1x64xi32, #tpu.memory_space<vmem>> -> memref<64xi32, #tpu.memory_space<vmem>>
      %dma_start3A_55 = arith.constant 0 : i32
      %dma_start3A_56 = arith.constant 0 : i32
      %dma_start3A_57 = tpu.memref_slice %arg2[%dma_start3A_55, %dma_start3A_56] : memref<10000x128xf32, #tpu.memory_space<hbm>> -> memref<10000x128xf32, #tpu.memory_space<hbm>>
      tpu.enqueue_indirect_dma source(%dma_start3A_57 : memref<10000x128xf32, #tpu.memory_space<hbm>>) target(%arg11 : memref<64x128xf32, #tpu.memory_space<vmem>>) offsets(%dma_start3A_54 : memref<64xi32, #tpu.memory_space<vmem>>) semaphore(%arg16 : memref<!tpu.dma_semaphore, #tpu.memory_space<semaphore_mem>>)
      %dma_start3A_58 = arith.constant 3 : i32
      %dma_start3A_59 = arith.constant 0 : i32
      %dma_start3A_60 = tpu.memref_slice %arg7[%dma_start3A_58, %dma_start3A_59] : memref<40x64xi32, #tpu.memory_space<vmem>> -> memref<1x64xi32, #tpu.memory_space<vmem>>
      %dma_start3A_61 = tpu.memref_squeeze %dma_start3A_60 : memref<1x64xi32, #tpu.memory_space<vmem>> -> memref<64xi32, #tpu.memory_space<vmem>>
      %dma_start3A_62 = arith.constant 0 : i32
      %dma_start3A_63 = arith.constant 0 : i32
      %dma_start3A_64 = tpu.memref_slice %arg2[%dma_start3A_62, %dma_start3A_63] : memref<10000x128xf32, #tpu.memory_space<hbm>> -> memref<10000x128xf32, #tpu.memory_space<hbm>>
      tpu.enqueue_indirect_dma source(%dma_start3A_64 : memref<10000x128xf32, #tpu.memory_space<hbm>>) target(%arg12 : memref<64x128xf32, #tpu.memory_space<vmem>>) offsets(%dma_start3A_61 : memref<64xi32, #tpu.memory_space<vmem>>) semaphore(%arg17 : memref<!tpu.dma_semaphore, #tpu.memory_space<semaphore_mem>>)
      %scan3A = arith.constant 0 : i32
      %scan3A_65 = arith.constant 5 : i32
      %scan3A_66 = arith.addi %scan3A, %scan3A_65 : i32
      %scan3A_67 = arith.constant 1 : i32
      scf.for %scan3A_69 = %scan3A to %scan3A_66 step %scan3A_67  : i32 {
        %mul3A_70 = arith.constant 4 : i32
        %mul3A_71 = arith.muli %scan3A_69, %mul3A_70 : i32
        %add3A_72 = arith.constant 0 : i32
        %add3A_73 = arith.addi %add3A_72, %mul3A_71 : i32
        %add3A_74 = arith.constant 0 : i32
        %add3A_75 = arith.addi %add3A_73, %add3A_74 : i32
        %dma_wait3A = arith.constant 0 : i32
        %dma_wait3A_76 = tpu.memref_slice %arg7[%add3A_75, %dma_wait3A] : memref<40x64xi32, #tpu.memory_space<vmem>> -> memref<1x64xi32, #tpu.memory_space<vmem>>
        %dma_wait3A_77 = tpu.memref_squeeze %dma_wait3A_76 : memref<1x64xi32, #tpu.memory_space<vmem>> -> memref<64xi32, #tpu.memory_space<vmem>>
        %dma_wait3A_78 = arith.constant 0 : i32
        %dma_wait3A_79 = arith.constant 0 : i32
        %dma_wait3A_80 = tpu.memref_slice %arg2[%dma_wait3A_78, %dma_wait3A_79] : memref<10000x128xf32, #tpu.memory_space<hbm>> -> memref<10000x128xf32, #tpu.memory_space<hbm>>
        tpu.wait_indirect_dma semaphore(%arg14 : memref<!tpu.dma_semaphore, #tpu.memory_space<semaphore_mem>>) src(%dma_wait3A_80 : memref<10000x128xf32, #tpu.memory_space<hbm>>) dst(%arg9 : memref<64x128xf32, #tpu.memory_space<vmem>>)
        %add3A_81 = arith.constant 0 : i32
        %add3A_82 = arith.addi %add3A_73, %add3A_81 : i32
        "tpu.region"() ({
          %run_scoped3A = tpu.sem_alloc : memref<!tpu.dma_semaphore, #tpu.memory_space<semaphore_mem>>
          %dma_start3A_149 = arith.constant 0 : i32
          %dma_start3A_150 = tpu.memref_slice %arg8[%add3A_82, %dma_start3A_149] : memref<40x64xi32, #tpu.memory_space<vmem>> -> memref<1x64xi32, #tpu.memory_space<vmem>>
          %dma_start3A_151 = tpu.memref_squeeze %dma_start3A_150 : memref<1x64xi32, #tpu.memory_space<vmem>> -> memref<64xi32, #tpu.memory_space<vmem>>
          %dma_start3A_152 = arith.constant 0 : i32
          %dma_start3A_153 = arith.constant 0 : i32
          %dma_start3A_154 = tpu.memref_slice %arg13[%dma_start3A_152, %dma_start3A_153] : memref<10000x128xf32, #tpu.memory_space<vmem_shared>> -> memref<10000x128xf32, #tpu.memory_space<vmem_shared>>
          tpu.enqueue_indirect_dma source(%arg9 : memref<64x128xf32, #tpu.memory_space<vmem>>) target(%dma_start3A_154 : memref<10000x128xf32, #tpu.memory_space<vmem_shared>>) offsets(%dma_start3A_151 : memref<64xi32, #tpu.memory_space<vmem>>) semaphore(%run_scoped3A : memref<!tpu.dma_semaphore, #tpu.memory_space<semaphore_mem>>) {add = true}
          %dma_wait3A_155 = arith.constant 0 : i32
          %dma_wait3A_156 = tpu.memref_slice %arg8[%add3A_82, %dma_wait3A_155] : memref<40x64xi32, #tpu.memory_space<vmem>> -> memref<1x64xi32, #tpu.memory_space<vmem>>
          %dma_wait3A_157 = tpu.memref_squeeze %dma_wait3A_156 : memref<1x64xi32, #tpu.memory_space<vmem>> -> memref<64xi32, #tpu.memory_space<vmem>>
          %dma_wait3A_158 = arith.constant 0 : i32
          %dma_wait3A_159 = arith.constant 0 : i32
          %dma_wait3A_160 = tpu.memref_slice %arg13[%dma_wait3A_158, %dma_wait3A_159] : memref<10000x128xf32, #tpu.memory_space<vmem_shared>> -> memref<10000x128xf32, #tpu.memory_space<vmem_shared>>
          tpu.wait_indirect_dma semaphore(%run_scoped3A : memref<!tpu.dma_semaphore, #tpu.memory_space<semaphore_mem>>) src(%arg9 : memref<64x128xf32, #tpu.memory_space<vmem>>) dst(%dma_wait3A_160 : memref<10000x128xf32, #tpu.memory_space<vmem_shared>>)
          tpu.yield
        }) : () -> ()
        %add3A_83 = arith.constant 4 : i32
        %add3A_84 = arith.addi %add3A_73, %add3A_83 : i32
        %add3A_85 = arith.constant 0 : i32
        %add3A_86 = arith.addi %add3A_84, %add3A_85 : i32
        %lt3A_87 = arith.constant 20 : i32
        %lt3A_88 = arith.cmpi slt, %add3A_86, %lt3A_87 : i32
        %convert_element_type3A_89 = arith.extui %lt3A_88 : i1 to i32
        %cond3A_90 = arith.constant 0 : i32
        %cond3A_91 = arith.cmpi ne, %convert_element_type3A_89, %cond3A_90 : i32
        scf.if %cond3A_91 {
          %add3A_149 = arith.constant 4 : i32
          %add3A_150 = arith.addi %add3A_73, %add3A_149 : i32
          %add3A_151 = arith.constant 0 : i32
          %add3A_152 = arith.addi %add3A_150, %add3A_151 : i32
          %dma_start3A_153 = arith.constant 0 : i32
          %dma_start3A_154 = tpu.memref_slice %arg7[%add3A_152, %dma_start3A_153] : memref<40x64xi32, #tpu.memory_space<vmem>> -> memref<1x64xi32, #tpu.memory_space<vmem>>
          %dma_start3A_155 = tpu.memref_squeeze %dma_start3A_154 : memref<1x64xi32, #tpu.memory_space<vmem>> -> memref<64xi32, #tpu.memory_space<vmem>>
          %dma_start3A_156 = arith.constant 0 : i32
          %dma_start3A_157 = arith.constant 0 : i32
          %dma_start3A_158 = tpu.memref_slice %arg2[%dma_start3A_156, %dma_start3A_157] : memref<10000x128xf32, #tpu.memory_space<hbm>> -> memref<10000x128xf32, #tpu.memory_space<hbm>>
          tpu.enqueue_indirect_dma source(%dma_start3A_158 : memref<10000x128xf32, #tpu.memory_space<hbm>>) target(%arg9 : memref<64x128xf32, #tpu.memory_space<vmem>>) offsets(%dma_start3A_155 : memref<64xi32, #tpu.memory_space<vmem>>) semaphore(%arg14 : memref<!tpu.dma_semaphore, #tpu.memory_space<semaphore_mem>>)
        } else {
        }
        %add3A_92 = arith.constant 1 : i32
        %add3A_93 = arith.addi %add3A_73, %add3A_92 : i32
        %dma_wait3A_94 = arith.constant 0 : i32
        %dma_wait3A_95 = tpu.memref_slice %arg7[%add3A_93, %dma_wait3A_94] : memref<40x64xi32, #tpu.memory_space<vmem>> -> memref<1x64xi32, #tpu.memory_space<vmem>>
        %dma_wait3A_96 = tpu.memref_squeeze %dma_wait3A_95 : memref<1x64xi32, #tpu.memory_space<vmem>> -> memref<64xi32, #tpu.memory_space<vmem>>
        %dma_wait3A_97 = arith.constant 0 : i32
        %dma_wait3A_98 = arith.constant 0 : i32
        %dma_wait3A_99 = tpu.memref_slice %arg2[%dma_wait3A_97, %dma_wait3A_98] : memref<10000x128xf32, #tpu.memory_space<hbm>> -> memref<10000x128xf32, #tpu.memory_space<hbm>>
        tpu.wait_indirect_dma semaphore(%arg15 : memref<!tpu.dma_semaphore, #tpu.memory_space<semaphore_mem>>) src(%dma_wait3A_99 : memref<10000x128xf32, #tpu.memory_space<hbm>>) dst(%arg10 : memref<64x128xf32, #tpu.memory_space<vmem>>)
        %add3A_100 = arith.constant 1 : i32
        %add3A_101 = arith.addi %add3A_73, %add3A_100 : i32
        "tpu.region"() ({
          %run_scoped3A = tpu.sem_alloc : memref<!tpu.dma_semaphore, #tpu.memory_space<semaphore_mem>>
          %dma_start3A_149 = arith.constant 0 : i32
          %dma_start3A_150 = tpu.memref_slice %arg8[%add3A_101, %dma_start3A_149] : memref<40x64xi32, #tpu.memory_space<vmem>> -> memref<1x64xi32, #tpu.memory_space<vmem>>
          %dma_start3A_151 = tpu.memref_squeeze %dma_start3A_150 : memref<1x64xi32, #tpu.memory_space<vmem>> -> memref<64xi32, #tpu.memory_space<vmem>>
          %dma_start3A_152 = arith.constant 0 : i32
          %dma_start3A_153 = arith.constant 0 : i32
          %dma_start3A_154 = tpu.memref_slice %arg13[%dma_start3A_152, %dma_start3A_153] : memref<10000x128xf32, #tpu.memory_space<vmem_shared>> -> memref<10000x128xf32, #tpu.memory_space<vmem_shared>>
          tpu.enqueue_indirect_dma source(%arg10 : memref<64x128xf32, #tpu.memory_space<vmem>>) target(%dma_start3A_154 : memref<10000x128xf32, #tpu.memory_space<vmem_shared>>) offsets(%dma_start3A_151 : memref<64xi32, #tpu.memory_space<vmem>>) semaphore(%run_scoped3A : memref<!tpu.dma_semaphore, #tpu.memory_space<semaphore_mem>>) {add = true}
          %dma_wait3A_155 = arith.constant 0 : i32
          %dma_wait3A_156 = tpu.memref_slice %arg8[%add3A_101, %dma_wait3A_155] : memref<40x64xi32, #tpu.memory_space<vmem>> -> memref<1x64xi32, #tpu.memory_space<vmem>>
          %dma_wait3A_157 = tpu.memref_squeeze %dma_wait3A_156 : memref<1x64xi32, #tpu.memory_space<vmem>> -> memref<64xi32, #tpu.memory_space<vmem>>
          %dma_wait3A_158 = arith.constant 0 : i32
          %dma_wait3A_159 = arith.constant 0 : i32
          %dma_wait3A_160 = tpu.memref_slice %arg13[%dma_wait3A_158, %dma_wait3A_159] : memref<10000x128xf32, #tpu.memory_space<vmem_shared>> -> memref<10000x128xf32, #tpu.memory_space<vmem_shared>>
          tpu.wait_indirect_dma semaphore(%run_scoped3A : memref<!tpu.dma_semaphore, #tpu.memory_space<semaphore_mem>>) src(%arg10 : memref<64x128xf32, #tpu.memory_space<vmem>>) dst(%dma_wait3A_160 : memref<10000x128xf32, #tpu.memory_space<vmem_shared>>)
          tpu.yield
        }) : () -> ()
        %add3A_102 = arith.constant 4 : i32
        %add3A_103 = arith.addi %add3A_73, %add3A_102 : i32
        %add3A_104 = arith.constant 1 : i32
        %add3A_105 = arith.addi %add3A_103, %add3A_104 : i32
        %lt3A_106 = arith.constant 20 : i32
        %lt3A_107 = arith.cmpi slt, %add3A_105, %lt3A_106 : i32
        %convert_element_type3A_108 = arith.extui %lt3A_107 : i1 to i32
        %cond3A_109 = arith.constant 0 : i32
        %cond3A_110 = arith.cmpi ne, %convert_element_type3A_108, %cond3A_109 : i32
        scf.if %cond3A_110 {
          %add3A_149 = arith.constant 4 : i32
          %add3A_150 = arith.addi %add3A_73, %add3A_149 : i32
          %add3A_151 = arith.constant 1 : i32
          %add3A_152 = arith.addi %add3A_150, %add3A_151 : i32
          %dma_start3A_153 = arith.constant 0 : i32
          %dma_start3A_154 = tpu.memref_slice %arg7[%add3A_152, %dma_start3A_153] : memref<40x64xi32, #tpu.memory_space<vmem>> -> memref<1x64xi32, #tpu.memory_space<vmem>>
          %dma_start3A_155 = tpu.memref_squeeze %dma_start3A_154 : memref<1x64xi32, #tpu.memory_space<vmem>> -> memref<64xi32, #tpu.memory_space<vmem>>
          %dma_start3A_156 = arith.constant 0 : i32
          %dma_start3A_157 = arith.constant 0 : i32
          %dma_start3A_158 = tpu.memref_slice %arg2[%dma_start3A_156, %dma_start3A_157] : memref<10000x128xf32, #tpu.memory_space<hbm>> -> memref<10000x128xf32, #tpu.memory_space<hbm>>
          tpu.enqueue_indirect_dma source(%dma_start3A_158 : memref<10000x128xf32, #tpu.memory_space<hbm>>) target(%arg10 : memref<64x128xf32, #tpu.memory_space<vmem>>) offsets(%dma_start3A_155 : memref<64xi32, #tpu.memory_space<vmem>>) semaphore(%arg15 : memref<!tpu.dma_semaphore, #tpu.memory_space<semaphore_mem>>)
        } else {
        }
        %add3A_111 = arith.constant 2 : i32
        %add3A_112 = arith.addi %add3A_73, %add3A_111 : i32
        %dma_wait3A_113 = arith.constant 0 : i32
        %dma_wait3A_114 = tpu.memref_slice %arg7[%add3A_112, %dma_wait3A_113] : memref<40x64xi32, #tpu.memory_space<vmem>> -> memref<1x64xi32, #tpu.memory_space<vmem>>
        %dma_wait3A_115 = tpu.memref_squeeze %dma_wait3A_114 : memref<1x64xi32, #tpu.memory_space<vmem>> -> memref<64xi32, #tpu.memory_space<vmem>>
        %dma_wait3A_116 = arith.constant 0 : i32
        %dma_wait3A_117 = arith.constant 0 : i32
        %dma_wait3A_118 = tpu.memref_slice %arg2[%dma_wait3A_116, %dma_wait3A_117] : memref<10000x128xf32, #tpu.memory_space<hbm>> -> memref<10000x128xf32, #tpu.memory_space<hbm>>
        tpu.wait_indirect_dma semaphore(%arg16 : memref<!tpu.dma_semaphore, #tpu.memory_space<semaphore_mem>>) src(%dma_wait3A_118 : memref<10000x128xf32, #tpu.memory_space<hbm>>) dst(%arg11 : memref<64x128xf32, #tpu.memory_space<vmem>>)
        %add3A_119 = arith.constant 2 : i32
        %add3A_120 = arith.addi %add3A_73, %add3A_119 : i32
        "tpu.region"() ({
          %run_scoped3A = tpu.sem_alloc : memref<!tpu.dma_semaphore, #tpu.memory_space<semaphore_mem>>
          %dma_start3A_149 = arith.constant 0 : i32
          %dma_start3A_150 = tpu.memref_slice %arg8[%add3A_120, %dma_start3A_149] : memref<40x64xi32, #tpu.memory_space<vmem>> -> memref<1x64xi32, #tpu.memory_space<vmem>>
          %dma_start3A_151 = tpu.memref_squeeze %dma_start3A_150 : memref<1x64xi32, #tpu.memory_space<vmem>> -> memref<64xi32, #tpu.memory_space<vmem>>
          %dma_start3A_152 = arith.constant 0 : i32
          %dma_start3A_153 = arith.constant 0 : i32
          %dma_start3A_154 = tpu.memref_slice %arg13[%dma_start3A_152, %dma_start3A_153] : memref<10000x128xf32, #tpu.memory_space<vmem_shared>> -> memref<10000x128xf32, #tpu.memory_space<vmem_shared>>
          tpu.enqueue_indirect_dma source(%arg11 : memref<64x128xf32, #tpu.memory_space<vmem>>) target(%dma_start3A_154 : memref<10000x128xf32, #tpu.memory_space<vmem_shared>>) offsets(%dma_start3A_151 : memref<64xi32, #tpu.memory_space<vmem>>) semaphore(%run_scoped3A : memref<!tpu.dma_semaphore, #tpu.memory_space<semaphore_mem>>) {add = true}
          %dma_wait3A_155 = arith.constant 0 : i32
          %dma_wait3A_156 = tpu.memref_slice %arg8[%add3A_120, %dma_wait3A_155] : memref<40x64xi32, #tpu.memory_space<vmem>> -> memref<1x64xi32, #tpu.memory_space<vmem>>
          %dma_wait3A_157 = tpu.memref_squeeze %dma_wait3A_156 : memref<1x64xi32, #tpu.memory_space<vmem>> -> memref<64xi32, #tpu.memory_space<vmem>>
          %dma_wait3A_158 = arith.constant 0 : i32
          %dma_wait3A_159 = arith.constant 0 : i32
          %dma_wait3A_160 = tpu.memref_slice %arg13[%dma_wait3A_158, %dma_wait3A_159] : memref<10000x128xf32, #tpu.memory_space<vmem_shared>> -> memref<10000x128xf32, #tpu.memory_space<vmem_shared>>
          tpu.wait_indirect_dma semaphore(%run_scoped3A : memref<!tpu.dma_semaphore, #tpu.memory_space<semaphore_mem>>) src(%arg11 : memref<64x128xf32, #tpu.memory_space<vmem>>) dst(%dma_wait3A_160 : memref<10000x128xf32, #tpu.memory_space<vmem_shared>>)
          tpu.yield
        }) : () -> ()
        %add3A_121 = arith.constant 4 : i32
        %add3A_122 = arith.addi %add3A_73, %add3A_121 : i32
        %add3A_123 = arith.constant 2 : i32
        %add3A_124 = arith.addi %add3A_122, %add3A_123 : i32
        %lt3A_125 = arith.constant 20 : i32
        %lt3A_126 = arith.cmpi slt, %add3A_124, %lt3A_125 : i32
        %convert_element_type3A_127 = arith.extui %lt3A_126 : i1 to i32
        %cond3A_128 = arith.constant 0 : i32
        %cond3A_129 = arith.cmpi ne, %convert_element_type3A_127, %cond3A_128 : i32
        scf.if %cond3A_129 {
          %add3A_149 = arith.constant 4 : i32
          %add3A_150 = arith.addi %add3A_73, %add3A_149 : i32
          %add3A_151 = arith.constant 2 : i32
          %add3A_152 = arith.addi %add3A_150, %add3A_151 : i32
          %dma_start3A_153 = arith.constant 0 : i32
          %dma_start3A_154 = tpu.memref_slice %arg7[%add3A_152, %dma_start3A_153] : memref<40x64xi32, #tpu.memory_space<vmem>> -> memref<1x64xi32, #tpu.memory_space<vmem>>
          %dma_start3A_155 = tpu.memref_squeeze %dma_start3A_154 : memref<1x64xi32, #tpu.memory_space<vmem>> -> memref<64xi32, #tpu.memory_space<vmem>>
          %dma_start3A_156 = arith.constant 0 : i32
          %dma_start3A_157 = arith.constant 0 : i32
          %dma_start3A_158 = tpu.memref_slice %arg2[%dma_start3A_156, %dma_start3A_157] : memref<10000x128xf32, #tpu.memory_space<hbm>> -> memref<10000x128xf32, #tpu.memory_space<hbm>>
          tpu.enqueue_indirect_dma source(%dma_start3A_158 : memref<10000x128xf32, #tpu.memory_space<hbm>>) target(%arg11 : memref<64x128xf32, #tpu.memory_space<vmem>>) offsets(%dma_start3A_155 : memref<64xi32, #tpu.memory_space<vmem>>) semaphore(%arg16 : memref<!tpu.dma_semaphore, #tpu.memory_space<semaphore_mem>>)
        } else {
        }
        %add3A_130 = arith.constant 3 : i32
        %add3A_131 = arith.addi %add3A_73, %add3A_130 : i32
        %dma_wait3A_132 = arith.constant 0 : i32
        %dma_wait3A_133 = tpu.memref_slice %arg7[%add3A_131, %dma_wait3A_132] : memref<40x64xi32, #tpu.memory_space<vmem>> -> memref<1x64xi32, #tpu.memory_space<vmem>>
        %dma_wait3A_134 = tpu.memref_squeeze %dma_wait3A_133 : memref<1x64xi32, #tpu.memory_space<vmem>> -> memref<64xi32, #tpu.memory_space<vmem>>
        %dma_wait3A_135 = arith.constant 0 : i32
        %dma_wait3A_136 = arith.constant 0 : i32
        %dma_wait3A_137 = tpu.memref_slice %arg2[%dma_wait3A_135, %dma_wait3A_136] : memref<10000x128xf32, #tpu.memory_space<hbm>> -> memref<10000x128xf32, #tpu.memory_space<hbm>>
        tpu.wait_indirect_dma semaphore(%arg17 : memref<!tpu.dma_semaphore, #tpu.memory_space<semaphore_mem>>) src(%dma_wait3A_137 : memref<10000x128xf32, #tpu.memory_space<hbm>>) dst(%arg12 : memref<64x128xf32, #tpu.memory_space<vmem>>)
        %add3A_138 = arith.constant 3 : i32
        %add3A_139 = arith.addi %add3A_73, %add3A_138 : i32
        "tpu.region"() ({
          %run_scoped3A = tpu.sem_alloc : memref<!tpu.dma_semaphore, #tpu.memory_space<semaphore_mem>>
          %dma_start3A_149 = arith.constant 0 : i32
          %dma_start3A_150 = tpu.memref_slice %arg8[%add3A_139, %dma_start3A_149] : memref<40x64xi32, #tpu.memory_space<vmem>> -> memref<1x64xi32, #tpu.memory_space<vmem>>
          %dma_start3A_151 = tpu.memref_squeeze %dma_start3A_150 : memref<1x64xi32, #tpu.memory_space<vmem>> -> memref<64xi32, #tpu.memory_space<vmem>>
          %dma_start3A_152 = arith.constant 0 : i32
          %dma_start3A_153 = arith.constant 0 : i32
          %dma_start3A_154 = tpu.memref_slice %arg13[%dma_start3A_152, %dma_start3A_153] : memref<10000x128xf32, #tpu.memory_space<vmem_shared>> -> memref<10000x128xf32, #tpu.memory_space<vmem_shared>>
          tpu.enqueue_indirect_dma source(%arg12 : memref<64x128xf32, #tpu.memory_space<vmem>>) target(%dma_start3A_154 : memref<10000x128xf32, #tpu.memory_space<vmem_shared>>) offsets(%dma_start3A_151 : memref<64xi32, #tpu.memory_space<vmem>>) semaphore(%run_scoped3A : memref<!tpu.dma_semaphore, #tpu.memory_space<semaphore_mem>>) {add = true}
          %dma_wait3A_155 = arith.constant 0 : i32
          %dma_wait3A_156 = tpu.memref_slice %arg8[%add3A_139, %dma_wait3A_155] : memref<40x64xi32, #tpu.memory_space<vmem>> -> memref<1x64xi32, #tpu.memory_space<vmem>>
          %dma_wait3A_157 = tpu.memref_squeeze %dma_wait3A_156 : memref<1x64xi32, #tpu.memory_space<vmem>> -> memref<64xi32, #tpu.memory_space<vmem>>
          %dma_wait3A_158 = arith.constant 0 : i32
          %dma_wait3A_159 = arith.constant 0 : i32
          %dma_wait3A_160 = tpu.memref_slice %arg13[%dma_wait3A_158, %dma_wait3A_159] : memref<10000x128xf32, #tpu.memory_space<vmem_shared>> -> memref<10000x128xf32, #tpu.memory_space<vmem_shared>>
          tpu.wait_indirect_dma semaphore(%run_scoped3A : memref<!tpu.dma_semaphore, #tpu.memory_space<semaphore_mem>>) src(%arg12 : memref<64x128xf32, #tpu.memory_space<vmem>>) dst(%dma_wait3A_160 : memref<10000x128xf32, #tpu.memory_space<vmem_shared>>)
          tpu.yield
        }) : () -> ()
        %add3A_140 = arith.constant 4 : i32
        %add3A_141 = arith.addi %add3A_73, %add3A_140 : i32
        %add3A_142 = arith.constant 3 : i32
        %add3A_143 = arith.addi %add3A_141, %add3A_142 : i32
        %lt3A_144 = arith.constant 20 : i32
        %lt3A_145 = arith.cmpi slt, %add3A_143, %lt3A_144 : i32
        %convert_element_type3A_146 = arith.extui %lt3A_145 : i1 to i32
        %cond3A_147 = arith.constant 0 : i32
        %cond3A_148 = arith.cmpi ne, %convert_element_type3A_146, %cond3A_147 : i32
        scf.if %cond3A_148 {
          %add3A_149 = arith.constant 4 : i32
          %add3A_150 = arith.addi %add3A_73, %add3A_149 : i32
          %add3A_151 = arith.constant 3 : i32
          %add3A_152 = arith.addi %add3A_150, %add3A_151 : i32
          %dma_start3A_153 = arith.constant 0 : i32
          %dma_start3A_154 = tpu.memref_slice %arg7[%add3A_152, %dma_start3A_153] : memref<40x64xi32, #tpu.memory_space<vmem>> -> memref<1x64xi32, #tpu.memory_space<vmem>>
          %dma_start3A_155 = tpu.memref_squeeze %dma_start3A_154 : memref<1x64xi32, #tpu.memory_space<vmem>> -> memref<64xi32, #tpu.memory_space<vmem>>
          %dma_start3A_156 = arith.constant 0 : i32
          %dma_start3A_157 = arith.constant 0 : i32
          %dma_start3A_158 = tpu.memref_slice %arg2[%dma_start3A_156, %dma_start3A_157] : memref<10000x128xf32, #tpu.memory_space<hbm>> -> memref<10000x128xf32, #tpu.memory_space<hbm>>
          tpu.enqueue_indirect_dma source(%dma_start3A_158 : memref<10000x128xf32, #tpu.memory_space<hbm>>) target(%arg12 : memref<64x128xf32, #tpu.memory_space<vmem>>) offsets(%dma_start3A_155 : memref<64xi32, #tpu.memory_space<vmem>>) semaphore(%arg17 : memref<!tpu.dma_semaphore, #tpu.memory_space<semaphore_mem>>)
        } else {
        }
      }
      %scan3A_68 = arith.constant 5 : i32
    } else {
    }
    %barrier3A_27 = arith.constant 0 : index
    tpu.barrier barrier_id(%barrier3A_27)
    %lt3A_28 = arith.constant 15 : i32
    %lt3A_29 = arith.cmpi slt, %arg1, %lt3A_28 : i32
    %convert_element_type3A_30 = arith.extui %lt3A_29 : i1 to i32
    %cond3A_31 = arith.constant 0 : i32
    %cond3A_32 = arith.cmpi ne, %convert_element_type3A_30, %cond3A_31 : i32
    scf.if %cond3A_32 {
      %mul3A_38 = arith.constant 624 : i32
      %mul3A_39 = arith.muli %arg1, %mul3A_38 : i32
      %mul3A_40 = arith.constant 624 : i32
      %mul3A_41 = arith.muli %arg1, %mul3A_40 : i32
      "tpu.region"() ({
        %run_scoped3A = tpu.sem_alloc : memref<!tpu.dma_semaphore, #tpu.memory_space<semaphore_mem>>
        %dma_start3A = arith.constant 0 : i32
        %dma_start3A_42 = tpu.memref_slice %arg6[%arg0, %mul3A_41, %dma_start3A] : memref<2x10000x128xf32, #tpu.memory_space<hbm>> -> memref<1x624x128xf32, #tpu.memory_space<hbm>>
        %dma_start3A_43 = tpu.memref_squeeze %dma_start3A_42 : memref<1x624x128xf32, #tpu.memory_space<hbm>> -> memref<624x128xf32, #tpu.memory_space<hbm>>
        %dma_start3A_44 = arith.constant 0 : i32
        %dma_start3A_45 = tpu.memref_slice %arg13[%mul3A_39, %dma_start3A_44] : memref<10000x128xf32, #tpu.memory_space<vmem_shared>> -> memref<624x128xf32, #tpu.memory_space<vmem_shared>>
        tpu.enqueue_dma source(%dma_start3A_45 : memref<624x128xf32, #tpu.memory_space<vmem_shared>>) target(%dma_start3A_43 : memref<624x128xf32, #tpu.memory_space<hbm>>) target_semaphore(%run_scoped3A : memref<!tpu.dma_semaphore, #tpu.memory_space<semaphore_mem>>)
        %dma_wait3A = arith.constant 0 : i32
        %dma_wait3A_46 = tpu.memref_slice %arg6[%arg0, %mul3A_41, %dma_wait3A] : memref<2x10000x128xf32, #tpu.memory_space<hbm>> -> memref<1x624x128xf32, #tpu.memory_space<hbm>>
        %dma_wait3A_47 = tpu.memref_squeeze %dma_wait3A_46 : memref<1x624x128xf32, #tpu.memory_space<hbm>> -> memref<624x128xf32, #tpu.memory_space<hbm>>
        %dma_wait3A_48 = arith.constant 0 : i32
        %dma_wait3A_49 = tpu.memref_slice %arg13[%mul3A_39, %dma_wait3A_48] : memref<10000x128xf32, #tpu.memory_space<vmem_shared>> -> memref<624x128xf32, #tpu.memory_space<vmem_shared>>
        tpu.wait_dma2 semaphore(%run_scoped3A : memref<!tpu.dma_semaphore, #tpu.memory_space<semaphore_mem>>) src(%dma_wait3A_49 : memref<624x128xf32, #tpu.memory_space<vmem_shared>>) dst(%dma_wait3A_47 : memref<624x128xf32, #tpu.memory_space<hbm>>)
        tpu.yield
      }) : () -> ()
    } else {
    }
    %eq3A_33 = arith.constant 15 : i32
    %eq3A_34 = arith.cmpi eq, %arg1, %eq3A_33 : i32
    %convert_element_type3A_35 = arith.extui %eq3A_34 : i1 to i32
    %cond3A_36 = arith.constant 0 : i32
    %cond3A_37 = arith.cmpi ne, %convert_element_type3A_35, %cond3A_36 : i32
    scf.if %cond3A_37 {
      "tpu.region"() ({
        %run_scoped3A = tpu.sem_alloc : memref<!tpu.dma_semaphore, #tpu.memory_space<semaphore_mem>>
        %dma_start3A = arith.constant 9360 : i32
        %dma_start3A_38 = arith.constant 0 : i32
        %dma_start3A_39 = tpu.memref_slice %arg6[%arg0, %dma_start3A, %dma_start3A_38] : memref<2x10000x128xf32, #tpu.memory_space<hbm>> -> memref<1x640x128xf32, #tpu.memory_space<hbm>>
        %dma_start3A_40 = tpu.memref_squeeze %dma_start3A_39 : memref<1x640x128xf32, #tpu.memory_space<hbm>> -> memref<640x128xf32, #tpu.memory_space<hbm>>
        %dma_start3A_41 = arith.constant 9360 : i32
        %dma_start3A_42 = arith.constant 0 : i32
        %dma_start3A_43 = tpu.memref_slice %arg13[%dma_start3A_41, %dma_start3A_42] : memref<10000x128xf32, #tpu.memory_space<vmem_shared>> -> memref<640x128xf32, #tpu.memory_space<vmem_shared>>
        tpu.enqueue_dma source(%dma_start3A_43 : memref<640x128xf32, #tpu.memory_space<vmem_shared>>) target(%dma_start3A_40 : memref<640x128xf32, #tpu.memory_space<hbm>>) target_semaphore(%run_scoped3A : memref<!tpu.dma_semaphore, #tpu.memory_space<semaphore_mem>>)
        %dma_wait3A = arith.constant 9360 : i32
        %dma_wait3A_44 = arith.constant 0 : i32
        %dma_wait3A_45 = tpu.memref_slice %arg6[%arg0, %dma_wait3A, %dma_wait3A_44] : memref<2x10000x128xf32, #tpu.memory_space<hbm>> -> memref<1x640x128xf32, #tpu.memory_space<hbm>>
        %dma_wait3A_46 = tpu.memref_squeeze %dma_wait3A_45 : memref<1x640x128xf32, #tpu.memory_space<hbm>> -> memref<640x128xf32, #tpu.memory_space<hbm>>
        %dma_wait3A_47 = arith.constant 9360 : i32
        %dma_wait3A_48 = arith.constant 0 : i32
        %dma_wait3A_49 = tpu.memref_slice %arg13[%dma_wait3A_47, %dma_wait3A_48] : memref<10000x128xf32, #tpu.memory_space<vmem_shared>> -> memref<640x128xf32, #tpu.memory_space<vmem_shared>>
        tpu.wait_dma2 semaphore(%run_scoped3A : memref<!tpu.dma_semaphore, #tpu.memory_space<semaphore_mem>>) src(%dma_wait3A_49 : memref<640x128xf32, #tpu.memory_space<vmem_shared>>) dst(%dma_wait3A_46 : memref<640x128xf32, #tpu.memory_space<hbm>>)
        tpu.yield
      }) : () -> ()
    } else {
    }
    return
  }
}

module attributes {stable_mosaic.version = 14 : i64} {
  func.func @_dense_body(%arg0: i32, %arg1: memref<1000x256xf32, #tpu.memory_space<vmem>>, %arg2: memref<256x256xf32, #tpu.memory_space<vmem>>, %arg3: memref<256x256xf32, #tpu.memory_space<vmem>>, %arg4: memref<256x128xf32, #tpu.memory_space<vmem>>, %arg5: memref<1000x128xf32, #tpu.memory_space<vmem>>) attributes {dimension_semantics = [#tpu.dimension_semantics<arbitrary>], iteration_bounds = array<i64: 10>, scalar_prefetch = 0 : i64, scratch_operands = 0 : i64, tpu.core_type = #tpu.core_type<tc>, window_params = [{transform_indices = @transform_0, window_bounds = array<i64: 1000, 256>}, {pipeline_mode = #tpu.pipeline_mode<synchronous>, transform_indices = @transform_1, window_bounds = array<i64: 256, 256>}, {pipeline_mode = #tpu.pipeline_mode<synchronous>, transform_indices = @transform_2, window_bounds = array<i64: 256, 256>}, {pipeline_mode = #tpu.pipeline_mode<synchronous>, transform_indices = @transform_3, window_bounds = array<i64: 256, 128>}, {transform_indices = @transform_4, window_bounds = array<i64: 1000, 128>}]} {
    %get3A = arith.constant 0 : index
    %get3A_0 = arith.constant 0 : index
    %get3A_1 = vector.load %arg1[%get3A, %get3A_0] : memref<1000x256xf32, #tpu.memory_space<vmem>>, vector<1000x256xf32>
    %get3A_2 = arith.constant 0 : index
    %get3A_3 = arith.constant 0 : index
    %get3A_4 = vector.load %arg2[%get3A_2, %get3A_3] : memref<256x256xf32, #tpu.memory_space<vmem>>, vector<256x256xf32>
    %dot_general3A = arith.constant dense<0.000000e+00> : vector<1000x256xf32>
    %dot_general3A_5 = tpu.matmul %get3A_1, %get3A_4, %dot_general3A {dimension_numbers = #tpu.dot_dimension_numbers<[1], [0], [0], [1], [0, 0, 1, 1], [], []>, transpose_lhs_hint = false} : vector<1000x256xf32>, vector<256x256xf32>, vector<1000x256xf32> -> vector<1000x256xf32>
    %max3A = arith.constant 0.000000e+00 : f32
    %max3A_6 = vector.broadcast %max3A : f32 to vector<1000x256xf32>
    %max3A_7 = arith.maximumf %dot_general3A_5, %max3A_6 : vector<1000x256xf32>
    %get3A_8 = arith.constant 0 : index
    %get3A_9 = arith.constant 0 : index
    %get3A_10 = vector.load %arg3[%get3A_8, %get3A_9] : memref<256x256xf32, #tpu.memory_space<vmem>>, vector<256x256xf32>
    %dot_general3A_11 = arith.constant dense<0.000000e+00> : vector<1000x256xf32>
    %dot_general3A_12 = tpu.matmul %max3A_7, %get3A_10, %dot_general3A_11 {dimension_numbers = #tpu.dot_dimension_numbers<[1], [0], [0], [1], [0, 0, 1, 1], [], []>, transpose_lhs_hint = false} : vector<1000x256xf32>, vector<256x256xf32>, vector<1000x256xf32> -> vector<1000x256xf32>
    %max3A_13 = arith.constant 0.000000e+00 : f32
    %max3A_14 = vector.broadcast %max3A_13 : f32 to vector<1000x256xf32>
    %max3A_15 = arith.maximumf %dot_general3A_12, %max3A_14 : vector<1000x256xf32>
    %get3A_16 = arith.constant 0 : index
    %get3A_17 = arith.constant 0 : index
    %get3A_18 = vector.load %arg4[%get3A_16, %get3A_17] : memref<256x128xf32, #tpu.memory_space<vmem>>, vector<256x128xf32>
    %dot_general3A_19 = arith.constant dense<0.000000e+00> : vector<1000x128xf32>
    %dot_general3A_20 = tpu.matmul %max3A_15, %get3A_18, %dot_general3A_19 {dimension_numbers = #tpu.dot_dimension_numbers<[1], [0], [0], [1], [0, 0, 1, 1], [], []>, transpose_lhs_hint = false} : vector<1000x256xf32>, vector<256x128xf32>, vector<1000x128xf32> -> vector<1000x128xf32>
    %swap3A = arith.constant 0 : index
    %swap3A_21 = arith.constant 0 : index
    %swap3A_22 = vector.load %arg5[%swap3A, %swap3A_21] : memref<1000x128xf32, #tpu.memory_space<vmem>>, vector<1000x128xf32>
    tpu.vector_store %arg5[%swap3A, %swap3A_21], %dot_general3A_20 {strides = array<i32>} : memref<1000x128xf32, #tpu.memory_space<vmem>>, vector<1000x128xf32>,
    return
  }
  func.func @transform_0(%arg0: i32) -> (i32, i32) {
    %c0_i32 = arith.constant 0 : i32
    %c0_i32_0 = arith.constant 0 : i32
    return %arg0, %c0_i32 : i32, i32
  }
  func.func @transform_1(%arg0: i32) -> (i32, i32) {
    %c0_i32 = arith.constant 0 : i32
    %c0_i32_0 = arith.constant 0 : i32
    %c0_i32_1 = arith.constant 0 : i32
    return %c0_i32, %c0_i32_0 : i32, i32
  }
  func.func @transform_2(%arg0: i32) -> (i32, i32) {
    %c0_i32 = arith.constant 0 : i32
    %c0_i32_0 = arith.constant 0 : i32
    %c0_i32_1 = arith.constant 0 : i32
    return %c0_i32, %c0_i32_0 : i32, i32
  }
  func.func @transform_3(%arg0: i32) -> (i32, i32) {
    %c0_i32 = arith.constant 0 : i32
    %c0_i32_0 = arith.constant 0 : i32
    %c0_i32_1 = arith.constant 0 : i32
    return %c0_i32, %c0_i32_0 : i32, i32
  }
  func.func @transform_4(%arg0: i32) -> (i32, i32) {
    %c0_i32 = arith.constant 0 : i32
    %c0_i32_0 = arith.constant 0 : i32
    return %arg0, %c0_i32 : i32, i32
  }
}

module attributes {stable_mosaic.version = 14 : i64} {
  func.func @_combine_body(%arg0: i32, %arg1: memref<2x1000x128xf32, #tpu.memory_space<vmem>>, %arg2: memref<1000x128xf32, #tpu.memory_space<vmem>>) attributes {dimension_semantics = [#tpu.dimension_semantics<arbitrary>], iteration_bounds = array<i64: 10>, scalar_prefetch = 0 : i64, scratch_operands = 0 : i64, tpu.core_type = #tpu.core_type<tc>, window_params = [{transform_indices = @transform_0, window_bounds = array<i64: 2, 1000, 128>}, {transform_indices = @transform_1, window_bounds = array<i64: 1000, 128>}]} {
    %get3A = arith.constant 0 : index
    %get3A_0 = arith.constant 0 : index
    %get3A_1 = arith.constant 0 : index
    %get3A_2 = vector.load %arg1[%get3A, %get3A_0, %get3A_1] : memref<2x1000x128xf32, #tpu.memory_space<vmem>>, vector<1x1000x128xf32>
    %get3A_3 = vector.shape_cast %get3A_2 : vector<1x1000x128xf32> to vector<1000x128xf32>
    %get3A_4 = arith.constant 1 : index
    %get3A_5 = arith.constant 0 : index
    %get3A_6 = arith.constant 0 : index
    %get3A_7 = vector.load %arg1[%get3A_4, %get3A_5, %get3A_6] : memref<2x1000x128xf32, #tpu.memory_space<vmem>>, vector<1x1000x128xf32>
    %get3A_8 = vector.shape_cast %get3A_7 : vector<1x1000x128xf32> to vector<1000x128xf32>
    %add3A = arith.addf %get3A_3, %get3A_8 : vector<1000x128xf32>
    %swap3A = arith.constant 0 : index
    %swap3A_9 = arith.constant 0 : index
    %swap3A_10 = vector.load %arg2[%swap3A, %swap3A_9] : memref<1000x128xf32, #tpu.memory_space<vmem>>, vector<1000x128xf32>
    tpu.vector_store %arg2[%swap3A, %swap3A_9], %add3A {strides = array<i32>} : memref<1000x128xf32, #tpu.memory_space<vmem>>, vector<1000x128xf32>,
    return
  }
  func.func @transform_0(%arg0: i32) -> (i32, i32, i32) {
    %c0_i32 = arith.constant 0 : i32
    %c0_i32_0 = arith.constant 0 : i32
    %c0_i32_1 = arith.constant 0 : i32
    return %c0_i32, %arg0, %c0_i32_0 : i32, i32, i32
  }
  func.func @transform_1(%arg0: i32) -> (i32, i32) {
    %c0_i32 = arith.constant 0 : i32
    %c0_i32_0 = arith.constant 0 : i32
    return %arg0, %c0_i32 : i32, i32
  }
}

module attributes {stable_mosaic.version = 14 : i64} {
  func.func @_combine_body(%arg0: i32, %arg1: memref<2x1000x128xf32, #tpu.memory_space<vmem>>, %arg2: memref<1000x128xf32, #tpu.memory_space<vmem>>) attributes {dimension_semantics = [#tpu.dimension_semantics<arbitrary>], iteration_bounds = array<i64: 10>, scalar_prefetch = 0 : i64, scratch_operands = 0 : i64, tpu.core_type = #tpu.core_type<tc>, window_params = [{transform_indices = @transform_0, window_bounds = array<i64: 2, 1000, 128>}, {transform_indices = @transform_1, window_bounds = array<i64: 1000, 128>}]} {
    %get3A = arith.constant 0 : index
    %get3A_0 = arith.constant 0 : index
    %get3A_1 = arith.constant 0 : index
    %get3A_2 = vector.load %arg1[%get3A, %get3A_0, %get3A_1] : memref<2x1000x128xf32, #tpu.memory_space<vmem>>, vector<1x1000x128xf32>
    %get3A_3 = vector.shape_cast %get3A_2 : vector<1x1000x128xf32> to vector<1000x128xf32>
    %get3A_4 = arith.constant 1 : index
    %get3A_5 = arith.constant 0 : index
    %get3A_6 = arith.constant 0 : index
    %get3A_7 = vector.load %arg1[%get3A_4, %get3A_5, %get3A_6] : memref<2x1000x128xf32, #tpu.memory_space<vmem>>, vector<1x1000x128xf32>
    %get3A_8 = vector.shape_cast %get3A_7 : vector<1x1000x128xf32> to vector<1000x128xf32>
    %add3A = arith.addf %get3A_3, %get3A_8 : vector<1000x128xf32>
    %swap3A = arith.constant 0 : index
    %swap3A_9 = arith.constant 0 : index
    %swap3A_10 = vector.load %arg2[%swap3A, %swap3A_9] : memref<1000x128xf32, #tpu.memory_space<vmem>>, vector<1000x128xf32>
    tpu.vector_store %arg2[%swap3A, %swap3A_9], %add3A {strides = array<i32>} : memref<1000x128xf32, #tpu.memory_space<vmem>>, vector<1000x128xf32>,
    return
  }
  func.func @transform_0(%arg0: i32) -> (i32, i32, i32) {
    %c0_i32 = arith.constant 0 : i32
    %c0_i32_0 = arith.constant 0 : i32
    %c0_i32_1 = arith.constant 0 : i32
    return %c0_i32, %arg0, %c0_i32_0 : i32, i32, i32
  }
  func.func @transform_1(%arg0: i32) -> (i32, i32) {
    %c0_i32 = arith.constant 0 : i32
    %c0_i32_0 = arith.constant 0 : i32
    return %arg0, %c0_i32 : i32, i32
  }
}

</mosaic_0001>

<sc_bundles>
// kernel: kernel.12.cloned.1.call-start
scs
__scs_entry_jumppad:
0x0: {  	(pc) =	sbr.rel $0x88, $3  }
0x1: {  	(tag) =	ssettag $0x0;
	lr =	simm.s32 $0x1  }
0x2: {  	[smem:$0x3F9C] =	sst lr;
	_ =	strace $0xD0000000  }
0x3: {  	_ = 	snop  }
0x4: {  	_ = 	snop  }
0x5: {  	_ = 	snop  }
0x6: {  	_ = 	snop  }
0x7: {  	_ = 	snop  }
__scs_overlays_trampoline_lowered:
0x8: {  	[smem:$0x3FAB] =	sst s0  }
0x9: {  	[smem:$0x3FAC] =	sst s1  }
0xa: {  	[smem:$0x3FAD] =	sst s2  }
0xb: {  	[smem:$0x3FAE] =	sst s3  }
0xc: {  	[smem:$0x3FAF] =	sst s4  }
0xd: {  	[smem:$0x3FB0] =	sst s5  }
0xe: {  	[smem:$0x3FB1] =	sst s6  }
0xf: {  	[smem:$0x3FB2] =	sst s7  }
0x10: {  	[smem:$0x3FB3] =	sst s8  }
0x11: {  	[smem:$0x3FB4] =	sst s9;
	s0 =	simm.s32 @!p0 $0x0  }
0x12: {  	s1 =	sld [smem:$0x3F9A];
	s0 =	simm.s32 @p0 $0x1  }
0x13: {  	[smem:$0x3FB5] =	sst s0;
	s0 =	simm.s32 @!p1 $0x0  }
0x14: {  	s2 =	sld [smem:$0x3F99];
	s0 =	simm.s32 @p1 $0x1  }
0x15: {  	[smem:$0x3FB6] =	sst s0;
	s0 =	simm.s32 @!p2 $0x0  }
0x16: {  	s3 =	sld [smem:$0x3FDB];
	s0 =	simm.s32 @p2 $0x1  }
0x17: {  	s4 =	simm.s32 $0x1BF5;
	[smem:$0x3FB8] =	sst s0  }
0x18: {  	s0 =	sld [smem:$0x3F9B];
	_ =	swait.ge [sflag:s4], $0x0  }
0x19: {  	s7 =	sld [smem:$0x3F9C]  }
0x1a: {  	s8 =	sadd.s32 $0xFFFFE003, lr  }
0x1b: {  	s9 =	sadd.s32 $0xFFFFFEF7, lr;
	s5 =	simm.s32 $0xFFFFFFFF;
	p2 =	slt.u32 s8, $0xFFFFF086  }
0x1c: {  	p1 =	slt.u32 s9, $0xF7A;
	s5 =	simm.s32 @!p2 $0x0  }
0x1d: {  	s5 =	simm.s32 @p1 $0x1;
	p0 =	seq.s32 s7, s2  }
0x1e: {  	s7 =	smul.u32 @!p0 $0xF7A, s2;
	p2 =	seq.s32 @!p0 s5, $0x0  }
0x1f: {  	s9 =	smul.u32 $0xF7A, s1;
	s8 =	simm.s32 @!p0 $0x1BF5;
	p2 =	por !p2, p0  }
0x20: {  	[sflag:s8] =	ssyncset.s32 @!p0 $0xFFFFF086;
	s6 =	sadd.s32 @!p0 s3, s7;
	s7 =	simm.s32 @!p0 $0x108  }
0x21: {  	s3 =	sadd.s32 s3, s9;
	s6 =	sadd.s32 @!p0 $0x88, s6;
	s7 =	simm.s32 @p2 $0x1082  }
0x22: {  	[simem:s7], [sflag:s8] =	dma.local @!p0 [hbm:s6], $0xF7A  }
0x23: {  	s9 =	sor.u32 $0xD0000000, s2;
	s6 =	simm.s32 $0x108;
	_ =	swait.ge @!p0 [sflag:s8], $0x0  }
0x24: {  	s3 =	sadd.s32 $0x88, s3;
	s6 =	simm.s32 @!p1 $0x1082;
	[sflag:s4] =	ssyncset.s32 $0xFFFFF086  }
0x25: {  	[simem:s6], [sflag:s4] =	dma.local [hbm:s3], $0xF7A  }
0x26: {  	[smem:$0x3F9C] =	sst s1;
	(tag) =	ssettag s2;
	_ =	strace s9  }
0x27: {  	s1 =	sld [smem:$0x3FAC]  }
0x28: {  	s2 =	sld [smem:$0x3FAD]  }
0x29: {  	s4 =	sld [smem:$0x3FAF]  }
0x2a: {  	p0 =	seq.s32 s5, $0x0;
	s5 =	sld [smem:$0x3FB0]  }
0x2b: {  	s6 =	sld [smem:$0x3FB1]  }
0x2c: {  	s7 =	sld [smem:$0x3FB2]  }
0x2d: {  	s3 =	simm.s32 $0x108;
	s8 =	sld [smem:$0x3FB3]  }
0x2e: {  	s3 =	simm.s32 @!p0 $0x1082;
	s9 =	sld [smem:$0x3FB4]  }
0x2f: {  	lr =	sadd.s32 s0, s3;
	s0 =	sld [smem:$0x3FAB]  }
0x30: {  	s3 =	sld [smem:$0x3FAE]  }
0x31: {  	[smem:$0x3FB7] =	sst s10  }
0x32: {  	s10 =	sld [smem:$0x3FB5];
	_ =	sdelay $0x3  }
0x33: {  	p0 =	seq.s32 s10, $0x1;
	s10 =	sld [smem:$0x3FB7];
	_ =	sdelay $0x3  }
0x34: {  	[smem:$0x3FB7] =	sst s10  }
0x35: {  	s10 =	sld [smem:$0x3FB6];
	_ =	sdelay $0x3  }
0x36: {  	p1 =	seq.s32 s10, $0x1;
	s10 =	sld [smem:$0x3FB7];
	_ =	sdelay $0x3  }
0x37: {  	[smem:$0x3FB7] =	sst s10  }
0x38: {  	s10 =	sld [smem:$0x3FB8]  }
0x39: {  	_ = 	snop;
	(pc) =	sbr.ind lr, $3  }
0x3a: {  	_ = 	snop  }
0x3b: {  	_ = 	snop  }
0x3c: {  	p2 =	seq.s32 s10, $0x1;
	s10 =	sld [smem:$0x3FB7]  }
0x3d: {  	_ =	shalt  }
0x3e: {  	_ =	shalt  }
0x3f: {  	_ =	shalt  }
0x40: {  	_ =	shalt  }
0x41: {  	_ =	shalt  }
0x42: {  	_ =	shalt  }
0x43: {  	_ =	shalt  }
0x44: {  	_ =	shalt  }
0x45: {  	_ =	shalt  }
0x46: {  	_ =	shalt  }
0x47: {  	_ =	shalt  }
0x48: {  	_ =	shalt  }
0x49: {  	_ =	shalt  }
0x4a: {  	_ =	shalt  }
0x4b: {  	_ =	shalt  }
0x4c: {  	_ =	shalt  }
0x4d: {  	_ =	shalt  }
0x4e: {  	_ =	shalt  }
0x4f: {  	_ =	shalt  }
0x50: {  	_ =	shalt  }
0x51: {  	_ =	shalt  }
0x52: {  	_ =	shalt  }
0x53: {  	_ =	shalt  }
0x54: {  	_ =	shalt  }
0x55: {  	_ =	shalt  }
0x56: {  	_ =	shalt  }
0x57: {  	_ =	shalt  }
0x58: {  	_ =	shalt  }
0x59: {  	_ =	shalt  }
0x5a: {  	_ =	shalt  }
0x5b: {  	_ =	shalt  }
0x5c: {  	_ =	shalt  }
0x5d: {  	_ =	shalt  }
0x5e: {  	_ =	shalt  }
0x5f: {  	_ =	shalt  }
0x60: {  	_ =	shalt  }
0x61: {  	_ =	shalt  }
0x62: {  	_ =	shalt  }
0x63: {  	_ =	shalt  }
0x64: {  	_ =	shalt  }
0x65: {  	_ =	shalt  }
0x66: {  	_ =	shalt  }
0x67: {  	_ =	shalt  }
0x68: {  	_ =	shalt  }
0x69: {  	_ =	shalt  }
0x6a: {  	_ =	shalt  }
0x6b: {  	_ =	shalt  }
0x6c: {  	_ =	shalt  }
0x6d: {  	_ =	shalt  }
0x6e: {  	_ =	shalt  }
0x6f: {  	_ =	shalt  }
0x70: {  	_ =	shalt  }
0x71: {  	_ =	shalt  }
0x72: {  	_ =	shalt  }
0x73: {  	_ =	shalt  }
0x74: {  	_ =	shalt  }
0x75: {  	_ =	shalt  }
0x76: {  	_ =	shalt  }
0x77: {  	_ =	shalt  }
0x78: {  	_ =	shalt  }
0x79: {  	_ =	shalt  }
0x7a: {  	_ =	shalt  }
0x7b: {  	_ =	shalt  }
0x7c: {  	_ =	shalt  }
0x7d: {  	_ =	shalt  }
0x7e: {  	_ =	shalt  }
0x7f: {  	_ =	shalt  }
0x80: {  	_ =	shalt  }
0x81: {  	_ =	shalt  }
0x82: {  	_ =	shalt  }
0x83: {  	_ =	shalt  }
0x84: {  	_ =	shalt  }
0x85: {  	_ =	shalt  }
0x86: {  	_ =	shalt  }
0x87: {  	_ =	shalt  }
.Lfunc_end0:
.L_simem_size_0:
called_computation.1_lowered:
.L_overlay_start_0:
0x88: {  	s2 =	sld [smem:$0x3FD9]  }
0x89: {  	s3 =	sld [smem:$0x3FFE];
	_ =	sdelay $0x1  }
0x8a: {  	s1 =	srdreg.scid  }
0x8b: {  	s0 =	sand.u32 $0x1, s1  }
0x8c: {  	s17 =	sshll.u32 s0, $0xA;
	s2 =	sadd.s32 s3, s2  }
0x8d: {  	s2 =	sadd.s32 s2, s17  }
0x8e: {  	[smem:$0x3FC3] =	sst s2  }
0x8f: {  	_ = 	snop  }
0x90: {  	s2 =	sld [smem:$0x3FD0];
	(tm) =	ssettm $0x1  }
0x91: {  	s18 =	sld [smem:$0x3FFB];
	_ =	sdelay $0x3  }
0x92: {  	_ =	strace s18  }
0x93: {  	s3 =	sld [smem:$0x3FFC];
	_ =	sdelay $0x3  }
0x94: {  	_ =	strace s3  }
0x95: {  	s3 =	sld [smem:$0x3FFD];
	_ =	sdelay $0x3  }
0x96: {  	_ =	strace s3  }
0x97: {  	_ =	strace $0x8FFFFFFF  }
0x98: {  	s19 =	sld [smem:$0x3FDB];
	_ =	sdelay $0x1  }
0x99: {  	s4 =	simm.s32 $_scs_section_size  }
0x9a: {  	s5 =	simm.s32 $_size__tile_overlayer_lowered;
	s6 =	simm.s32 $_tile_overlayer_lowered  }
0x9b: {  	s22 =	simm.s32 $0x1BFF;
	s21 =	sshll.u32 s6, $0x1;
	s3 =	sadd.s32 s4, s19  }
0x9c: {  	s7 =	simm.s32 $0x0;
	s20 =	sshll.u32 s5, $0x1;
	s5 =	sadd.s32 s21, s3  }
0x9d: {  	[timem:s7], [sflag:s22] =	dma.local [hbm:s5], s20  }
0x9e: {  	_ =	swait.ge [sflag:s22], s20  }
0x9f: {  	s4 =	ssub.s32 $0x0, s20;
	[sflag:s22] =	ssyncset.done $0x0  }
0xa0: {  	[sflag:s22] =	ssyncadd.s32 s4;
	_ =	sdelay $0x1  }
0xa1: {  	s23 =	simm.s32 $0x1B8B  }
0xa2: {  	_ =	swait.ge [sflag:s23], $0x1  }
0xa3: {  	[sflag:s23] =	ssyncset.done $0x0  }
0xa4: {  	s25 =	simm.s32 $0x1B8E;
	s24 =	sld [smem:$0x3FFE];
	[sflag:s23] =	ssyncadd.s32 $0xFFFFFFFF  }
0xa5: {  	s26 =	simm.s32 $execute0_lowered;
	[smem:$0x3FD2] =	sst s25  }
0xa6: {  	s5 =	sshll.u32 s26, $0x1;
	_ =	strace $0x80000049;
	[dreg:$0x1] =	wrdreg $0xFFFFFFFF  }
0xa7: {  	s28 =	simm.s32 $_size_execute0_lowered;
	s3 =	sadd.s32 s3, s5;
	[dreg:$0x0] =	wrdreg $0x0  }
0xa8: {  	s5 =	sshll.u32 s28, $0x1;
	[dreg:$0x2] =	wrdreg s3  }
0xa9: {  	[dreg:$0x3] =	wrdreg s5  }
0xaa: {  	[dreg:$0x4] =	wrdreg $0xC0  }
0xab: {  	_ =	task [dreg:s7], $0x5FFFF  }
0xac: {  	[dreg:$0x1] =	wrdreg $0xFFFFFFFF  }
0xad: {  	[dreg:$0x0] =	wrdreg $0x60  }
0xae: {  	[dreg:$0x2] =	wrdreg s2  }
0xaf: {  	[dreg:$0x3] =	wrdreg s24  }
0xb0: {  	[dreg:$0x4] =	wrdreg $0xA8000  }
0xb1: {  	[dreg:$0x5] =	wrdreg $0x9  }
0xb2: {  	_ =	task.clear_ibuf [dreg:s7], $0x6FFFF;
	_ =	strace $0x90000049  }
0xb3: {  	s29 =	simm.s32 $0x9;
	_ =	strace $0x8000004B  }
0xb4: {  	_ =	swait.ge [sflag:s29], $0x1  }
0xb5: {  	[sflag:s29] =	ssyncadd.s32 $0xFFFFFFFF  }
0xb6: {  	_ =	strace $0x9000004B  }
0xb7: {  	_ =	sfence  }
0xb8: {  	s30 =	sld [smem:$0x0];
	_ =	sdelay $0x2  }
0xb9: {  	s31 =	sshll.u32 s1, $0xD;
	s1 =	sshrl.u32 s1, $0x2  }
0xba: {  	s3 =	sand.u32 $0x4000, s31;
	s1 =	sadd.s32 s1, s30  }
0xbb: {  	s0 =	sor.u32 s3, s0;
	s1 =	sshll.u32 s1, $0x11  }
0xbc: {  	s0 =	sor.u32 s1, s0  }
0xbd: {  	s0 =	sadd.s32 $0x8F2B, s0  }
0xbe: {  	[sflag:s0] =	ssyncadd.remote.s32 $0x1  }
0xbf: {  	_ =	sfence.sel $0xFFFF  }
0xc0: {  	[dreg:$0x0] =	wrdreg $0xFFFFFFFF;
	(pc) =	sbr.abs _section_cstart, $3  }
0xc1: {  	[dreg:$0x1] =	wrdreg $0xFFFFFFFF  }
0xc2: {  	_ =	task.clear_ibuf [dreg:s7], $0x2FFFF;
	_ =	strace $0x9FFFFFFF  }
0xc3: {  	(tm) =	ssettm $0x7FFFFFFF  }
tec
execute0_lowered:
.L_overlay_start_1:
0x0: {  	(tag) =	ssettag $0x1  }
0x1: {  	s1 =	rddreg [dreg:$0x0]  }
0x2: {  	s0 =	rddreg [dreg:$0x1]  }
0x3: {  	s2 =	rddreg [dreg:$0x2];
	s3 =	simm.s32 $0x0  }
0x4: {  	s4 =	srdreg.scid;
	s16 =	stileid.u32;
	s18 =	simm.s32 $0x5  }
0x5: {  	s19 =	simm.s32 $0x1400;
	s28 =	simm.s32 $0x8800;
	s29 =	simm.s32 $0x1  }
0x6: {  	s31 =	simm.s32 $0x2;
	s30 =	simm.s32 $0x3;
	[smem:$0x7FF] =	sst s3  }
0x7: {  	s6 =	sadd.s32 $0xB600, s0;
	s7 =	sadd.s32 $0x1800, s0;
	s4 =	sand.u32 $0x1, s4  }
0x8: {  	s5 =	sadd.s32 $0x15400, s0;
	s10 =	smul.u32 $0x4E000, s16;
	s13 =	sadd.s32 $0x17C00, s0  }
0x9: {  	s15 =	sadd.s32 $0x124800, s2;
	s22 =	smul.u32 $0x13800, s16;
	p0 =	seq.s32 s16, $0xF  }
0xa: {  	_ =	strace $0x8000004A;
	s8 =	sshll.u32 s4, $0x4;
	s9 =	ssub.s32 $0x2, s4  }
0xb: {  	s4 =	smul.u32 $0x138800, s4;
	s15 =	sshrl.u32 @p0 s15, $0x3;
	s8 =	sor.u32 s16, s8  }
0xc: {  	s11 =	sshrl.u32 s9, $0x1;
	s10 =	sshrl.u32 s10, $0x2;
	s12 =	smul.u32 $0x2800, s8  }
0xd: {  	s9 =	ssub.s32 s9, s11;
	s20 =	smul.u32 $0x500, s8;
	s17 =	sadd.s32 s10, s2  }
0xe: {  	s24 =	sadd.s32 s22, s4;
	s4 =	sshrl.u32 s4, $0x3;
	p1 =	seq.s32 s8, $0x1F  }
0xf: {  	s22 =	simm.s32 $0x80;
	s25 =	sshrl.u32 s24, $0x3;
	s26 =	sadd.s32 s13, s4  }
0x10: {  	s17 =	sshrl.u32 @!p0 s17, $0x3;
	s24 =	simm.s32 $0x100;
	s4 =	simm.s32 $0x0  }
0x11: {  	s21 =	sshrl.u32 s12, $0x3;
	s14 =	sadd.s32 s6, s20;
	s11 =	sadd.s32 s7, s20  }
0x12: {  	s12 =	sadd.s32 s13, s25;
	s13 =	sadd.s32 $0x24900, s26;
	s20 =	simm.s32 $0x40  }
0x13: {  	s25 =	simm.s32 $0x6800;
	s26 =	simm.s32 $0x180;
	[dreg:$0x4] =	wrdreg s14  }
.Ltmp0:
0x14: {  	s10 =	sadd.s32 $0x280, s21;
	[dreg:$0x5] =	wrdreg s11;
	(pc) =	sbr.rel .LBB2_1-.Ltmp0, $4  }
0x15: {  	s11 =	sadd.s32 $0xB300, s0;
	s14 =	smax.u32 s9, $0x1;
	s6 =	sadd.s32 s6, s10  }
0x16: {  	s21 =	simm.s32 $0x2800;
	s23 =	sadd.s32 s7, s10;
	[dreg:$0x6] =	wrdreg s6  }
0x17: {  	s10 =	sadd.s32 $0x15100, s0;
	s0 =	sshll.u32 @!p0 s16, $0x6;
	[dreg:$0x7] =	wrdreg s23  }
0x18: {  	s16 =	sor.u32 @!p0 $0x1C05, s0;
	s23 =	simm.s32 $0x4800;
	s0 =	simm.s32 $0x4  }
.LBB2_7:
0x19: {  	[tilespmem:s3], [sflag:$0x5] =	stream.linear.gather [hbm4b:s10+s3], $0xA00, $0x38;
	[tilespmem:$0x1E080] =	vst v63  }
0x1a: {  	_ =	swait.ge [sflag:s18], $0xA00  }
0x1b: {  	[sflag:s18] =	ssyncset.done $0x0  }
0x1c: {  	[sflag:s18] =	ssyncadd.s32 $0xFFFFF600  }
0x1d: {  	[tilespmem:s19], [sflag:$0x5] =	stream.linear.gather [hbm4b:s11+s3], $0xA00, $0x38;
	[tilespmem:$0x1E080] =	vst v63  }
0x1e: {  	_ =	swait.ge [sflag:s18], $0xA00  }
0x1f: {  	[sflag:s18] =	ssyncset.done $0x0  }
0x20: {  	[sflag:s18] =	ssyncadd.s32 $0xFFFFF600  }
0x21: {  	[bflag:$0x0] =	sbarrier.arrive $0xFFFF  }
0x22: {  	[tilespmem:s21], [sflag:$0x1] =	stream.indirect.gather [hbm4b:s1+s20], $0x80, s3, s20, $0xb8;
	[tilespmem:$0x1E080] =	vst v63  }
0x23: {  	_ = 	snop  }
0x24: {  	[tilespmem:s23], [sflag:$0x2] =	stream.indirect.gather [hbm4b:s1+s20], $0x80, s22, s20, $0xb8;
	[tilespmem:$0x1E080] =	vst v63  }
0x25: {  	_ = 	snop  }
0x26: {  	[tilespmem:s25], [sflag:$0x3] =	stream.indirect.gather [hbm4b:s1+s20], $0x80, s24, s20, $0xb8;
	[tilespmem:$0x1E080] =	vst v63  }
0x27: {  	_ = 	snop  }
0x28: {  	[tilespmem:s28], [sflag:$0x4] =	stream.indirect.gather [hbm4b:s1+s20], $0x80, s26, s20, $0xb8;
	[tilespmem:$0x1E080] =	vst v63  }
0x29: {  	_ =	swait.ge [sflag:s29], $0x2000  }
0x2a: {  	[sflag:s29] =	ssyncset.done $0x0  }
0x2b: {  	[sflag:s29] =	ssyncadd.s32 $0xFFFFE000  }
0x2c: {  	[spmem:s2] =	stream.indirect.scatter.add.f32 [tilespmem:s21], [sflag:$0x5], $0x80, s19, s20, $0xb8;
	[tilespmem:$0x1E080] =	vst v63  }
0x2d: {  	_ =	swait.ge [sflag:s18], $0x2000  }
0x2e: {  	[sflag:s18] =	ssyncset.done $0x0  }
0x2f: {  	s6 =	simm.s32 $0x200;
	[sflag:s18] =	ssyncadd.s32 $0xFFFFE000  }
0x30: {  	[tilespmem:s21], [sflag:$0x1] =	stream.indirect.gather [hbm4b:s1+s20], $0x80, s6, s20, $0xb8;
	[tilespmem:$0x1E080] =	vst v63  }
0x31: {  	_ =	swait.ge [sflag:s31], $0x2000  }
0x32: {  	[sflag:s31] =	ssyncset.done $0x0  }
0x33: {  	s7 =	simm.s32 $0x1480;
	[sflag:s31] =	ssyncadd.s32 $0xFFFFE000  }
0x34: {  	[spmem:s2] =	stream.indirect.scatter.add.f32 [tilespmem:s23], [sflag:$0x5], $0x80, s7, s20, $0xb8;
	[tilespmem:$0x1E080] =	vst v63  }
0x35: {  	_ =	swait.ge [sflag:s18], $0x2000  }
0x36: {  	[sflag:s18] =	ssyncset.done $0x0  }
0x37: {  	s8 =	simm.s32 $0x280;
	[sflag:s18] =	ssyncadd.s32 $0xFFFFE000  }
0x38: {  	[tilespmem:s23], [sflag:$0x2] =	stream.indirect.gather [hbm4b:s1+s20], $0x80, s8, s20, $0xb8;
	[tilespmem:$0x1E080] =	vst v63  }
0x39: {  	_ =	swait.ge [sflag:s30], $0x2000  }
0x3a: {  	[sflag:s30] =	ssyncset.done $0x0  }
0x3b: {  	s9 =	simm.s32 $0x1500;
	[sflag:s30] =	ssyncadd.s32 $0xFFFFE000  }
0x3c: {  	[spmem:s2] =	stream.indirect.scatter.add.f32 [tilespmem:s25], [sflag:$0x5], $0x80, s9, s20, $0xb8;
	[tilespmem:$0x1E080] =	vst v63  }
0x3d: {  	_ =	swait.ge [sflag:s18], $0x2000  }
0x3e: {  	[sflag:s18] =	ssyncset.done $0x0  }
0x3f: {  	s7 =	simm.s32 $0x300;
	[sflag:s18] =	ssyncadd.s32 $0xFFFFE000  }
0x40: {  	[tilespmem:s25], [sflag:$0x3] =	stream.indirect.gather [hbm4b:s1+s20], $0x80, s7, s20, $0xb8;
	[tilespmem:$0x1E080] =	vst v63  }
0x41: {  	_ =	swait.ge [sflag:s0], $0x2000  }
0x42: {  	[sflag:s0] =	ssyncset.done $0x0  }
0x43: {  	s8 =	simm.s32 $0x1580;
	[sflag:s0] =	ssyncadd.s32 $0xFFFFE000  }
0x44: {  	[spmem:s2] =	stream.indirect.scatter.add.f32 [tilespmem:s28], [sflag:$0x5], $0x80, s8, s20, $0xb8;
	[tilespmem:$0x1E080] =	vst v63  }
0x45: {  	_ =	swait.ge [sflag:s18], $0x2000  }
0x46: {  	[sflag:s18] =	ssyncset.done $0x0  }
0x47: {  	s9 =	simm.s32 $0x380;
	[sflag:s18] =	ssyncadd.s32 $0xFFFFE000  }
0x48: {  	[tilespmem:s28], [sflag:$0x4] =	stream.indirect.gather [hbm4b:s1+s20], $0x80, s9, s20, $0xb8;
	[tilespmem:$0x1E080] =	vst v63  }
0x49: {  	_ =	swait.ge [sflag:s29], $0x2000  }
0x4a: {  	[sflag:s29] =	ssyncset.done $0x0  }
0x4b: {  	s7 =	simm.s32 $0x1600;
	[sflag:s29] =	ssyncadd.s32 $0xFFFFE000  }
0x4c: {  	[spmem:s2] =	stream.indirect.scatter.add.f32 [tilespmem:s21], [sflag:$0x5], $0x80, s7, s20, $0xb8;
	[tilespmem:$0x1E080] =	vst v63  }
0x4d: {  	_ =	swait.ge [sflag:s18], $0x2000  }
0x4e: {  	[sflag:s18] =	ssyncset.done $0x0  }
0x4f: {  	s8 =	simm.s32 $0x400;
	[sflag:s18] =	ssyncadd.s32 $0xFFFFE000  }
0x50: {  	[tilespmem:s21], [sflag:$0x1] =	stream.indirect.gather [hbm4b:s1+s20], $0x80, s8, s20, $0xb8;
	[tilespmem:$0x1E080] =	vst v63  }
0x51: {  	_ =	swait.ge [sflag:s31], $0x2000  }
0x52: {  	[sflag:s31] =	ssyncset.done $0x0  }
0x53: {  	s9 =	simm.s32 $0x1680;
	[sflag:s31] =	ssyncadd.s32 $0xFFFFE000  }
0x54: {  	[spmem:s2] =	stream.indirect.scatter.add.f32 [tilespmem:s23], [sflag:$0x5], $0x80, s9, s20, $0xb8;
	[tilespmem:$0x1E080] =	vst v63  }
0x55: {  	_ =	swait.ge [sflag:s18], $0x2000  }
0x56: {  	[sflag:s18] =	ssyncset.done $0x0  }
0x57: {  	s7 =	simm.s32 $0x480;
	[sflag:s18] =	ssyncadd.s32 $0xFFFFE000  }
0x58: {  	[tilespmem:s23], [sflag:$0x2] =	stream.indirect.gather [hbm4b:s1+s20], $0x80, s7, s20, $0xb8;
	[tilespmem:$0x1E080] =	vst v63  }
0x59: {  	_ =	swait.ge [sflag:s30], $0x2000  }
0x5a: {  	[sflag:s30] =	ssyncset.done $0x0  }
0x5b: {  	s8 =	simm.s32 $0x1700;
	[sflag:s30] =	ssyncadd.s32 $0xFFFFE000  }
0x5c: {  	[spmem:s2] =	stream.indirect.scatter.add.f32 [tilespmem:s25], [sflag:$0x5], $0x80, s8, s20, $0xb8;
	[tilespmem:$0x1E080] =	vst v63  }
0x5d: {  	_ =	swait.ge [sflag:s18], $0x2000  }
0x5e: {  	[sflag:s18] =	ssyncset.done $0x0  }
0x5f: {  	s9 =	simm.s32 $0x500;
	[sflag:s18] =	ssyncadd.s32 $0xFFFFE000  }
0x60: {  	[tilespmem:s25], [sflag:$0x3] =	stream.indirect.gather [hbm4b:s1+s20], $0x80, s9, s20, $0xb8;
	[tilespmem:$0x1E080] =	vst v63  }
0x61: {  	_ =	swait.ge [sflag:s0], $0x2000  }
0x62: {  	[sflag:s0] =	ssyncset.done $0x0  }
0x63: {  	s7 =	simm.s32 $0x1780;
	[sflag:s0] =	ssyncadd.s32 $0xFFFFE000  }
0x64: {  	[spmem:s2] =	stream.indirect.scatter.add.f32 [tilespmem:s28], [sflag:$0x5], $0x80, s7, s20, $0xb8;
	[tilespmem:$0x1E080] =	vst v63  }
0x65: {  	_ =	swait.ge [sflag:s18], $0x2000  }
0x66: {  	[sflag:s18] =	ssyncset.done $0x0  }
0x67: {  	s8 =	simm.s32 $0x580;
	[sflag:s18] =	ssyncadd.s32 $0xFFFFE000  }
0x68: {  	[tilespmem:s28], [sflag:$0x4] =	stream.indirect.gather [hbm4b:s1+s20], $0x80, s8, s20, $0xb8;
	[tilespmem:$0x1E080] =	vst v63  }
0x69: {  	_ =	swait.ge [sflag:s29], $0x2000  }
0x6a: {  	[sflag:s29] =	ssyncset.done $0x0  }
0x6b: {  	s9 =	simm.s32 $0x1800;
	[sflag:s29] =	ssyncadd.s32 $0xFFFFE000  }
0x6c: {  	[spmem:s2] =	stream.indirect.scatter.add.f32 [tilespmem:s21], [sflag:$0x5], $0x80, s9, s20, $0xb8;
	[tilespmem:$0x1E080] =	vst v63  }
0x6d: {  	_ =	swait.ge [sflag:s18], $0x2000  }
0x6e: {  	[sflag:s18] =	ssyncset.done $0x0  }
0x6f: {  	s7 =	simm.s32 $0x600;
	[sflag:s18] =	ssyncadd.s32 $0xFFFFE000  }
0x70: {  	[tilespmem:s21], [sflag:$0x1] =	stream.indirect.gather [hbm4b:s1+s20], $0x80, s7, s20, $0xb8;
	[tilespmem:$0x1E080] =	vst v63  }
0x71: {  	_ =	swait.ge [sflag:s31], $0x2000  }
0x72: {  	[sflag:s31] =	ssyncset.done $0x0  }
0x73: {  	s8 =	simm.s32 $0x1880;
	[sflag:s31] =	ssyncadd.s32 $0xFFFFE000  }
0x74: {  	[spmem:s2] =	stream.indirect.scatter.add.f32 [tilespmem:s23], [sflag:$0x5], $0x80, s8, s20, $0xb8;
	[tilespmem:$0x1E080] =	vst v63  }
0x75: {  	_ =	swait.ge [sflag:s18], $0x2000  }
0x76: {  	[sflag:s18] =	ssyncset.done $0x0  }
0x77: {  	s9 =	simm.s32 $0x680;
	[sflag:s18] =	ssyncadd.s32 $0xFFFFE000  }
0x78: {  	[tilespmem:s23], [sflag:$0x2] =	stream.indirect.gather [hbm4b:s1+s20], $0x80, s9, s20, $0xb8;
	[tilespmem:$0x1E080] =	vst v63  }
0x79: {  	_ =	swait.ge [sflag:s30], $0x2000  }
0x7a: {  	[sflag:s30] =	ssyncset.done $0x0  }
0x7b: {  	s7 =	simm.s32 $0x1900;
	[sflag:s30] =	ssyncadd.s32 $0xFFFFE000  }
0x7c: {  	[spmem:s2] =	stream.indirect.scatter.add.f32 [tilespmem:s25], [sflag:$0x5], $0x80, s7, s20, $0xb8;
	[tilespmem:$0x1E080] =	vst v63  }
0x7d: {  	_ =	swait.ge [sflag:s18], $0x2000  }
0x7e: {  	[sflag:s18] =	ssyncset.done $0x0  }
0x7f: {  	s8 =	simm.s32 $0x700;
	[sflag:s18] =	ssyncadd.s32 $0xFFFFE000  }
0x80: {  	[tilespmem:s25], [sflag:$0x3] =	stream.indirect.gather [hbm4b:s1+s20], $0x80, s8, s20, $0xb8;
	[tilespmem:$0x1E080] =	vst v63  }
0x81: {  	_ =	swait.ge [sflag:s0], $0x2000  }
0x82: {  	[sflag:s0] =	ssyncset.done $0x0  }
0x83: {  	s9 =	simm.s32 $0x1980;
	[sflag:s0] =	ssyncadd.s32 $0xFFFFE000  }
0x84: {  	[spmem:s2] =	stream.indirect.scatter.add.f32 [tilespmem:s28], [sflag:$0x5], $0x80, s9, s20, $0xb8;
	[tilespmem:$0x1E080] =	vst v63  }
0x85: {  	_ =	swait.ge [sflag:s18], $0x2000  }
0x86: {  	[sflag:s18] =	ssyncset.done $0x0  }
0x87: {  	s7 =	simm.s32 $0x780;
	[sflag:s18] =	ssyncadd.s32 $0xFFFFE000  }
0x88: {  	[tilespmem:s28], [sflag:$0x4] =	stream.indirect.gather [hbm4b:s1+s20], $0x80, s7, s20, $0xb8;
	[tilespmem:$0x1E080] =	vst v63  }
0x89: {  	_ =	swait.ge [sflag:s29], $0x2000  }
0x8a: {  	[sflag:s29] =	ssyncset.done $0x0  }
0x8b: {  	s8 =	simm.s32 $0x1A00;
	[sflag:s29] =	ssyncadd.s32 $0xFFFFE000  }
0x8c: {  	[spmem:s2] =	stream.indirect.scatter.add.f32 [tilespmem:s21], [sflag:$0x5], $0x80, s8, s20, $0xb8;
	[tilespmem:$0x1E080] =	vst v63  }
0x8d: {  	_ =	swait.ge [sflag:s18], $0x2000  }
0x8e: {  	[sflag:s18] =	ssyncset.done $0x0  }
0x8f: {  	s9 =	simm.s32 $0x800;
	[sflag:s18] =	ssyncadd.s32 $0xFFFFE000  }
0x90: {  	[tilespmem:s21], [sflag:$0x1] =	stream.indirect.gather [hbm4b:s1+s20], $0x80, s9, s20, $0xb8;
	[tilespmem:$0x1E080] =	vst v63  }
0x91: {  	_ =	swait.ge [sflag:s31], $0x2000  }
0x92: {  	[sflag:s31] =	ssyncset.done $0x0  }
0x93: {  	s7 =	simm.s32 $0x1A80;
	[sflag:s31] =	ssyncadd.s32 $0xFFFFE000  }
0x94: {  	[spmem:s2] =	stream.indirect.scatter.add.f32 [tilespmem:s23], [sflag:$0x5], $0x80, s7, s20, $0xb8;
	[tilespmem:$0x1E080] =	vst v63  }
0x95: {  	_ =	swait.ge [sflag:s18], $0x2000  }
0x96: {  	[sflag:s18] =	ssyncset.done $0x0  }
0x97: {  	s8 =	simm.s32 $0x880;
	[sflag:s18] =	ssyncadd.s32 $0xFFFFE000  }
0x98: {  	[tilespmem:s23], [sflag:$0x2] =	stream.indirect.gather [hbm4b:s1+s20], $0x80, s8, s20, $0xb8;
	[tilespmem:$0x1E080] =	vst v63  }
0x99: {  	_ =	swait.ge [sflag:s30], $0x2000  }
0x9a: {  	[sflag:s30] =	ssyncset.done $0x0  }
0x9b: {  	s9 =	simm.s32 $0x1B00;
	[sflag:s30] =	ssyncadd.s32 $0xFFFFE000  }
0x9c: {  	[spmem:s2] =	stream.indirect.scatter.add.f32 [tilespmem:s25], [sflag:$0x5], $0x80, s9, s20, $0xb8;
	[tilespmem:$0x1E080] =	vst v63  }
0x9d: {  	_ =	swait.ge [sflag:s18], $0x2000  }
0x9e: {  	[sflag:s18] =	ssyncset.done $0x0  }
0x9f: {  	s7 =	simm.s32 $0x900;
	[sflag:s18] =	ssyncadd.s32 $0xFFFFE000  }
0xa0: {  	[tilespmem:s25], [sflag:$0x3] =	stream.indirect.gather [hbm4b:s1+s20], $0x80, s7, s20, $0xb8;
	[tilespmem:$0x1E080] =	vst v63  }
0xa1: {  	_ =	swait.ge [sflag:s0], $0x2000  }
0xa2: {  	[sflag:s0] =	ssyncset.done $0x0  }
0xa3: {  	s8 =	simm.s32 $0x1B80;
	[sflag:s0] =	ssyncadd.s32 $0xFFFFE000  }
0xa4: {  	[spmem:s2] =	stream.indirect.scatter.add.f32 [tilespmem:s28], [sflag:$0x5], $0x80, s8, s20, $0xb8;
	[tilespmem:$0x1E080] =	vst v63  }
0xa5: {  	_ =	swait.ge [sflag:s18], $0x2000  }
0xa6: {  	[sflag:s18] =	ssyncset.done $0x0  }
0xa7: {  	s6 =	simm.s32 $0x1D80;
	s9 =	simm.s32 $0x980;
	[sflag:s18] =	ssyncadd.s32 $0xFFFFE000  }
0xa8: {  	[tilespmem:s28], [sflag:$0x4] =	stream.indirect.gather [hbm4b:s1+s20], $0x80, s9, s20, $0xb8;
	[tilespmem:$0x1E080] =	vst v63  }
0xa9: {  	s7 =	simm.s32 $0x1D00;
	s8 =	simm.s32 $0x1C80;
	s9 =	simm.s32 $0x1C00  }
.LBB2_8:
0xaa: {  	_ =	swait.ge [sflag:s29], $0x2000  }
0xab: {  	[sflag:s29] =	ssyncset.done $0x0  }
0xac: {  	[sflag:s29] =	ssyncadd.s32 $0xFFFFE000  }
0xad: {  	[spmem:s2] =	stream.indirect.scatter.add.f32 [tilespmem:s21], [sflag:$0x5], $0x80, s9, s20, $0xb8;
	[tilespmem:$0x1E080] =	vst v63  }
0xae: {  	_ =	swait.ge [sflag:s18], $0x2000  }
0xaf: {  	[sflag:s18] =	ssyncset.done $0x0  }
0xb0: {  	[sflag:s18] =	ssyncadd.s32 $0xFFFFE000  }
0xb1: {  	_ =	swait.ge [sflag:s31], $0x2000  }
0xb2: {  	[sflag:s31] =	ssyncset.done $0x0  }
0xb3: {  	[sflag:s31] =	ssyncadd.s32 $0xFFFFE000  }
0xb4: {  	[spmem:s2] =	stream.indirect.scatter.add.f32 [tilespmem:s23], [sflag:$0x5], $0x80, s8, s20, $0xb8;
	[tilespmem:$0x1E080] =	vst v63  }
0xb5: {  	_ =	swait.ge [sflag:s18], $0x2000  }
0xb6: {  	[sflag:s18] =	ssyncset.done $0x0  }
0xb7: {  	[sflag:s18] =	ssyncadd.s32 $0xFFFFE000  }
0xb8: {  	_ =	swait.ge [sflag:s30], $0x2000  }
0xb9: {  	[sflag:s30] =	ssyncset.done $0x0  }
0xba: {  	[sflag:s30] =	ssyncadd.s32 $0xFFFFE000  }
0xbb: {  	[spmem:s2] =	stream.indirect.scatter.add.f32 [tilespmem:s25], [sflag:$0x5], $0x80, s7, s20, $0xb8;
	[tilespmem:$0x1E080] =	vst v63  }
0xbc: {  	_ =	swait.ge [sflag:s18], $0x2000  }
0xbd: {  	[sflag:s18] =	ssyncset.done $0x0  }
0xbe: {  	[sflag:s18] =	ssyncadd.s32 $0xFFFFE000  }
0xbf: {  	_ =	swait.ge [sflag:s0], $0x2000  }
0xc0: {  	[sflag:s0] =	ssyncset.done $0x0  }
0xc1: {  	[sflag:s0] =	ssyncadd.s32 $0xFFFFE000  }
0xc2: {  	[spmem:s2] =	stream.indirect.scatter.add.f32 [tilespmem:s28], [sflag:$0x5], $0x80, s6, s20, $0xb8;
	[tilespmem:$0x1E080] =	vst v63  }
0xc3: {  	_ =	swait.ge [sflag:s18], $0x2000  }
0xc4: {  	[sflag:s18] =	ssyncset.done $0x0  }
0xc5: {  	[sflag:s18] =	ssyncadd.s32 $0xFFFFE000  }
0xc6: {  	s6 =	simm.s32 @p0 $0x1FC5;
	[bflag:$0x0] =	sbarrier.arrive $0xFFFF  }
0xc7: {  	[hbm:s13], [sflag:s6] =	dma.local @p0 [spmem:s15], $0x2800  }
0xc8: {  	s6 =	simm.s32 @p0 $0x5  }
0xc9: {  	s4 =	sadd.s32 $0x1, s4;
	_ =	swait.ge @p0 [sflag:s6], $0x2800  }
0xca: {  	p2 =	sne.s32 s4, s14;
	[sflag:s6] =	ssyncset.done @p0 $0x0  }
.Ltmp1:
0xcb: {  	[sflag:s6] =	ssyncadd.s32 @p0 $0xFFFFD800;
	s6 =	simm.s32 @!p0 $0x5;
	(pc) =	sbr.rel @!p2 .LBB2_9-.Ltmp1, $4  }
0xcc: {  	[hbm:s12], [sflag:s16] =	dma.local @!p0 [spmem:s17], $0x2700  }
0xcd: {  	_ =	swait.ge @!p0 [sflag:s6], $0x2700  }
0xce: {  	[sflag:s6] =	ssyncset.done @!p0 $0x0  }
0xcf: {  	[sflag:s6] =	ssyncadd.s32 @!p0 $0xFFFFD900  }
.LBB2_1:
0xd0: {  	s6 =	simm.s32 @p0 $0x1FC5  }
0xd1: {  	[spmem:s15], [sflag:s6] =	dma.local @p0 [hbm:s5], $0x2800  }
0xd2: {  	s6 =	simm.s32 @p0 $0x5  }
0xd3: {  	_ =	swait.ge @p0 [sflag:s6], $0x2800  }
0xd4: {  	[sflag:s6] =	ssyncset.done @p0 $0x0  }
.Ltmp2:
0xd5: {  	[sflag:s6] =	ssyncadd.s32 @p0 $0xFFFFD800;
	s6 =	simm.s32 @!p0 $0x5;
	(pc) =	sbr.rel @p1 .LBB2_7-.Ltmp2, $4  }
0xd6: {  	[spmem:s17], [sflag:s16] =	dma.local @!p0 [hbm:s5], $0x2700  }
0xd7: {  	_ =	swait.ge @!p0 [sflag:s6], $0x2700  }
0xd8: {  	[sflag:s6] =	ssyncset.done @!p0 $0x0  }
0xd9: {  	[sflag:s6] =	ssyncadd.s32 @!p0 $0xFFFFD900  }
0xda: {  	s6 =	simm.s32 $0x0;
	s7 =	rddreg [dreg:$0x4]  }
0xdb: {  	[tilespmem:s6], [sflag:$0x5] =	stream.linear.gather [hbm4b:s7+s6], $0x1400, $0x38;
	[tilespmem:$0x1E080] =	vst v63  }
0xdc: {  	_ =	swait.ge [sflag:s18], $0x1400  }
0xdd: {  	[sflag:s18] =	ssyncset.done $0x0  }
0xde: {  	s8 =	rddreg [dreg:$0x5];
	[sflag:s18] =	ssyncadd.s32 $0xFFFFEC00  }
0xdf: {  	[tilespmem:s19], [sflag:$0x5] =	stream.linear.gather [hbm4b:s8+s6], $0x1400, $0x38;
	[tilespmem:$0x1E080] =	vst v63  }
0xe0: {  	_ =	swait.ge [sflag:s18], $0x1400  }
0xe1: {  	[sflag:s18] =	ssyncset.done $0x0  }
0xe2: {  	[sflag:s18] =	ssyncadd.s32 $0xFFFFEC00  }
0xe3: {  	[bflag:$0x0] =	sbarrier.arrive $0xFFFF  }
0xe4: {  	[tilespmem:s21], [sflag:$0x1] =	stream.indirect.gather [hbm4b:s1+s20], $0x80, s6, s20, $0xb8;
	[tilespmem:$0x1E080] =	vst v63  }
0xe5: {  	_ = 	snop  }
0xe6: {  	[tilespmem:s23], [sflag:$0x2] =	stream.indirect.gather [hbm4b:s1+s20], $0x80, s22, s20, $0xb8;
	[tilespmem:$0x1E080] =	vst v63  }
0xe7: {  	_ = 	snop  }
0xe8: {  	[tilespmem:s25], [sflag:$0x3] =	stream.indirect.gather [hbm4b:s1+s20], $0x80, s24, s20, $0xb8;
	[tilespmem:$0x1E080] =	vst v63  }
0xe9: {  	_ = 	snop  }
0xea: {  	[tilespmem:s28], [sflag:$0x4] =	stream.indirect.gather [hbm4b:s1+s20], $0x80, s26, s20, $0xb8;
	[tilespmem:$0x1E080] =	vst v63  }
0xeb: {  	_ =	swait.ge [sflag:s29], $0x2000  }
0xec: {  	[sflag:s29] =	ssyncset.done $0x0  }
0xed: {  	s9 =	simm.s32 $0x1400;
	[sflag:s29] =	ssyncadd.s32 $0xFFFFE000  }
0xee: {  	[spmem:s2] =	stream.indirect.scatter.add.f32 [tilespmem:s21], [sflag:$0x5], $0x80, s9, s20, $0xb8;
	[tilespmem:$0x1E080] =	vst v63  }
0xef: {  	_ =	swait.ge [sflag:s18], $0x2000  }
0xf0: {  	[sflag:s18] =	ssyncset.done $0x0  }
0xf1: {  	s7 =	simm.s32 $0x200;
	[sflag:s18] =	ssyncadd.s32 $0xFFFFE000  }
0xf2: {  	[tilespmem:s21], [sflag:$0x1] =	stream.indirect.gather [hbm4b:s1+s20], $0x80, s7, s20, $0xb8;
	[tilespmem:$0x1E080] =	vst v63  }
0xf3: {  	_ =	swait.ge [sflag:s31], $0x2000  }
0xf4: {  	[sflag:s31] =	ssyncset.done $0x0  }
0xf5: {  	s8 =	simm.s32 $0x1480;
	[sflag:s31] =	ssyncadd.s32 $0xFFFFE000  }
0xf6: {  	[spmem:s2] =	stream.indirect.scatter.add.f32 [tilespmem:s23], [sflag:$0x5], $0x80, s8, s20, $0xb8;
	[tilespmem:$0x1E080] =	vst v63  }
0xf7: {  	_ =	swait.ge [sflag:s18], $0x2000  }
0xf8: {  	[sflag:s18] =	ssyncset.done $0x0  }
0xf9: {  	s9 =	simm.s32 $0x280;
	[sflag:s18] =	ssyncadd.s32 $0xFFFFE000  }
0xfa: {  	[tilespmem:s23], [sflag:$0x2] =	stream.indirect.gather [hbm4b:s1+s20], $0x80, s9, s20, $0xb8;
	[tilespmem:$0x1E080] =	vst v63  }
0xfb: {  	_ =	swait.ge [sflag:s30], $0x2000  }
0xfc: {  	[sflag:s30] =	ssyncset.done $0x0  }
0xfd: {  	s7 =	simm.s32 $0x1500;
	[sflag:s30] =	ssyncadd.s32 $0xFFFFE000  }
0xfe: {  	[spmem:s2] =	stream.indirect.scatter.add.f32 [tilespmem:s25], [sflag:$0x5], $0x80, s7, s20, $0xb8;
	[tilespmem:$0x1E080] =	vst v63  }
0xff: {  	_ =	swait.ge [sflag:s18], $0x2000  }
0x100: {  	[sflag:s18] =	ssyncset.done $0x0  }
0x101: {  	s8 =	simm.s32 $0x300;
	[sflag:s18] =	ssyncadd.s32 $0xFFFFE000  }
0x102: {  	[tilespmem:s25], [sflag:$0x3] =	stream.indirect.gather [hbm4b:s1+s20], $0x80, s8, s20, $0xb8;
	[tilespmem:$0x1E080] =	vst v63  }
0x103: {  	_ =	swait.ge [sflag:s0], $0x2000  }
0x104: {  	[sflag:s0] =	ssyncset.done $0x0  }
0x105: {  	s9 =	simm.s32 $0x1580;
	[sflag:s0] =	ssyncadd.s32 $0xFFFFE000  }
0x106: {  	[spmem:s2] =	stream.indirect.scatter.add.f32 [tilespmem:s28], [sflag:$0x5], $0x80, s9, s20, $0xb8;
	[tilespmem:$0x1E080] =	vst v63  }
0x107: {  	_ =	swait.ge [sflag:s18], $0x2000  }
0x108: {  	[sflag:s18] =	ssyncset.done $0x0  }
0x109: {  	s6 =	simm.s32 $0x800;
	s7 =	simm.s32 $0x380;
	[sflag:s18] =	ssyncadd.s32 $0xFFFFE000  }
.LBB2_3:
0x10a: {  	[tilespmem:s28], [sflag:$0x4] =	stream.indirect.gather [hbm4b:s1+s20], $0x80, s7, s20, $0xb8;
	[tilespmem:$0x1E080] =	vst v63  }
0x10b: {  	s7 =	smov.u32 s6  }
0x10c: {  	p2 =	sne.s32 s6, $0x4000;
	s6 =	sadd.s32 $0x800, s6;
	_ =	swait.ge [sflag:s29], $0x2000  }
0x10d: {  	s7 =	sshra.s32 s7, $0x2;
	[sflag:s29] =	ssyncset.done $0x0  }
0x10e: {  	s8 =	sadd.s32 $0x1400, s7;
	[sflag:s29] =	ssyncadd.s32 $0xFFFFE000  }
0x10f: {  	[spmem:s2] =	stream.indirect.scatter.add.f32 [tilespmem:s21], [sflag:$0x5], $0x80, s8, s20, $0xb8;
	[tilespmem:$0x1E080] =	vst v63  }
0x110: {  	_ =	swait.ge [sflag:s18], $0x2000  }
0x111: {  	[sflag:s18] =	ssyncset.done $0x0  }
0x112: {  	s8 =	sadd.s32 $0x200, s7;
	[sflag:s18] =	ssyncadd.s32 $0xFFFFE000  }
0x113: {  	[tilespmem:s21], [sflag:$0x1] =	stream.indirect.gather [hbm4b:s1+s20], $0x80, s8, s20, $0xb8;
	[tilespmem:$0x1E080] =	vst v63  }
0x114: {  	_ =	swait.ge [sflag:s31], $0x2000  }
0x115: {  	[sflag:s31] =	ssyncset.done $0x0  }
0x116: {  	s8 =	sadd.s32 $0x1480, s7;
	[sflag:s31] =	ssyncadd.s32 $0xFFFFE000  }
0x117: {  	[spmem:s2] =	stream.indirect.scatter.add.f32 [tilespmem:s23], [sflag:$0x5], $0x80, s8, s20, $0xb8;
	[tilespmem:$0x1E080] =	vst v63  }
0x118: {  	_ =	swait.ge [sflag:s18], $0x2000  }
0x119: {  	[sflag:s18] =	ssyncset.done $0x0  }
0x11a: {  	s8 =	sadd.s32 $0x280, s7;
	[sflag:s18] =	ssyncadd.s32 $0xFFFFE000  }
0x11b: {  	[tilespmem:s23], [sflag:$0x2] =	stream.indirect.gather [hbm4b:s1+s20], $0x80, s8, s20, $0xb8;
	[tilespmem:$0x1E080] =	vst v63  }
0x11c: {  	_ =	swait.ge [sflag:s30], $0x2000  }
0x11d: {  	[sflag:s30] =	ssyncset.done $0x0  }
0x11e: {  	s8 =	sadd.s32 $0x1500, s7;
	[sflag:s30] =	ssyncadd.s32 $0xFFFFE000  }
0x11f: {  	[spmem:s2] =	stream.indirect.scatter.add.f32 [tilespmem:s25], [sflag:$0x5], $0x80, s8, s20, $0xb8;
	[tilespmem:$0x1E080] =	vst v63  }
0x120: {  	_ =	swait.ge [sflag:s18], $0x2000  }
0x121: {  	[sflag:s18] =	ssyncset.done $0x0  }
0x122: {  	s8 =	sadd.s32 $0x300, s7;
	[sflag:s18] =	ssyncadd.s32 $0xFFFFE000  }
0x123: {  	[tilespmem:s25], [sflag:$0x3] =	stream.indirect.gather [hbm4b:s1+s20], $0x80, s8, s20, $0xb8;
	[tilespmem:$0x1E080] =	vst v63  }
0x124: {  	_ =	swait.ge [sflag:s0], $0x2000  }
0x125: {  	[sflag:s0] =	ssyncset.done $0x0  }
.Ltmp3:
0x126: {  	s8 =	sadd.s32 $0x1580, s7;
	[sflag:s0] =	ssyncadd.s32 $0xFFFFE000;
	(pc) =	sbr.rel @p2 .LBB2_3-.Ltmp3, $4  }
0x127: {  	[spmem:s2] =	stream.indirect.scatter.add.f32 [tilespmem:s28], [sflag:$0x5], $0x80, s8, s20, $0xb8;
	[tilespmem:$0x1E080] =	vst v63  }
0x128: {  	_ =	swait.ge [sflag:s18], $0x2000  }
0x129: {  	[sflag:s18] =	ssyncset.done $0x0  }
0x12a: {  	s7 =	sadd.s32 $0x380, s7;
	[sflag:s18] =	ssyncadd.s32 $0xFFFFE000  }
0x12b: {  	[tilespmem:s28], [sflag:$0x4] =	stream.indirect.gather [hbm4b:s1+s20], $0x80, s7, s20, $0xb8;
	[tilespmem:$0x1E080] =	vst v63  }
0x12c: {  	_ =	swait.ge [sflag:s29], $0x2000  }
0x12d: {  	[sflag:s29] =	ssyncset.done $0x0  }
0x12e: {  	s6 =	simm.s32 $0x2600;
	[sflag:s29] =	ssyncadd.s32 $0xFFFFE000  }
0x12f: {  	[spmem:s2] =	stream.indirect.scatter.add.f32 [tilespmem:s21], [sflag:$0x5], $0x80, s6, s20, $0xb8;
	[tilespmem:$0x1E080] =	vst v63  }
0x130: {  	_ =	swait.ge [sflag:s18], $0x2000  }
0x131: {  	[sflag:s18] =	ssyncset.done $0x0  }
0x132: {  	[sflag:s18] =	ssyncadd.s32 $0xFFFFE000  }
0x133: {  	_ =	swait.ge [sflag:s31], $0x2000  }
0x134: {  	[sflag:s31] =	ssyncset.done $0x0  }
0x135: {  	s9 =	simm.s32 $0x2680;
	[sflag:s31] =	ssyncadd.s32 $0xFFFFE000  }
0x136: {  	[spmem:s2] =	stream.indirect.scatter.add.f32 [tilespmem:s23], [sflag:$0x5], $0x80, s9, s20, $0xb8;
	[tilespmem:$0x1E080] =	vst v63  }
0x137: {  	_ =	swait.ge [sflag:s18], $0x2000  }
0x138: {  	[sflag:s18] =	ssyncset.done $0x0  }
0x139: {  	[sflag:s18] =	ssyncadd.s32 $0xFFFFE000  }
0x13a: {  	_ =	swait.ge [sflag:s30], $0x2000  }
0x13b: {  	[sflag:s30] =	ssyncset.done $0x0  }
0x13c: {  	s7 =	simm.s32 $0x2700;
	[sflag:s30] =	ssyncadd.s32 $0xFFFFE000  }
0x13d: {  	[spmem:s2] =	stream.indirect.scatter.add.f32 [tilespmem:s25], [sflag:$0x5], $0x80, s7, s20, $0xb8;
	[tilespmem:$0x1E080] =	vst v63  }
0x13e: {  	_ =	swait.ge [sflag:s18], $0x2000  }
0x13f: {  	[sflag:s18] =	ssyncset.done $0x0  }
0x140: {  	[sflag:s18] =	ssyncadd.s32 $0xFFFFE000  }
0x141: {  	_ =	swait.ge [sflag:s0], $0x2000  }
0x142: {  	[sflag:s0] =	ssyncset.done $0x0  }
0x143: {  	s8 =	simm.s32 $0x2780;
	[sflag:s0] =	ssyncadd.s32 $0xFFFFE000  }
0x144: {  	[spmem:s2] =	stream.indirect.scatter.add.f32 [tilespmem:s28], [sflag:$0x5], $0x80, s8, s20, $0xb8;
	[tilespmem:$0x1E080] =	vst v63  }
0x145: {  	_ =	swait.ge [sflag:s18], $0x2000  }
0x146: {  	[sflag:s18] =	ssyncset.done $0x0  }
0x147: {  	s6 =	simm.s32 $0x0;
	s9 =	rddreg [dreg:$0x6];
	[sflag:s18] =	ssyncadd.s32 $0xFFFFE000  }
0x148: {  	[tilespmem:s6], [sflag:$0x5] =	stream.linear.gather [hbm4b:s9+s6], $0x1400, $0x38;
	[tilespmem:$0x1E080] =	vst v63  }
0x149: {  	_ =	swait.ge [sflag:s18], $0x1400  }
0x14a: {  	[sflag:s18] =	ssyncset.done $0x0  }
0x14b: {  	s8 =	rddreg [dreg:$0x7];
	[sflag:s18] =	ssyncadd.s32 $0xFFFFEC00  }
0x14c: {  	[tilespmem:s19], [sflag:$0x5] =	stream.linear.gather [hbm4b:s8+s6], $0x1400, $0x38;
	[tilespmem:$0x1E080] =	vst v63  }
0x14d: {  	_ =	swait.ge [sflag:s18], $0x1400  }
0x14e: {  	[sflag:s18] =	ssyncset.done $0x0  }
0x14f: {  	[sflag:s18] =	ssyncadd.s32 $0xFFFFEC00  }
0x150: {  	[tilespmem:s21], [sflag:$0x1] =	stream.indirect.gather [hbm4b:s1+s20], $0x80, s6, s20, $0xb8;
	[tilespmem:$0x1E080] =	vst v63  }
0x151: {  	_ = 	snop  }
0x152: {  	[tilespmem:s23], [sflag:$0x2] =	stream.indirect.gather [hbm4b:s1+s20], $0x80, s22, s20, $0xb8;
	[tilespmem:$0x1E080] =	vst v63  }
0x153: {  	_ = 	snop  }
0x154: {  	[tilespmem:s25], [sflag:$0x3] =	stream.indirect.gather [hbm4b:s1+s20], $0x80, s24, s20, $0xb8;
	[tilespmem:$0x1E080] =	vst v63  }
0x155: {  	_ = 	snop  }
0x156: {  	[tilespmem:s28], [sflag:$0x4] =	stream.indirect.gather [hbm4b:s1+s20], $0x80, s26, s20, $0xb8;
	[tilespmem:$0x1E080] =	vst v63  }
0x157: {  	_ =	swait.ge [sflag:s29], $0x2000  }
0x158: {  	[sflag:s29] =	ssyncset.done $0x0  }
0x159: {  	s9 =	simm.s32 $0x1400;
	[sflag:s29] =	ssyncadd.s32 $0xFFFFE000  }
0x15a: {  	[spmem:s2] =	stream.indirect.scatter.add.f32 [tilespmem:s21], [sflag:$0x5], $0x80, s9, s20, $0xb8;
	[tilespmem:$0x1E080] =	vst v63  }
0x15b: {  	_ =	swait.ge [sflag:s18], $0x2000  }
0x15c: {  	[sflag:s18] =	ssyncset.done $0x0  }
0x15d: {  	s7 =	simm.s32 $0x200;
	[sflag:s18] =	ssyncadd.s32 $0xFFFFE000  }
0x15e: {  	[tilespmem:s21], [sflag:$0x1] =	stream.indirect.gather [hbm4b:s1+s20], $0x80, s7, s20, $0xb8;
	[tilespmem:$0x1E080] =	vst v63  }
0x15f: {  	_ =	swait.ge [sflag:s31], $0x2000  }
0x160: {  	[sflag:s31] =	ssyncset.done $0x0  }
0x161: {  	s8 =	simm.s32 $0x1480;
	[sflag:s31] =	ssyncadd.s32 $0xFFFFE000  }
0x162: {  	[spmem:s2] =	stream.indirect.scatter.add.f32 [tilespmem:s23], [sflag:$0x5], $0x80, s8, s20, $0xb8;
	[tilespmem:$0x1E080] =	vst v63  }
0x163: {  	_ =	swait.ge [sflag:s18], $0x2000  }
0x164: {  	[sflag:s18] =	ssyncset.done $0x0  }
0x165: {  	s9 =	simm.s32 $0x280;
	[sflag:s18] =	ssyncadd.s32 $0xFFFFE000  }
0x166: {  	[tilespmem:s23], [sflag:$0x2] =	stream.indirect.gather [hbm4b:s1+s20], $0x80, s9, s20, $0xb8;
	[tilespmem:$0x1E080] =	vst v63  }
0x167: {  	_ =	swait.ge [sflag:s30], $0x2000  }
0x168: {  	[sflag:s30] =	ssyncset.done $0x0  }
0x169: {  	s7 =	simm.s32 $0x1500;
	[sflag:s30] =	ssyncadd.s32 $0xFFFFE000  }
0x16a: {  	[spmem:s2] =	stream.indirect.scatter.add.f32 [tilespmem:s25], [sflag:$0x5], $0x80, s7, s20, $0xb8;
	[tilespmem:$0x1E080] =	vst v63  }
0x16b: {  	_ =	swait.ge [sflag:s18], $0x2000  }
0x16c: {  	[sflag:s18] =	ssyncset.done $0x0  }
0x16d: {  	s8 =	simm.s32 $0x300;
	[sflag:s18] =	ssyncadd.s32 $0xFFFFE000  }
0x16e: {  	[tilespmem:s25], [sflag:$0x3] =	stream.indirect.gather [hbm4b:s1+s20], $0x80, s8, s20, $0xb8;
	[tilespmem:$0x1E080] =	vst v63  }
0x16f: {  	_ =	swait.ge [sflag:s0], $0x2000  }
0x170: {  	p2 =	por $0x0, $0x0;
	[sflag:s0] =	ssyncset.done $0x0  }
.Ltmp4:
0x171: {  	s9 =	simm.s32 $0x1580;
	[sflag:s0] =	ssyncadd.s32 $0xFFFFE000;
	(pc) =	sbr.rel @p2 .LBB2_6-.Ltmp4, $4  }
0x172: {  	[spmem:s2] =	stream.indirect.scatter.add.f32 [tilespmem:s28], [sflag:$0x5], $0x80, s9, s20, $0xb8;
	[tilespmem:$0x1E080] =	vst v63  }
0x173: {  	_ =	swait.ge [sflag:s18], $0x2000  }
0x174: {  	[sflag:s18] =	ssyncset.done $0x0  }
0x175: {  	s6 =	simm.s32 $0x800;
	s7 =	simm.s32 $0x380;
	[sflag:s18] =	ssyncadd.s32 $0xFFFFE000  }
.LBB2_5:
0x176: {  	[tilespmem:s28], [sflag:$0x4] =	stream.indirect.gather [hbm4b:s1+s20], $0x80, s7, s20, $0xb8;
	[tilespmem:$0x1E080] =	vst v63  }
0x177: {  	s7 =	smov.u32 s6  }
0x178: {  	p2 =	seq.s32 s6, $0x4000;
	s6 =	sadd.s32 $0x800, s6;
	_ =	swait.ge [sflag:s29], $0x2000  }
0x179: {  	s7 =	sshra.s32 s7, $0x2;
	[sflag:s29] =	ssyncset.done $0x0  }
0x17a: {  	s8 =	sadd.s32 $0x1400, s7;
	[sflag:s29] =	ssyncadd.s32 $0xFFFFE000  }
0x17b: {  	[spmem:s2] =	stream.indirect.scatter.add.f32 [tilespmem:s21], [sflag:$0x5], $0x80, s8, s20, $0xb8;
	[tilespmem:$0x1E080] =	vst v63  }
0x17c: {  	_ =	swait.ge [sflag:s18], $0x2000  }
0x17d: {  	[sflag:s18] =	ssyncset.done $0x0  }
0x17e: {  	s8 =	sadd.s32 $0x200, s7;
	[sflag:s18] =	ssyncadd.s32 $0xFFFFE000  }
0x17f: {  	[tilespmem:s21], [sflag:$0x1] =	stream.indirect.gather [hbm4b:s1+s20], $0x80, s8, s20, $0xb8;
	[tilespmem:$0x1E080] =	vst v63  }
0x180: {  	_ =	swait.ge [sflag:s31], $0x2000  }
0x181: {  	[sflag:s31] =	ssyncset.done $0x0  }
0x182: {  	s8 =	sadd.s32 $0x1480, s7;
	[sflag:s31] =	ssyncadd.s32 $0xFFFFE000  }
0x183: {  	[spmem:s2] =	stream.indirect.scatter.add.f32 [tilespmem:s23], [sflag:$0x5], $0x80, s8, s20, $0xb8;
	[tilespmem:$0x1E080] =	vst v63  }
0x184: {  	_ =	swait.ge [sflag:s18], $0x2000  }
0x185: {  	[sflag:s18] =	ssyncset.done $0x0  }
0x186: {  	s8 =	sadd.s32 $0x280, s7;
	[sflag:s18] =	ssyncadd.s32 $0xFFFFE000  }
0x187: {  	[tilespmem:s23], [sflag:$0x2] =	stream.indirect.gather [hbm4b:s1+s20], $0x80, s8, s20, $0xb8;
	[tilespmem:$0x1E080] =	vst v63  }
0x188: {  	_ =	swait.ge [sflag:s30], $0x2000  }
0x189: {  	[sflag:s30] =	ssyncset.done $0x0  }
0x18a: {  	s8 =	sadd.s32 $0x1500, s7;
	[sflag:s30] =	ssyncadd.s32 $0xFFFFE000  }
0x18b: {  	[spmem:s2] =	stream.indirect.scatter.add.f32 [tilespmem:s25], [sflag:$0x5], $0x80, s8, s20, $0xb8;
	[tilespmem:$0x1E080] =	vst v63  }
0x18c: {  	_ =	swait.ge [sflag:s18], $0x2000  }
0x18d: {  	[sflag:s18] =	ssyncset.done $0x0  }
0x18e: {  	s8 =	sadd.s32 $0x300, s7;
	[sflag:s18] =	ssyncadd.s32 $0xFFFFE000  }
0x18f: {  	[tilespmem:s25], [sflag:$0x3] =	stream.indirect.gather [hbm4b:s1+s20], $0x80, s8, s20, $0xb8;
	[tilespmem:$0x1E080] =	vst v63  }
0x190: {  	_ =	swait.ge [sflag:s0], $0x2000  }
0x191: {  	[sflag:s0] =	ssyncset.done $0x0  }
.Ltmp5:
0x192: {  	s8 =	sadd.s32 $0x1580, s7;
	[sflag:s0] =	ssyncadd.s32 $0xFFFFE000;
	(pc) =	sbr.rel @!p2 .LBB2_5-.Ltmp5, $4  }
0x193: {  	[spmem:s2] =	stream.indirect.scatter.add.f32 [tilespmem:s28], [sflag:$0x5], $0x80, s8, s20, $0xb8;
	[tilespmem:$0x1E080] =	vst v63  }
0x194: {  	_ =	swait.ge [sflag:s18], $0x2000  }
0x195: {  	[sflag:s18] =	ssyncset.done $0x0  }
0x196: {  	s7 =	sadd.s32 $0x380, s7;
	[sflag:s18] =	ssyncadd.s32 $0xFFFFE000  }
.LBB2_6:
.Ltmp6:
0x197: {  	(pc) =	sbr.rel .LBB2_8-.Ltmp6, $4  }
0x198: {  	_ = 	snop  }
0x199: {  	[tilespmem:s28], [sflag:$0x4] =	stream.indirect.gather [hbm4b:s1+s20], $0x80, s7, s20, $0xb8;
	[tilespmem:$0x1E080] =	vst v63  }
0x19a: {  	s6 =	simm.s32 $0x2780  }
0x19b: {  	s7 =	simm.s32 $0x2700;
	s8 =	simm.s32 $0x2680;
	s9 =	simm.s32 $0x2600  }
.LBB2_9:
0x19c: {  	_ =	sfence.sel $0x180000  }
0x19d: {  	[bflag:$0x0] =	sbarrier.arrive $0xFFFF  }
0x19e: {  	_ =	strace $0x9000004A  }
0x19f: {  	s0 =	stileid.u32;
	[bflag:$0x2] =	sbarrier.arrive $0xFFFF  }
0x1a0: {  	p0 =	sne.s32 s0, $0x0;
	s0 =	rddreg [dreg:$0x3]  }
0x1a1: {  	s0 =	sadd.s32 @!p0 $0x100000, s0  }
0x1a2: {  	[sflag:s0] =	ssyncadd.tile.s32 @!p0 $0x1;
	_ =	shalt  }
.Lfunc_end2:
_tile_overlayer_lowered:
.L_overlay_start_2:
0x1a3: {  	(tag) =	ssettag $0x2  }
0x1a4: {  	s0 =	rddreg [dreg:$0x0];
	s2 =	stileid.u32  }
0x1a5: {  	s1 =	rddreg [dreg:$0x1];
	p0 =	sne.s32 s2, $0x0  }
0x1a6: {  	s3 =	rddreg [dreg:$0x2];
	[bflag:$0x3] =	sbarrier.arrive $0xFFFF;
	s2 =	simm.s32 @!p0 $0x1C05  }
0x1a7: {  	[timem:s3], [sflag:s2] =	dma.local @!p0 [hbm:s0], s1  }
0x1a8: {  	s0 =	simm.s32 @!p0 $0x5  }
0x1a9: {  	_ =	swait.ge @!p0 [sflag:s0], s1  }
0x1aa: {  	s1 =	ssub.s32 @!p0 $0x0, s1;
	[sflag:s0] =	ssyncset.done @!p0 $0x0  }
0x1ab: {  	[sflag:s0] =	ssyncadd.s32 @!p0 s1  }
0x1ac: {  	[bflag:$0x3] =	sbarrier.arrive $0xFFFF  }
0x1ad: {  	_ =	shalt  }

// kernel: kernel.15.cloned.1.call-start
scs
__scs_entry_jumppad:
0x0: {  	(pc) =	sbr.rel $0x88, $3  }
0x1: {  	(tag) =	ssettag $0x0;
	lr =	simm.s32 $0x1  }
0x2: {  	[smem:$0x3F9C] =	sst lr;
	_ =	strace $0xD0000000  }
0x3: {  	_ = 	snop  }
0x4: {  	_ = 	snop  }
0x5: {  	_ = 	snop  }
0x6: {  	_ = 	snop  }
0x7: {  	_ = 	snop  }
__scs_overlays_trampoline_lowered:
0x8: {  	[smem:$0x3FAB] =	sst s0  }
0x9: {  	[smem:$0x3FAC] =	sst s1  }
0xa: {  	[smem:$0x3FAD] =	sst s2  }
0xb: {  	[smem:$0x3FAE] =	sst s3  }
0xc: {  	[smem:$0x3FAF] =	sst s4  }
0xd: {  	[smem:$0x3FB0] =	sst s5  }
0xe: {  	[smem:$0x3FB1] =	sst s6  }
0xf: {  	[smem:$0x3FB2] =	sst s7  }
0x10: {  	[smem:$0x3FB3] =	sst s8  }
0x11: {  	[smem:$0x3FB4] =	sst s9;
	s0 =	simm.s32 @!p0 $0x0  }
0x12: {  	s1 =	sld [smem:$0x3F9A];
	s0 =	simm.s32 @p0 $0x1  }
0x13: {  	[smem:$0x3FB5] =	sst s0;
	s0 =	simm.s32 @!p1 $0x0  }
0x14: {  	s2 =	sld [smem:$0x3F99];
	s0 =	simm.s32 @p1 $0x1  }
0x15: {  	[smem:$0x3FB6] =	sst s0;
	s0 =	simm.s32 @!p2 $0x0  }
0x16: {  	s3 =	sld [smem:$0x3FDB];
	s0 =	simm.s32 @p2 $0x1  }
0x17: {  	s4 =	simm.s32 $0x1BF5;
	[smem:$0x3FB8] =	sst s0  }
0x18: {  	s0 =	sld [smem:$0x3F9B];
	_ =	swait.ge [sflag:s4], $0x0  }
0x19: {  	s7 =	sld [smem:$0x3F9C]  }
0x1a: {  	s8 =	sadd.s32 $0xFFFFE003, lr  }
0x1b: {  	s9 =	sadd.s32 $0xFFFFFEF7, lr;
	s5 =	simm.s32 $0xFFFFFFFF;
	p2 =	slt.u32 s8, $0xFFFFF086  }
0x1c: {  	p1 =	slt.u32 s9, $0xF7A;
	s5 =	simm.s32 @!p2 $0x0  }
0x1d: {  	s5 =	simm.s32 @p1 $0x1;
	p0 =	seq.s32 s7, s2  }
0x1e: {  	s7 =	smul.u32 @!p0 $0xF7A, s2;
	p2 =	seq.s32 @!p0 s5, $0x0  }
0x1f: {  	s9 =	smul.u32 $0xF7A, s1;
	s8 =	simm.s32 @!p0 $0x1BF5;
	p2 =	por !p2, p0  }
0x20: {  	[sflag:s8] =	ssyncset.s32 @!p0 $0xFFFFF086;
	s6 =	sadd.s32 @!p0 s3, s7;
	s7 =	simm.s32 @!p0 $0x108  }
0x21: {  	s3 =	sadd.s32 s3, s9;
	s6 =	sadd.s32 @!p0 $0x88, s6;
	s7 =	simm.s32 @p2 $0x1082  }
0x22: {  	[simem:s7], [sflag:s8] =	dma.local @!p0 [hbm:s6], $0xF7A  }
0x23: {  	s9 =	sor.u32 $0xD0000000, s2;
	s6 =	simm.s32 $0x108;
	_ =	swait.ge @!p0 [sflag:s8], $0x0  }
0x24: {  	s3 =	sadd.s32 $0x88, s3;
	s6 =	simm.s32 @!p1 $0x1082;
	[sflag:s4] =	ssyncset.s32 $0xFFFFF086  }
0x25: {  	[simem:s6], [sflag:s4] =	dma.local [hbm:s3], $0xF7A  }
0x26: {  	[smem:$0x3F9C] =	sst s1;
	(tag) =	ssettag s2;
	_ =	strace s9  }
0x27: {  	s1 =	sld [smem:$0x3FAC]  }
0x28: {  	s2 =	sld [smem:$0x3FAD]  }
0x29: {  	s4 =	sld [smem:$0x3FAF]  }
0x2a: {  	p0 =	seq.s32 s5, $0x0;
	s5 =	sld [smem:$0x3FB0]  }
0x2b: {  	s6 =	sld [smem:$0x3FB1]  }
0x2c: {  	s7 =	sld [smem:$0x3FB2]  }
0x2d: {  	s3 =	simm.s32 $0x108;
	s8 =	sld [smem:$0x3FB3]  }
0x2e: {  	s3 =	simm.s32 @!p0 $0x1082;
	s9 =	sld [smem:$0x3FB4]  }
0x2f: {  	lr =	sadd.s32 s0, s3;
	s0 =	sld [smem:$0x3FAB]  }
0x30: {  	s3 =	sld [smem:$0x3FAE]  }
0x31: {  	[smem:$0x3FB7] =	sst s10  }
0x32: {  	s10 =	sld [smem:$0x3FB5];
	_ =	sdelay $0x3  }
0x33: {  	p0 =	seq.s32 s10, $0x1;
	s10 =	sld [smem:$0x3FB7];
	_ =	sdelay $0x3  }
0x34: {  	[smem:$0x3FB7] =	sst s10  }
0x35: {  	s10 =	sld [smem:$0x3FB6];
	_ =	sdelay $0x3  }
0x36: {  	p1 =	seq.s32 s10, $0x1;
	s10 =	sld [smem:$0x3FB7];
	_ =	sdelay $0x3  }
0x37: {  	[smem:$0x3FB7] =	sst s10  }
0x38: {  	s10 =	sld [smem:$0x3FB8]  }
0x39: {  	_ = 	snop;
	(pc) =	sbr.ind lr, $3  }
0x3a: {  	_ = 	snop  }
0x3b: {  	_ = 	snop  }
0x3c: {  	p2 =	seq.s32 s10, $0x1;
	s10 =	sld [smem:$0x3FB7]  }
0x3d: {  	_ =	shalt  }
0x3e: {  	_ =	shalt  }
0x3f: {  	_ =	shalt  }
0x40: {  	_ =	shalt  }
0x41: {  	_ =	shalt  }
0x42: {  	_ =	shalt  }
0x43: {  	_ =	shalt  }
0x44: {  	_ =	shalt  }
0x45: {  	_ =	shalt  }
0x46: {  	_ =	shalt  }
0x47: {  	_ =	shalt  }
0x48: {  	_ =	shalt  }
0x49: {  	_ =	shalt  }
0x4a: {  	_ =	shalt  }
0x4b: {  	_ =	shalt  }
0x4c: {  	_ =	shalt  }
0x4d: {  	_ =	shalt  }
0x4e: {  	_ =	shalt  }
0x4f: {  	_ =	shalt  }
0x50: {  	_ =	shalt  }
0x51: {  	_ =	shalt  }
0x52: {  	_ =	shalt  }
0x53: {  	_ =	shalt  }
0x54: {  	_ =	shalt  }
0x55: {  	_ =	shalt  }
0x56: {  	_ =	shalt  }
0x57: {  	_ =	shalt  }
0x58: {  	_ =	shalt  }
0x59: {  	_ =	shalt  }
0x5a: {  	_ =	shalt  }
0x5b: {  	_ =	shalt  }
0x5c: {  	_ =	shalt  }
0x5d: {  	_ =	shalt  }
0x5e: {  	_ =	shalt  }
0x5f: {  	_ =	shalt  }
0x60: {  	_ =	shalt  }
0x61: {  	_ =	shalt  }
0x62: {  	_ =	shalt  }
0x63: {  	_ =	shalt  }
0x64: {  	_ =	shalt  }
0x65: {  	_ =	shalt  }
0x66: {  	_ =	shalt  }
0x67: {  	_ =	shalt  }
0x68: {  	_ =	shalt  }
0x69: {  	_ =	shalt  }
0x6a: {  	_ =	shalt  }
0x6b: {  	_ =	shalt  }
0x6c: {  	_ =	shalt  }
0x6d: {  	_ =	shalt  }
0x6e: {  	_ =	shalt  }
0x6f: {  	_ =	shalt  }
0x70: {  	_ =	shalt  }
0x71: {  	_ =	shalt  }
0x72: {  	_ =	shalt  }
0x73: {  	_ =	shalt  }
0x74: {  	_ =	shalt  }
0x75: {  	_ =	shalt  }
0x76: {  	_ =	shalt  }
0x77: {  	_ =	shalt  }
0x78: {  	_ =	shalt  }
0x79: {  	_ =	shalt  }
0x7a: {  	_ =	shalt  }
0x7b: {  	_ =	shalt  }
0x7c: {  	_ =	shalt  }
0x7d: {  	_ =	shalt  }
0x7e: {  	_ =	shalt  }
0x7f: {  	_ =	shalt  }
0x80: {  	_ =	shalt  }
0x81: {  	_ =	shalt  }
0x82: {  	_ =	shalt  }
0x83: {  	_ =	shalt  }
0x84: {  	_ =	shalt  }
0x85: {  	_ =	shalt  }
0x86: {  	_ =	shalt  }
0x87: {  	_ =	shalt  }
.Lfunc_end0:
.L_simem_size_0:
called_computation.2_lowered:
.L_overlay_start_0:
0x88: {  	s2 =	sld [smem:$0x3FD9]  }
0x89: {  	s3 =	sld [smem:$0x3FFE];
	_ =	sdelay $0x1  }
0x8a: {  	s1 =	srdreg.scid  }
0x8b: {  	s0 =	sand.u32 $0x1, s1  }
0x8c: {  	s17 =	sshll.u32 s0, $0xA;
	s2 =	sadd.s32 s3, s2  }
0x8d: {  	s2 =	sadd.s32 s2, s17  }
0x8e: {  	[smem:$0x3FC3] =	sst s2  }
0x8f: {  	_ = 	snop  }
0x90: {  	s2 =	sld [smem:$0x3FD0];
	(tm) =	ssettm $0x1  }
0x91: {  	s18 =	sld [smem:$0x3FFB];
	_ =	sdelay $0x3  }
0x92: {  	_ =	strace s18  }
0x93: {  	s3 =	sld [smem:$0x3FFC];
	_ =	sdelay $0x3  }
0x94: {  	_ =	strace s3  }
0x95: {  	s3 =	sld [smem:$0x3FFD];
	_ =	sdelay $0x3  }
0x96: {  	_ =	strace s3  }
0x97: {  	_ =	strace $0x8FFFFFFF  }
0x98: {  	s19 =	sld [smem:$0x3FDB];
	_ =	sdelay $0x1  }
0x99: {  	s4 =	simm.s32 $_scs_section_size  }
0x9a: {  	s5 =	simm.s32 $_size__tile_overlayer_lowered;
	s6 =	simm.s32 $_tile_overlayer_lowered  }
0x9b: {  	s22 =	simm.s32 $0x1BFF;
	s21 =	sshll.u32 s6, $0x1;
	s3 =	sadd.s32 s4, s19  }
0x9c: {  	s7 =	simm.s32 $0x0;
	s20 =	sshll.u32 s5, $0x1;
	s5 =	sadd.s32 s21, s3  }
0x9d: {  	[timem:s7], [sflag:s22] =	dma.local [hbm:s5], s20  }
0x9e: {  	_ =	swait.ge [sflag:s22], s20  }
0x9f: {  	s4 =	ssub.s32 $0x0, s20;
	[sflag:s22] =	ssyncset.done $0x0  }
0xa0: {  	[sflag:s22] =	ssyncadd.s32 s4;
	_ =	sdelay $0x1  }
0xa1: {  	s23 =	simm.s32 $0x1B8B  }
0xa2: {  	_ =	swait.ge [sflag:s23], $0x1  }
0xa3: {  	[sflag:s23] =	ssyncset.done $0x0  }
0xa4: {  	s25 =	simm.s32 $0x1B8E;
	s24 =	sld [smem:$0x3FFE];
	[sflag:s23] =	ssyncadd.s32 $0xFFFFFFFF  }
0xa5: {  	s26 =	simm.s32 $execute0_lowered;
	[smem:$0x3FD2] =	sst s25  }
0xa6: {  	s5 =	sshll.u32 s26, $0x1;
	_ =	strace $0x8000004C;
	[dreg:$0x1] =	wrdreg $0xFFFFFFFF  }
0xa7: {  	s28 =	simm.s32 $_size_execute0_lowered;
	s3 =	sadd.s32 s3, s5;
	[dreg:$0x0] =	wrdreg $0x0  }
0xa8: {  	s5 =	sshll.u32 s28, $0x1;
	[dreg:$0x2] =	wrdreg s3  }
0xa9: {  	[dreg:$0x3] =	wrdreg s5  }
0xaa: {  	[dreg:$0x4] =	wrdreg $0xC0  }
0xab: {  	_ =	task [dreg:s7], $0x5FFFF  }
0xac: {  	[dreg:$0x1] =	wrdreg $0xFFFFFFFF  }
0xad: {  	[dreg:$0x0] =	wrdreg $0x60  }
0xae: {  	[dreg:$0x2] =	wrdreg s2  }
0xaf: {  	[dreg:$0x3] =	wrdreg s24  }
0xb0: {  	[dreg:$0x4] =	wrdreg $0xA8000  }
0xb1: {  	[dreg:$0x5] =	wrdreg $0x9  }
0xb2: {  	_ =	task.clear_ibuf [dreg:s7], $0x6FFFF;
	_ =	strace $0x9000004C  }
0xb3: {  	s29 =	simm.s32 $0x9;
	_ =	strace $0x8000004E  }
0xb4: {  	_ =	swait.ge [sflag:s29], $0x1  }
0xb5: {  	[sflag:s29] =	ssyncadd.s32 $0xFFFFFFFF  }
0xb6: {  	_ =	strace $0x9000004E  }
0xb7: {  	_ =	sfence  }
0xb8: {  	s30 =	sld [smem:$0x0];
	_ =	sdelay $0x2  }
0xb9: {  	s31 =	sshll.u32 s1, $0xD;
	s1 =	sshrl.u32 s1, $0x2  }
0xba: {  	s3 =	sand.u32 $0x4000, s31;
	s1 =	sadd.s32 s1, s30  }
0xbb: {  	s0 =	sor.u32 s3, s0;
	s1 =	sshll.u32 s1, $0x11  }
0xbc: {  	s0 =	sor.u32 s1, s0  }
0xbd: {  	s0 =	sadd.s32 $0x8F2B, s0  }
0xbe: {  	[sflag:s0] =	ssyncadd.remote.s32 $0x1  }
0xbf: {  	_ =	sfence.sel $0xFFFF  }
0xc0: {  	[dreg:$0x0] =	wrdreg $0xFFFFFFFF;
	(pc) =	sbr.abs _section_cstart, $3  }
0xc1: {  	[dreg:$0x1] =	wrdreg $0xFFFFFFFF  }
0xc2: {  	_ =	task.clear_ibuf [dreg:s7], $0x2FFFF;
	_ =	strace $0x9FFFFFFF  }
0xc3: {  	(tm) =	ssettm $0x7FFFFFFF  }
tec
execute0_lowered:
.L_overlay_start_1:
0x0: {  	(tag) =	ssettag $0x1  }
0x1: {  	s1 =	rddreg [dreg:$0x0]  }
0x2: {  	s0 =	rddreg [dreg:$0x1]  }
0x3: {  	s2 =	rddreg [dreg:$0x2];
	s3 =	simm.s32 $0x0  }
0x4: {  	s4 =	srdreg.scid;
	s16 =	stileid.u32;
	s18 =	simm.s32 $0x5  }
0x5: {  	s19 =	simm.s32 $0x1400;
	s28 =	simm.s32 $0x8800;
	s29 =	simm.s32 $0x1  }
0x6: {  	s31 =	simm.s32 $0x2;
	s30 =	simm.s32 $0x3;
	[smem:$0x7FF] =	sst s3  }
0x7: {  	s6 =	sadd.s32 $0xB600, s0;
	s7 =	sadd.s32 $0x1800, s0;
	s4 =	sand.u32 $0x1, s4  }
0x8: {  	s5 =	sadd.s32 $0x15400, s0;
	s10 =	smul.u32 $0x4E000, s16;
	s13 =	sadd.s32 $0x17C00, s0  }
0x9: {  	s15 =	sadd.s32 $0x124800, s2;
	s22 =	smul.u32 $0x13800, s16;
	p0 =	seq.s32 s16, $0xF  }
0xa: {  	_ =	strace $0x8000004D;
	s8 =	sshll.u32 s4, $0x4;
	s9 =	ssub.s32 $0x2, s4  }
0xb: {  	s4 =	smul.u32 $0x138800, s4;
	s15 =	sshrl.u32 @p0 s15, $0x3;
	s8 =	sor.u32 s16, s8  }
0xc: {  	s11 =	sshrl.u32 s9, $0x1;
	s10 =	sshrl.u32 s10, $0x2;
	s12 =	smul.u32 $0x2800, s8  }
0xd: {  	s9 =	ssub.s32 s9, s11;
	s20 =	smul.u32 $0x500, s8;
	s17 =	sadd.s32 s10, s2  }
0xe: {  	s24 =	sadd.s32 s22, s4;
	s4 =	sshrl.u32 s4, $0x3;
	p1 =	seq.s32 s8, $0x1F  }
0xf: {  	s22 =	simm.s32 $0x80;
	s25 =	sshrl.u32 s24, $0x3;
	s26 =	sadd.s32 s13, s4  }
0x10: {  	s17 =	sshrl.u32 @!p0 s17, $0x3;
	s24 =	simm.s32 $0x100;
	s4 =	simm.s32 $0x0  }
0x11: {  	s21 =	sshrl.u32 s12, $0x3;
	s14 =	sadd.s32 s6, s20;
	s11 =	sadd.s32 s7, s20  }
0x12: {  	s12 =	sadd.s32 s13, s25;
	s13 =	sadd.s32 $0x24900, s26;
	s20 =	simm.s32 $0x40  }
0x13: {  	s25 =	simm.s32 $0x6800;
	s26 =	simm.s32 $0x180;
	[dreg:$0x4] =	wrdreg s14  }
.Ltmp0:
0x14: {  	s10 =	sadd.s32 $0x280, s21;
	[dreg:$0x5] =	wrdreg s11;
	(pc) =	sbr.rel .LBB2_1-.Ltmp0, $4  }
0x15: {  	s11 =	sadd.s32 $0xB300, s0;
	s14 =	smax.u32 s9, $0x1;
	s6 =	sadd.s32 s6, s10  }
0x16: {  	s21 =	simm.s32 $0x2800;
	s23 =	sadd.s32 s7, s10;
	[dreg:$0x6] =	wrdreg s6  }
0x17: {  	s10 =	sadd.s32 $0x15100, s0;
	s0 =	sshll.u32 @!p0 s16, $0x6;
	[dreg:$0x7] =	wrdreg s23  }
0x18: {  	s16 =	sor.u32 @!p0 $0x1C05, s0;
	s23 =	simm.s32 $0x4800;
	s0 =	simm.s32 $0x4  }
.LBB2_7:
0x19: {  	[tilespmem:s3], [sflag:$0x5] =	stream.linear.gather [hbm4b:s10+s3], $0xA00, $0x38;
	[tilespmem:$0x1E080] =	vst v63  }
0x1a: {  	_ =	swait.ge [sflag:s18], $0xA00  }
0x1b: {  	[sflag:s18] =	ssyncset.done $0x0  }
0x1c: {  	[sflag:s18] =	ssyncadd.s32 $0xFFFFF600  }
0x1d: {  	[tilespmem:s19], [sflag:$0x5] =	stream.linear.gather [hbm4b:s11+s3], $0xA00, $0x38;
	[tilespmem:$0x1E080] =	vst v63  }
0x1e: {  	_ =	swait.ge [sflag:s18], $0xA00  }
0x1f: {  	[sflag:s18] =	ssyncset.done $0x0  }
0x20: {  	[sflag:s18] =	ssyncadd.s32 $0xFFFFF600  }
0x21: {  	[bflag:$0x0] =	sbarrier.arrive $0xFFFF  }
0x22: {  	[tilespmem:s21], [sflag:$0x1] =	stream.indirect.gather [hbm4b:s1+s20], $0x80, s3, s20, $0xb8;
	[tilespmem:$0x1E080] =	vst v63  }
0x23: {  	_ = 	snop  }
0x24: {  	[tilespmem:s23], [sflag:$0x2] =	stream.indirect.gather [hbm4b:s1+s20], $0x80, s22, s20, $0xb8;
	[tilespmem:$0x1E080] =	vst v63  }
0x25: {  	_ = 	snop  }
0x26: {  	[tilespmem:s25], [sflag:$0x3] =	stream.indirect.gather [hbm4b:s1+s20], $0x80, s24, s20, $0xb8;
	[tilespmem:$0x1E080] =	vst v63  }
0x27: {  	_ = 	snop  }
0x28: {  	[tilespmem:s28], [sflag:$0x4] =	stream.indirect.gather [hbm4b:s1+s20], $0x80, s26, s20, $0xb8;
	[tilespmem:$0x1E080] =	vst v63  }
0x29: {  	_ =	swait.ge [sflag:s29], $0x2000  }
0x2a: {  	[sflag:s29] =	ssyncset.done $0x0  }
0x2b: {  	[sflag:s29] =	ssyncadd.s32 $0xFFFFE000  }
0x2c: {  	[spmem:s2] =	stream.indirect.scatter.add.f32 [tilespmem:s21], [sflag:$0x5], $0x80, s19, s20, $0xb8;
	[tilespmem:$0x1E080] =	vst v63  }
0x2d: {  	_ =	swait.ge [sflag:s18], $0x2000  }
0x2e: {  	[sflag:s18] =	ssyncset.done $0x0  }
0x2f: {  	s6 =	simm.s32 $0x200;
	[sflag:s18] =	ssyncadd.s32 $0xFFFFE000  }
0x30: {  	[tilespmem:s21], [sflag:$0x1] =	stream.indirect.gather [hbm4b:s1+s20], $0x80, s6, s20, $0xb8;
	[tilespmem:$0x1E080] =	vst v63  }
0x31: {  	_ =	swait.ge [sflag:s31], $0x2000  }
0x32: {  	[sflag:s31] =	ssyncset.done $0x0  }
0x33: {  	s7 =	simm.s32 $0x1480;
	[sflag:s31] =	ssyncadd.s32 $0xFFFFE000  }
0x34: {  	[spmem:s2] =	stream.indirect.scatter.add.f32 [tilespmem:s23], [sflag:$0x5], $0x80, s7, s20, $0xb8;
	[tilespmem:$0x1E080] =	vst v63  }
0x35: {  	_ =	swait.ge [sflag:s18], $0x2000  }
0x36: {  	[sflag:s18] =	ssyncset.done $0x0  }
0x37: {  	s8 =	simm.s32 $0x280;
	[sflag:s18] =	ssyncadd.s32 $0xFFFFE000  }
0x38: {  	[tilespmem:s23], [sflag:$0x2] =	stream.indirect.gather [hbm4b:s1+s20], $0x80, s8, s20, $0xb8;
	[tilespmem:$0x1E080] =	vst v63  }
0x39: {  	_ =	swait.ge [sflag:s30], $0x2000  }
0x3a: {  	[sflag:s30] =	ssyncset.done $0x0  }
0x3b: {  	s9 =	simm.s32 $0x1500;
	[sflag:s30] =	ssyncadd.s32 $0xFFFFE000  }
0x3c: {  	[spmem:s2] =	stream.indirect.scatter.add.f32 [tilespmem:s25], [sflag:$0x5], $0x80, s9, s20, $0xb8;
	[tilespmem:$0x1E080] =	vst v63  }
0x3d: {  	_ =	swait.ge [sflag:s18], $0x2000  }
0x3e: {  	[sflag:s18] =	ssyncset.done $0x0  }
0x3f: {  	s7 =	simm.s32 $0x300;
	[sflag:s18] =	ssyncadd.s32 $0xFFFFE000  }
0x40: {  	[tilespmem:s25], [sflag:$0x3] =	stream.indirect.gather [hbm4b:s1+s20], $0x80, s7, s20, $0xb8;
	[tilespmem:$0x1E080] =	vst v63  }
0x41: {  	_ =	swait.ge [sflag:s0], $0x2000  }
0x42: {  	[sflag:s0] =	ssyncset.done $0x0  }
0x43: {  	s8 =	simm.s32 $0x1580;
	[sflag:s0] =	ssyncadd.s32 $0xFFFFE000  }
0x44: {  	[spmem:s2] =	stream.indirect.scatter.add.f32 [tilespmem:s28], [sflag:$0x5], $0x80, s8, s20, $0xb8;
	[tilespmem:$0x1E080] =	vst v63  }
0x45: {  	_ =	swait.ge [sflag:s18], $0x2000  }
0x46: {  	[sflag:s18] =	ssyncset.done $0x0  }
0x47: {  	s9 =	simm.s32 $0x380;
	[sflag:s18] =	ssyncadd.s32 $0xFFFFE000  }
0x48: {  	[tilespmem:s28], [sflag:$0x4] =	stream.indirect.gather [hbm4b:s1+s20], $0x80, s9, s20, $0xb8;
	[tilespmem:$0x1E080] =	vst v63  }
0x49: {  	_ =	swait.ge [sflag:s29], $0x2000  }
0x4a: {  	[sflag:s29] =	ssyncset.done $0x0  }
0x4b: {  	s7 =	simm.s32 $0x1600;
	[sflag:s29] =	ssyncadd.s32 $0xFFFFE000  }
0x4c: {  	[spmem:s2] =	stream.indirect.scatter.add.f32 [tilespmem:s21], [sflag:$0x5], $0x80, s7, s20, $0xb8;
	[tilespmem:$0x1E080] =	vst v63  }
0x4d: {  	_ =	swait.ge [sflag:s18], $0x2000  }
0x4e: {  	[sflag:s18] =	ssyncset.done $0x0  }
0x4f: {  	s8 =	simm.s32 $0x400;
	[sflag:s18] =	ssyncadd.s32 $0xFFFFE000  }
0x50: {  	[tilespmem:s21], [sflag:$0x1] =	stream.indirect.gather [hbm4b:s1+s20], $0x80, s8, s20, $0xb8;
	[tilespmem:$0x1E080] =	vst v63  }
0x51: {  	_ =	swait.ge [sflag:s31], $0x2000  }
0x52: {  	[sflag:s31] =	ssyncset.done $0x0  }
0x53: {  	s9 =	simm.s32 $0x1680;
	[sflag:s31] =	ssyncadd.s32 $0xFFFFE000  }
0x54: {  	[spmem:s2] =	stream.indirect.scatter.add.f32 [tilespmem:s23], [sflag:$0x5], $0x80, s9, s20, $0xb8;
	[tilespmem:$0x1E080] =	vst v63  }
0x55: {  	_ =	swait.ge [sflag:s18], $0x2000  }
0x56: {  	[sflag:s18] =	ssyncset.done $0x0  }
0x57: {  	s7 =	simm.s32 $0x480;
	[sflag:s18] =	ssyncadd.s32 $0xFFFFE000  }
0x58: {  	[tilespmem:s23], [sflag:$0x2] =	stream.indirect.gather [hbm4b:s1+s20], $0x80, s7, s20, $0xb8;
	[tilespmem:$0x1E080] =	vst v63  }
0x59: {  	_ =	swait.ge [sflag:s30], $0x2000  }
0x5a: {  	[sflag:s30] =	ssyncset.done $0x0  }
0x5b: {  	s8 =	simm.s32 $0x1700;
	[sflag:s30] =	ssyncadd.s32 $0xFFFFE000  }
0x5c: {  	[spmem:s2] =	stream.indirect.scatter.add.f32 [tilespmem:s25], [sflag:$0x5], $0x80, s8, s20, $0xb8;
	[tilespmem:$0x1E080] =	vst v63  }
0x5d: {  	_ =	swait.ge [sflag:s18], $0x2000  }
0x5e: {  	[sflag:s18] =	ssyncset.done $0x0  }
0x5f: {  	s9 =	simm.s32 $0x500;
	[sflag:s18] =	ssyncadd.s32 $0xFFFFE000  }
0x60: {  	[tilespmem:s25], [sflag:$0x3] =	stream.indirect.gather [hbm4b:s1+s20], $0x80, s9, s20, $0xb8;
	[tilespmem:$0x1E080] =	vst v63  }
0x61: {  	_ =	swait.ge [sflag:s0], $0x2000  }
0x62: {  	[sflag:s0] =	ssyncset.done $0x0  }
0x63: {  	s7 =	simm.s32 $0x1780;
	[sflag:s0] =	ssyncadd.s32 $0xFFFFE000  }
0x64: {  	[spmem:s2] =	stream.indirect.scatter.add.f32 [tilespmem:s28], [sflag:$0x5], $0x80, s7, s20, $0xb8;
	[tilespmem:$0x1E080] =	vst v63  }
0x65: {  	_ =	swait.ge [sflag:s18], $0x2000  }
0x66: {  	[sflag:s18] =	ssyncset.done $0x0  }
0x67: {  	s8 =	simm.s32 $0x580;
	[sflag:s18] =	ssyncadd.s32 $0xFFFFE000  }
0x68: {  	[tilespmem:s28], [sflag:$0x4] =	stream.indirect.gather [hbm4b:s1+s20], $0x80, s8, s20, $0xb8;
	[tilespmem:$0x1E080] =	vst v63  }
0x69: {  	_ =	swait.ge [sflag:s29], $0x2000  }
0x6a: {  	[sflag:s29] =	ssyncset.done $0x0  }
0x6b: {  	s9 =	simm.s32 $0x1800;
	[sflag:s29] =	ssyncadd.s32 $0xFFFFE000  }
0x6c: {  	[spmem:s2] =	stream.indirect.scatter.add.f32 [tilespmem:s21], [sflag:$0x5], $0x80, s9, s20, $0xb8;
	[tilespmem:$0x1E080] =	vst v63  }
0x6d: {  	_ =	swait.ge [sflag:s18], $0x2000  }
0x6e: {  	[sflag:s18] =	ssyncset.done $0x0  }
0x6f: {  	s7 =	simm.s32 $0x600;
	[sflag:s18] =	ssyncadd.s32 $0xFFFFE000  }
0x70: {  	[tilespmem:s21], [sflag:$0x1] =	stream.indirect.gather [hbm4b:s1+s20], $0x80, s7, s20, $0xb8;
	[tilespmem:$0x1E080] =	vst v63  }
0x71: {  	_ =	swait.ge [sflag:s31], $0x2000  }
0x72: {  	[sflag:s31] =	ssyncset.done $0x0  }
0x73: {  	s8 =	simm.s32 $0x1880;
	[sflag:s31] =	ssyncadd.s32 $0xFFFFE000  }
0x74: {  	[spmem:s2] =	stream.indirect.scatter.add.f32 [tilespmem:s23], [sflag:$0x5], $0x80, s8, s20, $0xb8;
	[tilespmem:$0x1E080] =	vst v63  }
0x75: {  	_ =	swait.ge [sflag:s18], $0x2000  }
0x76: {  	[sflag:s18] =	ssyncset.done $0x0  }
0x77: {  	s9 =	simm.s32 $0x680;
	[sflag:s18] =	ssyncadd.s32 $0xFFFFE000  }
0x78: {  	[tilespmem:s23], [sflag:$0x2] =	stream.indirect.gather [hbm4b:s1+s20], $0x80, s9, s20, $0xb8;
	[tilespmem:$0x1E080] =	vst v63  }
0x79: {  	_ =	swait.ge [sflag:s30], $0x2000  }
0x7a: {  	[sflag:s30] =	ssyncset.done $0x0  }
0x7b: {  	s7 =	simm.s32 $0x1900;
	[sflag:s30] =	ssyncadd.s32 $0xFFFFE000  }
0x7c: {  	[spmem:s2] =	stream.indirect.scatter.add.f32 [tilespmem:s25], [sflag:$0x5], $0x80, s7, s20, $0xb8;
	[tilespmem:$0x1E080] =	vst v63  }
0x7d: {  	_ =	swait.ge [sflag:s18], $0x2000  }
0x7e: {  	[sflag:s18] =	ssyncset.done $0x0  }
0x7f: {  	s8 =	simm.s32 $0x700;
	[sflag:s18] =	ssyncadd.s32 $0xFFFFE000  }
0x80: {  	[tilespmem:s25], [sflag:$0x3] =	stream.indirect.gather [hbm4b:s1+s20], $0x80, s8, s20, $0xb8;
	[tilespmem:$0x1E080] =	vst v63  }
0x81: {  	_ =	swait.ge [sflag:s0], $0x2000  }
0x82: {  	[sflag:s0] =	ssyncset.done $0x0  }
0x83: {  	s9 =	simm.s32 $0x1980;
	[sflag:s0] =	ssyncadd.s32 $0xFFFFE000  }
0x84: {  	[spmem:s2] =	stream.indirect.scatter.add.f32 [tilespmem:s28], [sflag:$0x5], $0x80, s9, s20, $0xb8;
	[tilespmem:$0x1E080] =	vst v63  }
0x85: {  	_ =	swait.ge [sflag:s18], $0x2000  }
0x86: {  	[sflag:s18] =	ssyncset.done $0x0  }
0x87: {  	s7 =	simm.s32 $0x780;
	[sflag:s18] =	ssyncadd.s32 $0xFFFFE000  }
0x88: {  	[tilespmem:s28], [sflag:$0x4] =	stream.indirect.gather [hbm4b:s1+s20], $0x80, s7, s20, $0xb8;
	[tilespmem:$0x1E080] =	vst v63  }
0x89: {  	_ =	swait.ge [sflag:s29], $0x2000  }
0x8a: {  	[sflag:s29] =	ssyncset.done $0x0  }
0x8b: {  	s8 =	simm.s32 $0x1A00;
	[sflag:s29] =	ssyncadd.s32 $0xFFFFE000  }
0x8c: {  	[spmem:s2] =	stream.indirect.scatter.add.f32 [tilespmem:s21], [sflag:$0x5], $0x80, s8, s20, $0xb8;
	[tilespmem:$0x1E080] =	vst v63  }
0x8d: {  	_ =	swait.ge [sflag:s18], $0x2000  }
0x8e: {  	[sflag:s18] =	ssyncset.done $0x0  }
0x8f: {  	s9 =	simm.s32 $0x800;
	[sflag:s18] =	ssyncadd.s32 $0xFFFFE000  }
0x90: {  	[tilespmem:s21], [sflag:$0x1] =	stream.indirect.gather [hbm4b:s1+s20], $0x80, s9, s20, $0xb8;
	[tilespmem:$0x1E080] =	vst v63  }
0x91: {  	_ =	swait.ge [sflag:s31], $0x2000  }
0x92: {  	[sflag:s31] =	ssyncset.done $0x0  }
0x93: {  	s7 =	simm.s32 $0x1A80;
	[sflag:s31] =	ssyncadd.s32 $0xFFFFE000  }
0x94: {  	[spmem:s2] =	stream.indirect.scatter.add.f32 [tilespmem:s23], [sflag:$0x5], $0x80, s7, s20, $0xb8;
	[tilespmem:$0x1E080] =	vst v63  }
0x95: {  	_ =	swait.ge [sflag:s18], $0x2000  }
0x96: {  	[sflag:s18] =	ssyncset.done $0x0  }
0x97: {  	s8 =	simm.s32 $0x880;
	[sflag:s18] =	ssyncadd.s32 $0xFFFFE000  }
0x98: {  	[tilespmem:s23], [sflag:$0x2] =	stream.indirect.gather [hbm4b:s1+s20], $0x80, s8, s20, $0xb8;
	[tilespmem:$0x1E080] =	vst v63  }
0x99: {  	_ =	swait.ge [sflag:s30], $0x2000  }
0x9a: {  	[sflag:s30] =	ssyncset.done $0x0  }
0x9b: {  	s9 =	simm.s32 $0x1B00;
	[sflag:s30] =	ssyncadd.s32 $0xFFFFE000  }
0x9c: {  	[spmem:s2] =	stream.indirect.scatter.add.f32 [tilespmem:s25], [sflag:$0x5], $0x80, s9, s20, $0xb8;
	[tilespmem:$0x1E080] =	vst v63  }
0x9d: {  	_ =	swait.ge [sflag:s18], $0x2000  }
0x9e: {  	[sflag:s18] =	ssyncset.done $0x0  }
0x9f: {  	s7 =	simm.s32 $0x900;
	[sflag:s18] =	ssyncadd.s32 $0xFFFFE000  }
0xa0: {  	[tilespmem:s25], [sflag:$0x3] =	stream.indirect.gather [hbm4b:s1+s20], $0x80, s7, s20, $0xb8;
	[tilespmem:$0x1E080] =	vst v63  }
0xa1: {  	_ =	swait.ge [sflag:s0], $0x2000  }
0xa2: {  	[sflag:s0] =	ssyncset.done $0x0  }
0xa3: {  	s8 =	simm.s32 $0x1B80;
	[sflag:s0] =	ssyncadd.s32 $0xFFFFE000  }
0xa4: {  	[spmem:s2] =	stream.indirect.scatter.add.f32 [tilespmem:s28], [sflag:$0x5], $0x80, s8, s20, $0xb8;
	[tilespmem:$0x1E080] =	vst v63  }
0xa5: {  	_ =	swait.ge [sflag:s18], $0x2000  }
0xa6: {  	[sflag:s18] =	ssyncset.done $0x0  }
0xa7: {  	s6 =	simm.s32 $0x1D80;
	s9 =	simm.s32 $0x980;
	[sflag:s18] =	ssyncadd.s32 $0xFFFFE000  }
0xa8: {  	[tilespmem:s28], [sflag:$0x4] =	stream.indirect.gather [hbm4b:s1+s20], $0x80, s9, s20, $0xb8;
	[tilespmem:$0x1E080] =	vst v63  }
0xa9: {  	s7 =	simm.s32 $0x1D00;
	s8 =	simm.s32 $0x1C80;
	s9 =	simm.s32 $0x1C00  }
.LBB2_8:
0xaa: {  	_ =	swait.ge [sflag:s29], $0x2000  }
0xab: {  	[sflag:s29] =	ssyncset.done $0x0  }
0xac: {  	[sflag:s29] =	ssyncadd.s32 $0xFFFFE000  }
0xad: {  	[spmem:s2] =	stream.indirect.scatter.add.f32 [tilespmem:s21], [sflag:$0x5], $0x80, s9, s20, $0xb8;
	[tilespmem:$0x1E080] =	vst v63  }
0xae: {  	_ =	swait.ge [sflag:s18], $0x2000  }
0xaf: {  	[sflag:s18] =	ssyncset.done $0x0  }
0xb0: {  	[sflag:s18] =	ssyncadd.s32 $0xFFFFE000  }
0xb1: {  	_ =	swait.ge [sflag:s31], $0x2000  }
0xb2: {  	[sflag:s31] =	ssyncset.done $0x0  }
0xb3: {  	[sflag:s31] =	ssyncadd.s32 $0xFFFFE000  }
0xb4: {  	[spmem:s2] =	stream.indirect.scatter.add.f32 [tilespmem:s23], [sflag:$0x5], $0x80, s8, s20, $0xb8;
	[tilespmem:$0x1E080] =	vst v63  }
0xb5: {  	_ =	swait.ge [sflag:s18], $0x2000  }
0xb6: {  	[sflag:s18] =	ssyncset.done $0x0  }
0xb7: {  	[sflag:s18] =	ssyncadd.s32 $0xFFFFE000  }
0xb8: {  	_ =	swait.ge [sflag:s30], $0x2000  }
0xb9: {  	[sflag:s30] =	ssyncset.done $0x0  }
0xba: {  	[sflag:s30] =	ssyncadd.s32 $0xFFFFE000  }
0xbb: {  	[spmem:s2] =	stream.indirect.scatter.add.f32 [tilespmem:s25], [sflag:$0x5], $0x80, s7, s20, $0xb8;
	[tilespmem:$0x1E080] =	vst v63  }
0xbc: {  	_ =	swait.ge [sflag:s18], $0x2000  }
0xbd: {  	[sflag:s18] =	ssyncset.done $0x0  }
0xbe: {  	[sflag:s18] =	ssyncadd.s32 $0xFFFFE000  }
0xbf: {  	_ =	swait.ge [sflag:s0], $0x2000  }
0xc0: {  	[sflag:s0] =	ssyncset.done $0x0  }
0xc1: {  	[sflag:s0] =	ssyncadd.s32 $0xFFFFE000  }
0xc2: {  	[spmem:s2] =	stream.indirect.scatter.add.f32 [tilespmem:s28], [sflag:$0x5], $0x80, s6, s20, $0xb8;
	[tilespmem:$0x1E080] =	vst v63  }
0xc3: {  	_ =	swait.ge [sflag:s18], $0x2000  }
0xc4: {  	[sflag:s18] =	ssyncset.done $0x0  }
0xc5: {  	[sflag:s18] =	ssyncadd.s32 $0xFFFFE000  }
0xc6: {  	s6 =	simm.s32 @p0 $0x1FC5;
	[bflag:$0x0] =	sbarrier.arrive $0xFFFF  }
0xc7: {  	[hbm:s13], [sflag:s6] =	dma.local @p0 [spmem:s15], $0x2800  }
0xc8: {  	s6 =	simm.s32 @p0 $0x5  }
0xc9: {  	s4 =	sadd.s32 $0x1, s4;
	_ =	swait.ge @p0 [sflag:s6], $0x2800  }
0xca: {  	p2 =	sne.s32 s4, s14;
	[sflag:s6] =	ssyncset.done @p0 $0x0  }
.Ltmp1:
0xcb: {  	[sflag:s6] =	ssyncadd.s32 @p0 $0xFFFFD800;
	s6 =	simm.s32 @!p0 $0x5;
	(pc) =	sbr.rel @!p2 .LBB2_9-.Ltmp1, $4  }
0xcc: {  	[hbm:s12], [sflag:s16] =	dma.local @!p0 [spmem:s17], $0x2700  }
0xcd: {  	_ =	swait.ge @!p0 [sflag:s6], $0x2700  }
0xce: {  	[sflag:s6] =	ssyncset.done @!p0 $0x0  }
0xcf: {  	[sflag:s6] =	ssyncadd.s32 @!p0 $0xFFFFD900  }
.LBB2_1:
0xd0: {  	s6 =	simm.s32 @p0 $0x1FC5  }
0xd1: {  	[spmem:s15], [sflag:s6] =	dma.local @p0 [hbm:s5], $0x2800  }
0xd2: {  	s6 =	simm.s32 @p0 $0x5  }
0xd3: {  	_ =	swait.ge @p0 [sflag:s6], $0x2800  }
0xd4: {  	[sflag:s6] =	ssyncset.done @p0 $0x0  }
.Ltmp2:
0xd5: {  	[sflag:s6] =	ssyncadd.s32 @p0 $0xFFFFD800;
	s6 =	simm.s32 @!p0 $0x5;
	(pc) =	sbr.rel @p1 .LBB2_7-.Ltmp2, $4  }
0xd6: {  	[spmem:s17], [sflag:s16] =	dma.local @!p0 [hbm:s5], $0x2700  }
0xd7: {  	_ =	swait.ge @!p0 [sflag:s6], $0x2700  }
0xd8: {  	[sflag:s6] =	ssyncset.done @!p0 $0x0  }
0xd9: {  	[sflag:s6] =	ssyncadd.s32 @!p0 $0xFFFFD900  }
0xda: {  	s6 =	simm.s32 $0x0;
	s7 =	rddreg [dreg:$0x4]  }
0xdb: {  	[tilespmem:s6], [sflag:$0x5] =	stream.linear.gather [hbm4b:s7+s6], $0x1400, $0x38;
	[tilespmem:$0x1E080] =	vst v63  }
0xdc: {  	_ =	swait.ge [sflag:s18], $0x1400  }
0xdd: {  	[sflag:s18] =	ssyncset.done $0x0  }
0xde: {  	s8 =	rddreg [dreg:$0x5];
	[sflag:s18] =	ssyncadd.s32 $0xFFFFEC00  }
0xdf: {  	[tilespmem:s19], [sflag:$0x5] =	stream.linear.gather [hbm4b:s8+s6], $0x1400, $0x38;
	[tilespmem:$0x1E080] =	vst v63  }
0xe0: {  	_ =	swait.ge [sflag:s18], $0x1400  }
0xe1: {  	[sflag:s18] =	ssyncset.done $0x0  }
0xe2: {  	[sflag:s18] =	ssyncadd.s32 $0xFFFFEC00  }
0xe3: {  	[bflag:$0x0] =	sbarrier.arrive $0xFFFF  }
0xe4: {  	[tilespmem:s21], [sflag:$0x1] =	stream.indirect.gather [hbm4b:s1+s20], $0x80, s6, s20, $0xb8;
	[tilespmem:$0x1E080] =	vst v63  }
0xe5: {  	_ = 	snop  }
0xe6: {  	[tilespmem:s23], [sflag:$0x2] =	stream.indirect.gather [hbm4b:s1+s20], $0x80, s22, s20, $0xb8;
	[tilespmem:$0x1E080] =	vst v63  }
0xe7: {  	_ = 	snop  }
0xe8: {  	[tilespmem:s25], [sflag:$0x3] =	stream.indirect.gather [hbm4b:s1+s20], $0x80, s24, s20, $0xb8;
	[tilespmem:$0x1E080] =	vst v63  }
0xe9: {  	_ = 	snop  }
0xea: {  	[tilespmem:s28], [sflag:$0x4] =	stream.indirect.gather [hbm4b:s1+s20], $0x80, s26, s20, $0xb8;
	[tilespmem:$0x1E080] =	vst v63  }
0xeb: {  	_ =	swait.ge [sflag:s29], $0x2000  }
0xec: {  	[sflag:s29] =	ssyncset.done $0x0  }
0xed: {  	s9 =	simm.s32 $0x1400;
	[sflag:s29] =	ssyncadd.s32 $0xFFFFE000  }
0xee: {  	[spmem:s2] =	stream.indirect.scatter.add.f32 [tilespmem:s21], [sflag:$0x5], $0x80, s9, s20, $0xb8;
	[tilespmem:$0x1E080] =	vst v63  }
0xef: {  	_ =	swait.ge [sflag:s18], $0x2000  }
0xf0: {  	[sflag:s18] =	ssyncset.done $0x0  }
0xf1: {  	s7 =	simm.s32 $0x200;
	[sflag:s18] =	ssyncadd.s32 $0xFFFFE000  }
0xf2: {  	[tilespmem:s21], [sflag:$0x1] =	stream.indirect.gather [hbm4b:s1+s20], $0x80, s7, s20, $0xb8;
	[tilespmem:$0x1E080] =	vst v63  }
0xf3: {  	_ =	swait.ge [sflag:s31], $0x2000  }
0xf4: {  	[sflag:s31] =	ssyncset.done $0x0  }
0xf5: {  	s8 =	simm.s32 $0x1480;
	[sflag:s31] =	ssyncadd.s32 $0xFFFFE000  }
0xf6: {  	[spmem:s2] =	stream.indirect.scatter.add.f32 [tilespmem:s23], [sflag:$0x5], $0x80, s8, s20, $0xb8;
	[tilespmem:$0x1E080] =	vst v63  }
0xf7: {  	_ =	swait.ge [sflag:s18], $0x2000  }
0xf8: {  	[sflag:s18] =	ssyncset.done $0x0  }
0xf9: {  	s9 =	simm.s32 $0x280;
	[sflag:s18] =	ssyncadd.s32 $0xFFFFE000  }
0xfa: {  	[tilespmem:s23], [sflag:$0x2] =	stream.indirect.gather [hbm4b:s1+s20], $0x80, s9, s20, $0xb8;
	[tilespmem:$0x1E080] =	vst v63  }
0xfb: {  	_ =	swait.ge [sflag:s30], $0x2000  }
0xfc: {  	[sflag:s30] =	ssyncset.done $0x0  }
0xfd: {  	s7 =	simm.s32 $0x1500;
	[sflag:s30] =	ssyncadd.s32 $0xFFFFE000  }
0xfe: {  	[spmem:s2] =	stream.indirect.scatter.add.f32 [tilespmem:s25], [sflag:$0x5], $0x80, s7, s20, $0xb8;
	[tilespmem:$0x1E080] =	vst v63  }
0xff: {  	_ =	swait.ge [sflag:s18], $0x2000  }
0x100: {  	[sflag:s18] =	ssyncset.done $0x0  }
0x101: {  	s8 =	simm.s32 $0x300;
	[sflag:s18] =	ssyncadd.s32 $0xFFFFE000  }
0x102: {  	[tilespmem:s25], [sflag:$0x3] =	stream.indirect.gather [hbm4b:s1+s20], $0x80, s8, s20, $0xb8;
	[tilespmem:$0x1E080] =	vst v63  }
0x103: {  	_ =	swait.ge [sflag:s0], $0x2000  }
0x104: {  	[sflag:s0] =	ssyncset.done $0x0  }
0x105: {  	s9 =	simm.s32 $0x1580;
	[sflag:s0] =	ssyncadd.s32 $0xFFFFE000  }
0x106: {  	[spmem:s2] =	stream.indirect.scatter.add.f32 [tilespmem:s28], [sflag:$0x5], $0x80, s9, s20, $0xb8;
	[tilespmem:$0x1E080] =	vst v63  }
0x107: {  	_ =	swait.ge [sflag:s18], $0x2000  }
0x108: {  	[sflag:s18] =	ssyncset.done $0x0  }
0x109: {  	s6 =	simm.s32 $0x800;
	s7 =	simm.s32 $0x380;
	[sflag:s18] =	ssyncadd.s32 $0xFFFFE000  }
.LBB2_3:
0x10a: {  	[tilespmem:s28], [sflag:$0x4] =	stream.indirect.gather [hbm4b:s1+s20], $0x80, s7, s20, $0xb8;
	[tilespmem:$0x1E080] =	vst v63  }
0x10b: {  	s7 =	smov.u32 s6  }
0x10c: {  	p2 =	sne.s32 s6, $0x4000;
	s6 =	sadd.s32 $0x800, s6;
	_ =	swait.ge [sflag:s29], $0x2000  }
0x10d: {  	s7 =	sshra.s32 s7, $0x2;
	[sflag:s29] =	ssyncset.done $0x0  }
0x10e: {  	s8 =	sadd.s32 $0x1400, s7;
	[sflag:s29] =	ssyncadd.s32 $0xFFFFE000  }
0x10f: {  	[spmem:s2] =	stream.indirect.scatter.add.f32 [tilespmem:s21], [sflag:$0x5], $0x80, s8, s20, $0xb8;
	[tilespmem:$0x1E080] =	vst v63  }
0x110: {  	_ =	swait.ge [sflag:s18], $0x2000  }
0x111: {  	[sflag:s18] =	ssyncset.done $0x0  }
0x112: {  	s8 =	sadd.s32 $0x200, s7;
	[sflag:s18] =	ssyncadd.s32 $0xFFFFE000  }
0x113: {  	[tilespmem:s21], [sflag:$0x1] =	stream.indirect.gather [hbm4b:s1+s20], $0x80, s8, s20, $0xb8;
	[tilespmem:$0x1E080] =	vst v63  }
0x114: {  	_ =	swait.ge [sflag:s31], $0x2000  }
0x115: {  	[sflag:s31] =	ssyncset.done $0x0  }
0x116: {  	s8 =	sadd.s32 $0x1480, s7;
	[sflag:s31] =	ssyncadd.s32 $0xFFFFE000  }
0x117: {  	[spmem:s2] =	stream.indirect.scatter.add.f32 [tilespmem:s23], [sflag:$0x5], $0x80, s8, s20, $0xb8;
	[tilespmem:$0x1E080] =	vst v63  }
0x118: {  	_ =	swait.ge [sflag:s18], $0x2000  }
0x119: {  	[sflag:s18] =	ssyncset.done $0x0  }
0x11a: {  	s8 =	sadd.s32 $0x280, s7;
	[sflag:s18] =	ssyncadd.s32 $0xFFFFE000  }
0x11b: {  	[tilespmem:s23], [sflag:$0x2] =	stream.indirect.gather [hbm4b:s1+s20], $0x80, s8, s20, $0xb8;
	[tilespmem:$0x1E080] =	vst v63  }
0x11c: {  	_ =	swait.ge [sflag:s30], $0x2000  }
0x11d: {  	[sflag:s30] =	ssyncset.done $0x0  }
0x11e: {  	s8 =	sadd.s32 $0x1500, s7;
	[sflag:s30] =	ssyncadd.s32 $0xFFFFE000  }
0x11f: {  	[spmem:s2] =	stream.indirect.scatter.add.f32 [tilespmem:s25], [sflag:$0x5], $0x80, s8, s20, $0xb8;
	[tilespmem:$0x1E080] =	vst v63  }
0x120: {  	_ =	swait.ge [sflag:s18], $0x2000  }
0x121: {  	[sflag:s18] =	ssyncset.done $0x0  }
0x122: {  	s8 =	sadd.s32 $0x300, s7;
	[sflag:s18] =	ssyncadd.s32 $0xFFFFE000  }
0x123: {  	[tilespmem:s25], [sflag:$0x3] =	stream.indirect.gather [hbm4b:s1+s20], $0x80, s8, s20, $0xb8;
	[tilespmem:$0x1E080] =	vst v63  }
0x124: {  	_ =	swait.ge [sflag:s0], $0x2000  }
0x125: {  	[sflag:s0] =	ssyncset.done $0x0  }
.Ltmp3:
0x126: {  	s8 =	sadd.s32 $0x1580, s7;
	[sflag:s0] =	ssyncadd.s32 $0xFFFFE000;
	(pc) =	sbr.rel @p2 .LBB2_3-.Ltmp3, $4  }
0x127: {  	[spmem:s2] =	stream.indirect.scatter.add.f32 [tilespmem:s28], [sflag:$0x5], $0x80, s8, s20, $0xb8;
	[tilespmem:$0x1E080] =	vst v63  }
0x128: {  	_ =	swait.ge [sflag:s18], $0x2000  }
0x129: {  	[sflag:s18] =	ssyncset.done $0x0  }
0x12a: {  	s7 =	sadd.s32 $0x380, s7;
	[sflag:s18] =	ssyncadd.s32 $0xFFFFE000  }
0x12b: {  	[tilespmem:s28], [sflag:$0x4] =	stream.indirect.gather [hbm4b:s1+s20], $0x80, s7, s20, $0xb8;
	[tilespmem:$0x1E080] =	vst v63  }
0x12c: {  	_ =	swait.ge [sflag:s29], $0x2000  }
0x12d: {  	[sflag:s29] =	ssyncset.done $0x0  }
0x12e: {  	s6 =	simm.s32 $0x2600;
	[sflag:s29] =	ssyncadd.s32 $0xFFFFE000  }
0x12f: {  	[spmem:s2] =	stream.indirect.scatter.add.f32 [tilespmem:s21], [sflag:$0x5], $0x80, s6, s20, $0xb8;
	[tilespmem:$0x1E080] =	vst v63  }
0x130: {  	_ =	swait.ge [sflag:s18], $0x2000  }
0x131: {  	[sflag:s18] =	ssyncset.done $0x0  }
0x132: {  	[sflag:s18] =	ssyncadd.s32 $0xFFFFE000  }
0x133: {  	_ =	swait.ge [sflag:s31], $0x2000  }
0x134: {  	[sflag:s31] =	ssyncset.done $0x0  }
0x135: {  	s9 =	simm.s32 $0x2680;
	[sflag:s31] =	ssyncadd.s32 $0xFFFFE000  }
0x136: {  	[spmem:s2] =	stream.indirect.scatter.add.f32 [tilespmem:s23], [sflag:$0x5], $0x80, s9, s20, $0xb8;
	[tilespmem:$0x1E080] =	vst v63  }
0x137: {  	_ =	swait.ge [sflag:s18], $0x2000  }
0x138: {  	[sflag:s18] =	ssyncset.done $0x0  }
0x139: {  	[sflag:s18] =	ssyncadd.s32 $0xFFFFE000  }
0x13a: {  	_ =	swait.ge [sflag:s30], $0x2000  }
0x13b: {  	[sflag:s30] =	ssyncset.done $0x0  }
0x13c: {  	s7 =	simm.s32 $0x2700;
	[sflag:s30] =	ssyncadd.s32 $0xFFFFE000  }
0x13d: {  	[spmem:s2] =	stream.indirect.scatter.add.f32 [tilespmem:s25], [sflag:$0x5], $0x80, s7, s20, $0xb8;
	[tilespmem:$0x1E080] =	vst v63  }
0x13e: {  	_ =	swait.ge [sflag:s18], $0x2000  }
0x13f: {  	[sflag:s18] =	ssyncset.done $0x0  }
0x140: {  	[sflag:s18] =	ssyncadd.s32 $0xFFFFE000  }
0x141: {  	_ =	swait.ge [sflag:s0], $0x2000  }
0x142: {  	[sflag:s0] =	ssyncset.done $0x0  }
0x143: {  	s8 =	simm.s32 $0x2780;
	[sflag:s0] =	ssyncadd.s32 $0xFFFFE000  }
0x144: {  	[spmem:s2] =	stream.indirect.scatter.add.f32 [tilespmem:s28], [sflag:$0x5], $0x80, s8, s20, $0xb8;
	[tilespmem:$0x1E080] =	vst v63  }
0x145: {  	_ =	swait.ge [sflag:s18], $0x2000  }
0x146: {  	[sflag:s18] =	ssyncset.done $0x0  }
0x147: {  	s6 =	simm.s32 $0x0;
	s9 =	rddreg [dreg:$0x6];
	[sflag:s18] =	ssyncadd.s32 $0xFFFFE000  }
0x148: {  	[tilespmem:s6], [sflag:$0x5] =	stream.linear.gather [hbm4b:s9+s6], $0x1400, $0x38;
	[tilespmem:$0x1E080] =	vst v63  }
0x149: {  	_ =	swait.ge [sflag:s18], $0x1400  }
0x14a: {  	[sflag:s18] =	ssyncset.done $0x0  }
0x14b: {  	s8 =	rddreg [dreg:$0x7];
	[sflag:s18] =	ssyncadd.s32 $0xFFFFEC00  }
0x14c: {  	[tilespmem:s19], [sflag:$0x5] =	stream.linear.gather [hbm4b:s8+s6], $0x1400, $0x38;
	[tilespmem:$0x1E080] =	vst v63  }
0x14d: {  	_ =	swait.ge [sflag:s18], $0x1400  }
0x14e: {  	[sflag:s18] =	ssyncset.done $0x0  }
0x14f: {  	[sflag:s18] =	ssyncadd.s32 $0xFFFFEC00  }
0x150: {  	[tilespmem:s21], [sflag:$0x1] =	stream.indirect.gather [hbm4b:s1+s20], $0x80, s6, s20, $0xb8;
	[tilespmem:$0x1E080] =	vst v63  }
0x151: {  	_ = 	snop  }
0x152: {  	[tilespmem:s23], [sflag:$0x2] =	stream.indirect.gather [hbm4b:s1+s20], $0x80, s22, s20, $0xb8;
	[tilespmem:$0x1E080] =	vst v63  }
0x153: {  	_ = 	snop  }
0x154: {  	[tilespmem:s25], [sflag:$0x3] =	stream.indirect.gather [hbm4b:s1+s20], $0x80, s24, s20, $0xb8;
	[tilespmem:$0x1E080] =	vst v63  }
0x155: {  	_ = 	snop  }
0x156: {  	[tilespmem:s28], [sflag:$0x4] =	stream.indirect.gather [hbm4b:s1+s20], $0x80, s26, s20, $0xb8;
	[tilespmem:$0x1E080] =	vst v63  }
0x157: {  	_ =	swait.ge [sflag:s29], $0x2000  }
0x158: {  	[sflag:s29] =	ssyncset.done $0x0  }
0x159: {  	s9 =	simm.s32 $0x1400;
	[sflag:s29] =	ssyncadd.s32 $0xFFFFE000  }
0x15a: {  	[spmem:s2] =	stream.indirect.scatter.add.f32 [tilespmem:s21], [sflag:$0x5], $0x80, s9, s20, $0xb8;
	[tilespmem:$0x1E080] =	vst v63  }
0x15b: {  	_ =	swait.ge [sflag:s18], $0x2000  }
0x15c: {  	[sflag:s18] =	ssyncset.done $0x0  }
0x15d: {  	s7 =	simm.s32 $0x200;
	[sflag:s18] =	ssyncadd.s32 $0xFFFFE000  }
0x15e: {  	[tilespmem:s21], [sflag:$0x1] =	stream.indirect.gather [hbm4b:s1+s20], $0x80, s7, s20, $0xb8;
	[tilespmem:$0x1E080] =	vst v63  }
0x15f: {  	_ =	swait.ge [sflag:s31], $0x2000  }
0x160: {  	[sflag:s31] =	ssyncset.done $0x0  }
0x161: {  	s8 =	simm.s32 $0x1480;
	[sflag:s31] =	ssyncadd.s32 $0xFFFFE000  }
0x162: {  	[spmem:s2] =	stream.indirect.scatter.add.f32 [tilespmem:s23], [sflag:$0x5], $0x80, s8, s20, $0xb8;
	[tilespmem:$0x1E080] =	vst v63  }
0x163: {  	_ =	swait.ge [sflag:s18], $0x2000  }
0x164: {  	[sflag:s18] =	ssyncset.done $0x0  }
0x165: {  	s9 =	simm.s32 $0x280;
	[sflag:s18] =	ssyncadd.s32 $0xFFFFE000  }
0x166: {  	[tilespmem:s23], [sflag:$0x2] =	stream.indirect.gather [hbm4b:s1+s20], $0x80, s9, s20, $0xb8;
	[tilespmem:$0x1E080] =	vst v63  }
0x167: {  	_ =	swait.ge [sflag:s30], $0x2000  }
0x168: {  	[sflag:s30] =	ssyncset.done $0x0  }
0x169: {  	s7 =	simm.s32 $0x1500;
	[sflag:s30] =	ssyncadd.s32 $0xFFFFE000  }
0x16a: {  	[spmem:s2] =	stream.indirect.scatter.add.f32 [tilespmem:s25], [sflag:$0x5], $0x80, s7, s20, $0xb8;
	[tilespmem:$0x1E080] =	vst v63  }
0x16b: {  	_ =	swait.ge [sflag:s18], $0x2000  }
0x16c: {  	[sflag:s18] =	ssyncset.done $0x0  }
0x16d: {  	s8 =	simm.s32 $0x300;
	[sflag:s18] =	ssyncadd.s32 $0xFFFFE000  }
0x16e: {  	[tilespmem:s25], [sflag:$0x3] =	stream.indirect.gather [hbm4b:s1+s20], $0x80, s8, s20, $0xb8;
	[tilespmem:$0x1E080] =	vst v63  }
0x16f: {  	_ =	swait.ge [sflag:s0], $0x2000  }
0x170: {  	p2 =	por $0x0, $0x0;
	[sflag:s0] =	ssyncset.done $0x0  }
.Ltmp4:
0x171: {  	s9 =	simm.s32 $0x1580;
	[sflag:s0] =	ssyncadd.s32 $0xFFFFE000;
	(pc) =	sbr.rel @p2 .LBB2_6-.Ltmp4, $4  }
0x172: {  	[spmem:s2] =	stream.indirect.scatter.add.f32 [tilespmem:s28], [sflag:$0x5], $0x80, s9, s20, $0xb8;
	[tilespmem:$0x1E080] =	vst v63  }
0x173: {  	_ =	swait.ge [sflag:s18], $0x2000  }
0x174: {  	[sflag:s18] =	ssyncset.done $0x0  }
0x175: {  	s6 =	simm.s32 $0x800;
	s7 =	simm.s32 $0x380;
	[sflag:s18] =	ssyncadd.s32 $0xFFFFE000  }
.LBB2_5:
0x176: {  	[tilespmem:s28], [sflag:$0x4] =	stream.indirect.gather [hbm4b:s1+s20], $0x80, s7, s20, $0xb8;
	[tilespmem:$0x1E080] =	vst v63  }
0x177: {  	s7 =	smov.u32 s6  }
0x178: {  	p2 =	seq.s32 s6, $0x4000;
	s6 =	sadd.s32 $0x800, s6;
	_ =	swait.ge [sflag:s29], $0x2000  }
0x179: {  	s7 =	sshra.s32 s7, $0x2;
	[sflag:s29] =	ssyncset.done $0x0  }
0x17a: {  	s8 =	sadd.s32 $0x1400, s7;
	[sflag:s29] =	ssyncadd.s32 $0xFFFFE000  }
0x17b: {  	[spmem:s2] =	stream.indirect.scatter.add.f32 [tilespmem:s21], [sflag:$0x5], $0x80, s8, s20, $0xb8;
	[tilespmem:$0x1E080] =	vst v63  }
0x17c: {  	_ =	swait.ge [sflag:s18], $0x2000  }
0x17d: {  	[sflag:s18] =	ssyncset.done $0x0  }
0x17e: {  	s8 =	sadd.s32 $0x200, s7;
	[sflag:s18] =	ssyncadd.s32 $0xFFFFE000  }
0x17f: {  	[tilespmem:s21], [sflag:$0x1] =	stream.indirect.gather [hbm4b:s1+s20], $0x80, s8, s20, $0xb8;
	[tilespmem:$0x1E080] =	vst v63  }
0x180: {  	_ =	swait.ge [sflag:s31], $0x2000  }
0x181: {  	[sflag:s31] =	ssyncset.done $0x0  }
0x182: {  	s8 =	sadd.s32 $0x1480, s7;
	[sflag:s31] =	ssyncadd.s32 $0xFFFFE000  }
0x183: {  	[spmem:s2] =	stream.indirect.scatter.add.f32 [tilespmem:s23], [sflag:$0x5], $0x80, s8, s20, $0xb8;
	[tilespmem:$0x1E080] =	vst v63  }
0x184: {  	_ =	swait.ge [sflag:s18], $0x2000  }
0x185: {  	[sflag:s18] =	ssyncset.done $0x0  }
0x186: {  	s8 =	sadd.s32 $0x280, s7;
	[sflag:s18] =	ssyncadd.s32 $0xFFFFE000  }
0x187: {  	[tilespmem:s23], [sflag:$0x2] =	stream.indirect.gather [hbm4b:s1+s20], $0x80, s8, s20, $0xb8;
	[tilespmem:$0x1E080] =	vst v63  }
0x188: {  	_ =	swait.ge [sflag:s30], $0x2000  }
0x189: {  	[sflag:s30] =	ssyncset.done $0x0  }
0x18a: {  	s8 =	sadd.s32 $0x1500, s7;
	[sflag:s30] =	ssyncadd.s32 $0xFFFFE000  }
0x18b: {  	[spmem:s2] =	stream.indirect.scatter.add.f32 [tilespmem:s25], [sflag:$0x5], $0x80, s8, s20, $0xb8;
	[tilespmem:$0x1E080] =	vst v63  }
0x18c: {  	_ =	swait.ge [sflag:s18], $0x2000  }
0x18d: {  	[sflag:s18] =	ssyncset.done $0x0  }
0x18e: {  	s8 =	sadd.s32 $0x300, s7;
	[sflag:s18] =	ssyncadd.s32 $0xFFFFE000  }
0x18f: {  	[tilespmem:s25], [sflag:$0x3] =	stream.indirect.gather [hbm4b:s1+s20], $0x80, s8, s20, $0xb8;
	[tilespmem:$0x1E080] =	vst v63  }
0x190: {  	_ =	swait.ge [sflag:s0], $0x2000  }
0x191: {  	[sflag:s0] =	ssyncset.done $0x0  }
.Ltmp5:
0x192: {  	s8 =	sadd.s32 $0x1580, s7;
	[sflag:s0] =	ssyncadd.s32 $0xFFFFE000;
	(pc) =	sbr.rel @!p2 .LBB2_5-.Ltmp5, $4  }
0x193: {  	[spmem:s2] =	stream.indirect.scatter.add.f32 [tilespmem:s28], [sflag:$0x5], $0x80, s8, s20, $0xb8;
	[tilespmem:$0x1E080] =	vst v63  }
0x194: {  	_ =	swait.ge [sflag:s18], $0x2000  }
0x195: {  	[sflag:s18] =	ssyncset.done $0x0  }
0x196: {  	s7 =	sadd.s32 $0x380, s7;
	[sflag:s18] =	ssyncadd.s32 $0xFFFFE000  }
.LBB2_6:
.Ltmp6:
0x197: {  	(pc) =	sbr.rel .LBB2_8-.Ltmp6, $4  }
0x198: {  	_ = 	snop  }
0x199: {  	[tilespmem:s28], [sflag:$0x4] =	stream.indirect.gather [hbm4b:s1+s20], $0x80, s7, s20, $0xb8;
	[tilespmem:$0x1E080] =	vst v63  }
0x19a: {  	s6 =	simm.s32 $0x2780  }
0x19b: {  	s7 =	simm.s32 $0x2700;
	s8 =	simm.s32 $0x2680;
	s9 =	simm.s32 $0x2600  }
.LBB2_9:
0x19c: {  	_ =	sfence.sel $0x180000  }
0x19d: {  	[bflag:$0x0] =	sbarrier.arrive $0xFFFF  }
0x19e: {  	_ =	strace $0x9000004D  }
0x19f: {  	s0 =	stileid.u32;
	[bflag:$0x2] =	sbarrier.arrive $0xFFFF  }
0x1a0: {  	p0 =	sne.s32 s0, $0x0;
	s0 =	rddreg [dreg:$0x3]  }
0x1a1: {  	s0 =	sadd.s32 @!p0 $0x100000, s0  }
0x1a2: {  	[sflag:s0] =	ssyncadd.tile.s32 @!p0 $0x1;
	_ =	shalt  }
.Lfunc_end2:
_tile_overlayer_lowered:
.L_overlay_start_2:
0x1a3: {  	(tag) =	ssettag $0x2  }
0x1a4: {  	s0 =	rddreg [dreg:$0x0];
	s2 =	stileid.u32  }
0x1a5: {  	s1 =	rddreg [dreg:$0x1];
	p0 =	sne.s32 s2, $0x0  }
0x1a6: {  	s3 =	rddreg [dreg:$0x2];
	[bflag:$0x3] =	sbarrier.arrive $0xFFFF;
	s2 =	simm.s32 @!p0 $0x1C05  }
0x1a7: {  	[timem:s3], [sflag:s2] =	dma.local @!p0 [hbm:s0], s1  }
0x1a8: {  	s0 =	simm.s32 @!p0 $0x5  }
0x1a9: {  	_ =	swait.ge @!p0 [sflag:s0], s1  }
0x1aa: {  	s1 =	ssub.s32 @!p0 $0x0, s1;
	[sflag:s0] =	ssyncset.done @!p0 $0x0  }
0x1ab: {  	[sflag:s0] =	ssyncadd.s32 @!p0 s1  }
0x1ac: {  	[bflag:$0x3] =	sbarrier.arrive $0xFFFF  }
0x1ad: {  	_ =	shalt  }

// kernel: kernel.9.cloned.1.call-start
scs
__scs_entry_jumppad:
0x0: {  	(pc) =	sbr.rel $0x88, $3  }
0x1: {  	(tag) =	ssettag $0x0;
	lr =	simm.s32 $0x1  }
0x2: {  	[smem:$0x3F9C] =	sst lr;
	_ =	strace $0xD0000000  }
0x3: {  	_ = 	snop  }
0x4: {  	_ = 	snop  }
0x5: {  	_ = 	snop  }
0x6: {  	_ = 	snop  }
0x7: {  	_ = 	snop  }
__scs_overlays_trampoline_lowered:
0x8: {  	[smem:$0x3FAB] =	sst s0  }
0x9: {  	[smem:$0x3FAC] =	sst s1  }
0xa: {  	[smem:$0x3FAD] =	sst s2  }
0xb: {  	[smem:$0x3FAE] =	sst s3  }
0xc: {  	[smem:$0x3FAF] =	sst s4  }
0xd: {  	[smem:$0x3FB0] =	sst s5  }
0xe: {  	[smem:$0x3FB1] =	sst s6  }
0xf: {  	[smem:$0x3FB2] =	sst s7  }
0x10: {  	[smem:$0x3FB3] =	sst s8  }
0x11: {  	[smem:$0x3FB4] =	sst s9;
	s0 =	simm.s32 @!p0 $0x0  }
0x12: {  	s1 =	sld [smem:$0x3F9A];
	s0 =	simm.s32 @p0 $0x1  }
0x13: {  	[smem:$0x3FB5] =	sst s0;
	s0 =	simm.s32 @!p1 $0x0  }
0x14: {  	s2 =	sld [smem:$0x3F99];
	s0 =	simm.s32 @p1 $0x1  }
0x15: {  	[smem:$0x3FB6] =	sst s0;
	s0 =	simm.s32 @!p2 $0x0  }
0x16: {  	s3 =	sld [smem:$0x3FDB];
	s0 =	simm.s32 @p2 $0x1  }
0x17: {  	s4 =	simm.s32 $0x1BF5;
	[smem:$0x3FB8] =	sst s0  }
0x18: {  	s0 =	sld [smem:$0x3F9B];
	_ =	swait.ge [sflag:s4], $0x0  }
0x19: {  	s7 =	sld [smem:$0x3F9C]  }
0x1a: {  	s8 =	sadd.s32 $0xFFFFE003, lr  }
0x1b: {  	s9 =	sadd.s32 $0xFFFFFEF7, lr;
	s5 =	simm.s32 $0xFFFFFFFF;
	p2 =	slt.u32 s8, $0xFFFFF086  }
0x1c: {  	p1 =	slt.u32 s9, $0xF7A;
	s5 =	simm.s32 @!p2 $0x0  }
0x1d: {  	s5 =	simm.s32 @p1 $0x1;
	p0 =	seq.s32 s7, s2  }
0x1e: {  	s7 =	smul.u32 @!p0 $0xF7A, s2;
	p2 =	seq.s32 @!p0 s5, $0x0  }
0x1f: {  	s9 =	smul.u32 $0xF7A, s1;
	s8 =	simm.s32 @!p0 $0x1BF5;
	p2 =	por !p2, p0  }
0x20: {  	[sflag:s8] =	ssyncset.s32 @!p0 $0xFFFFF086;
	s6 =	sadd.s32 @!p0 s3, s7;
	s7 =	simm.s32 @!p0 $0x108  }
0x21: {  	s3 =	sadd.s32 s3, s9;
	s6 =	sadd.s32 @!p0 $0x88, s6;
	s7 =	simm.s32 @p2 $0x1082  }
0x22: {  	[simem:s7], [sflag:s8] =	dma.local @!p0 [hbm:s6], $0xF7A  }
0x23: {  	s9 =	sor.u32 $0xD0000000, s2;
	s6 =	simm.s32 $0x108;
	_ =	swait.ge @!p0 [sflag:s8], $0x0  }
0x24: {  	s3 =	sadd.s32 $0x88, s3;
	s6 =	simm.s32 @!p1 $0x1082;
	[sflag:s4] =	ssyncset.s32 $0xFFFFF086  }
0x25: {  	[simem:s6], [sflag:s4] =	dma.local [hbm:s3], $0xF7A  }
0x26: {  	[smem:$0x3F9C] =	sst s1;
	(tag) =	ssettag s2;
	_ =	strace s9  }
0x27: {  	s1 =	sld [smem:$0x3FAC]  }
0x28: {  	s2 =	sld [smem:$0x3FAD]  }
0x29: {  	s4 =	sld [smem:$0x3FAF]  }
0x2a: {  	p0 =	seq.s32 s5, $0x0;
	s5 =	sld [smem:$0x3FB0]  }
0x2b: {  	s6 =	sld [smem:$0x3FB1]  }
0x2c: {  	s7 =	sld [smem:$0x3FB2]  }
0x2d: {  	s3 =	simm.s32 $0x108;
	s8 =	sld [smem:$0x3FB3]  }
0x2e: {  	s3 =	simm.s32 @!p0 $0x1082;
	s9 =	sld [smem:$0x3FB4]  }
0x2f: {  	lr =	sadd.s32 s0, s3;
	s0 =	sld [smem:$0x3FAB]  }
0x30: {  	s3 =	sld [smem:$0x3FAE]  }
0x31: {  	[smem:$0x3FB7] =	sst s10  }
0x32: {  	s10 =	sld [smem:$0x3FB5];
	_ =	sdelay $0x3  }
0x33: {  	p0 =	seq.s32 s10, $0x1;
	s10 =	sld [smem:$0x3FB7];
	_ =	sdelay $0x3  }
0x34: {  	[smem:$0x3FB7] =	sst s10  }
0x35: {  	s10 =	sld [smem:$0x3FB6];
	_ =	sdelay $0x3  }
0x36: {  	p1 =	seq.s32 s10, $0x1;
	s10 =	sld [smem:$0x3FB7];
	_ =	sdelay $0x3  }
0x37: {  	[smem:$0x3FB7] =	sst s10  }
0x38: {  	s10 =	sld [smem:$0x3FB8]  }
0x39: {  	_ = 	snop;
	(pc) =	sbr.ind lr, $3  }
0x3a: {  	_ = 	snop  }
0x3b: {  	_ = 	snop  }
0x3c: {  	p2 =	seq.s32 s10, $0x1;
	s10 =	sld [smem:$0x3FB7]  }
0x3d: {  	_ =	shalt  }
0x3e: {  	_ =	shalt  }
0x3f: {  	_ =	shalt  }
0x40: {  	_ =	shalt  }
0x41: {  	_ =	shalt  }
0x42: {  	_ =	shalt  }
0x43: {  	_ =	shalt  }
0x44: {  	_ =	shalt  }
0x45: {  	_ =	shalt  }
0x46: {  	_ =	shalt  }
0x47: {  	_ =	shalt  }
0x48: {  	_ =	shalt  }
0x49: {  	_ =	shalt  }
0x4a: {  	_ =	shalt  }
0x4b: {  	_ =	shalt  }
0x4c: {  	_ =	shalt  }
0x4d: {  	_ =	shalt  }
0x4e: {  	_ =	shalt  }
0x4f: {  	_ =	shalt  }
0x50: {  	_ =	shalt  }
0x51: {  	_ =	shalt  }
0x52: {  	_ =	shalt  }
0x53: {  	_ =	shalt  }
0x54: {  	_ =	shalt  }
0x55: {  	_ =	shalt  }
0x56: {  	_ =	shalt  }
0x57: {  	_ =	shalt  }
0x58: {  	_ =	shalt  }
0x59: {  	_ =	shalt  }
0x5a: {  	_ =	shalt  }
0x5b: {  	_ =	shalt  }
0x5c: {  	_ =	shalt  }
0x5d: {  	_ =	shalt  }
0x5e: {  	_ =	shalt  }
0x5f: {  	_ =	shalt  }
0x60: {  	_ =	shalt  }
0x61: {  	_ =	shalt  }
0x62: {  	_ =	shalt  }
0x63: {  	_ =	shalt  }
0x64: {  	_ =	shalt  }
0x65: {  	_ =	shalt  }
0x66: {  	_ =	shalt  }
0x67: {  	_ =	shalt  }
0x68: {  	_ =	shalt  }
0x69: {  	_ =	shalt  }
0x6a: {  	_ =	shalt  }
0x6b: {  	_ =	shalt  }
0x6c: {  	_ =	shalt  }
0x6d: {  	_ =	shalt  }
0x6e: {  	_ =	shalt  }
0x6f: {  	_ =	shalt  }
0x70: {  	_ =	shalt  }
0x71: {  	_ =	shalt  }
0x72: {  	_ =	shalt  }
0x73: {  	_ =	shalt  }
0x74: {  	_ =	shalt  }
0x75: {  	_ =	shalt  }
0x76: {  	_ =	shalt  }
0x77: {  	_ =	shalt  }
0x78: {  	_ =	shalt  }
0x79: {  	_ =	shalt  }
0x7a: {  	_ =	shalt  }
0x7b: {  	_ =	shalt  }
0x7c: {  	_ =	shalt  }
0x7d: {  	_ =	shalt  }
0x7e: {  	_ =	shalt  }
0x7f: {  	_ =	shalt  }
0x80: {  	_ =	shalt  }
0x81: {  	_ =	shalt  }
0x82: {  	_ =	shalt  }
0x83: {  	_ =	shalt  }
0x84: {  	_ =	shalt  }
0x85: {  	_ =	shalt  }
0x86: {  	_ =	shalt  }
0x87: {  	_ =	shalt  }
.Lfunc_end0:
.L_simem_size_0:
called_computation_lowered:
.L_overlay_start_0:
0x88: {  	s2 =	sld [smem:$0x3FD9]  }
0x89: {  	s3 =	sld [smem:$0x3FFE];
	_ =	sdelay $0x1  }
0x8a: {  	s1 =	srdreg.scid  }
0x8b: {  	s0 =	sand.u32 $0x1, s1  }
0x8c: {  	s17 =	sshll.u32 s0, $0xA;
	s2 =	sadd.s32 s3, s2  }
0x8d: {  	s2 =	sadd.s32 s2, s17  }
0x8e: {  	[smem:$0x3FC3] =	sst s2  }
0x8f: {  	_ = 	snop  }
0x90: {  	s2 =	sld [smem:$0x3FD0];
	(tm) =	ssettm $0x1  }
0x91: {  	s18 =	sld [smem:$0x3FFB];
	_ =	sdelay $0x3  }
0x92: {  	_ =	strace s18  }
0x93: {  	s3 =	sld [smem:$0x3FFC];
	_ =	sdelay $0x3  }
0x94: {  	_ =	strace s3  }
0x95: {  	s3 =	sld [smem:$0x3FFD];
	_ =	sdelay $0x3  }
0x96: {  	_ =	strace s3  }
0x97: {  	_ =	strace $0x8FFFFFFF  }
0x98: {  	s19 =	sld [smem:$0x3FDB];
	_ =	sdelay $0x1  }
0x99: {  	s4 =	simm.s32 $_scs_section_size  }
0x9a: {  	s5 =	simm.s32 $_size__tile_overlayer_lowered;
	s6 =	simm.s32 $_tile_overlayer_lowered  }
0x9b: {  	s22 =	simm.s32 $0x1BFF;
	s21 =	sshll.u32 s6, $0x1;
	s3 =	sadd.s32 s4, s19  }
0x9c: {  	s7 =	simm.s32 $0x0;
	s20 =	sshll.u32 s5, $0x1;
	s5 =	sadd.s32 s21, s3  }
0x9d: {  	[timem:s7], [sflag:s22] =	dma.local [hbm:s5], s20  }
0x9e: {  	_ =	swait.ge [sflag:s22], s20  }
0x9f: {  	s4 =	ssub.s32 $0x0, s20;
	[sflag:s22] =	ssyncset.done $0x0  }
0xa0: {  	[sflag:s22] =	ssyncadd.s32 s4;
	_ =	sdelay $0x1  }
0xa1: {  	s23 =	simm.s32 $0x1B8B  }
0xa2: {  	_ =	swait.ge [sflag:s23], $0x1  }
0xa3: {  	[sflag:s23] =	ssyncset.done $0x0  }
0xa4: {  	s25 =	simm.s32 $0x1B8E;
	s24 =	sld [smem:$0x3FFE];
	[sflag:s23] =	ssyncadd.s32 $0xFFFFFFFF  }
0xa5: {  	s26 =	simm.s32 $execute0_lowered;
	[smem:$0x3FD2] =	sst s25  }
0xa6: {  	s5 =	sshll.u32 s26, $0x1;
	_ =	strace $0x80000046;
	[dreg:$0x1] =	wrdreg $0xFFFFFFFF  }
0xa7: {  	s28 =	simm.s32 $_size_execute0_lowered;
	s3 =	sadd.s32 s3, s5;
	[dreg:$0x0] =	wrdreg $0x0  }
0xa8: {  	s5 =	sshll.u32 s28, $0x1;
	[dreg:$0x2] =	wrdreg s3  }
0xa9: {  	[dreg:$0x3] =	wrdreg s5  }
0xaa: {  	[dreg:$0x4] =	wrdreg $0xC0  }
0xab: {  	_ =	task [dreg:s7], $0x5FFFF  }
0xac: {  	[dreg:$0x1] =	wrdreg $0xFFFFFFFF  }
0xad: {  	[dreg:$0x0] =	wrdreg $0x60  }
0xae: {  	[dreg:$0x2] =	wrdreg s2  }
0xaf: {  	[dreg:$0x3] =	wrdreg s24  }
0xb0: {  	[dreg:$0x4] =	wrdreg $0xA8000  }
0xb1: {  	[dreg:$0x5] =	wrdreg $0x9  }
0xb2: {  	_ =	task.clear_ibuf [dreg:s7], $0x6FFFF;
	_ =	strace $0x90000046  }
0xb3: {  	s29 =	simm.s32 $0x9;
	_ =	strace $0x80000048  }
0xb4: {  	_ =	swait.ge [sflag:s29], $0x1  }
0xb5: {  	[sflag:s29] =	ssyncadd.s32 $0xFFFFFFFF  }
0xb6: {  	_ =	strace $0x90000048  }
0xb7: {  	_ =	sfence  }
0xb8: {  	s30 =	sld [smem:$0x0];
	_ =	sdelay $0x2  }
0xb9: {  	s31 =	sshll.u32 s1, $0xD;
	s1 =	sshrl.u32 s1, $0x2  }
0xba: {  	s3 =	sand.u32 $0x4000, s31;
	s1 =	sadd.s32 s1, s30  }
0xbb: {  	s0 =	sor.u32 s3, s0;
	s1 =	sshll.u32 s1, $0x11  }
0xbc: {  	s0 =	sor.u32 s1, s0  }
0xbd: {  	s0 =	sadd.s32 $0x8F2B, s0  }
0xbe: {  	[sflag:s0] =	ssyncadd.remote.s32 $0x1  }
0xbf: {  	_ =	sfence.sel $0xFFFF  }
0xc0: {  	[dreg:$0x0] =	wrdreg $0xFFFFFFFF;
	(pc) =	sbr.abs _section_cstart, $3  }
0xc1: {  	[dreg:$0x1] =	wrdreg $0xFFFFFFFF  }
0xc2: {  	_ =	task.clear_ibuf [dreg:s7], $0x2FFFF;
	_ =	strace $0x9FFFFFFF  }
0xc3: {  	(tm) =	ssettm $0x7FFFFFFF  }
tec
execute0_lowered:
.L_overlay_start_1:
0x0: {  	(tag) =	ssettag $0x1  }
0x1: {  	s1 =	rddreg [dreg:$0x0]  }
0x2: {  	s0 =	rddreg [dreg:$0x1]  }
0x3: {  	s2 =	rddreg [dreg:$0x2];
	s3 =	simm.s32 $0x0  }
0x4: {  	s4 =	srdreg.scid;
	s16 =	stileid.u32;
	s18 =	simm.s32 $0x5  }
0x5: {  	s19 =	simm.s32 $0x1400;
	s28 =	simm.s32 $0x8800;
	s29 =	simm.s32 $0x1  }
0x6: {  	s31 =	simm.s32 $0x2;
	s30 =	simm.s32 $0x3;
	[smem:$0x7FF] =	sst s3  }
0x7: {  	s6 =	sadd.s32 $0xB600, s0;
	s7 =	sadd.s32 $0x1800, s0;
	s4 =	sand.u32 $0x1, s4  }
0x8: {  	s5 =	sadd.s32 $0x15400, s0;
	s10 =	smul.u32 $0x4E000, s16;
	s13 =	sadd.s32 $0x17C00, s0  }
0x9: {  	s15 =	sadd.s32 $0x124800, s2;
	s22 =	smul.u32 $0x13800, s16;
	p0 =	seq.s32 s16, $0xF  }
0xa: {  	_ =	strace $0x80000047;
	s8 =	sshll.u32 s4, $0x4;
	s9 =	ssub.s32 $0x2, s4  }
0xb: {  	s4 =	smul.u32 $0x138800, s4;
	s15 =	sshrl.u32 @p0 s15, $0x3;
	s8 =	sor.u32 s16, s8  }
0xc: {  	s11 =	sshrl.u32 s9, $0x1;
	s10 =	sshrl.u32 s10, $0x2;
	s12 =	smul.u32 $0x2800, s8  }
0xd: {  	s9 =	ssub.s32 s9, s11;
	s20 =	smul.u32 $0x500, s8;
	s17 =	sadd.s32 s10, s2  }
0xe: {  	s24 =	sadd.s32 s22, s4;
	s4 =	sshrl.u32 s4, $0x3;
	p1 =	seq.s32 s8, $0x1F  }
0xf: {  	s22 =	simm.s32 $0x80;
	s25 =	sshrl.u32 s24, $0x3;
	s26 =	sadd.s32 s13, s4  }
0x10: {  	s17 =	sshrl.u32 @!p0 s17, $0x3;
	s24 =	simm.s32 $0x100;
	s4 =	simm.s32 $0x0  }
0x11: {  	s21 =	sshrl.u32 s12, $0x3;
	s14 =	sadd.s32 s6, s20;
	s11 =	sadd.s32 s7, s20  }
0x12: {  	s12 =	sadd.s32 s13, s25;
	s13 =	sadd.s32 $0x24900, s26;
	s20 =	simm.s32 $0x40  }
0x13: {  	s25 =	simm.s32 $0x6800;
	s26 =	simm.s32 $0x180;
	[dreg:$0x4] =	wrdreg s14  }
.Ltmp0:
0x14: {  	s10 =	sadd.s32 $0x280, s21;
	[dreg:$0x5] =	wrdreg s11;
	(pc) =	sbr.rel .LBB2_1-.Ltmp0, $4  }
0x15: {  	s11 =	sadd.s32 $0xB300, s0;
	s14 =	smax.u32 s9, $0x1;
	s6 =	sadd.s32 s6, s10  }
0x16: {  	s21 =	simm.s32 $0x2800;
	s23 =	sadd.s32 s7, s10;
	[dreg:$0x6] =	wrdreg s6  }
0x17: {  	s10 =	sadd.s32 $0x15100, s0;
	s0 =	sshll.u32 @!p0 s16, $0x6;
	[dreg:$0x7] =	wrdreg s23  }
0x18: {  	s16 =	sor.u32 @!p0 $0x1C05, s0;
	s23 =	simm.s32 $0x4800;
	s0 =	simm.s32 $0x4  }
.LBB2_7:
0x19: {  	[tilespmem:s3], [sflag:$0x5] =	stream.linear.gather [hbm4b:s10+s3], $0xA00, $0x38;
	[tilespmem:$0x1E080] =	vst v63  }
0x1a: {  	_ =	swait.ge [sflag:s18], $0xA00  }
0x1b: {  	[sflag:s18] =	ssyncset.done $0x0  }
0x1c: {  	[sflag:s18] =	ssyncadd.s32 $0xFFFFF600  }
0x1d: {  	[tilespmem:s19], [sflag:$0x5] =	stream.linear.gather [hbm4b:s11+s3], $0xA00, $0x38;
	[tilespmem:$0x1E080] =	vst v63  }
0x1e: {  	_ =	swait.ge [sflag:s18], $0xA00  }
0x1f: {  	[sflag:s18] =	ssyncset.done $0x0  }
0x20: {  	[sflag:s18] =	ssyncadd.s32 $0xFFFFF600  }
0x21: {  	[bflag:$0x0] =	sbarrier.arrive $0xFFFF  }
0x22: {  	[tilespmem:s21], [sflag:$0x1] =	stream.indirect.gather [hbm4b:s1+s20], $0x80, s3, s20, $0xb8;
	[tilespmem:$0x1E080] =	vst v63  }
0x23: {  	_ = 	snop  }
0x24: {  	[tilespmem:s23], [sflag:$0x2] =	stream.indirect.gather [hbm4b:s1+s20], $0x80, s22, s20, $0xb8;
	[tilespmem:$0x1E080] =	vst v63  }
0x25: {  	_ = 	snop  }
0x26: {  	[tilespmem:s25], [sflag:$0x3] =	stream.indirect.gather [hbm4b:s1+s20], $0x80, s24, s20, $0xb8;
	[tilespmem:$0x1E080] =	vst v63  }
0x27: {  	_ = 	snop  }
0x28: {  	[tilespmem:s28], [sflag:$0x4] =	stream.indirect.gather [hbm4b:s1+s20], $0x80, s26, s20, $0xb8;
	[tilespmem:$0x1E080] =	vst v63  }
0x29: {  	_ =	swait.ge [sflag:s29], $0x2000  }
0x2a: {  	[sflag:s29] =	ssyncset.done $0x0  }
0x2b: {  	[sflag:s29] =	ssyncadd.s32 $0xFFFFE000  }
0x2c: {  	[spmem:s2] =	stream.indirect.scatter.add.f32 [tilespmem:s21], [sflag:$0x5], $0x80, s19, s20, $0xb8;
	[tilespmem:$0x1E080] =	vst v63  }
0x2d: {  	_ =	swait.ge [sflag:s18], $0x2000  }
0x2e: {  	[sflag:s18] =	ssyncset.done $0x0  }
0x2f: {  	s6 =	simm.s32 $0x200;
	[sflag:s18] =	ssyncadd.s32 $0xFFFFE000  }
0x30: {  	[tilespmem:s21], [sflag:$0x1] =	stream.indirect.gather [hbm4b:s1+s20], $0x80, s6, s20, $0xb8;
	[tilespmem:$0x1E080] =	vst v63  }
0x31: {  	_ =	swait.ge [sflag:s31], $0x2000  }
0x32: {  	[sflag:s31] =	ssyncset.done $0x0  }
0x33: {  	s7 =	simm.s32 $0x1480;
	[sflag:s31] =	ssyncadd.s32 $0xFFFFE000  }
0x34: {  	[spmem:s2] =	stream.indirect.scatter.add.f32 [tilespmem:s23], [sflag:$0x5], $0x80, s7, s20, $0xb8;
	[tilespmem:$0x1E080] =	vst v63  }
0x35: {  	_ =	swait.ge [sflag:s18], $0x2000  }
0x36: {  	[sflag:s18] =	ssyncset.done $0x0  }
0x37: {  	s8 =	simm.s32 $0x280;
	[sflag:s18] =	ssyncadd.s32 $0xFFFFE000  }
0x38: {  	[tilespmem:s23], [sflag:$0x2] =	stream.indirect.gather [hbm4b:s1+s20], $0x80, s8, s20, $0xb8;
	[tilespmem:$0x1E080] =	vst v63  }
0x39: {  	_ =	swait.ge [sflag:s30], $0x2000  }
0x3a: {  	[sflag:s30] =	ssyncset.done $0x0  }
0x3b: {  	s9 =	simm.s32 $0x1500;
	[sflag:s30] =	ssyncadd.s32 $0xFFFFE000  }
0x3c: {  	[spmem:s2] =	stream.indirect.scatter.add.f32 [tilespmem:s25], [sflag:$0x5], $0x80, s9, s20, $0xb8;
	[tilespmem:$0x1E080] =	vst v63  }
0x3d: {  	_ =	swait.ge [sflag:s18], $0x2000  }
0x3e: {  	[sflag:s18] =	ssyncset.done $0x0  }
0x3f: {  	s7 =	simm.s32 $0x300;
	[sflag:s18] =	ssyncadd.s32 $0xFFFFE000  }
0x40: {  	[tilespmem:s25], [sflag:$0x3] =	stream.indirect.gather [hbm4b:s1+s20], $0x80, s7, s20, $0xb8;
	[tilespmem:$0x1E080] =	vst v63  }
0x41: {  	_ =	swait.ge [sflag:s0], $0x2000  }
0x42: {  	[sflag:s0] =	ssyncset.done $0x0  }
0x43: {  	s8 =	simm.s32 $0x1580;
	[sflag:s0] =	ssyncadd.s32 $0xFFFFE000  }
0x44: {  	[spmem:s2] =	stream.indirect.scatter.add.f32 [tilespmem:s28], [sflag:$0x5], $0x80, s8, s20, $0xb8;
	[tilespmem:$0x1E080] =	vst v63  }
0x45: {  	_ =	swait.ge [sflag:s18], $0x2000  }
0x46: {  	[sflag:s18] =	ssyncset.done $0x0  }
0x47: {  	s9 =	simm.s32 $0x380;
	[sflag:s18] =	ssyncadd.s32 $0xFFFFE000  }
0x48: {  	[tilespmem:s28], [sflag:$0x4] =	stream.indirect.gather [hbm4b:s1+s20], $0x80, s9, s20, $0xb8;
	[tilespmem:$0x1E080] =	vst v63  }
0x49: {  	_ =	swait.ge [sflag:s29], $0x2000  }
0x4a: {  	[sflag:s29] =	ssyncset.done $0x0  }
0x4b: {  	s7 =	simm.s32 $0x1600;
	[sflag:s29] =	ssyncadd.s32 $0xFFFFE000  }
0x4c: {  	[spmem:s2] =	stream.indirect.scatter.add.f32 [tilespmem:s21], [sflag:$0x5], $0x80, s7, s20, $0xb8;
	[tilespmem:$0x1E080] =	vst v63  }
0x4d: {  	_ =	swait.ge [sflag:s18], $0x2000  }
0x4e: {  	[sflag:s18] =	ssyncset.done $0x0  }
0x4f: {  	s8 =	simm.s32 $0x400;
	[sflag:s18] =	ssyncadd.s32 $0xFFFFE000  }
0x50: {  	[tilespmem:s21], [sflag:$0x1] =	stream.indirect.gather [hbm4b:s1+s20], $0x80, s8, s20, $0xb8;
	[tilespmem:$0x1E080] =	vst v63  }
0x51: {  	_ =	swait.ge [sflag:s31], $0x2000  }
0x52: {  	[sflag:s31] =	ssyncset.done $0x0  }
0x53: {  	s9 =	simm.s32 $0x1680;
	[sflag:s31] =	ssyncadd.s32 $0xFFFFE000  }
0x54: {  	[spmem:s2] =	stream.indirect.scatter.add.f32 [tilespmem:s23], [sflag:$0x5], $0x80, s9, s20, $0xb8;
	[tilespmem:$0x1E080] =	vst v63  }
0x55: {  	_ =	swait.ge [sflag:s18], $0x2000  }
0x56: {  	[sflag:s18] =	ssyncset.done $0x0  }
0x57: {  	s7 =	simm.s32 $0x480;
	[sflag:s18] =	ssyncadd.s32 $0xFFFFE000  }
0x58: {  	[tilespmem:s23], [sflag:$0x2] =	stream.indirect.gather [hbm4b:s1+s20], $0x80, s7, s20, $0xb8;
	[tilespmem:$0x1E080] =	vst v63  }
0x59: {  	_ =	swait.ge [sflag:s30], $0x2000  }
0x5a: {  	[sflag:s30] =	ssyncset.done $0x0  }
0x5b: {  	s8 =	simm.s32 $0x1700;
	[sflag:s30] =	ssyncadd.s32 $0xFFFFE000  }
0x5c: {  	[spmem:s2] =	stream.indirect.scatter.add.f32 [tilespmem:s25], [sflag:$0x5], $0x80, s8, s20, $0xb8;
	[tilespmem:$0x1E080] =	vst v63  }
0x5d: {  	_ =	swait.ge [sflag:s18], $0x2000  }
0x5e: {  	[sflag:s18] =	ssyncset.done $0x0  }
0x5f: {  	s9 =	simm.s32 $0x500;
	[sflag:s18] =	ssyncadd.s32 $0xFFFFE000  }
0x60: {  	[tilespmem:s25], [sflag:$0x3] =	stream.indirect.gather [hbm4b:s1+s20], $0x80, s9, s20, $0xb8;
	[tilespmem:$0x1E080] =	vst v63  }
0x61: {  	_ =	swait.ge [sflag:s0], $0x2000  }
0x62: {  	[sflag:s0] =	ssyncset.done $0x0  }
0x63: {  	s7 =	simm.s32 $0x1780;
	[sflag:s0] =	ssyncadd.s32 $0xFFFFE000  }
0x64: {  	[spmem:s2] =	stream.indirect.scatter.add.f32 [tilespmem:s28], [sflag:$0x5], $0x80, s7, s20, $0xb8;
	[tilespmem:$0x1E080] =	vst v63  }
0x65: {  	_ =	swait.ge [sflag:s18], $0x2000  }
0x66: {  	[sflag:s18] =	ssyncset.done $0x0  }
0x67: {  	s8 =	simm.s32 $0x580;
	[sflag:s18] =	ssyncadd.s32 $0xFFFFE000  }
0x68: {  	[tilespmem:s28], [sflag:$0x4] =	stream.indirect.gather [hbm4b:s1+s20], $0x80, s8, s20, $0xb8;
	[tilespmem:$0x1E080] =	vst v63  }
0x69: {  	_ =	swait.ge [sflag:s29], $0x2000  }
0x6a: {  	[sflag:s29] =	ssyncset.done $0x0  }
0x6b: {  	s9 =	simm.s32 $0x1800;
	[sflag:s29] =	ssyncadd.s32 $0xFFFFE000  }
0x6c: {  	[spmem:s2] =	stream.indirect.scatter.add.f32 [tilespmem:s21], [sflag:$0x5], $0x80, s9, s20, $0xb8;
	[tilespmem:$0x1E080] =	vst v63  }
0x6d: {  	_ =	swait.ge [sflag:s18], $0x2000  }
0x6e: {  	[sflag:s18] =	ssyncset.done $0x0  }
0x6f: {  	s7 =	simm.s32 $0x600;
	[sflag:s18] =	ssyncadd.s32 $0xFFFFE000  }
0x70: {  	[tilespmem:s21], [sflag:$0x1] =	stream.indirect.gather [hbm4b:s1+s20], $0x80, s7, s20, $0xb8;
	[tilespmem:$0x1E080] =	vst v63  }
0x71: {  	_ =	swait.ge [sflag:s31], $0x2000  }
0x72: {  	[sflag:s31] =	ssyncset.done $0x0  }
0x73: {  	s8 =	simm.s32 $0x1880;
	[sflag:s31] =	ssyncadd.s32 $0xFFFFE000  }
0x74: {  	[spmem:s2] =	stream.indirect.scatter.add.f32 [tilespmem:s23], [sflag:$0x5], $0x80, s8, s20, $0xb8;
	[tilespmem:$0x1E080] =	vst v63  }
0x75: {  	_ =	swait.ge [sflag:s18], $0x2000  }
0x76: {  	[sflag:s18] =	ssyncset.done $0x0  }
0x77: {  	s9 =	simm.s32 $0x680;
	[sflag:s18] =	ssyncadd.s32 $0xFFFFE000  }
0x78: {  	[tilespmem:s23], [sflag:$0x2] =	stream.indirect.gather [hbm4b:s1+s20], $0x80, s9, s20, $0xb8;
	[tilespmem:$0x1E080] =	vst v63  }
0x79: {  	_ =	swait.ge [sflag:s30], $0x2000  }
0x7a: {  	[sflag:s30] =	ssyncset.done $0x0  }
0x7b: {  	s7 =	simm.s32 $0x1900;
	[sflag:s30] =	ssyncadd.s32 $0xFFFFE000  }
0x7c: {  	[spmem:s2] =	stream.indirect.scatter.add.f32 [tilespmem:s25], [sflag:$0x5], $0x80, s7, s20, $0xb8;
	[tilespmem:$0x1E080] =	vst v63  }
0x7d: {  	_ =	swait.ge [sflag:s18], $0x2000  }
0x7e: {  	[sflag:s18] =	ssyncset.done $0x0  }
0x7f: {  	s8 =	simm.s32 $0x700;
	[sflag:s18] =	ssyncadd.s32 $0xFFFFE000  }
0x80: {  	[tilespmem:s25], [sflag:$0x3] =	stream.indirect.gather [hbm4b:s1+s20], $0x80, s8, s20, $0xb8;
	[tilespmem:$0x1E080] =	vst v63  }
0x81: {  	_ =	swait.ge [sflag:s0], $0x2000  }
0x82: {  	[sflag:s0] =	ssyncset.done $0x0  }
0x83: {  	s9 =	simm.s32 $0x1980;
	[sflag:s0] =	ssyncadd.s32 $0xFFFFE000  }
0x84: {  	[spmem:s2] =	stream.indirect.scatter.add.f32 [tilespmem:s28], [sflag:$0x5], $0x80, s9, s20, $0xb8;
	[tilespmem:$0x1E080] =	vst v63  }
0x85: {  	_ =	swait.ge [sflag:s18], $0x2000  }
0x86: {  	[sflag:s18] =	ssyncset.done $0x0  }
0x87: {  	s7 =	simm.s32 $0x780;
	[sflag:s18] =	ssyncadd.s32 $0xFFFFE000  }
0x88: {  	[tilespmem:s28], [sflag:$0x4] =	stream.indirect.gather [hbm4b:s1+s20], $0x80, s7, s20, $0xb8;
	[tilespmem:$0x1E080] =	vst v63  }
0x89: {  	_ =	swait.ge [sflag:s29], $0x2000  }
0x8a: {  	[sflag:s29] =	ssyncset.done $0x0  }
0x8b: {  	s8 =	simm.s32 $0x1A00;
	[sflag:s29] =	ssyncadd.s32 $0xFFFFE000  }
0x8c: {  	[spmem:s2] =	stream.indirect.scatter.add.f32 [tilespmem:s21], [sflag:$0x5], $0x80, s8, s20, $0xb8;
	[tilespmem:$0x1E080] =	vst v63  }
0x8d: {  	_ =	swait.ge [sflag:s18], $0x2000  }
0x8e: {  	[sflag:s18] =	ssyncset.done $0x0  }
0x8f: {  	s9 =	simm.s32 $0x800;
	[sflag:s18] =	ssyncadd.s32 $0xFFFFE000  }
0x90: {  	[tilespmem:s21], [sflag:$0x1] =	stream.indirect.gather [hbm4b:s1+s20], $0x80, s9, s20, $0xb8;
	[tilespmem:$0x1E080] =	vst v63  }
0x91: {  	_ =	swait.ge [sflag:s31], $0x2000  }
0x92: {  	[sflag:s31] =	ssyncset.done $0x0  }
0x93: {  	s7 =	simm.s32 $0x1A80;
	[sflag:s31] =	ssyncadd.s32 $0xFFFFE000  }
0x94: {  	[spmem:s2] =	stream.indirect.scatter.add.f32 [tilespmem:s23], [sflag:$0x5], $0x80, s7, s20, $0xb8;
	[tilespmem:$0x1E080] =	vst v63  }
0x95: {  	_ =	swait.ge [sflag:s18], $0x2000  }
0x96: {  	[sflag:s18] =	ssyncset.done $0x0  }
0x97: {  	s8 =	simm.s32 $0x880;
	[sflag:s18] =	ssyncadd.s32 $0xFFFFE000  }
0x98: {  	[tilespmem:s23], [sflag:$0x2] =	stream.indirect.gather [hbm4b:s1+s20], $0x80, s8, s20, $0xb8;
	[tilespmem:$0x1E080] =	vst v63  }
0x99: {  	_ =	swait.ge [sflag:s30], $0x2000  }
0x9a: {  	[sflag:s30] =	ssyncset.done $0x0  }
0x9b: {  	s9 =	simm.s32 $0x1B00;
	[sflag:s30] =	ssyncadd.s32 $0xFFFFE000  }
0x9c: {  	[spmem:s2] =	stream.indirect.scatter.add.f32 [tilespmem:s25], [sflag:$0x5], $0x80, s9, s20, $0xb8;
	[tilespmem:$0x1E080] =	vst v63  }
0x9d: {  	_ =	swait.ge [sflag:s18], $0x2000  }
0x9e: {  	[sflag:s18] =	ssyncset.done $0x0  }
0x9f: {  	s7 =	simm.s32 $0x900;
	[sflag:s18] =	ssyncadd.s32 $0xFFFFE000  }
0xa0: {  	[tilespmem:s25], [sflag:$0x3] =	stream.indirect.gather [hbm4b:s1+s20], $0x80, s7, s20, $0xb8;
	[tilespmem:$0x1E080] =	vst v63  }
0xa1: {  	_ =	swait.ge [sflag:s0], $0x2000  }
0xa2: {  	[sflag:s0] =	ssyncset.done $0x0  }
0xa3: {  	s8 =	simm.s32 $0x1B80;
	[sflag:s0] =	ssyncadd.s32 $0xFFFFE000  }
0xa4: {  	[spmem:s2] =	stream.indirect.scatter.add.f32 [tilespmem:s28], [sflag:$0x5], $0x80, s8, s20, $0xb8;
	[tilespmem:$0x1E080] =	vst v63  }
0xa5: {  	_ =	swait.ge [sflag:s18], $0x2000  }
0xa6: {  	[sflag:s18] =	ssyncset.done $0x0  }
0xa7: {  	s6 =	simm.s32 $0x1D80;
	s9 =	simm.s32 $0x980;
	[sflag:s18] =	ssyncadd.s32 $0xFFFFE000  }
0xa8: {  	[tilespmem:s28], [sflag:$0x4] =	stream.indirect.gather [hbm4b:s1+s20], $0x80, s9, s20, $0xb8;
	[tilespmem:$0x1E080] =	vst v63  }
0xa9: {  	s7 =	simm.s32 $0x1D00;
	s8 =	simm.s32 $0x1C80;
	s9 =	simm.s32 $0x1C00  }
.LBB2_8:
0xaa: {  	_ =	swait.ge [sflag:s29], $0x2000  }
0xab: {  	[sflag:s29] =	ssyncset.done $0x0  }
0xac: {  	[sflag:s29] =	ssyncadd.s32 $0xFFFFE000  }
0xad: {  	[spmem:s2] =	stream.indirect.scatter.add.f32 [tilespmem:s21], [sflag:$0x5], $0x80, s9, s20, $0xb8;
	[tilespmem:$0x1E080] =	vst v63  }
0xae: {  	_ =	swait.ge [sflag:s18], $0x2000  }
0xaf: {  	[sflag:s18] =	ssyncset.done $0x0  }
0xb0: {  	[sflag:s18] =	ssyncadd.s32 $0xFFFFE000  }
0xb1: {  	_ =	swait.ge [sflag:s31], $0x2000  }
0xb2: {  	[sflag:s31] =	ssyncset.done $0x0  }
0xb3: {  	[sflag:s31] =	ssyncadd.s32 $0xFFFFE000  }
0xb4: {  	[spmem:s2] =	stream.indirect.scatter.add.f32 [tilespmem:s23], [sflag:$0x5], $0x80, s8, s20, $0xb8;
	[tilespmem:$0x1E080] =	vst v63  }
0xb5: {  	_ =	swait.ge [sflag:s18], $0x2000  }
0xb6: {  	[sflag:s18] =	ssyncset.done $0x0  }
0xb7: {  	[sflag:s18] =	ssyncadd.s32 $0xFFFFE000  }
0xb8: {  	_ =	swait.ge [sflag:s30], $0x2000  }
0xb9: {  	[sflag:s30] =	ssyncset.done $0x0  }
0xba: {  	[sflag:s30] =	ssyncadd.s32 $0xFFFFE000  }
0xbb: {  	[spmem:s2] =	stream.indirect.scatter.add.f32 [tilespmem:s25], [sflag:$0x5], $0x80, s7, s20, $0xb8;
	[tilespmem:$0x1E080] =	vst v63  }
0xbc: {  	_ =	swait.ge [sflag:s18], $0x2000  }
0xbd: {  	[sflag:s18] =	ssyncset.done $0x0  }
0xbe: {  	[sflag:s18] =	ssyncadd.s32 $0xFFFFE000  }
0xbf: {  	_ =	swait.ge [sflag:s0], $0x2000  }
0xc0: {  	[sflag:s0] =	ssyncset.done $0x0  }
0xc1: {  	[sflag:s0] =	ssyncadd.s32 $0xFFFFE000  }
0xc2: {  	[spmem:s2] =	stream.indirect.scatter.add.f32 [tilespmem:s28], [sflag:$0x5], $0x80, s6, s20, $0xb8;
	[tilespmem:$0x1E080] =	vst v63  }
0xc3: {  	_ =	swait.ge [sflag:s18], $0x2000  }
0xc4: {  	[sflag:s18] =	ssyncset.done $0x0  }
0xc5: {  	[sflag:s18] =	ssyncadd.s32 $0xFFFFE000  }
0xc6: {  	s6 =	simm.s32 @p0 $0x1FC5;
	[bflag:$0x0] =	sbarrier.arrive $0xFFFF  }
0xc7: {  	[hbm:s13], [sflag:s6] =	dma.local @p0 [spmem:s15], $0x2800  }
0xc8: {  	s6 =	simm.s32 @p0 $0x5  }
0xc9: {  	s4 =	sadd.s32 $0x1, s4;
	_ =	swait.ge @p0 [sflag:s6], $0x2800  }
0xca: {  	p2 =	sne.s32 s4, s14;
	[sflag:s6] =	ssyncset.done @p0 $0x0  }
.Ltmp1:
0xcb: {  	[sflag:s6] =	ssyncadd.s32 @p0 $0xFFFFD800;
	s6 =	simm.s32 @!p0 $0x5;
	(pc) =	sbr.rel @!p2 .LBB2_9-.Ltmp1, $4  }
0xcc: {  	[hbm:s12], [sflag:s16] =	dma.local @!p0 [spmem:s17], $0x2700  }
0xcd: {  	_ =	swait.ge @!p0 [sflag:s6], $0x2700  }
0xce: {  	[sflag:s6] =	ssyncset.done @!p0 $0x0  }
0xcf: {  	[sflag:s6] =	ssyncadd.s32 @!p0 $0xFFFFD900  }
.LBB2_1:
0xd0: {  	s6 =	simm.s32 @p0 $0x1FC5  }
0xd1: {  	[spmem:s15], [sflag:s6] =	dma.local @p0 [hbm:s5], $0x2800  }
0xd2: {  	s6 =	simm.s32 @p0 $0x5  }
0xd3: {  	_ =	swait.ge @p0 [sflag:s6], $0x2800  }
0xd4: {  	[sflag:s6] =	ssyncset.done @p0 $0x0  }
.Ltmp2:
0xd5: {  	[sflag:s6] =	ssyncadd.s32 @p0 $0xFFFFD800;
	s6 =	simm.s32 @!p0 $0x5;
	(pc) =	sbr.rel @p1 .LBB2_7-.Ltmp2, $4  }
0xd6: {  	[spmem:s17], [sflag:s16] =	dma.local @!p0 [hbm:s5], $0x2700  }
0xd7: {  	_ =	swait.ge @!p0 [sflag:s6], $0x2700  }
0xd8: {  	[sflag:s6] =	ssyncset.done @!p0 $0x0  }
0xd9: {  	[sflag:s6] =	ssyncadd.s32 @!p0 $0xFFFFD900  }
0xda: {  	s6 =	simm.s32 $0x0;
	s7 =	rddreg [dreg:$0x4]  }
0xdb: {  	[tilespmem:s6], [sflag:$0x5] =	stream.linear.gather [hbm4b:s7+s6], $0x1400, $0x38;
	[tilespmem:$0x1E080] =	vst v63  }
0xdc: {  	_ =	swait.ge [sflag:s18], $0x1400  }
0xdd: {  	[sflag:s18] =	ssyncset.done $0x0  }
0xde: {  	s8 =	rddreg [dreg:$0x5];
	[sflag:s18] =	ssyncadd.s32 $0xFFFFEC00  }
0xdf: {  	[tilespmem:s19], [sflag:$0x5] =	stream.linear.gather [hbm4b:s8+s6], $0x1400, $0x38;
	[tilespmem:$0x1E080] =	vst v63  }
0xe0: {  	_ =	swait.ge [sflag:s18], $0x1400  }
0xe1: {  	[sflag:s18] =	ssyncset.done $0x0  }
0xe2: {  	[sflag:s18] =	ssyncadd.s32 $0xFFFFEC00  }
0xe3: {  	[bflag:$0x0] =	sbarrier.arrive $0xFFFF  }
0xe4: {  	[tilespmem:s21], [sflag:$0x1] =	stream.indirect.gather [hbm4b:s1+s20], $0x80, s6, s20, $0xb8;
	[tilespmem:$0x1E080] =	vst v63  }
0xe5: {  	_ = 	snop  }
0xe6: {  	[tilespmem:s23], [sflag:$0x2] =	stream.indirect.gather [hbm4b:s1+s20], $0x80, s22, s20, $0xb8;
	[tilespmem:$0x1E080] =	vst v63  }
0xe7: {  	_ = 	snop  }
0xe8: {  	[tilespmem:s25], [sflag:$0x3] =	stream.indirect.gather [hbm4b:s1+s20], $0x80, s24, s20, $0xb8;
	[tilespmem:$0x1E080] =	vst v63  }
0xe9: {  	_ = 	snop  }
0xea: {  	[tilespmem:s28], [sflag:$0x4] =	stream.indirect.gather [hbm4b:s1+s20], $0x80, s26, s20, $0xb8;
	[tilespmem:$0x1E080] =	vst v63  }
0xeb: {  	_ =	swait.ge [sflag:s29], $0x2000  }
0xec: {  	[sflag:s29] =	ssyncset.done $0x0  }
0xed: {  	s9 =	simm.s32 $0x1400;
	[sflag:s29] =	ssyncadd.s32 $0xFFFFE000  }
0xee: {  	[spmem:s2] =	stream.indirect.scatter.add.f32 [tilespmem:s21], [sflag:$0x5], $0x80, s9, s20, $0xb8;
	[tilespmem:$0x1E080] =	vst v63  }
0xef: {  	_ =	swait.ge [sflag:s18], $0x2000  }
0xf0: {  	[sflag:s18] =	ssyncset.done $0x0  }
0xf1: {  	s7 =	simm.s32 $0x200;
	[sflag:s18] =	ssyncadd.s32 $0xFFFFE000  }
0xf2: {  	[tilespmem:s21], [sflag:$0x1] =	stream.indirect.gather [hbm4b:s1+s20], $0x80, s7, s20, $0xb8;
	[tilespmem:$0x1E080] =	vst v63  }
0xf3: {  	_ =	swait.ge [sflag:s31], $0x2000  }
0xf4: {  	[sflag:s31] =	ssyncset.done $0x0  }
0xf5: {  	s8 =	simm.s32 $0x1480;
	[sflag:s31] =	ssyncadd.s32 $0xFFFFE000  }
0xf6: {  	[spmem:s2] =	stream.indirect.scatter.add.f32 [tilespmem:s23], [sflag:$0x5], $0x80, s8, s20, $0xb8;
	[tilespmem:$0x1E080] =	vst v63  }
0xf7: {  	_ =	swait.ge [sflag:s18], $0x2000  }
0xf8: {  	[sflag:s18] =	ssyncset.done $0x0  }
0xf9: {  	s9 =	simm.s32 $0x280;
	[sflag:s18] =	ssyncadd.s32 $0xFFFFE000  }
0xfa: {  	[tilespmem:s23], [sflag:$0x2] =	stream.indirect.gather [hbm4b:s1+s20], $0x80, s9, s20, $0xb8;
	[tilespmem:$0x1E080] =	vst v63  }
0xfb: {  	_ =	swait.ge [sflag:s30], $0x2000  }
0xfc: {  	[sflag:s30] =	ssyncset.done $0x0  }
0xfd: {  	s7 =	simm.s32 $0x1500;
	[sflag:s30] =	ssyncadd.s32 $0xFFFFE000  }
0xfe: {  	[spmem:s2] =	stream.indirect.scatter.add.f32 [tilespmem:s25], [sflag:$0x5], $0x80, s7, s20, $0xb8;
	[tilespmem:$0x1E080] =	vst v63  }
0xff: {  	_ =	swait.ge [sflag:s18], $0x2000  }
0x100: {  	[sflag:s18] =	ssyncset.done $0x0  }
0x101: {  	s8 =	simm.s32 $0x300;
	[sflag:s18] =	ssyncadd.s32 $0xFFFFE000  }
0x102: {  	[tilespmem:s25], [sflag:$0x3] =	stream.indirect.gather [hbm4b:s1+s20], $0x80, s8, s20, $0xb8;
	[tilespmem:$0x1E080] =	vst v63  }
0x103: {  	_ =	swait.ge [sflag:s0], $0x2000  }
0x104: {  	[sflag:s0] =	ssyncset.done $0x0  }
0x105: {  	s9 =	simm.s32 $0x1580;
	[sflag:s0] =	ssyncadd.s32 $0xFFFFE000  }
0x106: {  	[spmem:s2] =	stream.indirect.scatter.add.f32 [tilespmem:s28], [sflag:$0x5], $0x80, s9, s20, $0xb8;
	[tilespmem:$0x1E080] =	vst v63  }
0x107: {  	_ =	swait.ge [sflag:s18], $0x2000  }
0x108: {  	[sflag:s18] =	ssyncset.done $0x0  }
0x109: {  	s6 =	simm.s32 $0x800;
	s7 =	simm.s32 $0x380;
	[sflag:s18] =	ssyncadd.s32 $0xFFFFE000  }
.LBB2_3:
0x10a: {  	[tilespmem:s28], [sflag:$0x4] =	stream.indirect.gather [hbm4b:s1+s20], $0x80, s7, s20, $0xb8;
	[tilespmem:$0x1E080] =	vst v63  }
0x10b: {  	s7 =	smov.u32 s6  }
0x10c: {  	p2 =	sne.s32 s6, $0x4000;
	s6 =	sadd.s32 $0x800, s6;
	_ =	swait.ge [sflag:s29], $0x2000  }
0x10d: {  	s7 =	sshra.s32 s7, $0x2;
	[sflag:s29] =	ssyncset.done $0x0  }
0x10e: {  	s8 =	sadd.s32 $0x1400, s7;
	[sflag:s29] =	ssyncadd.s32 $0xFFFFE000  }
0x10f: {  	[spmem:s2] =	stream.indirect.scatter.add.f32 [tilespmem:s21], [sflag:$0x5], $0x80, s8, s20, $0xb8;
	[tilespmem:$0x1E080] =	vst v63  }
0x110: {  	_ =	swait.ge [sflag:s18], $0x2000  }
0x111: {  	[sflag:s18] =	ssyncset.done $0x0  }
0x112: {  	s8 =	sadd.s32 $0x200, s7;
	[sflag:s18] =	ssyncadd.s32 $0xFFFFE000  }
0x113: {  	[tilespmem:s21], [sflag:$0x1] =	stream.indirect.gather [hbm4b:s1+s20], $0x80, s8, s20, $0xb8;
	[tilespmem:$0x1E080] =	vst v63  }
0x114: {  	_ =	swait.ge [sflag:s31], $0x2000  }
0x115: {  	[sflag:s31] =	ssyncset.done $0x0  }
0x116: {  	s8 =	sadd.s32 $0x1480, s7;
	[sflag:s31] =	ssyncadd.s32 $0xFFFFE000  }
0x117: {  	[spmem:s2] =	stream.indirect.scatter.add.f32 [tilespmem:s23], [sflag:$0x5], $0x80, s8, s20, $0xb8;
	[tilespmem:$0x1E080] =	vst v63  }
0x118: {  	_ =	swait.ge [sflag:s18], $0x2000  }
0x119: {  	[sflag:s18] =	ssyncset.done $0x0  }
0x11a: {  	s8 =	sadd.s32 $0x280, s7;
	[sflag:s18] =	ssyncadd.s32 $0xFFFFE000  }
0x11b: {  	[tilespmem:s23], [sflag:$0x2] =	stream.indirect.gather [hbm4b:s1+s20], $0x80, s8, s20, $0xb8;
	[tilespmem:$0x1E080] =	vst v63  }
0x11c: {  	_ =	swait.ge [sflag:s30], $0x2000  }
0x11d: {  	[sflag:s30] =	ssyncset.done $0x0  }
0x11e: {  	s8 =	sadd.s32 $0x1500, s7;
	[sflag:s30] =	ssyncadd.s32 $0xFFFFE000  }
0x11f: {  	[spmem:s2] =	stream.indirect.scatter.add.f32 [tilespmem:s25], [sflag:$0x5], $0x80, s8, s20, $0xb8;
	[tilespmem:$0x1E080] =	vst v63  }
0x120: {  	_ =	swait.ge [sflag:s18], $0x2000  }
0x121: {  	[sflag:s18] =	ssyncset.done $0x0  }
0x122: {  	s8 =	sadd.s32 $0x300, s7;
	[sflag:s18] =	ssyncadd.s32 $0xFFFFE000  }
0x123: {  	[tilespmem:s25], [sflag:$0x3] =	stream.indirect.gather [hbm4b:s1+s20], $0x80, s8, s20, $0xb8;
	[tilespmem:$0x1E080] =	vst v63  }
0x124: {  	_ =	swait.ge [sflag:s0], $0x2000  }
0x125: {  	[sflag:s0] =	ssyncset.done $0x0  }
.Ltmp3:
0x126: {  	s8 =	sadd.s32 $0x1580, s7;
	[sflag:s0] =	ssyncadd.s32 $0xFFFFE000;
	(pc) =	sbr.rel @p2 .LBB2_3-.Ltmp3, $4  }
0x127: {  	[spmem:s2] =	stream.indirect.scatter.add.f32 [tilespmem:s28], [sflag:$0x5], $0x80, s8, s20, $0xb8;
	[tilespmem:$0x1E080] =	vst v63  }
0x128: {  	_ =	swait.ge [sflag:s18], $0x2000  }
0x129: {  	[sflag:s18] =	ssyncset.done $0x0  }
0x12a: {  	s7 =	sadd.s32 $0x380, s7;
	[sflag:s18] =	ssyncadd.s32 $0xFFFFE000  }
0x12b: {  	[tilespmem:s28], [sflag:$0x4] =	stream.indirect.gather [hbm4b:s1+s20], $0x80, s7, s20, $0xb8;
	[tilespmem:$0x1E080] =	vst v63  }
0x12c: {  	_ =	swait.ge [sflag:s29], $0x2000  }
0x12d: {  	[sflag:s29] =	ssyncset.done $0x0  }
0x12e: {  	s6 =	simm.s32 $0x2600;
	[sflag:s29] =	ssyncadd.s32 $0xFFFFE000  }
0x12f: {  	[spmem:s2] =	stream.indirect.scatter.add.f32 [tilespmem:s21], [sflag:$0x5], $0x80, s6, s20, $0xb8;
	[tilespmem:$0x1E080] =	vst v63  }
0x130: {  	_ =	swait.ge [sflag:s18], $0x2000  }
0x131: {  	[sflag:s18] =	ssyncset.done $0x0  }
0x132: {  	[sflag:s18] =	ssyncadd.s32 $0xFFFFE000  }
0x133: {  	_ =	swait.ge [sflag:s31], $0x2000  }
0x134: {  	[sflag:s31] =	ssyncset.done $0x0  }
0x135: {  	s9 =	simm.s32 $0x2680;
	[sflag:s31] =	ssyncadd.s32 $0xFFFFE000  }
0x136: {  	[spmem:s2] =	stream.indirect.scatter.add.f32 [tilespmem:s23], [sflag:$0x5], $0x80, s9, s20, $0xb8;
	[tilespmem:$0x1E080] =	vst v63  }
0x137: {  	_ =	swait.ge [sflag:s18], $0x2000  }
0x138: {  	[sflag:s18] =	ssyncset.done $0x0  }
0x139: {  	[sflag:s18] =	ssyncadd.s32 $0xFFFFE000  }
0x13a: {  	_ =	swait.ge [sflag:s30], $0x2000  }
0x13b: {  	[sflag:s30] =	ssyncset.done $0x0  }
0x13c: {  	s7 =	simm.s32 $0x2700;
	[sflag:s30] =	ssyncadd.s32 $0xFFFFE000  }
0x13d: {  	[spmem:s2] =	stream.indirect.scatter.add.f32 [tilespmem:s25], [sflag:$0x5], $0x80, s7, s20, $0xb8;
	[tilespmem:$0x1E080] =	vst v63  }
0x13e: {  	_ =	swait.ge [sflag:s18], $0x2000  }
0x13f: {  	[sflag:s18] =	ssyncset.done $0x0  }
0x140: {  	[sflag:s18] =	ssyncadd.s32 $0xFFFFE000  }
0x141: {  	_ =	swait.ge [sflag:s0], $0x2000  }
0x142: {  	[sflag:s0] =	ssyncset.done $0x0  }
0x143: {  	s8 =	simm.s32 $0x2780;
	[sflag:s0] =	ssyncadd.s32 $0xFFFFE000  }
0x144: {  	[spmem:s2] =	stream.indirect.scatter.add.f32 [tilespmem:s28], [sflag:$0x5], $0x80, s8, s20, $0xb8;
	[tilespmem:$0x1E080] =	vst v63  }
0x145: {  	_ =	swait.ge [sflag:s18], $0x2000  }
0x146: {  	[sflag:s18] =	ssyncset.done $0x0  }
0x147: {  	s6 =	simm.s32 $0x0;
	s9 =	rddreg [dreg:$0x6];
	[sflag:s18] =	ssyncadd.s32 $0xFFFFE000  }
0x148: {  	[tilespmem:s6], [sflag:$0x5] =	stream.linear.gather [hbm4b:s9+s6], $0x1400, $0x38;
	[tilespmem:$0x1E080] =	vst v63  }
0x149: {  	_ =	swait.ge [sflag:s18], $0x1400  }
0x14a: {  	[sflag:s18] =	ssyncset.done $0x0  }
0x14b: {  	s8 =	rddreg [dreg:$0x7];
	[sflag:s18] =	ssyncadd.s32 $0xFFFFEC00  }
0x14c: {  	[tilespmem:s19], [sflag:$0x5] =	stream.linear.gather [hbm4b:s8+s6], $0x1400, $0x38;
	[tilespmem:$0x1E080] =	vst v63  }
0x14d: {  	_ =	swait.ge [sflag:s18], $0x1400  }
0x14e: {  	[sflag:s18] =	ssyncset.done $0x0  }
0x14f: {  	[sflag:s18] =	ssyncadd.s32 $0xFFFFEC00  }
0x150: {  	[tilespmem:s21], [sflag:$0x1] =	stream.indirect.gather [hbm4b:s1+s20], $0x80, s6, s20, $0xb8;
	[tilespmem:$0x1E080] =	vst v63  }
0x151: {  	_ = 	snop  }
0x152: {  	[tilespmem:s23], [sflag:$0x2] =	stream.indirect.gather [hbm4b:s1+s20], $0x80, s22, s20, $0xb8;
	[tilespmem:$0x1E080] =	vst v63  }
0x153: {  	_ = 	snop  }
0x154: {  	[tilespmem:s25], [sflag:$0x3] =	stream.indirect.gather [hbm4b:s1+s20], $0x80, s24, s20, $0xb8;
	[tilespmem:$0x1E080] =	vst v63  }
0x155: {  	_ = 	snop  }
0x156: {  	[tilespmem:s28], [sflag:$0x4] =	stream.indirect.gather [hbm4b:s1+s20], $0x80, s26, s20, $0xb8;
	[tilespmem:$0x1E080] =	vst v63  }
0x157: {  	_ =	swait.ge [sflag:s29], $0x2000  }
0x158: {  	[sflag:s29] =	ssyncset.done $0x0  }
0x159: {  	s9 =	simm.s32 $0x1400;
	[sflag:s29] =	ssyncadd.s32 $0xFFFFE000  }
0x15a: {  	[spmem:s2] =	stream.indirect.scatter.add.f32 [tilespmem:s21], [sflag:$0x5], $0x80, s9, s20, $0xb8;
	[tilespmem:$0x1E080] =	vst v63  }
0x15b: {  	_ =	swait.ge [sflag:s18], $0x2000  }
0x15c: {  	[sflag:s18] =	ssyncset.done $0x0  }
0x15d: {  	s7 =	simm.s32 $0x200;
	[sflag:s18] =	ssyncadd.s32 $0xFFFFE000  }
0x15e: {  	[tilespmem:s21], [sflag:$0x1] =	stream.indirect.gather [hbm4b:s1+s20], $0x80, s7, s20, $0xb8;
	[tilespmem:$0x1E080] =	vst v63  }
0x15f: {  	_ =	swait.ge [sflag:s31], $0x2000  }
0x160: {  	[sflag:s31] =	ssyncset.done $0x0  }
0x161: {  	s8 =	simm.s32 $0x1480;
	[sflag:s31] =	ssyncadd.s32 $0xFFFFE000  }
0x162: {  	[spmem:s2] =	stream.indirect.scatter.add.f32 [tilespmem:s23], [sflag:$0x5], $0x80, s8, s20, $0xb8;
	[tilespmem:$0x1E080] =	vst v63  }
0x163: {  	_ =	swait.ge [sflag:s18], $0x2000  }
0x164: {  	[sflag:s18] =	ssyncset.done $0x0  }
0x165: {  	s9 =	simm.s32 $0x280;
	[sflag:s18] =	ssyncadd.s32 $0xFFFFE000  }
0x166: {  	[tilespmem:s23], [sflag:$0x2] =	stream.indirect.gather [hbm4b:s1+s20], $0x80, s9, s20, $0xb8;
	[tilespmem:$0x1E080] =	vst v63  }
0x167: {  	_ =	swait.ge [sflag:s30], $0x2000  }
0x168: {  	[sflag:s30] =	ssyncset.done $0x0  }
0x169: {  	s7 =	simm.s32 $0x1500;
	[sflag:s30] =	ssyncadd.s32 $0xFFFFE000  }
0x16a: {  	[spmem:s2] =	stream.indirect.scatter.add.f32 [tilespmem:s25], [sflag:$0x5], $0x80, s7, s20, $0xb8;
	[tilespmem:$0x1E080] =	vst v63  }
0x16b: {  	_ =	swait.ge [sflag:s18], $0x2000  }
0x16c: {  	[sflag:s18] =	ssyncset.done $0x0  }
0x16d: {  	s8 =	simm.s32 $0x300;
	[sflag:s18] =	ssyncadd.s32 $0xFFFFE000  }
0x16e: {  	[tilespmem:s25], [sflag:$0x3] =	stream.indirect.gather [hbm4b:s1+s20], $0x80, s8, s20, $0xb8;
	[tilespmem:$0x1E080] =	vst v63  }
0x16f: {  	_ =	swait.ge [sflag:s0], $0x2000  }
0x170: {  	p2 =	por $0x0, $0x0;
	[sflag:s0] =	ssyncset.done $0x0  }
.Ltmp4:
0x171: {  	s9 =	simm.s32 $0x1580;
	[sflag:s0] =	ssyncadd.s32 $0xFFFFE000;
	(pc) =	sbr.rel @p2 .LBB2_6-.Ltmp4, $4  }
0x172: {  	[spmem:s2] =	stream.indirect.scatter.add.f32 [tilespmem:s28], [sflag:$0x5], $0x80, s9, s20, $0xb8;
	[tilespmem:$0x1E080] =	vst v63  }
0x173: {  	_ =	swait.ge [sflag:s18], $0x2000  }
0x174: {  	[sflag:s18] =	ssyncset.done $0x0  }
0x175: {  	s6 =	simm.s32 $0x800;
	s7 =	simm.s32 $0x380;
	[sflag:s18] =	ssyncadd.s32 $0xFFFFE000  }
.LBB2_5:
0x176: {  	[tilespmem:s28], [sflag:$0x4] =	stream.indirect.gather [hbm4b:s1+s20], $0x80, s7, s20, $0xb8;
	[tilespmem:$0x1E080] =	vst v63  }
0x177: {  	s7 =	smov.u32 s6  }
0x178: {  	p2 =	seq.s32 s6, $0x4000;
	s6 =	sadd.s32 $0x800, s6;
	_ =	swait.ge [sflag:s29], $0x2000  }
0x179: {  	s7 =	sshra.s32 s7, $0x2;
	[sflag:s29] =	ssyncset.done $0x0  }
0x17a: {  	s8 =	sadd.s32 $0x1400, s7;
	[sflag:s29] =	ssyncadd.s32 $0xFFFFE000  }
0x17b: {  	[spmem:s2] =	stream.indirect.scatter.add.f32 [tilespmem:s21], [sflag:$0x5], $0x80, s8, s20, $0xb8;
	[tilespmem:$0x1E080] =	vst v63  }
0x17c: {  	_ =	swait.ge [sflag:s18], $0x2000  }
0x17d: {  	[sflag:s18] =	ssyncset.done $0x0  }
0x17e: {  	s8 =	sadd.s32 $0x200, s7;
	[sflag:s18] =	ssyncadd.s32 $0xFFFFE000  }
0x17f: {  	[tilespmem:s21], [sflag:$0x1] =	stream.indirect.gather [hbm4b:s1+s20], $0x80, s8, s20, $0xb8;
	[tilespmem:$0x1E080] =	vst v63  }
0x180: {  	_ =	swait.ge [sflag:s31], $0x2000  }
0x181: {  	[sflag:s31] =	ssyncset.done $0x0  }
0x182: {  	s8 =	sadd.s32 $0x1480, s7;
	[sflag:s31] =	ssyncadd.s32 $0xFFFFE000  }
0x183: {  	[spmem:s2] =	stream.indirect.scatter.add.f32 [tilespmem:s23], [sflag:$0x5], $0x80, s8, s20, $0xb8;
	[tilespmem:$0x1E080] =	vst v63  }
0x184: {  	_ =	swait.ge [sflag:s18], $0x2000  }
0x185: {  	[sflag:s18] =	ssyncset.done $0x0  }
0x186: {  	s8 =	sadd.s32 $0x280, s7;
	[sflag:s18] =	ssyncadd.s32 $0xFFFFE000  }
0x187: {  	[tilespmem:s23], [sflag:$0x2] =	stream.indirect.gather [hbm4b:s1+s20], $0x80, s8, s20, $0xb8;
	[tilespmem:$0x1E080] =	vst v63  }
0x188: {  	_ =	swait.ge [sflag:s30], $0x2000  }
0x189: {  	[sflag:s30] =	ssyncset.done $0x0  }
0x18a: {  	s8 =	sadd.s32 $0x1500, s7;
	[sflag:s30] =	ssyncadd.s32 $0xFFFFE000  }
0x18b: {  	[spmem:s2] =	stream.indirect.scatter.add.f32 [tilespmem:s25], [sflag:$0x5], $0x80, s8, s20, $0xb8;
	[tilespmem:$0x1E080] =	vst v63  }
0x18c: {  	_ =	swait.ge [sflag:s18], $0x2000  }
0x18d: {  	[sflag:s18] =	ssyncset.done $0x0  }
0x18e: {  	s8 =	sadd.s32 $0x300, s7;
	[sflag:s18] =	ssyncadd.s32 $0xFFFFE000  }
0x18f: {  	[tilespmem:s25], [sflag:$0x3] =	stream.indirect.gather [hbm4b:s1+s20], $0x80, s8, s20, $0xb8;
	[tilespmem:$0x1E080] =	vst v63  }
0x190: {  	_ =	swait.ge [sflag:s0], $0x2000  }
0x191: {  	[sflag:s0] =	ssyncset.done $0x0  }
.Ltmp5:
0x192: {  	s8 =	sadd.s32 $0x1580, s7;
	[sflag:s0] =	ssyncadd.s32 $0xFFFFE000;
	(pc) =	sbr.rel @!p2 .LBB2_5-.Ltmp5, $4  }
0x193: {  	[spmem:s2] =	stream.indirect.scatter.add.f32 [tilespmem:s28], [sflag:$0x5], $0x80, s8, s20, $0xb8;
	[tilespmem:$0x1E080] =	vst v63  }
0x194: {  	_ =	swait.ge [sflag:s18], $0x2000  }
0x195: {  	[sflag:s18] =	ssyncset.done $0x0  }
0x196: {  	s7 =	sadd.s32 $0x380, s7;
	[sflag:s18] =	ssyncadd.s32 $0xFFFFE000  }
.LBB2_6:
.Ltmp6:
0x197: {  	(pc) =	sbr.rel .LBB2_8-.Ltmp6, $4  }
0x198: {  	_ = 	snop  }
0x199: {  	[tilespmem:s28], [sflag:$0x4] =	stream.indirect.gather [hbm4b:s1+s20], $0x80, s7, s20, $0xb8;
	[tilespmem:$0x1E080] =	vst v63  }
0x19a: {  	s6 =	simm.s32 $0x2780  }
0x19b: {  	s7 =	simm.s32 $0x2700;
	s8 =	simm.s32 $0x2680;
	s9 =	simm.s32 $0x2600  }
.LBB2_9:
0x19c: {  	_ =	sfence.sel $0x180000  }
0x19d: {  	[bflag:$0x0] =	sbarrier.arrive $0xFFFF  }
0x19e: {  	_ =	strace $0x90000047  }
0x19f: {  	s0 =	stileid.u32;
	[bflag:$0x2] =	sbarrier.arrive $0xFFFF  }
0x1a0: {  	p0 =	sne.s32 s0, $0x0;
	s0 =	rddreg [dreg:$0x3]  }
0x1a1: {  	s0 =	sadd.s32 @!p0 $0x100000, s0  }
0x1a2: {  	[sflag:s0] =	ssyncadd.tile.s32 @!p0 $0x1;
	_ =	shalt  }
.Lfunc_end2:
_tile_overlayer_lowered:
.L_overlay_start_2:
0x1a3: {  	(tag) =	ssettag $0x2  }
0x1a4: {  	s0 =	rddreg [dreg:$0x0];
	s2 =	stileid.u32  }
0x1a5: {  	s1 =	rddreg [dreg:$0x1];
	p0 =	sne.s32 s2, $0x0  }
0x1a6: {  	s3 =	rddreg [dreg:$0x2];
	[bflag:$0x3] =	sbarrier.arrive $0xFFFF;
	s2 =	simm.s32 @!p0 $0x1C05  }
0x1a7: {  	[timem:s3], [sflag:s2] =	dma.local @!p0 [hbm:s0], s1  }
0x1a8: {  	s0 =	simm.s32 @!p0 $0x5  }
0x1a9: {  	_ =	swait.ge @!p0 [sflag:s0], s1  }
0x1aa: {  	s1 =	ssub.s32 @!p0 $0x0, s1;
	[sflag:s0] =	ssyncset.done @!p0 $0x0  }
0x1ab: {  	[sflag:s0] =	ssyncadd.s32 @!p0 s1  }
0x1ac: {  	[bflag:$0x3] =	sbarrier.arrive $0xFFFF  }
0x1ad: {  	_ =	shalt  }

</sc_bundles>
